<compile_context>
chip_gen: v7x
topology: tpu7x:2x2x1
jax: 0.10.2.dev20260603
libtpu: 0.0.44.dev20260713+nightly
codegen_flags: <defaults>
</compile_context>

<pallas_src>
import functools

import jax
import jax.numpy as jnp
from jax import lax
from jax.experimental import pallas as pl
from jax.experimental.pallas import tpu as pltpu
from jax.experimental.pallas import tpu_sc as plsc

N = 10000
E = 160000
DIM = 256
RNUM = 64
NUM_ENT = 10000

NC = 2
NS = 16
NW = NC * NS
LANES = 16

NPAD = 10240
DUMMY = N
EPAD = 163840
CH = 128
GCH = 40
SCH = 80
EB = 1280
NB = 1024

_HIGH = lax.Precision.HIGHEST

_sc_mesh = plsc.VectorSubcoreMesh(
    core_axis_name="c", subcore_axis_name="s", num_cores=NC, num_subcores=NS)



def _gather_body(n_chunks, ch, table, idx_hbm, out, idx_v, buf0, buf1,
                 sem0, sem1):
  c = lax.axis_index("c")
  s = lax.axis_index("s")
  w = s * NC + c
  pltpu.sync_copy(idx_hbm.at[w], idx_v)
  rows_per_w = n_chunks * ch
  base = w * rows_per_w

  pltpu.async_copy(table.at[idx_v.at[0]], buf0, sem0)

  def step(g, carry):
    j0 = 2 * g
    j1 = j0 + 1
    pltpu.async_copy(table.at[idx_v.at[j1]], buf1, sem1)
    pltpu.make_async_copy(table.at[pl.ds(0, ch)], buf0, sem0).wait()
    pltpu.sync_copy(buf0, out.at[pl.ds(base + j0 * ch, ch)])

    @pl.when(j1 + 1 < n_chunks)
    def _():
      pltpu.async_copy(table.at[idx_v.at[j1 + 1]], buf0, sem0)

    pltpu.make_async_copy(table.at[pl.ds(0, ch)], buf1, sem1).wait()
    pltpu.sync_copy(buf1, out.at[pl.ds(base + j1 * ch, ch)])
    return carry

  lax.fori_loop(0, n_chunks // 2, step, 0)


def _make_gather(n_chunks, ch, out_rows):
  body = functools.partial(_gather_body, n_chunks, ch)
  return pl.kernel(
      body,
      out_type=jax.ShapeDtypeStruct((out_rows, DIM), jnp.float32),
      mesh=_sc_mesh,
      compiler_params=pltpu.CompilerParams(needs_layout_passes=False),
      scratch_types=[
          pltpu.VMEM((n_chunks, ch), jnp.int32),
          pltpu.VMEM((ch, DIM), jnp.float32),
          pltpu.VMEM((ch, DIM), jnp.float32),
          pltpu.SemaphoreType.DMA,
          pltpu.SemaphoreType.DMA,
      ],
  )


_gather_perm = _make_gather(4, 80, NPAD)


def _scatter_body(sch, msg, idx_hbm, init, out, idx_v, buf0, buf1, acc,
                  sem0, sem1):
  c = lax.axis_index("c")
  s = lax.axis_index("s")
  colbase = c * 128
  ebase = s * (sch * CH)
  pltpu.sync_copy(idx_hbm.at[s], idx_v)

  @pl.when(s == 0)
  def _():
    pltpu.sync_copy(init.at[:, pl.ds(colbase, 128)], acc)

  plsc.subcore_barrier()

  pltpu.async_copy(msg.at[pl.ds(ebase, CH), pl.ds(colbase, 128)], buf0, sem0)

  def step(g, carry):
    j0 = 2 * g
    j1 = j0 + 1
    pltpu.async_copy(
        msg.at[pl.ds(ebase + j1 * CH, CH), pl.ds(colbase, 128)], buf1, sem1)
    pltpu.make_async_copy(
        msg.at[pl.ds(0, CH), pl.ds(0, 128)], buf0, sem0).wait()
    pltpu.sync_copy(buf0, acc.at[idx_v.at[j0]], add=True)

    @pl.when(j1 + 1 < sch)
    def _():
      pltpu.async_copy(
          msg.at[pl.ds(ebase + (j1 + 1) * CH, CH), pl.ds(colbase, 128)],
          buf0, sem0)

    pltpu.make_async_copy(
        msg.at[pl.ds(0, CH), pl.ds(0, 128)], buf1, sem1).wait()
    pltpu.sync_copy(buf1, acc.at[idx_v.at[j1]], add=True)
    return carry

  lax.fori_loop(0, sch // 2, step, 0)
  plsc.subcore_barrier()
  rows = NPAD // NS
  pltpu.sync_copy(
      acc.at[pl.ds(s * rows, rows)],
      out.at[pl.ds(s * rows, rows), pl.ds(colbase, 128)])


def _make_scatter(sch):
  return pl.kernel(
      functools.partial(_scatter_body, sch),
      out_type=jax.ShapeDtypeStruct((NPAD, DIM), jnp.float32),
      mesh=_sc_mesh,
      compiler_params=pltpu.CompilerParams(needs_layout_passes=False),
      scratch_types=[
          pltpu.VMEM((sch, CH), jnp.int32),
          pltpu.VMEM((CH, 128), jnp.float32),
          pltpu.VMEM((CH, 128), jnp.float32),
          pltpu.VMEM_SHARED((NPAD, 128), jnp.float32),
          pltpu.SemaphoreType.DMA,
          pltpu.SemaphoreType.DMA,
      ],
  )


def _scatter2_body(sch, msg0, msg1, idx_hbm, init, out, idx_v, buf0, buf1,
                   acc, sem0, sem1):
  c = lax.axis_index("c")
  s = lax.axis_index("s")
  colbase = c * 128
  ebase = s * (sch * CH)
  pltpu.sync_copy(idx_hbm.at[s], idx_v)

  @pl.when(s == 0)
  def _():
    pltpu.sync_copy(init.at[:, pl.ds(colbase, 128)], acc)

  plsc.subcore_barrier()

  def half(msg, joff):
    pltpu.async_copy(msg.at[pl.ds(ebase, CH), pl.ds(colbase, 128)], buf0, sem0)

    def step(g, carry):
      j0 = 2 * g
      j1 = j0 + 1
      pltpu.async_copy(
          msg.at[pl.ds(ebase + j1 * CH, CH), pl.ds(colbase, 128)], buf1, sem1)
      pltpu.make_async_copy(
          msg.at[pl.ds(0, CH), pl.ds(0, 128)], buf0, sem0).wait()
      pltpu.sync_copy(buf0, acc.at[idx_v.at[joff + j0]], add=True)

      @pl.when(j1 + 1 < sch)
      def _():
        pltpu.async_copy(
            msg.at[pl.ds(ebase + (j1 + 1) * CH, CH), pl.ds(colbase, 128)],
            buf0, sem0)

      pltpu.make_async_copy(
          msg.at[pl.ds(0, CH), pl.ds(0, 128)], buf1, sem1).wait()
      pltpu.sync_copy(buf1, acc.at[idx_v.at[joff + j1]], add=True)
      return carry

    lax.fori_loop(0, sch // 2, step, 0)

  half(msg0, 0)
  half(msg1, sch)
  plsc.subcore_barrier()
  rows = NPAD // NS
  pltpu.sync_copy(
      acc.at[pl.ds(s * rows, rows)],
      out.at[pl.ds(s * rows, rows), pl.ds(colbase, 128)])


def _make_scatter2(sch):
  return pl.kernel(
      functools.partial(_scatter2_body, sch),
      out_type=jax.ShapeDtypeStruct((NPAD, DIM), jnp.float32),
      mesh=_sc_mesh,
      compiler_params=pltpu.CompilerParams(needs_layout_passes=False),
      scratch_types=[
          pltpu.VMEM((2 * sch, CH), jnp.int32),
          pltpu.VMEM((CH, 128), jnp.float32),
          pltpu.VMEM((CH, 128), jnp.float32),
          pltpu.VMEM_SHARED((NPAD, 128), jnp.float32),
          pltpu.SemaphoreType.DMA,
          pltpu.SemaphoreType.DMA,
      ],
  )


KSLICE = 2
ESLICE = EPAD // KSLICE
_GCHS = ESLICE // (NW * CH)
_SCHS = ESLICE // (NS * CH)
_scatter_slice = _make_scatter(_SCHS)
_scatter_masked = _make_scatter2(_SCHS)
_gather_slice = _make_gather(_GCHS, CH, ESLICE)


def _mask_body(gamma_hbm, src_hbm, dst_hbm, out, gam_v, src_v, dst_v, idx2_v):
  c = lax.axis_index("c")
  s = lax.axis_index("s")
  w = s * NC + c
  pltpu.sync_copy(gamma_hbm, gam_v)
  pltpu.sync_copy(src_hbm.at[w], src_v)
  pltpu.sync_copy(dst_hbm.at[w], dst_v)

  def step(k, carry):
    j = k // (CH // LANES)
    l = (k % (CH // LANES)) * LANES
    si = src_v[j, pl.ds(l, LANES)]
    di = dst_v[j, pl.ds(l, LANES)]
    gs = plsc.load_gather(gam_v, [si])
    gd = plsc.load_gather(gam_v, [di])
    keep = (gs + gd) / 2.0 > 0.5
    idx2_v[j, pl.ds(l, LANES)] = jnp.where(keep, di, jnp.int32(DUMMY))
    return carry

  lax.fori_loop(0, GCH * (CH // LANES), step, 0)
  pltpu.sync_copy(idx2_v, out.at[w])


_mask_kernel = pl.kernel(
    _mask_body,
    out_type=jax.ShapeDtypeStruct((NW, GCH, CH), jnp.int32),
    mesh=_sc_mesh,
    compiler_params=pltpu.CompilerParams(needs_layout_passes=False),
    scratch_types=[
        pltpu.VMEM((NPAD,), jnp.float32),
        pltpu.VMEM((GCH, CH), jnp.int32),
        pltpu.VMEM((GCH, CH), jnp.int32),
        pltpu.VMEM((GCH, CH), jnp.int32),
    ],
)



def _msg_body(g_ref, t_ref, et_ref, rel_ref, freq_ref, w1_ref, out_ref):
  t = t_ref[...]
  tfeat = jnp.sin(t * freq_ref[...])
  et = et_ref[...]
  oh = (et == lax.broadcasted_iota(jnp.int32, (EB, RNUM), 1)).astype(jnp.float32)
  relpart = jnp.dot(oh, rel_ref[...], precision=_HIGH,
                    preferred_element_type=jnp.float32)
  x = g_ref[...] + relpart + tfeat
  out_ref[...] = jnp.maximum(
      jnp.dot(x, w1_ref[...], preferred_element_type=jnp.float32), 0.0)


def _tc_msg(g, t2, et2, rel_emb, freq2, w1, rows):
  grid = rows // EB
  return pl.pallas_call(
      _msg_body,
      grid=(grid,),
      in_specs=[
          pl.BlockSpec((EB, DIM), lambda i: (i, 0)),
          pl.BlockSpec((EB, 1), lambda i: (i, 0)),
          pl.BlockSpec((EB, 1), lambda i: (i, 0)),
          pl.BlockSpec((RNUM, DIM), lambda i: (0, 0)),
          pl.BlockSpec((1, DIM), lambda i: (0, 0)),
          pl.BlockSpec((DIM, DIM), lambda i: (0, 0)),
      ],
      out_specs=pl.BlockSpec((EB, DIM), lambda i: (i, 0)),
      out_shape=jax.ShapeDtypeStruct((rows, DIM), jnp.float32),
  )(g, t2, et2, rel_emb, freq2, w1)


def _gamma_body(s_ref, w2_ref, mw1_ref, mb1_ref, mw2_ref, mb2_ref, out_ref):
  h = jnp.maximum(jnp.dot(s_ref[...], w2_ref[...],
                          preferred_element_type=jnp.float32), 0.0)
  u = jnp.maximum(jnp.dot(h, mw1_ref[...],
                          preferred_element_type=jnp.float32) + mb1_ref[...], 0.0)
  logit = jnp.dot(u, mw2_ref[...],
                  preferred_element_type=jnp.float32) + mb2_ref[...]
  out_ref[...] = jax.nn.sigmoid(logit)


def _tc_gamma(s, w2, mw1, mb1, mw2, mb2):
  grid = NPAD // NB
  return pl.pallas_call(
      _gamma_body,
      grid=(grid,),
      in_specs=[
          pl.BlockSpec((NB, DIM), lambda i: (i, 0)),
          pl.BlockSpec((DIM, DIM), lambda i: (0, 0)),
          pl.BlockSpec((DIM, DIM), lambda i: (0, 0)),
          pl.BlockSpec((1, DIM), lambda i: (0, 0)),
          pl.BlockSpec((DIM, 1), lambda i: (0, 0)),
          pl.BlockSpec((1, 1), lambda i: (0, 0)),
      ],
      out_specs=pl.BlockSpec((NB, 1), lambda i: (i, 0)),
      out_shape=jax.ShapeDtypeStruct((NPAD, 1), jnp.float32),
  )(s, w2, mw1, mb1, mw2, mb2)


def _hchs_body(s_ref, sc_ref, ne_ref, w2_ref, hc_ref, hs_ref):
  w2 = w2_ref[...]
  hc_ref[...] = jnp.maximum(
      jnp.dot(sc_ref[...], w2, preferred_element_type=jnp.float32), 0.0)
  ss = s_ref[...] - sc_ref[...] + ne_ref[...]
  hs_ref[...] = jnp.maximum(
      jnp.dot(ss, w2, preferred_element_type=jnp.float32), 0.0)


def _tc_hchs(s, sc, ne, w2):
  grid = NPAD // NB
  spec = pl.BlockSpec((NB, DIM), lambda i: (i, 0))
  return pl.pallas_call(
      _hchs_body,
      grid=(grid,),
      in_specs=[spec, spec, spec, pl.BlockSpec((DIM, DIM), lambda i: (0, 0))],
      out_specs=[spec, spec],
      out_shape=[jax.ShapeDtypeStruct((NPAD, DIM), jnp.float32)] * 2,
  )(s, sc, ne, w2)


PM = 400


def _pred_body(hc_ref, hd_ref, pw_ref, pb_ref, out_ref):
  h = (hc_ref[...] + hd_ref[...]).astype(jnp.bfloat16)
  out_ref[...] = jnp.dot(h, pw_ref[...],
                         preferred_element_type=jnp.float32) + pb_ref[...]


def _tc_pred(hc, hd, pw, pb):
  return pl.pallas_call(
      _pred_body,
      grid=(N // PM,),
      in_specs=[
          pl.BlockSpec((PM, DIM), lambda i: (i, 0)),
          pl.BlockSpec((PM, DIM), lambda i: (i, 0)),
          pl.BlockSpec((DIM, NUM_ENT), lambda i: (0, 0)),
          pl.BlockSpec((1, NUM_ENT), lambda i: (0, 0)),
      ],
      out_specs=pl.BlockSpec((PM, NUM_ENT), lambda i: (i, 0)),
      out_shape=jax.ShapeDtypeStruct((N, NUM_ENT), jnp.float32),
  )(hc, hd, pw, pb)



def kernel(edge_index, edge_type, edge_time, node_emb, rel_emb, freq, W1, W2,
           mg_w1, mg_b1, mg_w2, mg_b2, pred_w, pred_b):
  src = edge_index[0].astype(jnp.int32)
  dst = edge_index[1].astype(jnp.int32)
  pad = EPAD - E
  zi = jnp.zeros((pad,), jnp.int32)
  src_pad = jnp.concatenate([src, zi])
  dst_pad = jnp.concatenate([dst, jnp.full((pad,), DUMMY, jnp.int32)])
  src_g = src_pad.reshape(NW, GCH, CH)
  dst_g = dst_pad.reshape(NW, GCH, CH)
  dst_s = dst_pad.reshape(NS, SCH, CH)
  t2 = jnp.concatenate([edge_time, jnp.zeros((pad,), jnp.float32)])[:, None]
  et2 = jnp.concatenate([edge_type.astype(jnp.int32), zi])[:, None]
  ne_pad = jnp.concatenate(
      [node_emb, jnp.zeros((NPAD - N, DIM), jnp.float32)])
  freq2 = freq[None, :]
  mb1 = mg_b1[None, :]
  mb2 = mg_b2.reshape(1, 1)
  perm = jax.random.permutation(jax.random.key(42), N).astype(jnp.int32)
  perm_pad = jnp.concatenate(
      [perm, jnp.zeros((NPAD - N,), jnp.int32)]).reshape(NW, 4, 80)

  msgs = []
  s_acc = ne_pad
  for k in range(KSLICE):
    sl = slice(k * ESLICE, (k + 1) * ESLICE)
    g_k = _gather_slice(node_emb, src_pad[sl].reshape(NW, _GCHS, CH))
    msg_k = _tc_msg(g_k, t2[sl], et2[sl], rel_emb, freq2, W1, ESLICE)
    msgs.append(msg_k)
  for k in range(KSLICE):
    sl = slice(k * ESLICE, (k + 1) * ESLICE)
    s_acc = _scatter_slice(msgs[k], dst_pad[sl].reshape(NS, _SCHS, CH), s_acc)
  s_full = s_acc
  gamma_pad = _tc_gamma(s_full, W2, mg_w1, mb1, mg_w2, mb2)
  idx2 = _mask_kernel(gamma_pad.reshape(NPAD), src_g, dst_g)
  idx2_flat = idx2.reshape(EPAD)
  idx2_both = jnp.concatenate(
      [idx2_flat[:ESLICE].reshape(NS, _SCHS, CH),
       idx2_flat[ESLICE:].reshape(NS, _SCHS, CH)], axis=1)
  s_c = _scatter_masked(msgs[0], msgs[1], idx2_both, ne_pad)
  hc_pad, hs_pad = _tc_hchs(s_full, s_c, ne_pad, W2)
  hs_do = _gather_perm(hs_pad, perm_pad)
  scores = _tc_pred(hc_pad[:N], hs_do[:N], pred_w.astype(jnp.bfloat16),
                    pred_b.reshape(1, NUM_ENT))
  return (scores, gamma_pad[:N], hc_pad[:N], hs_pad[:N])

# --- scband reference (transcript-rebuilt; emitter-appended) ---
"""Pipeline reference for scband-csifull-model-386547057389 (READ-ONLY COPY).

The authoritative reference and input builder live on the scoring server;
editing this copy changes nothing except your own understanding.
"""

import jax, jax.numpy as jnp
import numpy as np

N = 10000
E = 160000
DIM = 256
R = 64
NUM_ENT = 10000


def setup_inputs(seed: int = 0) -> dict:
    key = jax.random.key(seed)
    ks = jax.random.split(key, 16)
    edge_index = jax.random.randint(ks[0], (2, E), 0, N)
    edge_type = jax.random.randint(ks[1], (E,), 0, R)
    edge_time = jax.random.uniform(ks[2], (E,), dtype=jnp.float32)
    node_emb = jax.random.normal(ks[3], (N, DIM), dtype=jnp.float32) * 0.02
    rel_emb = jax.random.normal(ks[4], (R, DIM), dtype=jnp.float32) * 0.02
    freq = jax.random.uniform(ks[5], (DIM,), dtype=jnp.float32) * 10.0
    W1 = jax.random.normal(ks[6], (DIM, DIM), dtype=jnp.float32) * (1.0 / np.sqrt(DIM))
    W2 = jax.random.normal(ks[7], (DIM, DIM), dtype=jnp.float32) * (1.0 / np.sqrt(DIM))
    mg_w1 = jax.random.normal(ks[8], (DIM, DIM), dtype=jnp.float32) * (1.0 / np.sqrt(DIM))
    mg_b1 = jnp.zeros((DIM,), dtype=jnp.float32)
    mg_w2 = jax.random.normal(ks[9], (DIM, 1), dtype=jnp.float32) * (1.0 / np.sqrt(DIM))
    mg_b2 = jnp.zeros((1,), dtype=jnp.float32)
    pred_w = jax.random.normal(ks[10], (DIM, NUM_ENT), dtype=jnp.float32) * (1.0 / np.sqrt(DIM))
    pred_b = jnp.zeros((NUM_ENT,), dtype=jnp.float32)
    return {
        'edge_index': edge_index, 'edge_type': edge_type, 'edge_time': edge_time,
        'node_emb': node_emb, 'rel_emb': rel_emb, 'freq': freq, 'W1': W1, 'W2': W2,
        'mg_w1': mg_w1, 'mg_b1': mg_b1, 'mg_w2': mg_w2, 'mg_b2': mg_b2,
        'pred_w': pred_w, 'pred_b': pred_b,
    }


def encoder(edge_index, edge_type, edge_time, node_emb, rel_emb, freq, W1, W2):
    src = edge_index[0]
    dst = edge_index[1]
    tfeat = jnp.sin(edge_time[:, None] * freq[None, :])
    msg = node_emb[src] + rel_emb[edge_type] + tfeat
    msg = jax.nn.relu(msg @ W1)
    agg = jax.ops.segment_sum(msg, dst, num_segments=N)
    h = jax.nn.relu((node_emb + agg) @ W2)
    return h


def encoder_masked(edge_index, edge_type, edge_time, edge_mask, node_emb, rel_emb, freq, W1, W2):
    src = edge_index[0]
    dst = edge_index[1]
    tfeat = jnp.sin(edge_time[:, None] * freq[None, :])
    msg = node_emb[src] + rel_emb[edge_type] + tfeat
    msg = jax.nn.relu(msg @ W1)
    msg = jnp.where(edge_mask[:, None], msg, jnp.zeros((), dtype=msg.dtype))
    agg = jax.ops.segment_sum(msg, dst, num_segments=N)
    h = jax.nn.relu((node_emb + agg) @ W2)
    return h


def mask_gen(h, mg_w1, mg_b1, mg_w2, mg_b2):
    return jax.nn.sigmoid(jax.nn.relu(h @ mg_w1 + mg_b1) @ mg_w2 + mg_b2)


def reference(edge_index, edge_type, edge_time, node_emb, rel_emb, freq, W1, W2,
              mg_w1, mg_b1, mg_w2, mg_b2, pred_w, pred_b):
    h = encoder(edge_index, edge_type, edge_time, node_emb, rel_emb, freq, W1, W2)
    gamma = mask_gen(h, mg_w1, mg_b1, mg_w2, mg_b2)
    src = edge_index[0]
    dst = edge_index[1]
    edge_score = (gamma[src] + gamma[dst]) / 2.0
    mask = jnp.squeeze(edge_score) > 0.5
    hc = encoder_masked(edge_index, edge_type, edge_time, mask, node_emb, rel_emb, freq, W1, W2)
    hs = encoder_masked(edge_index, edge_type, edge_time, ~mask, node_emb, rel_emb, freq, W1, W2)
    # intervention: random permutation of node rows (fixed key for determinism)
    perm = jax.random.permutation(jax.random.key(42), hs.shape[0])
    hs_do = hs[perm]
    h_final = hc + hs_do
    scores = h_final @ pred_w + pred_b
    return (scores, gamma, hc, hs)

if __name__ == "__main__":
    import jax
    _d = setup_inputs()
    print(jax.jit(kernel)(*tuple(_d.values())))

</pallas_src>

<mosaic_0001>
#map = affine_map<(d0, d1) -> (0, 0)>
#map1 = affine_map<(d0, d1) -> (0, 0, 0)>
module attributes {stable_mosaic.version = 14 : i64} {
  func.func @_gather_body(%arg0: i32, %arg1: i32, %arg2: memref<10000x256xf32, #tpu.memory_space<hbm>>, %arg3: memref<32x20x128xi32, #tpu.memory_space<hbm>>, %arg4: memref<81920x256xf32, #tpu.memory_space<hbm>>, %arg5: memref<20x128xi32, #tpu.memory_space<vmem>>, %arg6: memref<128x256xf32, #tpu.memory_space<vmem>>, %arg7: memref<128x256xf32, #tpu.memory_space<vmem>>, %arg8: memref<!tpu.dma_semaphore, #tpu.memory_space<semaphore_mem>>, %arg9: memref<!tpu.dma_semaphore, #tpu.memory_space<semaphore_mem>>) attributes {dimension_semantics = [#tpu.dimension_semantics<core_parallel>, #tpu.dimension_semantics<subcore_parallel>], iteration_bounds = array<i64: 2, 16>, scalar_prefetch = 0 : i64, scratch_operands = 5 : i64, tpu.core_type = #tpu.core_type<sc_vector_subcore>, window_params = [{transform_indices = #map}, {transform_indices = #map1}, {transform_indices = #map}]} {
    %mul3A = arith.constant 2 : i32
    %mul3A_0 = arith.muli %arg1, %mul3A : i32
    %add3A = arith.addi %mul3A_0, %arg0 : i32
    "tpu.region"() ({
      %run_scoped3A = tpu.sem_alloc : memref<!tpu.dma_semaphore, #tpu.memory_space<semaphore_mem>>
      %dma_start3A_14 = arith.constant 0 : i32
      %dma_start3A_15 = arith.constant 0 : i32
      %dma_start3A_16 = tpu.memref_slice %arg3[%add3A, %dma_start3A_14, %dma_start3A_15] : memref<32x20x128xi32, #tpu.memory_space<hbm>> -> memref<1x20x128xi32, #tpu.memory_space<hbm>>
      %dma_start3A_17 = tpu.memref_squeeze %dma_start3A_16 : memref<1x20x128xi32, #tpu.memory_space<hbm>> -> memref<20x128xi32, #tpu.memory_space<hbm>>
      %dma_start3A_18 = arith.constant 0 : i32
      %dma_start3A_19 = arith.constant 0 : i32
      %dma_start3A_20 = tpu.memref_slice %arg3[%add3A, %dma_start3A_18, %dma_start3A_19] : memref<32x20x128xi32, #tpu.memory_space<hbm>> -> memref<1x20x128xi32, #tpu.memory_space<hbm>>
      %dma_start3A_21 = tpu.memref_squeeze %dma_start3A_20 : memref<1x20x128xi32, #tpu.memory_space<hbm>> -> memref<20x128xi32, #tpu.memory_space<hbm>>
      tpu.enqueue_dma source(%dma_start3A_21 : memref<20x128xi32, #tpu.memory_space<hbm>>) target(%arg5 : memref<20x128xi32, #tpu.memory_space<vmem>>) target_semaphore(%run_scoped3A : memref<!tpu.dma_semaphore, #tpu.memory_space<semaphore_mem>>)
      %dma_wait3A = arith.constant 0 : i32
      %dma_wait3A_22 = arith.constant 0 : i32
      %dma_wait3A_23 = tpu.memref_slice %arg3[%add3A, %dma_wait3A, %dma_wait3A_22] : memref<32x20x128xi32, #tpu.memory_space<hbm>> -> memref<1x20x128xi32, #tpu.memory_space<hbm>>
      %dma_wait3A_24 = tpu.memref_squeeze %dma_wait3A_23 : memref<1x20x128xi32, #tpu.memory_space<hbm>> -> memref<20x128xi32, #tpu.memory_space<hbm>>
      %dma_wait3A_25 = arith.constant 0 : i32
      %dma_wait3A_26 = arith.constant 0 : i32
      %dma_wait3A_27 = tpu.memref_slice %arg3[%add3A, %dma_wait3A_25, %dma_wait3A_26] : memref<32x20x128xi32, #tpu.memory_space<hbm>> -> memref<1x20x128xi32, #tpu.memory_space<hbm>>
      %dma_wait3A_28 = tpu.memref_squeeze %dma_wait3A_27 : memref<1x20x128xi32, #tpu.memory_space<hbm>> -> memref<20x128xi32, #tpu.memory_space<hbm>>
      tpu.wait_dma2 semaphore(%run_scoped3A : memref<!tpu.dma_semaphore, #tpu.memory_space<semaphore_mem>>) src(%dma_wait3A_28 : memref<20x128xi32, #tpu.memory_space<hbm>>) dst(%arg5 : memref<20x128xi32, #tpu.memory_space<vmem>>)
      tpu.yield
    }) : () -> ()
    %mul3A_1 = arith.constant 2560 : i32
    %mul3A_2 = arith.muli %add3A, %mul3A_1 : i32
    %dma_start3A = arith.constant 0 : i32
    %dma_start3A_3 = arith.constant 0 : i32
    %dma_start3A_4 = tpu.memref_slice %arg5[%dma_start3A, %dma_start3A_3] : memref<20x128xi32, #tpu.memory_space<vmem>> -> memref<1x128xi32, #tpu.memory_space<vmem>>
    %dma_start3A_5 = tpu.memref_squeeze %dma_start3A_4 : memref<1x128xi32, #tpu.memory_space<vmem>> -> memref<128xi32, #tpu.memory_space<vmem>>
    %dma_start3A_6 = arith.constant 0 : i32
    %dma_start3A_7 = arith.constant 0 : i32
    %dma_start3A_8 = tpu.memref_slice %arg2[%dma_start3A_6, %dma_start3A_7] : memref<10000x256xf32, #tpu.memory_space<hbm>> -> memref<10000x256xf32, #tpu.memory_space<hbm>>
    tpu.enqueue_indirect_dma source(%dma_start3A_8 : memref<10000x256xf32, #tpu.memory_space<hbm>>) target(%arg6 : memref<128x256xf32, #tpu.memory_space<vmem>>) offsets(%dma_start3A_5 : memref<128xi32, #tpu.memory_space<vmem>>) semaphore(%arg8 : memref<!tpu.dma_semaphore, #tpu.memory_space<semaphore_mem>>)
    %scan3A = arith.constant 0 : i32
    %scan3A_9 = arith.constant 0 : i32
    %scan3A_10 = arith.constant 10 : i32
    %scan3A_11 = arith.addi %scan3A_9, %scan3A_10 : i32
    %scan3A_12 = arith.constant 1 : i32
    scf.for %scan3A_14 = %scan3A_9 to %scan3A_11 step %scan3A_12  : i32 {
      %mul3A_15 = arith.constant 2 : i32
      %mul3A_16 = arith.muli %mul3A_15, %scan3A_14 : i32
      %add3A_17 = arith.constant 1 : i32
      %add3A_18 = arith.addi %mul3A_16, %add3A_17 : i32
      %dma_start3A_19 = arith.constant 0 : i32
      %dma_start3A_20 = tpu.memref_slice %arg5[%add3A_18, %dma_start3A_19] : memref<20x128xi32, #tpu.memory_space<vmem>> -> memref<1x128xi32, #tpu.memory_space<vmem>>
      %dma_start3A_21 = tpu.memref_squeeze %dma_start3A_20 : memref<1x128xi32, #tpu.memory_space<vmem>> -> memref<128xi32, #tpu.memory_space<vmem>>
      %dma_start3A_22 = arith.constant 0 : i32
      %dma_start3A_23 = arith.constant 0 : i32
      %dma_start3A_24 = tpu.memref_slice %arg2[%dma_start3A_22, %dma_start3A_23] : memref<10000x256xf32, #tpu.memory_space<hbm>> -> memref<10000x256xf32, #tpu.memory_space<hbm>>
      tpu.enqueue_indirect_dma source(%dma_start3A_24 : memref<10000x256xf32, #tpu.memory_space<hbm>>) target(%arg7 : memref<128x256xf32, #tpu.memory_space<vmem>>) offsets(%dma_start3A_21 : memref<128xi32, #tpu.memory_space<vmem>>) semaphore(%arg9 : memref<!tpu.dma_semaphore, #tpu.memory_space<semaphore_mem>>)
      %dma_wait3A = arith.constant 0 : i32
      %dma_wait3A_25 = arith.constant 0 : i32
      %dma_wait3A_26 = tpu.memref_slice %arg2[%dma_wait3A, %dma_wait3A_25] : memref<10000x256xf32, #tpu.memory_space<hbm>> -> memref<128x256xf32, #tpu.memory_space<hbm>>
      %dma_wait3A_27 = arith.constant 0 : i32
      %dma_wait3A_28 = arith.constant 0 : i32
      %dma_wait3A_29 = tpu.memref_slice %arg2[%dma_wait3A_27, %dma_wait3A_28] : memref<10000x256xf32, #tpu.memory_space<hbm>> -> memref<128x256xf32, #tpu.memory_space<hbm>>
      tpu.wait_dma2 semaphore(%arg8 : memref<!tpu.dma_semaphore, #tpu.memory_space<semaphore_mem>>) src(%dma_wait3A_29 : memref<128x256xf32, #tpu.memory_space<hbm>>) dst(%arg6 : memref<128x256xf32, #tpu.memory_space<vmem>>)
      %mul3A_30 = arith.constant 128 : i32
      %mul3A_31 = arith.muli %mul3A_16, %mul3A_30 : i32
      %add3A_32 = arith.addi %mul3A_2, %mul3A_31 : i32
      "tpu.region"() ({
        %run_scoped3A = tpu.sem_alloc : memref<!tpu.dma_semaphore, #tpu.memory_space<semaphore_mem>>
        %dma_start3A_46 = arith.constant 0 : i32
        %dma_start3A_47 = tpu.memref_slice %arg4[%add3A_32, %dma_start3A_46] : memref<81920x256xf32, #tpu.memory_space<hbm>> -> memref<128x256xf32, #tpu.memory_space<hbm>>
        %dma_start3A_48 = arith.constant 0 : i32
        %dma_start3A_49 = tpu.memref_slice %arg4[%add3A_32, %dma_start3A_48] : memref<81920x256xf32, #tpu.memory_space<hbm>> -> memref<128x256xf32, #tpu.memory_space<hbm>>
        tpu.enqueue_dma source(%arg6 : memref<128x256xf32, #tpu.memory_space<vmem>>) target(%dma_start3A_49 : memref<128x256xf32, #tpu.memory_space<hbm>>) target_semaphore(%run_scoped3A : memref<!tpu.dma_semaphore, #tpu.memory_space<semaphore_mem>>)
        %dma_wait3A_50 = arith.constant 0 : i32
        %dma_wait3A_51 = tpu.memref_slice %arg4[%add3A_32, %dma_wait3A_50] : memref<81920x256xf32, #tpu.memory_space<hbm>> -> memref<128x256xf32, #tpu.memory_space<hbm>>
        %dma_wait3A_52 = arith.constant 0 : i32
        %dma_wait3A_53 = tpu.memref_slice %arg4[%add3A_32, %dma_wait3A_52] : memref<81920x256xf32, #tpu.memory_space<hbm>> -> memref<128x256xf32, #tpu.memory_space<hbm>>
        tpu.wait_dma2 semaphore(%run_scoped3A : memref<!tpu.dma_semaphore, #tpu.memory_space<semaphore_mem>>) src(%arg6 : memref<128x256xf32, #tpu.memory_space<vmem>>) dst(%dma_wait3A_53 : memref<128x256xf32, #tpu.memory_space<hbm>>)
        tpu.yield
      }) : () -> ()
      %add3A_33 = arith.constant 1 : i32
      %add3A_34 = arith.addi %add3A_18, %add3A_33 : i32
      %lt3A = arith.constant 20 : i32
      %lt3A_35 = arith.cmpi slt, %add3A_34, %lt3A : i32
      %convert_element_type3A = arith.extui %lt3A_35 : i1 to i32
      %cond3A = arith.constant 0 : i32
      %cond3A_36 = arith.cmpi ne, %convert_element_type3A, %cond3A : i32
      scf.if %cond3A_36 {
        %add3A_46 = arith.constant 1 : i32
        %add3A_47 = arith.addi %add3A_18, %add3A_46 : i32
        %dma_start3A_48 = arith.constant 0 : i32
        %dma_start3A_49 = tpu.memref_slice %arg5[%add3A_47, %dma_start3A_48] : memref<20x128xi32, #tpu.memory_space<vmem>> -> memref<1x128xi32, #tpu.memory_space<vmem>>
        %dma_start3A_50 = tpu.memref_squeeze %dma_start3A_49 : memref<1x128xi32, #tpu.memory_space<vmem>> -> memref<128xi32, #tpu.memory_space<vmem>>
        %dma_start3A_51 = arith.constant 0 : i32
        %dma_start3A_52 = arith.constant 0 : i32
        %dma_start3A_53 = tpu.memref_slice %arg2[%dma_start3A_51, %dma_start3A_52] : memref<10000x256xf32, #tpu.memory_space<hbm>> -> memref<10000x256xf32, #tpu.memory_space<hbm>>
        tpu.enqueue_indirect_dma source(%dma_start3A_53 : memref<10000x256xf32, #tpu.memory_space<hbm>>) target(%arg6 : memref<128x256xf32, #tpu.memory_space<vmem>>) offsets(%dma_start3A_50 : memref<128xi32, #tpu.memory_space<vmem>>) semaphore(%arg8 : memref<!tpu.dma_semaphore, #tpu.memory_space<semaphore_mem>>)
      } else {
      }
      %dma_wait3A_37 = arith.constant 0 : i32
      %dma_wait3A_38 = arith.constant 0 : i32
      %dma_wait3A_39 = tpu.memref_slice %arg2[%dma_wait3A_37, %dma_wait3A_38] : memref<10000x256xf32, #tpu.memory_space<hbm>> -> memref<128x256xf32, #tpu.memory_space<hbm>>
      %dma_wait3A_40 = arith.constant 0 : i32
      %dma_wait3A_41 = arith.constant 0 : i32
      %dma_wait3A_42 = tpu.memref_slice %arg2[%dma_wait3A_40, %dma_wait3A_41] : memref<10000x256xf32, #tpu.memory_space<hbm>> -> memref<128x256xf32, #tpu.memory_space<hbm>>
      tpu.wait_dma2 semaphore(%arg9 : memref<!tpu.dma_semaphore, #tpu.memory_space<semaphore_mem>>) src(%dma_wait3A_42 : memref<128x256xf32, #tpu.memory_space<hbm>>) dst(%arg7 : memref<128x256xf32, #tpu.memory_space<vmem>>)
      %mul3A_43 = arith.constant 128 : i32
      %mul3A_44 = arith.muli %add3A_18, %mul3A_43 : i32
      %add3A_45 = arith.addi %mul3A_2, %mul3A_44 : i32
      "tpu.region"() ({
        %run_scoped3A = tpu.sem_alloc : memref<!tpu.dma_semaphore, #tpu.memory_space<semaphore_mem>>
        %dma_start3A_46 = arith.constant 0 : i32
        %dma_start3A_47 = tpu.memref_slice %arg4[%add3A_45, %dma_start3A_46] : memref<81920x256xf32, #tpu.memory_space<hbm>> -> memref<128x256xf32, #tpu.memory_space<hbm>>
        %dma_start3A_48 = arith.constant 0 : i32
        %dma_start3A_49 = tpu.memref_slice %arg4[%add3A_45, %dma_start3A_48] : memref<81920x256xf32, #tpu.memory_space<hbm>> -> memref<128x256xf32, #tpu.memory_space<hbm>>
        tpu.enqueue_dma source(%arg7 : memref<128x256xf32, #tpu.memory_space<vmem>>) target(%dma_start3A_49 : memref<128x256xf32, #tpu.memory_space<hbm>>) target_semaphore(%run_scoped3A : memref<!tpu.dma_semaphore, #tpu.memory_space<semaphore_mem>>)
        %dma_wait3A_50 = arith.constant 0 : i32
        %dma_wait3A_51 = tpu.memref_slice %arg4[%add3A_45, %dma_wait3A_50] : memref<81920x256xf32, #tpu.memory_space<hbm>> -> memref<128x256xf32, #tpu.memory_space<hbm>>
        %dma_wait3A_52 = arith.constant 0 : i32
        %dma_wait3A_53 = tpu.memref_slice %arg4[%add3A_45, %dma_wait3A_52] : memref<81920x256xf32, #tpu.memory_space<hbm>> -> memref<128x256xf32, #tpu.memory_space<hbm>>
        tpu.wait_dma2 semaphore(%run_scoped3A : memref<!tpu.dma_semaphore, #tpu.memory_space<semaphore_mem>>) src(%arg7 : memref<128x256xf32, #tpu.memory_space<vmem>>) dst(%dma_wait3A_53 : memref<128x256xf32, #tpu.memory_space<hbm>>)
        tpu.yield
      }) : () -> ()
    }
    %scan3A_13 = arith.constant 10 : i32
    return
  }
}

#map = affine_map<(d0, d1) -> (0, 0)>
#map1 = affine_map<(d0, d1) -> (0, 0, 0)>
module attributes {stable_mosaic.version = 14 : i64} {
  func.func @_scatter_body(%arg0: i32, %arg1: i32, %arg2: memref<81920x256xf32, #tpu.memory_space<hbm>>, %arg3: memref<16x40x128xi32, #tpu.memory_space<hbm>>, %arg4: memref<10240x256xf32, #tpu.memory_space<hbm>>, %arg5: memref<10240x256xf32, #tpu.memory_space<hbm>>, %arg6: memref<40x128xi32, #tpu.memory_space<vmem>>, %arg7: memref<128x128xf32, #tpu.memory_space<vmem>>, %arg8: memref<128x128xf32, #tpu.memory_space<vmem>>, %arg9: memref<10240x128xf32, #tpu.memory_space<vmem_shared>>, %arg10: memref<!tpu.dma_semaphore, #tpu.memory_space<semaphore_mem>>, %arg11: memref<!tpu.dma_semaphore, #tpu.memory_space<semaphore_mem>>) attributes {dimension_semantics = [#tpu.dimension_semantics<core_parallel>, #tpu.dimension_semantics<subcore_parallel>], iteration_bounds = array<i64: 2, 16>, scalar_prefetch = 0 : i64, scratch_operands = 6 : i64, tpu.core_type = #tpu.core_type<sc_vector_subcore>, window_params = [{transform_indices = #map}, {transform_indices = #map1}, {transform_indices = #map}, {transform_indices = #map}]} {
    %mul3A = arith.constant 128 : i32
    %mul3A_0 = arith.muli %arg0, %mul3A : i32
    %mul3A_1 = arith.constant 5120 : i32
    %mul3A_2 = arith.muli %arg1, %mul3A_1 : i32
    "tpu.region"() ({
      %run_scoped3A = tpu.sem_alloc : memref<!tpu.dma_semaphore, #tpu.memory_space<semaphore_mem>>
      %dma_start3A_16 = arith.constant 0 : i32
      %dma_start3A_17 = arith.constant 0 : i32
      %dma_start3A_18 = tpu.memref_slice %arg3[%arg1, %dma_start3A_16, %dma_start3A_17] : memref<16x40x128xi32, #tpu.memory_space<hbm>> -> memref<1x40x128xi32, #tpu.memory_space<hbm>>
      %dma_start3A_19 = tpu.memref_squeeze %dma_start3A_18 : memref<1x40x128xi32, #tpu.memory_space<hbm>> -> memref<40x128xi32, #tpu.memory_space<hbm>>
      %dma_start3A_20 = arith.constant 0 : i32
      %dma_start3A_21 = arith.constant 0 : i32
      %dma_start3A_22 = tpu.memref_slice %arg3[%arg1, %dma_start3A_20, %dma_start3A_21] : memref<16x40x128xi32, #tpu.memory_space<hbm>> -> memref<1x40x128xi32, #tpu.memory_space<hbm>>
      %dma_start3A_23 = tpu.memref_squeeze %dma_start3A_22 : memref<1x40x128xi32, #tpu.memory_space<hbm>> -> memref<40x128xi32, #tpu.memory_space<hbm>>
      tpu.enqueue_dma source(%dma_start3A_23 : memref<40x128xi32, #tpu.memory_space<hbm>>) target(%arg6 : memref<40x128xi32, #tpu.memory_space<vmem>>) target_semaphore(%run_scoped3A : memref<!tpu.dma_semaphore, #tpu.memory_space<semaphore_mem>>)
      %dma_wait3A = arith.constant 0 : i32
      %dma_wait3A_24 = arith.constant 0 : i32
      %dma_wait3A_25 = tpu.memref_slice %arg3[%arg1, %dma_wait3A, %dma_wait3A_24] : memref<16x40x128xi32, #tpu.memory_space<hbm>> -> memref<1x40x128xi32, #tpu.memory_space<hbm>>
      %dma_wait3A_26 = tpu.memref_squeeze %dma_wait3A_25 : memref<1x40x128xi32, #tpu.memory_space<hbm>> -> memref<40x128xi32, #tpu.memory_space<hbm>>
      %dma_wait3A_27 = arith.constant 0 : i32
      %dma_wait3A_28 = arith.constant 0 : i32
      %dma_wait3A_29 = tpu.memref_slice %arg3[%arg1, %dma_wait3A_27, %dma_wait3A_28] : memref<16x40x128xi32, #tpu.memory_space<hbm>> -> memref<1x40x128xi32, #tpu.memory_space<hbm>>
      %dma_wait3A_30 = tpu.memref_squeeze %dma_wait3A_29 : memref<1x40x128xi32, #tpu.memory_space<hbm>> -> memref<40x128xi32, #tpu.memory_space<hbm>>
      tpu.wait_dma2 semaphore(%run_scoped3A : memref<!tpu.dma_semaphore, #tpu.memory_space<semaphore_mem>>) src(%dma_wait3A_30 : memref<40x128xi32, #tpu.memory_space<hbm>>) dst(%arg6 : memref<40x128xi32, #tpu.memory_space<vmem>>)
      tpu.yield
    }) : () -> ()
    %eq3A = arith.constant 0 : i32
    %eq3A_3 = arith.cmpi eq, %arg1, %eq3A : i32
    %convert_element_type3A = arith.extui %eq3A_3 : i1 to i32
    %cond3A = arith.constant 0 : i32
    %cond3A_4 = arith.cmpi ne, %convert_element_type3A, %cond3A : i32
    scf.if %cond3A_4 {
      "tpu.region"() ({
        %run_scoped3A = tpu.sem_alloc : memref<!tpu.dma_semaphore, #tpu.memory_space<semaphore_mem>>
        %dma_start3A_16 = arith.constant 0 : i32
        %dma_start3A_17 = tpu.memref_slice %arg4[%dma_start3A_16, %mul3A_0] : memref<10240x256xf32, #tpu.memory_space<hbm>> -> memref<10240x128xf32, #tpu.memory_space<hbm>>
        tpu.enqueue_dma source(%dma_start3A_17 : memref<10240x128xf32, #tpu.memory_space<hbm>>) target(%arg9 : memref<10240x128xf32, #tpu.memory_space<vmem_shared>>) target_semaphore(%run_scoped3A : memref<!tpu.dma_semaphore, #tpu.memory_space<semaphore_mem>>)
        %dma_wait3A = arith.constant 0 : i32
        %dma_wait3A_18 = tpu.memref_slice %arg4[%dma_wait3A, %mul3A_0] : memref<10240x256xf32, #tpu.memory_space<hbm>> -> memref<10240x128xf32, #tpu.memory_space<hbm>>
        tpu.wait_dma2 semaphore(%run_scoped3A : memref<!tpu.dma_semaphore, #tpu.memory_space<semaphore_mem>>) src(%dma_wait3A_18 : memref<10240x128xf32, #tpu.memory_space<hbm>>) dst(%arg9 : memref<10240x128xf32, #tpu.memory_space<vmem_shared>>)
        tpu.yield
      }) : () -> ()
    } else {
    }
    %barrier3A = arith.constant 0 : index
    tpu.barrier barrier_id(%barrier3A)
    %dma_start3A = tpu.memref_slice %arg2[%mul3A_2, %mul3A_0] : memref<81920x256xf32, #tpu.memory_space<hbm>> -> memref<128x128xf32, #tpu.memory_space<hbm>>
    %dma_start3A_5 = tpu.memref_slice %arg2[%mul3A_2, %mul3A_0] : memref<81920x256xf32, #tpu.memory_space<hbm>> -> memref<128x128xf32, #tpu.memory_space<hbm>>
    tpu.enqueue_dma source(%dma_start3A_5 : memref<128x128xf32, #tpu.memory_space<hbm>>) target(%arg7 : memref<128x128xf32, #tpu.memory_space<vmem>>) target_semaphore(%arg10 : memref<!tpu.dma_semaphore, #tpu.memory_space<semaphore_mem>>)
    %scan3A = arith.constant 0 : i32
    %scan3A_6 = arith.constant 0 : i32
    %scan3A_7 = arith.constant 20 : i32
    %scan3A_8 = arith.addi %scan3A_6, %scan3A_7 : i32
    %scan3A_9 = arith.constant 1 : i32
    scf.for %scan3A_16 = %scan3A_6 to %scan3A_8 step %scan3A_9  : i32 {
      %mul3A_17 = arith.constant 2 : i32
      %mul3A_18 = arith.muli %mul3A_17, %scan3A_16 : i32
      %add3A = arith.constant 1 : i32
      %add3A_19 = arith.addi %mul3A_18, %add3A : i32
      %mul3A_20 = arith.constant 128 : i32
      %mul3A_21 = arith.muli %add3A_19, %mul3A_20 : i32
      %add3A_22 = arith.addi %mul3A_2, %mul3A_21 : i32
      %dma_start3A_23 = tpu.memref_slice %arg2[%add3A_22, %mul3A_0] : memref<81920x256xf32, #tpu.memory_space<hbm>> -> memref<128x128xf32, #tpu.memory_space<hbm>>
      %dma_start3A_24 = tpu.memref_slice %arg2[%add3A_22, %mul3A_0] : memref<81920x256xf32, #tpu.memory_space<hbm>> -> memref<128x128xf32, #tpu.memory_space<hbm>>
      tpu.enqueue_dma source(%dma_start3A_24 : memref<128x128xf32, #tpu.memory_space<hbm>>) target(%arg8 : memref<128x128xf32, #tpu.memory_space<vmem>>) target_semaphore(%arg11 : memref<!tpu.dma_semaphore, #tpu.memory_space<semaphore_mem>>)
      %dma_wait3A = arith.constant 0 : i32
      %dma_wait3A_25 = arith.constant 0 : i32
      %dma_wait3A_26 = tpu.memref_slice %arg2[%dma_wait3A, %dma_wait3A_25] : memref<81920x256xf32, #tpu.memory_space<hbm>> -> memref<128x128xf32, #tpu.memory_space<hbm>>
      %dma_wait3A_27 = arith.constant 0 : i32
      %dma_wait3A_28 = arith.constant 0 : i32
      %dma_wait3A_29 = tpu.memref_slice %arg2[%dma_wait3A_27, %dma_wait3A_28] : memref<81920x256xf32, #tpu.memory_space<hbm>> -> memref<128x128xf32, #tpu.memory_space<hbm>>
      tpu.wait_dma2 semaphore(%arg10 : memref<!tpu.dma_semaphore, #tpu.memory_space<semaphore_mem>>) src(%dma_wait3A_29 : memref<128x128xf32, #tpu.memory_space<hbm>>) dst(%arg7 : memref<128x128xf32, #tpu.memory_space<vmem>>)
      "tpu.region"() ({
        %run_scoped3A = tpu.sem_alloc : memref<!tpu.dma_semaphore, #tpu.memory_space<semaphore_mem>>
        %dma_start3A_42 = arith.constant 0 : i32
        %dma_start3A_43 = tpu.memref_slice %arg6[%mul3A_18, %dma_start3A_42] : memref<40x128xi32, #tpu.memory_space<vmem>> -> memref<1x128xi32, #tpu.memory_space<vmem>>
        %dma_start3A_44 = tpu.memref_squeeze %dma_start3A_43 : memref<1x128xi32, #tpu.memory_space<vmem>> -> memref<128xi32, #tpu.memory_space<vmem>>
        %dma_start3A_45 = arith.constant 0 : i32
        %dma_start3A_46 = arith.constant 0 : i32
        %dma_start3A_47 = tpu.memref_slice %arg9[%dma_start3A_45, %dma_start3A_46] : memref<10240x128xf32, #tpu.memory_space<vmem_shared>> -> memref<10240x128xf32, #tpu.memory_space<vmem_shared>>
        tpu.enqueue_indirect_dma source(%arg7 : memref<128x128xf32, #tpu.memory_space<vmem>>) target(%dma_start3A_47 : memref<10240x128xf32, #tpu.memory_space<vmem_shared>>) offsets(%dma_start3A_44 : memref<128xi32, #tpu.memory_space<vmem>>) semaphore(%run_scoped3A : memref<!tpu.dma_semaphore, #tpu.memory_space<semaphore_mem>>) {add = true}
        %dma_wait3A_48 = arith.constant 0 : i32
        %dma_wait3A_49 = tpu.memref_slice %arg6[%mul3A_18, %dma_wait3A_48] : memref<40x128xi32, #tpu.memory_space<vmem>> -> memref<1x128xi32, #tpu.memory_space<vmem>>
        %dma_wait3A_50 = tpu.memref_squeeze %dma_wait3A_49 : memref<1x128xi32, #tpu.memory_space<vmem>> -> memref<128xi32, #tpu.memory_space<vmem>>
        %dma_wait3A_51 = arith.constant 0 : i32
        %dma_wait3A_52 = arith.constant 0 : i32
        %dma_wait3A_53 = tpu.memref_slice %arg9[%dma_wait3A_51, %dma_wait3A_52] : memref<10240x128xf32, #tpu.memory_space<vmem_shared>> -> memref<10240x128xf32, #tpu.memory_space<vmem_shared>>
        tpu.wait_indirect_dma semaphore(%run_scoped3A : memref<!tpu.dma_semaphore, #tpu.memory_space<semaphore_mem>>) src(%arg7 : memref<128x128xf32, #tpu.memory_space<vmem>>) dst(%dma_wait3A_53 : memref<10240x128xf32, #tpu.memory_space<vmem_shared>>)
        tpu.yield
      }) : () -> ()
      %add3A_30 = arith.constant 1 : i32
      %add3A_31 = arith.addi %add3A_19, %add3A_30 : i32
      %lt3A = arith.constant 40 : i32
      %lt3A_32 = arith.cmpi slt, %add3A_31, %lt3A : i32
      %convert_element_type3A_33 = arith.extui %lt3A_32 : i1 to i32
      %cond3A_34 = arith.constant 0 : i32
      %cond3A_35 = arith.cmpi ne, %convert_element_type3A_33, %cond3A_34 : i32
      scf.if %cond3A_35 {
        %add3A_42 = arith.constant 1 : i32
        %add3A_43 = arith.addi %add3A_19, %add3A_42 : i32
        %mul3A_44 = arith.constant 128 : i32
        %mul3A_45 = arith.muli %add3A_43, %mul3A_44 : i32
        %add3A_46 = arith.addi %mul3A_2, %mul3A_45 : i32
        %dma_start3A_47 = tpu.memref_slice %arg2[%add3A_46, %mul3A_0] : memref<81920x256xf32, #tpu.memory_space<hbm>> -> memref<128x128xf32, #tpu.memory_space<hbm>>
        %dma_start3A_48 = tpu.memref_slice %arg2[%add3A_46, %mul3A_0] : memref<81920x256xf32, #tpu.memory_space<hbm>> -> memref<128x128xf32, #tpu.memory_space<hbm>>
        tpu.enqueue_dma source(%dma_start3A_48 : memref<128x128xf32, #tpu.memory_space<hbm>>) target(%arg7 : memref<128x128xf32, #tpu.memory_space<vmem>>) target_semaphore(%arg10 : memref<!tpu.dma_semaphore, #tpu.memory_space<semaphore_mem>>)
      } else {
      }
      %dma_wait3A_36 = arith.constant 0 : i32
      %dma_wait3A_37 = arith.constant 0 : i32
      %dma_wait3A_38 = tpu.memref_slice %arg2[%dma_wait3A_36, %dma_wait3A_37] : memref<81920x256xf32, #tpu.memory_space<hbm>> -> memref<128x128xf32, #tpu.memory_space<hbm>>
      %dma_wait3A_39 = arith.constant 0 : i32
      %dma_wait3A_40 = arith.constant 0 : i32
      %dma_wait3A_41 = tpu.memref_slice %arg2[%dma_wait3A_39, %dma_wait3A_40] : memref<81920x256xf32, #tpu.memory_space<hbm>> -> memref<128x128xf32, #tpu.memory_space<hbm>>
      tpu.wait_dma2 semaphore(%arg11 : memref<!tpu.dma_semaphore, #tpu.memory_space<semaphore_mem>>) src(%dma_wait3A_41 : memref<128x128xf32, #tpu.memory_space<hbm>>) dst(%arg8 : memref<128x128xf32, #tpu.memory_space<vmem>>)
      "tpu.region"() ({
        %run_scoped3A = tpu.sem_alloc : memref<!tpu.dma_semaphore, #tpu.memory_space<semaphore_mem>>
        %dma_start3A_42 = arith.constant 0 : i32
        %dma_start3A_43 = tpu.memref_slice %arg6[%add3A_19, %dma_start3A_42] : memref<40x128xi32, #tpu.memory_space<vmem>> -> memref<1x128xi32, #tpu.memory_space<vmem>>
        %dma_start3A_44 = tpu.memref_squeeze %dma_start3A_43 : memref<1x128xi32, #tpu.memory_space<vmem>> -> memref<128xi32, #tpu.memory_space<vmem>>
        %dma_start3A_45 = arith.constant 0 : i32
        %dma_start3A_46 = arith.constant 0 : i32
        %dma_start3A_47 = tpu.memref_slice %arg9[%dma_start3A_45, %dma_start3A_46] : memref<10240x128xf32, #tpu.memory_space<vmem_shared>> -> memref<10240x128xf32, #tpu.memory_space<vmem_shared>>
        tpu.enqueue_indirect_dma source(%arg8 : memref<128x128xf32, #tpu.memory_space<vmem>>) target(%dma_start3A_47 : memref<10240x128xf32, #tpu.memory_space<vmem_shared>>) offsets(%dma_start3A_44 : memref<128xi32, #tpu.memory_space<vmem>>) semaphore(%run_scoped3A : memref<!tpu.dma_semaphore, #tpu.memory_space<semaphore_mem>>) {add = true}
        %dma_wait3A_48 = arith.constant 0 : i32
        %dma_wait3A_49 = tpu.memref_slice %arg6[%add3A_19, %dma_wait3A_48] : memref<40x128xi32, #tpu.memory_space<vmem>> -> memref<1x128xi32, #tpu.memory_space<vmem>>
        %dma_wait3A_50 = tpu.memref_squeeze %dma_wait3A_49 : memref<1x128xi32, #tpu.memory_space<vmem>> -> memref<128xi32, #tpu.memory_space<vmem>>
        %dma_wait3A_51 = arith.constant 0 : i32
        %dma_wait3A_52 = arith.constant 0 : i32
        %dma_wait3A_53 = tpu.memref_slice %arg9[%dma_wait3A_51, %dma_wait3A_52] : memref<10240x128xf32, #tpu.memory_space<vmem_shared>> -> memref<10240x128xf32, #tpu.memory_space<vmem_shared>>
        tpu.wait_indirect_dma semaphore(%run_scoped3A : memref<!tpu.dma_semaphore, #tpu.memory_space<semaphore_mem>>) src(%arg8 : memref<128x128xf32, #tpu.memory_space<vmem>>) dst(%dma_wait3A_53 : memref<10240x128xf32, #tpu.memory_space<vmem_shared>>)
        tpu.yield
      }) : () -> ()
    }
    %scan3A_10 = arith.constant 20 : i32
    %barrier3A_11 = arith.constant 0 : index
    tpu.barrier barrier_id(%barrier3A_11)
    %mul3A_12 = arith.constant 640 : i32
    %mul3A_13 = arith.muli %arg1, %mul3A_12 : i32
    %mul3A_14 = arith.constant 640 : i32
    %mul3A_15 = arith.muli %arg1, %mul3A_14 : i32
    "tpu.region"() ({
      %run_scoped3A = tpu.sem_alloc : memref<!tpu.dma_semaphore, #tpu.memory_space<semaphore_mem>>
      %dma_start3A_16 = tpu.memref_slice %arg5[%mul3A_15, %mul3A_0] : memref<10240x256xf32, #tpu.memory_space<hbm>> -> memref<640x128xf32, #tpu.memory_space<hbm>>
      %dma_start3A_17 = arith.constant 0 : i32
      %dma_start3A_18 = tpu.memref_slice %arg9[%mul3A_13, %dma_start3A_17] : memref<10240x128xf32, #tpu.memory_space<vmem_shared>> -> memref<640x128xf32, #tpu.memory_space<vmem_shared>>
      tpu.enqueue_dma source(%dma_start3A_18 : memref<640x128xf32, #tpu.memory_space<vmem_shared>>) target(%dma_start3A_16 : memref<640x128xf32, #tpu.memory_space<hbm>>) target_semaphore(%run_scoped3A : memref<!tpu.dma_semaphore, #tpu.memory_space<semaphore_mem>>)
      %dma_wait3A = tpu.memref_slice %arg5[%mul3A_15, %mul3A_0] : memref<10240x256xf32, #tpu.memory_space<hbm>> -> memref<640x128xf32, #tpu.memory_space<hbm>>
      %dma_wait3A_19 = arith.constant 0 : i32
      %dma_wait3A_20 = tpu.memref_slice %arg9[%mul3A_13, %dma_wait3A_19] : memref<10240x128xf32, #tpu.memory_space<vmem_shared>> -> memref<640x128xf32, #tpu.memory_space<vmem_shared>>
      tpu.wait_dma2 semaphore(%run_scoped3A : memref<!tpu.dma_semaphore, #tpu.memory_space<semaphore_mem>>) src(%dma_wait3A_20 : memref<640x128xf32, #tpu.memory_space<vmem_shared>>) dst(%dma_wait3A : memref<640x128xf32, #tpu.memory_space<hbm>>)
      tpu.yield
    }) : () -> ()
    return
  }
}

#map = affine_map<(d0, d1) -> (0, 0)>
#map1 = affine_map<(d0, d1) -> (0, 0, 0)>
module attributes {stable_mosaic.version = 14 : i64} {
  func.func @_gather_body(%arg0: i32, %arg1: i32, %arg2: memref<10000x256xf32, #tpu.memory_space<hbm>>, %arg3: memref<32x20x128xi32, #tpu.memory_space<hbm>>, %arg4: memref<81920x256xf32, #tpu.memory_space<hbm>>, %arg5: memref<20x128xi32, #tpu.memory_space<vmem>>, %arg6: memref<128x256xf32, #tpu.memory_space<vmem>>, %arg7: memref<128x256xf32, #tpu.memory_space<vmem>>, %arg8: memref<!tpu.dma_semaphore, #tpu.memory_space<semaphore_mem>>, %arg9: memref<!tpu.dma_semaphore, #tpu.memory_space<semaphore_mem>>) attributes {dimension_semantics = [#tpu.dimension_semantics<core_parallel>, #tpu.dimension_semantics<subcore_parallel>], iteration_bounds = array<i64: 2, 16>, scalar_prefetch = 0 : i64, scratch_operands = 5 : i64, tpu.core_type = #tpu.core_type<sc_vector_subcore>, window_params = [{transform_indices = #map}, {transform_indices = #map1}, {transform_indices = #map}]} {
    %mul3A = arith.constant 2 : i32
    %mul3A_0 = arith.muli %arg1, %mul3A : i32
    %add3A = arith.addi %mul3A_0, %arg0 : i32
    "tpu.region"() ({
      %run_scoped3A = tpu.sem_alloc : memref<!tpu.dma_semaphore, #tpu.memory_space<semaphore_mem>>
      %dma_start3A_14 = arith.constant 0 : i32
      %dma_start3A_15 = arith.constant 0 : i32
      %dma_start3A_16 = tpu.memref_slice %arg3[%add3A, %dma_start3A_14, %dma_start3A_15] : memref<32x20x128xi32, #tpu.memory_space<hbm>> -> memref<1x20x128xi32, #tpu.memory_space<hbm>>
      %dma_start3A_17 = tpu.memref_squeeze %dma_start3A_16 : memref<1x20x128xi32, #tpu.memory_space<hbm>> -> memref<20x128xi32, #tpu.memory_space<hbm>>
      %dma_start3A_18 = arith.constant 0 : i32
      %dma_start3A_19 = arith.constant 0 : i32
      %dma_start3A_20 = tpu.memref_slice %arg3[%add3A, %dma_start3A_18, %dma_start3A_19] : memref<32x20x128xi32, #tpu.memory_space<hbm>> -> memref<1x20x128xi32, #tpu.memory_space<hbm>>
      %dma_start3A_21 = tpu.memref_squeeze %dma_start3A_20 : memref<1x20x128xi32, #tpu.memory_space<hbm>> -> memref<20x128xi32, #tpu.memory_space<hbm>>
      tpu.enqueue_dma source(%dma_start3A_21 : memref<20x128xi32, #tpu.memory_space<hbm>>) target(%arg5 : memref<20x128xi32, #tpu.memory_space<vmem>>) target_semaphore(%run_scoped3A : memref<!tpu.dma_semaphore, #tpu.memory_space<semaphore_mem>>)
      %dma_wait3A = arith.constant 0 : i32
      %dma_wait3A_22 = arith.constant 0 : i32
      %dma_wait3A_23 = tpu.memref_slice %arg3[%add3A, %dma_wait3A, %dma_wait3A_22] : memref<32x20x128xi32, #tpu.memory_space<hbm>> -> memref<1x20x128xi32, #tpu.memory_space<hbm>>
      %dma_wait3A_24 = tpu.memref_squeeze %dma_wait3A_23 : memref<1x20x128xi32, #tpu.memory_space<hbm>> -> memref<20x128xi32, #tpu.memory_space<hbm>>
      %dma_wait3A_25 = arith.constant 0 : i32
      %dma_wait3A_26 = arith.constant 0 : i32
      %dma_wait3A_27 = tpu.memref_slice %arg3[%add3A, %dma_wait3A_25, %dma_wait3A_26] : memref<32x20x128xi32, #tpu.memory_space<hbm>> -> memref<1x20x128xi32, #tpu.memory_space<hbm>>
      %dma_wait3A_28 = tpu.memref_squeeze %dma_wait3A_27 : memref<1x20x128xi32, #tpu.memory_space<hbm>> -> memref<20x128xi32, #tpu.memory_space<hbm>>
      tpu.wait_dma2 semaphore(%run_scoped3A : memref<!tpu.dma_semaphore, #tpu.memory_space<semaphore_mem>>) src(%dma_wait3A_28 : memref<20x128xi32, #tpu.memory_space<hbm>>) dst(%arg5 : memref<20x128xi32, #tpu.memory_space<vmem>>)
      tpu.yield
    }) : () -> ()
    %mul3A_1 = arith.constant 2560 : i32
    %mul3A_2 = arith.muli %add3A, %mul3A_1 : i32
    %dma_start3A = arith.constant 0 : i32
    %dma_start3A_3 = arith.constant 0 : i32
    %dma_start3A_4 = tpu.memref_slice %arg5[%dma_start3A, %dma_start3A_3] : memref<20x128xi32, #tpu.memory_space<vmem>> -> memref<1x128xi32, #tpu.memory_space<vmem>>
    %dma_start3A_5 = tpu.memref_squeeze %dma_start3A_4 : memref<1x128xi32, #tpu.memory_space<vmem>> -> memref<128xi32, #tpu.memory_space<vmem>>
    %dma_start3A_6 = arith.constant 0 : i32
    %dma_start3A_7 = arith.constant 0 : i32
    %dma_start3A_8 = tpu.memref_slice %arg2[%dma_start3A_6, %dma_start3A_7] : memref<10000x256xf32, #tpu.memory_space<hbm>> -> memref<10000x256xf32, #tpu.memory_space<hbm>>
    tpu.enqueue_indirect_dma source(%dma_start3A_8 : memref<10000x256xf32, #tpu.memory_space<hbm>>) target(%arg6 : memref<128x256xf32, #tpu.memory_space<vmem>>) offsets(%dma_start3A_5 : memref<128xi32, #tpu.memory_space<vmem>>) semaphore(%arg8 : memref<!tpu.dma_semaphore, #tpu.memory_space<semaphore_mem>>)
    %scan3A = arith.constant 0 : i32
    %scan3A_9 = arith.constant 0 : i32
    %scan3A_10 = arith.constant 10 : i32
    %scan3A_11 = arith.addi %scan3A_9, %scan3A_10 : i32
    %scan3A_12 = arith.constant 1 : i32
    scf.for %scan3A_14 = %scan3A_9 to %scan3A_11 step %scan3A_12  : i32 {
      %mul3A_15 = arith.constant 2 : i32
      %mul3A_16 = arith.muli %mul3A_15, %scan3A_14 : i32
      %add3A_17 = arith.constant 1 : i32
      %add3A_18 = arith.addi %mul3A_16, %add3A_17 : i32
      %dma_start3A_19 = arith.constant 0 : i32
      %dma_start3A_20 = tpu.memref_slice %arg5[%add3A_18, %dma_start3A_19] : memref<20x128xi32, #tpu.memory_space<vmem>> -> memref<1x128xi32, #tpu.memory_space<vmem>>
      %dma_start3A_21 = tpu.memref_squeeze %dma_start3A_20 : memref<1x128xi32, #tpu.memory_space<vmem>> -> memref<128xi32, #tpu.memory_space<vmem>>
      %dma_start3A_22 = arith.constant 0 : i32
      %dma_start3A_23 = arith.constant 0 : i32
      %dma_start3A_24 = tpu.memref_slice %arg2[%dma_start3A_22, %dma_start3A_23] : memref<10000x256xf32, #tpu.memory_space<hbm>> -> memref<10000x256xf32, #tpu.memory_space<hbm>>
      tpu.enqueue_indirect_dma source(%dma_start3A_24 : memref<10000x256xf32, #tpu.memory_space<hbm>>) target(%arg7 : memref<128x256xf32, #tpu.memory_space<vmem>>) offsets(%dma_start3A_21 : memref<128xi32, #tpu.memory_space<vmem>>) semaphore(%arg9 : memref<!tpu.dma_semaphore, #tpu.memory_space<semaphore_mem>>)
      %dma_wait3A = arith.constant 0 : i32
      %dma_wait3A_25 = arith.constant 0 : i32
      %dma_wait3A_26 = tpu.memref_slice %arg2[%dma_wait3A, %dma_wait3A_25] : memref<10000x256xf32, #tpu.memory_space<hbm>> -> memref<128x256xf32, #tpu.memory_space<hbm>>
      %dma_wait3A_27 = arith.constant 0 : i32
      %dma_wait3A_28 = arith.constant 0 : i32
      %dma_wait3A_29 = tpu.memref_slice %arg2[%dma_wait3A_27, %dma_wait3A_28] : memref<10000x256xf32, #tpu.memory_space<hbm>> -> memref<128x256xf32, #tpu.memory_space<hbm>>
      tpu.wait_dma2 semaphore(%arg8 : memref<!tpu.dma_semaphore, #tpu.memory_space<semaphore_mem>>) src(%dma_wait3A_29 : memref<128x256xf32, #tpu.memory_space<hbm>>) dst(%arg6 : memref<128x256xf32, #tpu.memory_space<vmem>>)
      %mul3A_30 = arith.constant 128 : i32
      %mul3A_31 = arith.muli %mul3A_16, %mul3A_30 : i32
      %add3A_32 = arith.addi %mul3A_2, %mul3A_31 : i32
      "tpu.region"() ({
        %run_scoped3A = tpu.sem_alloc : memref<!tpu.dma_semaphore, #tpu.memory_space<semaphore_mem>>
        %dma_start3A_46 = arith.constant 0 : i32
        %dma_start3A_47 = tpu.memref_slice %arg4[%add3A_32, %dma_start3A_46] : memref<81920x256xf32, #tpu.memory_space<hbm>> -> memref<128x256xf32, #tpu.memory_space<hbm>>
        %dma_start3A_48 = arith.constant 0 : i32
        %dma_start3A_49 = tpu.memref_slice %arg4[%add3A_32, %dma_start3A_48] : memref<81920x256xf32, #tpu.memory_space<hbm>> -> memref<128x256xf32, #tpu.memory_space<hbm>>
        tpu.enqueue_dma source(%arg6 : memref<128x256xf32, #tpu.memory_space<vmem>>) target(%dma_start3A_49 : memref<128x256xf32, #tpu.memory_space<hbm>>) target_semaphore(%run_scoped3A : memref<!tpu.dma_semaphore, #tpu.memory_space<semaphore_mem>>)
        %dma_wait3A_50 = arith.constant 0 : i32
        %dma_wait3A_51 = tpu.memref_slice %arg4[%add3A_32, %dma_wait3A_50] : memref<81920x256xf32, #tpu.memory_space<hbm>> -> memref<128x256xf32, #tpu.memory_space<hbm>>
        %dma_wait3A_52 = arith.constant 0 : i32
        %dma_wait3A_53 = tpu.memref_slice %arg4[%add3A_32, %dma_wait3A_52] : memref<81920x256xf32, #tpu.memory_space<hbm>> -> memref<128x256xf32, #tpu.memory_space<hbm>>
        tpu.wait_dma2 semaphore(%run_scoped3A : memref<!tpu.dma_semaphore, #tpu.memory_space<semaphore_mem>>) src(%arg6 : memref<128x256xf32, #tpu.memory_space<vmem>>) dst(%dma_wait3A_53 : memref<128x256xf32, #tpu.memory_space<hbm>>)
        tpu.yield
      }) : () -> ()
      %add3A_33 = arith.constant 1 : i32
      %add3A_34 = arith.addi %add3A_18, %add3A_33 : i32
      %lt3A = arith.constant 20 : i32
      %lt3A_35 = arith.cmpi slt, %add3A_34, %lt3A : i32
      %convert_element_type3A = arith.extui %lt3A_35 : i1 to i32
      %cond3A = arith.constant 0 : i32
      %cond3A_36 = arith.cmpi ne, %convert_element_type3A, %cond3A : i32
      scf.if %cond3A_36 {
        %add3A_46 = arith.constant 1 : i32
        %add3A_47 = arith.addi %add3A_18, %add3A_46 : i32
        %dma_start3A_48 = arith.constant 0 : i32
        %dma_start3A_49 = tpu.memref_slice %arg5[%add3A_47, %dma_start3A_48] : memref<20x128xi32, #tpu.memory_space<vmem>> -> memref<1x128xi32, #tpu.memory_space<vmem>>
        %dma_start3A_50 = tpu.memref_squeeze %dma_start3A_49 : memref<1x128xi32, #tpu.memory_space<vmem>> -> memref<128xi32, #tpu.memory_space<vmem>>
        %dma_start3A_51 = arith.constant 0 : i32
        %dma_start3A_52 = arith.constant 0 : i32
        %dma_start3A_53 = tpu.memref_slice %arg2[%dma_start3A_51, %dma_start3A_52] : memref<10000x256xf32, #tpu.memory_space<hbm>> -> memref<10000x256xf32, #tpu.memory_space<hbm>>
        tpu.enqueue_indirect_dma source(%dma_start3A_53 : memref<10000x256xf32, #tpu.memory_space<hbm>>) target(%arg6 : memref<128x256xf32, #tpu.memory_space<vmem>>) offsets(%dma_start3A_50 : memref<128xi32, #tpu.memory_space<vmem>>) semaphore(%arg8 : memref<!tpu.dma_semaphore, #tpu.memory_space<semaphore_mem>>)
      } else {
      }
      %dma_wait3A_37 = arith.constant 0 : i32
      %dma_wait3A_38 = arith.constant 0 : i32
      %dma_wait3A_39 = tpu.memref_slice %arg2[%dma_wait3A_37, %dma_wait3A_38] : memref<10000x256xf32, #tpu.memory_space<hbm>> -> memref<128x256xf32, #tpu.memory_space<hbm>>
      %dma_wait3A_40 = arith.constant 0 : i32
      %dma_wait3A_41 = arith.constant 0 : i32
      %dma_wait3A_42 = tpu.memref_slice %arg2[%dma_wait3A_40, %dma_wait3A_41] : memref<10000x256xf32, #tpu.memory_space<hbm>> -> memref<128x256xf32, #tpu.memory_space<hbm>>
      tpu.wait_dma2 semaphore(%arg9 : memref<!tpu.dma_semaphore, #tpu.memory_space<semaphore_mem>>) src(%dma_wait3A_42 : memref<128x256xf32, #tpu.memory_space<hbm>>) dst(%arg7 : memref<128x256xf32, #tpu.memory_space<vmem>>)
      %mul3A_43 = arith.constant 128 : i32
      %mul3A_44 = arith.muli %add3A_18, %mul3A_43 : i32
      %add3A_45 = arith.addi %mul3A_2, %mul3A_44 : i32
      "tpu.region"() ({
        %run_scoped3A = tpu.sem_alloc : memref<!tpu.dma_semaphore, #tpu.memory_space<semaphore_mem>>
        %dma_start3A_46 = arith.constant 0 : i32
        %dma_start3A_47 = tpu.memref_slice %arg4[%add3A_45, %dma_start3A_46] : memref<81920x256xf32, #tpu.memory_space<hbm>> -> memref<128x256xf32, #tpu.memory_space<hbm>>
        %dma_start3A_48 = arith.constant 0 : i32
        %dma_start3A_49 = tpu.memref_slice %arg4[%add3A_45, %dma_start3A_48] : memref<81920x256xf32, #tpu.memory_space<hbm>> -> memref<128x256xf32, #tpu.memory_space<hbm>>
        tpu.enqueue_dma source(%arg7 : memref<128x256xf32, #tpu.memory_space<vmem>>) target(%dma_start3A_49 : memref<128x256xf32, #tpu.memory_space<hbm>>) target_semaphore(%run_scoped3A : memref<!tpu.dma_semaphore, #tpu.memory_space<semaphore_mem>>)
        %dma_wait3A_50 = arith.constant 0 : i32
        %dma_wait3A_51 = tpu.memref_slice %arg4[%add3A_45, %dma_wait3A_50] : memref<81920x256xf32, #tpu.memory_space<hbm>> -> memref<128x256xf32, #tpu.memory_space<hbm>>
        %dma_wait3A_52 = arith.constant 0 : i32
        %dma_wait3A_53 = tpu.memref_slice %arg4[%add3A_45, %dma_wait3A_52] : memref<81920x256xf32, #tpu.memory_space<hbm>> -> memref<128x256xf32, #tpu.memory_space<hbm>>
        tpu.wait_dma2 semaphore(%run_scoped3A : memref<!tpu.dma_semaphore, #tpu.memory_space<semaphore_mem>>) src(%arg7 : memref<128x256xf32, #tpu.memory_space<vmem>>) dst(%dma_wait3A_53 : memref<128x256xf32, #tpu.memory_space<hbm>>)
        tpu.yield
      }) : () -> ()
    }
    %scan3A_13 = arith.constant 10 : i32
    return
  }
}

#map = affine_map<(d0, d1) -> (0, 0)>
#map1 = affine_map<(d0, d1) -> (0, 0, 0)>
module attributes {stable_mosaic.version = 14 : i64} {
  func.func @_scatter_body(%arg0: i32, %arg1: i32, %arg2: memref<81920x256xf32, #tpu.memory_space<hbm>>, %arg3: memref<16x40x128xi32, #tpu.memory_space<hbm>>, %arg4: memref<10240x256xf32, #tpu.memory_space<hbm>>, %arg5: memref<10240x256xf32, #tpu.memory_space<hbm>>, %arg6: memref<40x128xi32, #tpu.memory_space<vmem>>, %arg7: memref<128x128xf32, #tpu.memory_space<vmem>>, %arg8: memref<128x128xf32, #tpu.memory_space<vmem>>, %arg9: memref<10240x128xf32, #tpu.memory_space<vmem_shared>>, %arg10: memref<!tpu.dma_semaphore, #tpu.memory_space<semaphore_mem>>, %arg11: memref<!tpu.dma_semaphore, #tpu.memory_space<semaphore_mem>>) attributes {dimension_semantics = [#tpu.dimension_semantics<core_parallel>, #tpu.dimension_semantics<subcore_parallel>], iteration_bounds = array<i64: 2, 16>, scalar_prefetch = 0 : i64, scratch_operands = 6 : i64, tpu.core_type = #tpu.core_type<sc_vector_subcore>, window_params = [{transform_indices = #map}, {transform_indices = #map1}, {transform_indices = #map}, {transform_indices = #map}]} {
    %mul3A = arith.constant 128 : i32
    %mul3A_0 = arith.muli %arg0, %mul3A : i32
    %mul3A_1 = arith.constant 5120 : i32
    %mul3A_2 = arith.muli %arg1, %mul3A_1 : i32
    "tpu.region"() ({
      %run_scoped3A = tpu.sem_alloc : memref<!tpu.dma_semaphore, #tpu.memory_space<semaphore_mem>>
      %dma_start3A_16 = arith.constant 0 : i32
      %dma_start3A_17 = arith.constant 0 : i32
      %dma_start3A_18 = tpu.memref_slice %arg3[%arg1, %dma_start3A_16, %dma_start3A_17] : memref<16x40x128xi32, #tpu.memory_space<hbm>> -> memref<1x40x128xi32, #tpu.memory_space<hbm>>
      %dma_start3A_19 = tpu.memref_squeeze %dma_start3A_18 : memref<1x40x128xi32, #tpu.memory_space<hbm>> -> memref<40x128xi32, #tpu.memory_space<hbm>>
      %dma_start3A_20 = arith.constant 0 : i32
      %dma_start3A_21 = arith.constant 0 : i32
      %dma_start3A_22 = tpu.memref_slice %arg3[%arg1, %dma_start3A_20, %dma_start3A_21] : memref<16x40x128xi32, #tpu.memory_space<hbm>> -> memref<1x40x128xi32, #tpu.memory_space<hbm>>
      %dma_start3A_23 = tpu.memref_squeeze %dma_start3A_22 : memref<1x40x128xi32, #tpu.memory_space<hbm>> -> memref<40x128xi32, #tpu.memory_space<hbm>>
      tpu.enqueue_dma source(%dma_start3A_23 : memref<40x128xi32, #tpu.memory_space<hbm>>) target(%arg6 : memref<40x128xi32, #tpu.memory_space<vmem>>) target_semaphore(%run_scoped3A : memref<!tpu.dma_semaphore, #tpu.memory_space<semaphore_mem>>)
      %dma_wait3A = arith.constant 0 : i32
      %dma_wait3A_24 = arith.constant 0 : i32
      %dma_wait3A_25 = tpu.memref_slice %arg3[%arg1, %dma_wait3A, %dma_wait3A_24] : memref<16x40x128xi32, #tpu.memory_space<hbm>> -> memref<1x40x128xi32, #tpu.memory_space<hbm>>
      %dma_wait3A_26 = tpu.memref_squeeze %dma_wait3A_25 : memref<1x40x128xi32, #tpu.memory_space<hbm>> -> memref<40x128xi32, #tpu.memory_space<hbm>>
      %dma_wait3A_27 = arith.constant 0 : i32
      %dma_wait3A_28 = arith.constant 0 : i32
      %dma_wait3A_29 = tpu.memref_slice %arg3[%arg1, %dma_wait3A_27, %dma_wait3A_28] : memref<16x40x128xi32, #tpu.memory_space<hbm>> -> memref<1x40x128xi32, #tpu.memory_space<hbm>>
      %dma_wait3A_30 = tpu.memref_squeeze %dma_wait3A_29 : memref<1x40x128xi32, #tpu.memory_space<hbm>> -> memref<40x128xi32, #tpu.memory_space<hbm>>
      tpu.wait_dma2 semaphore(%run_scoped3A : memref<!tpu.dma_semaphore, #tpu.memory_space<semaphore_mem>>) src(%dma_wait3A_30 : memref<40x128xi32, #tpu.memory_space<hbm>>) dst(%arg6 : memref<40x128xi32, #tpu.memory_space<vmem>>)
      tpu.yield
    }) : () -> ()
    %eq3A = arith.constant 0 : i32
    %eq3A_3 = arith.cmpi eq, %arg1, %eq3A : i32
    %convert_element_type3A = arith.extui %eq3A_3 : i1 to i32
    %cond3A = arith.constant 0 : i32
    %cond3A_4 = arith.cmpi ne, %convert_element_type3A, %cond3A : i32
    scf.if %cond3A_4 {
      "tpu.region"() ({
        %run_scoped3A = tpu.sem_alloc : memref<!tpu.dma_semaphore, #tpu.memory_space<semaphore_mem>>
        %dma_start3A_16 = arith.constant 0 : i32
        %dma_start3A_17 = tpu.memref_slice %arg4[%dma_start3A_16, %mul3A_0] : memref<10240x256xf32, #tpu.memory_space<hbm>> -> memref<10240x128xf32, #tpu.memory_space<hbm>>
        tpu.enqueue_dma source(%dma_start3A_17 : memref<10240x128xf32, #tpu.memory_space<hbm>>) target(%arg9 : memref<10240x128xf32, #tpu.memory_space<vmem_shared>>) target_semaphore(%run_scoped3A : memref<!tpu.dma_semaphore, #tpu.memory_space<semaphore_mem>>)
        %dma_wait3A = arith.constant 0 : i32
        %dma_wait3A_18 = tpu.memref_slice %arg4[%dma_wait3A, %mul3A_0] : memref<10240x256xf32, #tpu.memory_space<hbm>> -> memref<10240x128xf32, #tpu.memory_space<hbm>>
        tpu.wait_dma2 semaphore(%run_scoped3A : memref<!tpu.dma_semaphore, #tpu.memory_space<semaphore_mem>>) src(%dma_wait3A_18 : memref<10240x128xf32, #tpu.memory_space<hbm>>) dst(%arg9 : memref<10240x128xf32, #tpu.memory_space<vmem_shared>>)
        tpu.yield
      }) : () -> ()
    } else {
    }
    %barrier3A = arith.constant 0 : index
    tpu.barrier barrier_id(%barrier3A)
    %dma_start3A = tpu.memref_slice %arg2[%mul3A_2, %mul3A_0] : memref<81920x256xf32, #tpu.memory_space<hbm>> -> memref<128x128xf32, #tpu.memory_space<hbm>>
    %dma_start3A_5 = tpu.memref_slice %arg2[%mul3A_2, %mul3A_0] : memref<81920x256xf32, #tpu.memory_space<hbm>> -> memref<128x128xf32, #tpu.memory_space<hbm>>
    tpu.enqueue_dma source(%dma_start3A_5 : memref<128x128xf32, #tpu.memory_space<hbm>>) target(%arg7 : memref<128x128xf32, #tpu.memory_space<vmem>>) target_semaphore(%arg10 : memref<!tpu.dma_semaphore, #tpu.memory_space<semaphore_mem>>)
    %scan3A = arith.constant 0 : i32
    %scan3A_6 = arith.constant 0 : i32
    %scan3A_7 = arith.constant 20 : i32
    %scan3A_8 = arith.addi %scan3A_6, %scan3A_7 : i32
    %scan3A_9 = arith.constant 1 : i32
    scf.for %scan3A_16 = %scan3A_6 to %scan3A_8 step %scan3A_9  : i32 {
      %mul3A_17 = arith.constant 2 : i32
      %mul3A_18 = arith.muli %mul3A_17, %scan3A_16 : i32
      %add3A = arith.constant 1 : i32
      %add3A_19 = arith.addi %mul3A_18, %add3A : i32
      %mul3A_20 = arith.constant 128 : i32
      %mul3A_21 = arith.muli %add3A_19, %mul3A_20 : i32
      %add3A_22 = arith.addi %mul3A_2, %mul3A_21 : i32
      %dma_start3A_23 = tpu.memref_slice %arg2[%add3A_22, %mul3A_0] : memref<81920x256xf32, #tpu.memory_space<hbm>> -> memref<128x128xf32, #tpu.memory_space<hbm>>
      %dma_start3A_24 = tpu.memref_slice %arg2[%add3A_22, %mul3A_0] : memref<81920x256xf32, #tpu.memory_space<hbm>> -> memref<128x128xf32, #tpu.memory_space<hbm>>
      tpu.enqueue_dma source(%dma_start3A_24 : memref<128x128xf32, #tpu.memory_space<hbm>>) target(%arg8 : memref<128x128xf32, #tpu.memory_space<vmem>>) target_semaphore(%arg11 : memref<!tpu.dma_semaphore, #tpu.memory_space<semaphore_mem>>)
      %dma_wait3A = arith.constant 0 : i32
      %dma_wait3A_25 = arith.constant 0 : i32
      %dma_wait3A_26 = tpu.memref_slice %arg2[%dma_wait3A, %dma_wait3A_25] : memref<81920x256xf32, #tpu.memory_space<hbm>> -> memref<128x128xf32, #tpu.memory_space<hbm>>
      %dma_wait3A_27 = arith.constant 0 : i32
      %dma_wait3A_28 = arith.constant 0 : i32
      %dma_wait3A_29 = tpu.memref_slice %arg2[%dma_wait3A_27, %dma_wait3A_28] : memref<81920x256xf32, #tpu.memory_space<hbm>> -> memref<128x128xf32, #tpu.memory_space<hbm>>
      tpu.wait_dma2 semaphore(%arg10 : memref<!tpu.dma_semaphore, #tpu.memory_space<semaphore_mem>>) src(%dma_wait3A_29 : memref<128x128xf32, #tpu.memory_space<hbm>>) dst(%arg7 : memref<128x128xf32, #tpu.memory_space<vmem>>)
      "tpu.region"() ({
        %run_scoped3A = tpu.sem_alloc : memref<!tpu.dma_semaphore, #tpu.memory_space<semaphore_mem>>
        %dma_start3A_42 = arith.constant 0 : i32
        %dma_start3A_43 = tpu.memref_slice %arg6[%mul3A_18, %dma_start3A_42] : memref<40x128xi32, #tpu.memory_space<vmem>> -> memref<1x128xi32, #tpu.memory_space<vmem>>
        %dma_start3A_44 = tpu.memref_squeeze %dma_start3A_43 : memref<1x128xi32, #tpu.memory_space<vmem>> -> memref<128xi32, #tpu.memory_space<vmem>>
        %dma_start3A_45 = arith.constant 0 : i32
        %dma_start3A_46 = arith.constant 0 : i32
        %dma_start3A_47 = tpu.memref_slice %arg9[%dma_start3A_45, %dma_start3A_46] : memref<10240x128xf32, #tpu.memory_space<vmem_shared>> -> memref<10240x128xf32, #tpu.memory_space<vmem_shared>>
        tpu.enqueue_indirect_dma source(%arg7 : memref<128x128xf32, #tpu.memory_space<vmem>>) target(%dma_start3A_47 : memref<10240x128xf32, #tpu.memory_space<vmem_shared>>) offsets(%dma_start3A_44 : memref<128xi32, #tpu.memory_space<vmem>>) semaphore(%run_scoped3A : memref<!tpu.dma_semaphore, #tpu.memory_space<semaphore_mem>>) {add = true}
        %dma_wait3A_48 = arith.constant 0 : i32
        %dma_wait3A_49 = tpu.memref_slice %arg6[%mul3A_18, %dma_wait3A_48] : memref<40x128xi32, #tpu.memory_space<vmem>> -> memref<1x128xi32, #tpu.memory_space<vmem>>
        %dma_wait3A_50 = tpu.memref_squeeze %dma_wait3A_49 : memref<1x128xi32, #tpu.memory_space<vmem>> -> memref<128xi32, #tpu.memory_space<vmem>>
        %dma_wait3A_51 = arith.constant 0 : i32
        %dma_wait3A_52 = arith.constant 0 : i32
        %dma_wait3A_53 = tpu.memref_slice %arg9[%dma_wait3A_51, %dma_wait3A_52] : memref<10240x128xf32, #tpu.memory_space<vmem_shared>> -> memref<10240x128xf32, #tpu.memory_space<vmem_shared>>
        tpu.wait_indirect_dma semaphore(%run_scoped3A : memref<!tpu.dma_semaphore, #tpu.memory_space<semaphore_mem>>) src(%arg7 : memref<128x128xf32, #tpu.memory_space<vmem>>) dst(%dma_wait3A_53 : memref<10240x128xf32, #tpu.memory_space<vmem_shared>>)
        tpu.yield
      }) : () -> ()
      %add3A_30 = arith.constant 1 : i32
      %add3A_31 = arith.addi %add3A_19, %add3A_30 : i32
      %lt3A = arith.constant 40 : i32
      %lt3A_32 = arith.cmpi slt, %add3A_31, %lt3A : i32
      %convert_element_type3A_33 = arith.extui %lt3A_32 : i1 to i32
      %cond3A_34 = arith.constant 0 : i32
      %cond3A_35 = arith.cmpi ne, %convert_element_type3A_33, %cond3A_34 : i32
      scf.if %cond3A_35 {
        %add3A_42 = arith.constant 1 : i32
        %add3A_43 = arith.addi %add3A_19, %add3A_42 : i32
        %mul3A_44 = arith.constant 128 : i32
        %mul3A_45 = arith.muli %add3A_43, %mul3A_44 : i32
        %add3A_46 = arith.addi %mul3A_2, %mul3A_45 : i32
        %dma_start3A_47 = tpu.memref_slice %arg2[%add3A_46, %mul3A_0] : memref<81920x256xf32, #tpu.memory_space<hbm>> -> memref<128x128xf32, #tpu.memory_space<hbm>>
        %dma_start3A_48 = tpu.memref_slice %arg2[%add3A_46, %mul3A_0] : memref<81920x256xf32, #tpu.memory_space<hbm>> -> memref<128x128xf32, #tpu.memory_space<hbm>>
        tpu.enqueue_dma source(%dma_start3A_48 : memref<128x128xf32, #tpu.memory_space<hbm>>) target(%arg7 : memref<128x128xf32, #tpu.memory_space<vmem>>) target_semaphore(%arg10 : memref<!tpu.dma_semaphore, #tpu.memory_space<semaphore_mem>>)
      } else {
      }
      %dma_wait3A_36 = arith.constant 0 : i32
      %dma_wait3A_37 = arith.constant 0 : i32
      %dma_wait3A_38 = tpu.memref_slice %arg2[%dma_wait3A_36, %dma_wait3A_37] : memref<81920x256xf32, #tpu.memory_space<hbm>> -> memref<128x128xf32, #tpu.memory_space<hbm>>
      %dma_wait3A_39 = arith.constant 0 : i32
      %dma_wait3A_40 = arith.constant 0 : i32
      %dma_wait3A_41 = tpu.memref_slice %arg2[%dma_wait3A_39, %dma_wait3A_40] : memref<81920x256xf32, #tpu.memory_space<hbm>> -> memref<128x128xf32, #tpu.memory_space<hbm>>
      tpu.wait_dma2 semaphore(%arg11 : memref<!tpu.dma_semaphore, #tpu.memory_space<semaphore_mem>>) src(%dma_wait3A_41 : memref<128x128xf32, #tpu.memory_space<hbm>>) dst(%arg8 : memref<128x128xf32, #tpu.memory_space<vmem>>)
      "tpu.region"() ({
        %run_scoped3A = tpu.sem_alloc : memref<!tpu.dma_semaphore, #tpu.memory_space<semaphore_mem>>
        %dma_start3A_42 = arith.constant 0 : i32
        %dma_start3A_43 = tpu.memref_slice %arg6[%add3A_19, %dma_start3A_42] : memref<40x128xi32, #tpu.memory_space<vmem>> -> memref<1x128xi32, #tpu.memory_space<vmem>>
        %dma_start3A_44 = tpu.memref_squeeze %dma_start3A_43 : memref<1x128xi32, #tpu.memory_space<vmem>> -> memref<128xi32, #tpu.memory_space<vmem>>
        %dma_start3A_45 = arith.constant 0 : i32
        %dma_start3A_46 = arith.constant 0 : i32
        %dma_start3A_47 = tpu.memref_slice %arg9[%dma_start3A_45, %dma_start3A_46] : memref<10240x128xf32, #tpu.memory_space<vmem_shared>> -> memref<10240x128xf32, #tpu.memory_space<vmem_shared>>
        tpu.enqueue_indirect_dma source(%arg8 : memref<128x128xf32, #tpu.memory_space<vmem>>) target(%dma_start3A_47 : memref<10240x128xf32, #tpu.memory_space<vmem_shared>>) offsets(%dma_start3A_44 : memref<128xi32, #tpu.memory_space<vmem>>) semaphore(%run_scoped3A : memref<!tpu.dma_semaphore, #tpu.memory_space<semaphore_mem>>) {add = true}
        %dma_wait3A_48 = arith.constant 0 : i32
        %dma_wait3A_49 = tpu.memref_slice %arg6[%add3A_19, %dma_wait3A_48] : memref<40x128xi32, #tpu.memory_space<vmem>> -> memref<1x128xi32, #tpu.memory_space<vmem>>
        %dma_wait3A_50 = tpu.memref_squeeze %dma_wait3A_49 : memref<1x128xi32, #tpu.memory_space<vmem>> -> memref<128xi32, #tpu.memory_space<vmem>>
        %dma_wait3A_51 = arith.constant 0 : i32
        %dma_wait3A_52 = arith.constant 0 : i32
        %dma_wait3A_53 = tpu.memref_slice %arg9[%dma_wait3A_51, %dma_wait3A_52] : memref<10240x128xf32, #tpu.memory_space<vmem_shared>> -> memref<10240x128xf32, #tpu.memory_space<vmem_shared>>
        tpu.wait_indirect_dma semaphore(%run_scoped3A : memref<!tpu.dma_semaphore, #tpu.memory_space<semaphore_mem>>) src(%arg8 : memref<128x128xf32, #tpu.memory_space<vmem>>) dst(%dma_wait3A_53 : memref<10240x128xf32, #tpu.memory_space<vmem_shared>>)
        tpu.yield
      }) : () -> ()
    }
    %scan3A_10 = arith.constant 20 : i32
    %barrier3A_11 = arith.constant 0 : index
    tpu.barrier barrier_id(%barrier3A_11)
    %mul3A_12 = arith.constant 640 : i32
    %mul3A_13 = arith.muli %arg1, %mul3A_12 : i32
    %mul3A_14 = arith.constant 640 : i32
    %mul3A_15 = arith.muli %arg1, %mul3A_14 : i32
    "tpu.region"() ({
      %run_scoped3A = tpu.sem_alloc : memref<!tpu.dma_semaphore, #tpu.memory_space<semaphore_mem>>
      %dma_start3A_16 = tpu.memref_slice %arg5[%mul3A_15, %mul3A_0] : memref<10240x256xf32, #tpu.memory_space<hbm>> -> memref<640x128xf32, #tpu.memory_space<hbm>>
      %dma_start3A_17 = arith.constant 0 : i32
      %dma_start3A_18 = tpu.memref_slice %arg9[%mul3A_13, %dma_start3A_17] : memref<10240x128xf32, #tpu.memory_space<vmem_shared>> -> memref<640x128xf32, #tpu.memory_space<vmem_shared>>
      tpu.enqueue_dma source(%dma_start3A_18 : memref<640x128xf32, #tpu.memory_space<vmem_shared>>) target(%dma_start3A_16 : memref<640x128xf32, #tpu.memory_space<hbm>>) target_semaphore(%run_scoped3A : memref<!tpu.dma_semaphore, #tpu.memory_space<semaphore_mem>>)
      %dma_wait3A = tpu.memref_slice %arg5[%mul3A_15, %mul3A_0] : memref<10240x256xf32, #tpu.memory_space<hbm>> -> memref<640x128xf32, #tpu.memory_space<hbm>>
      %dma_wait3A_19 = arith.constant 0 : i32
      %dma_wait3A_20 = tpu.memref_slice %arg9[%mul3A_13, %dma_wait3A_19] : memref<10240x128xf32, #tpu.memory_space<vmem_shared>> -> memref<640x128xf32, #tpu.memory_space<vmem_shared>>
      tpu.wait_dma2 semaphore(%run_scoped3A : memref<!tpu.dma_semaphore, #tpu.memory_space<semaphore_mem>>) src(%dma_wait3A_20 : memref<640x128xf32, #tpu.memory_space<vmem_shared>>) dst(%dma_wait3A : memref<640x128xf32, #tpu.memory_space<hbm>>)
      tpu.yield
    }) : () -> ()
    return
  }
}

#map = affine_map<(d0, d1) -> (0)>
#map1 = affine_map<(d0, d1) -> (0, 0, 0)>
module attributes {stable_mosaic.version = 14 : i64} {
  func.func @_mask_body(%arg0: i32, %arg1: i32, %arg2: memref<10240xf32, #tpu.memory_space<hbm>>, %arg3: memref<32x40x128xi32, #tpu.memory_space<hbm>>, %arg4: memref<32x40x128xi32, #tpu.memory_space<hbm>>, %arg5: memref<32x40x128xi32, #tpu.memory_space<hbm>>, %arg6: memref<10240xf32, #tpu.memory_space<vmem>>, %arg7: memref<40x128xi32, #tpu.memory_space<vmem>>, %arg8: memref<40x128xi32, #tpu.memory_space<vmem>>, %arg9: memref<40x128xi32, #tpu.memory_space<vmem>>) attributes {dimension_semantics = [#tpu.dimension_semantics<core_parallel>, #tpu.dimension_semantics<subcore_parallel>], iteration_bounds = array<i64: 2, 16>, scalar_prefetch = 0 : i64, scratch_operands = 4 : i64, tpu.core_type = #tpu.core_type<sc_vector_subcore>, window_params = [{transform_indices = #map}, {transform_indices = #map1}, {transform_indices = #map1}, {transform_indices = #map1}]} {
    %mul3A = arith.constant 2 : i32
    %mul3A_0 = arith.muli %arg1, %mul3A : i32
    %add3A = arith.addi %mul3A_0, %arg0 : i32
    "tpu.region"() ({
      %run_scoped3A = tpu.sem_alloc : memref<!tpu.dma_semaphore, #tpu.memory_space<semaphore_mem>>
      tpu.enqueue_dma source(%arg2 : memref<10240xf32, #tpu.memory_space<hbm>>) target(%arg6 : memref<10240xf32, #tpu.memory_space<vmem>>) target_semaphore(%run_scoped3A : memref<!tpu.dma_semaphore, #tpu.memory_space<semaphore_mem>>)
      tpu.wait_dma2 semaphore(%run_scoped3A : memref<!tpu.dma_semaphore, #tpu.memory_space<semaphore_mem>>) src(%arg2 : memref<10240xf32, #tpu.memory_space<hbm>>) dst(%arg6 : memref<10240xf32, #tpu.memory_space<vmem>>)
      tpu.yield
    }) : () -> ()
    "tpu.region"() ({
      %run_scoped3A = tpu.sem_alloc : memref<!tpu.dma_semaphore, #tpu.memory_space<semaphore_mem>>
      %dma_start3A = arith.constant 0 : i32
      %dma_start3A_6 = arith.constant 0 : i32
      %dma_start3A_7 = tpu.memref_slice %arg3[%add3A, %dma_start3A, %dma_start3A_6] : memref<32x40x128xi32, #tpu.memory_space<hbm>> -> memref<1x40x128xi32, #tpu.memory_space<hbm>>
      %dma_start3A_8 = tpu.memref_squeeze %dma_start3A_7 : memref<1x40x128xi32, #tpu.memory_space<hbm>> -> memref<40x128xi32, #tpu.memory_space<hbm>>
      %dma_start3A_9 = arith.constant 0 : i32
      %dma_start3A_10 = arith.constant 0 : i32
      %dma_start3A_11 = tpu.memref_slice %arg3[%add3A, %dma_start3A_9, %dma_start3A_10] : memref<32x40x128xi32, #tpu.memory_space<hbm>> -> memref<1x40x128xi32, #tpu.memory_space<hbm>>
      %dma_start3A_12 = tpu.memref_squeeze %dma_start3A_11 : memref<1x40x128xi32, #tpu.memory_space<hbm>> -> memref<40x128xi32, #tpu.memory_space<hbm>>
      tpu.enqueue_dma source(%dma_start3A_12 : memref<40x128xi32, #tpu.memory_space<hbm>>) target(%arg7 : memref<40x128xi32, #tpu.memory_space<vmem>>) target_semaphore(%run_scoped3A : memref<!tpu.dma_semaphore, #tpu.memory_space<semaphore_mem>>)
      %dma_wait3A = arith.constant 0 : i32
      %dma_wait3A_13 = arith.constant 0 : i32
      %dma_wait3A_14 = tpu.memref_slice %arg3[%add3A, %dma_wait3A, %dma_wait3A_13] : memref<32x40x128xi32, #tpu.memory_space<hbm>> -> memref<1x40x128xi32, #tpu.memory_space<hbm>>
      %dma_wait3A_15 = tpu.memref_squeeze %dma_wait3A_14 : memref<1x40x128xi32, #tpu.memory_space<hbm>> -> memref<40x128xi32, #tpu.memory_space<hbm>>
      %dma_wait3A_16 = arith.constant 0 : i32
      %dma_wait3A_17 = arith.constant 0 : i32
      %dma_wait3A_18 = tpu.memref_slice %arg3[%add3A, %dma_wait3A_16, %dma_wait3A_17] : memref<32x40x128xi32, #tpu.memory_space<hbm>> -> memref<1x40x128xi32, #tpu.memory_space<hbm>>
      %dma_wait3A_19 = tpu.memref_squeeze %dma_wait3A_18 : memref<1x40x128xi32, #tpu.memory_space<hbm>> -> memref<40x128xi32, #tpu.memory_space<hbm>>
      tpu.wait_dma2 semaphore(%run_scoped3A : memref<!tpu.dma_semaphore, #tpu.memory_space<semaphore_mem>>) src(%dma_wait3A_19 : memref<40x128xi32, #tpu.memory_space<hbm>>) dst(%arg7 : memref<40x128xi32, #tpu.memory_space<vmem>>)
      tpu.yield
    }) : () -> ()
    "tpu.region"() ({
      %run_scoped3A = tpu.sem_alloc : memref<!tpu.dma_semaphore, #tpu.memory_space<semaphore_mem>>
      %dma_start3A = arith.constant 0 : i32
      %dma_start3A_6 = arith.constant 0 : i32
      %dma_start3A_7 = tpu.memref_slice %arg4[%add3A, %dma_start3A, %dma_start3A_6] : memref<32x40x128xi32, #tpu.memory_space<hbm>> -> memref<1x40x128xi32, #tpu.memory_space<hbm>>
      %dma_start3A_8 = tpu.memref_squeeze %dma_start3A_7 : memref<1x40x128xi32, #tpu.memory_space<hbm>> -> memref<40x128xi32, #tpu.memory_space<hbm>>
      %dma_start3A_9 = arith.constant 0 : i32
      %dma_start3A_10 = arith.constant 0 : i32
      %dma_start3A_11 = tpu.memref_slice %arg4[%add3A, %dma_start3A_9, %dma_start3A_10] : memref<32x40x128xi32, #tpu.memory_space<hbm>> -> memref<1x40x128xi32, #tpu.memory_space<hbm>>
      %dma_start3A_12 = tpu.memref_squeeze %dma_start3A_11 : memref<1x40x128xi32, #tpu.memory_space<hbm>> -> memref<40x128xi32, #tpu.memory_space<hbm>>
      tpu.enqueue_dma source(%dma_start3A_12 : memref<40x128xi32, #tpu.memory_space<hbm>>) target(%arg8 : memref<40x128xi32, #tpu.memory_space<vmem>>) target_semaphore(%run_scoped3A : memref<!tpu.dma_semaphore, #tpu.memory_space<semaphore_mem>>)
      %dma_wait3A = arith.constant 0 : i32
      %dma_wait3A_13 = arith.constant 0 : i32
      %dma_wait3A_14 = tpu.memref_slice %arg4[%add3A, %dma_wait3A, %dma_wait3A_13] : memref<32x40x128xi32, #tpu.memory_space<hbm>> -> memref<1x40x128xi32, #tpu.memory_space<hbm>>
      %dma_wait3A_15 = tpu.memref_squeeze %dma_wait3A_14 : memref<1x40x128xi32, #tpu.memory_space<hbm>> -> memref<40x128xi32, #tpu.memory_space<hbm>>
      %dma_wait3A_16 = arith.constant 0 : i32
      %dma_wait3A_17 = arith.constant 0 : i32
      %dma_wait3A_18 = tpu.memref_slice %arg4[%add3A, %dma_wait3A_16, %dma_wait3A_17] : memref<32x40x128xi32, #tpu.memory_space<hbm>> -> memref<1x40x128xi32, #tpu.memory_space<hbm>>
      %dma_wait3A_19 = tpu.memref_squeeze %dma_wait3A_18 : memref<1x40x128xi32, #tpu.memory_space<hbm>> -> memref<40x128xi32, #tpu.memory_space<hbm>>
      tpu.wait_dma2 semaphore(%run_scoped3A : memref<!tpu.dma_semaphore, #tpu.memory_space<semaphore_mem>>) src(%dma_wait3A_19 : memref<40x128xi32, #tpu.memory_space<hbm>>) dst(%arg8 : memref<40x128xi32, #tpu.memory_space<vmem>>)
      tpu.yield
    }) : () -> ()
    %scan3A = arith.constant 0 : i32
    %scan3A_1 = arith.constant 0 : i32
    %scan3A_2 = arith.constant 320 : i32
    %scan3A_3 = arith.addi %scan3A_1, %scan3A_2 : i32
    %scan3A_4 = arith.constant 1 : i32
    scf.for %scan3A_6 = %scan3A_1 to %scan3A_3 step %scan3A_4  : i32 {
      %jit3A = arith.constant 8 : i32
      %div3A = arith.divsi %scan3A_6, %jit3A : i32
      %sign3A = arith.constant 0 : i32
      %sign3A_7 = arith.cmpi sgt, %scan3A_6, %sign3A : i32
      %sign3A_8 = arith.extui %sign3A_7 : i1 to i32
      %sign3A_9 = arith.constant 0 : i32
      %sign3A_10 = arith.cmpi slt, %scan3A_6, %sign3A_9 : i32
      %sign3A_11 = arith.extui %sign3A_10 : i1 to i32
      %sign3A_12 = arith.subi %sign3A_8, %sign3A_11 : i32
      %sign3A_13 = arith.constant 0 : i32
      %sign3A_14 = arith.cmpi sgt, %jit3A, %sign3A_13 : i32
      %sign3A_15 = arith.extui %sign3A_14 : i1 to i32
      %sign3A_16 = arith.constant 0 : i32
      %sign3A_17 = arith.cmpi slt, %jit3A, %sign3A_16 : i32
      %sign3A_18 = arith.extui %sign3A_17 : i1 to i32
      %sign3A_19 = arith.subi %sign3A_15, %sign3A_18 : i32
      %ne3A = arith.cmpi ne, %sign3A_12, %sign3A_19 : i32
      %rem3A = arith.remsi %scan3A_6, %jit3A : i32
      %ne3A_20 = arith.constant 0 : i32
      %ne3A_21 = arith.cmpi ne, %rem3A, %ne3A_20 : i32
      %and3A = arith.andi %ne3A, %ne3A_21 : i1
      %sub3A = arith.constant 1 : i32
      %sub3A_22 = arith.subi %div3A, %sub3A : i32
      %select_n3A = arith.select %and3A, %sub3A_22, %div3A : i32
      %jit3A_23 = arith.constant 8 : i32
      %eq3A = arith.constant 0 : i32
      %eq3A_24 = arith.cmpi eq, %jit3A_23, %eq3A : i32
      %jit3A_25 = arith.constant 1 : i32
      %select_n3A_26 = arith.select %eq3A_24, %jit3A_25, %jit3A_23 : i32
      %rem3A_27 = arith.remsi %scan3A_6, %select_n3A_26 : i32
      %ne3A_28 = arith.constant 0 : i32
      %ne3A_29 = arith.cmpi ne, %rem3A_27, %ne3A_28 : i32
      %lt3A = arith.constant 0 : i32
      %lt3A_30 = arith.cmpi slt, %rem3A_27, %lt3A : i32
      %lt3A_31 = arith.constant 0 : i32
      %lt3A_32 = arith.cmpi slt, %select_n3A_26, %lt3A_31 : i32
      %ne3A_33 = arith.xori %lt3A_30, %lt3A_32 : i1
      %and3A_34 = arith.andi %ne3A_33, %ne3A_29 : i1
      %add3A_35 = arith.addi %rem3A_27, %select_n3A_26 : i32
      %select_n3A_36 = arith.select %and3A_34, %add3A_35, %rem3A_27 : i32
      %mul3A_37 = arith.constant 16 : i32
      %mul3A_38 = arith.muli %select_n3A_36, %mul3A_37 : i32
      %get3A = arith.index_cast %select_n3A : i32 to index
      %get3A_39 = arith.index_cast %mul3A_38 : i32 to index
      %get3A_40 = tpu.vector_load %arg7[%get3A, %get3A_39] {strides = array<i32>} : memref<40x128xi32, #tpu.memory_space<vmem>>, vector<16xi32>,
      %get3A_41 = arith.index_cast %select_n3A : i32 to index
      %get3A_42 = arith.index_cast %mul3A_38 : i32 to index
      %get3A_43 = tpu.vector_load %arg8[%get3A_41, %get3A_42] {strides = array<i32>} : memref<40x128xi32, #tpu.memory_space<vmem>>, vector<16xi32>,
      %gather3A = tpu.vector_load_idx %arg6[%get3A_40] : memref<10240xf32, #tpu.memory_space<vmem>>[vector<16xi32>], vector<16xf32>,
      %gather3A_44 = tpu.vector_load_idx %arg6[%get3A_43] : memref<10240xf32, #tpu.memory_space<vmem>>[vector<16xi32>], vector<16xf32>,
      %add3A_45 = arith.addf %gather3A, %gather3A_44 : vector<16xf32>
      %div3A_46 = arith.constant 2.000000e+00 : f32
      %div3A_47 = vector.broadcast %div3A_46 : f32 to vector<16xf32>
      %div3A_48 = arith.divf %add3A_45, %div3A_47 : vector<16xf32>
      %gt3A = arith.constant 5.000000e-01 : f32
      %gt3A_49 = vector.broadcast %gt3A : f32 to vector<16xf32>
      %gt3A_50 = arith.cmpf ogt, %div3A_48, %gt3A_49 : vector<16xf32>
      %jit3A_51 = arith.constant 10000 : i32
      %broadcast_in_dim3A = vector.broadcast %jit3A_51 : i32 to vector<16xi32>
      %select_n3A_52 = arith.select %gt3A_50, %get3A_43, %broadcast_in_dim3A : vector<16xi1>, vector<16xi32>
      %swap3A = arith.index_cast %select_n3A : i32 to index
      %swap3A_53 = arith.index_cast %mul3A_38 : i32 to index
      %swap3A_54 = tpu.vector_load %arg9[%swap3A, %swap3A_53] {strides = array<i32>} : memref<40x128xi32, #tpu.memory_space<vmem>>, vector<16xi32>,
      tpu.vector_store %arg9[%swap3A, %swap3A_53], %select_n3A_52 {strides = array<i32>} : memref<40x128xi32, #tpu.memory_space<vmem>>, vector<16xi32>,
    }
    %scan3A_5 = arith.constant 320 : i32
    "tpu.region"() ({
      %run_scoped3A = tpu.sem_alloc : memref<!tpu.dma_semaphore, #tpu.memory_space<semaphore_mem>>
      %dma_start3A = arith.constant 0 : i32
      %dma_start3A_6 = arith.constant 0 : i32
      %dma_start3A_7 = tpu.memref_slice %arg5[%add3A, %dma_start3A, %dma_start3A_6] : memref<32x40x128xi32, #tpu.memory_space<hbm>> -> memref<1x40x128xi32, #tpu.memory_space<hbm>>
      %dma_start3A_8 = tpu.memref_squeeze %dma_start3A_7 : memref<1x40x128xi32, #tpu.memory_space<hbm>> -> memref<40x128xi32, #tpu.memory_space<hbm>>
      %dma_start3A_9 = arith.constant 0 : i32
      %dma_start3A_10 = arith.constant 0 : i32
      %dma_start3A_11 = tpu.memref_slice %arg5[%add3A, %dma_start3A_9, %dma_start3A_10] : memref<32x40x128xi32, #tpu.memory_space<hbm>> -> memref<1x40x128xi32, #tpu.memory_space<hbm>>
      %dma_start3A_12 = tpu.memref_squeeze %dma_start3A_11 : memref<1x40x128xi32, #tpu.memory_space<hbm>> -> memref<40x128xi32, #tpu.memory_space<hbm>>
      tpu.enqueue_dma source(%arg9 : memref<40x128xi32, #tpu.memory_space<vmem>>) target(%dma_start3A_12 : memref<40x128xi32, #tpu.memory_space<hbm>>) target_semaphore(%run_scoped3A : memref<!tpu.dma_semaphore, #tpu.memory_space<semaphore_mem>>)
      %dma_wait3A = arith.constant 0 : i32
      %dma_wait3A_13 = arith.constant 0 : i32
      %dma_wait3A_14 = tpu.memref_slice %arg5[%add3A, %dma_wait3A, %dma_wait3A_13] : memref<32x40x128xi32, #tpu.memory_space<hbm>> -> memref<1x40x128xi32, #tpu.memory_space<hbm>>
      %dma_wait3A_15 = tpu.memref_squeeze %dma_wait3A_14 : memref<1x40x128xi32, #tpu.memory_space<hbm>> -> memref<40x128xi32, #tpu.memory_space<hbm>>
      %dma_wait3A_16 = arith.constant 0 : i32
      %dma_wait3A_17 = arith.constant 0 : i32
      %dma_wait3A_18 = tpu.memref_slice %arg5[%add3A, %dma_wait3A_16, %dma_wait3A_17] : memref<32x40x128xi32, #tpu.memory_space<hbm>> -> memref<1x40x128xi32, #tpu.memory_space<hbm>>
      %dma_wait3A_19 = tpu.memref_squeeze %dma_wait3A_18 : memref<1x40x128xi32, #tpu.memory_space<hbm>> -> memref<40x128xi32, #tpu.memory_space<hbm>>
      tpu.wait_dma2 semaphore(%run_scoped3A : memref<!tpu.dma_semaphore, #tpu.memory_space<semaphore_mem>>) src(%arg9 : memref<40x128xi32, #tpu.memory_space<vmem>>) dst(%dma_wait3A_19 : memref<40x128xi32, #tpu.memory_space<hbm>>)
      tpu.yield
    }) : () -> ()
    return
  }
}

#map = affine_map<(d0, d1) -> (0, 0)>
#map1 = affine_map<(d0, d1) -> (0, 0, 0)>
module attributes {stable_mosaic.version = 14 : i64} {
  func.func @_scatter2_body(%arg0: i32, %arg1: i32, %arg2: memref<81920x256xf32, #tpu.memory_space<hbm>>, %arg3: memref<81920x256xf32, #tpu.memory_space<hbm>>, %arg4: memref<16x80x128xi32, #tpu.memory_space<hbm>>, %arg5: memref<10240x256xf32, #tpu.memory_space<hbm>>, %arg6: memref<10240x256xf32, #tpu.memory_space<hbm>>, %arg7: memref<80x128xi32, #tpu.memory_space<vmem>>, %arg8: memref<128x128xf32, #tpu.memory_space<vmem>>, %arg9: memref<128x128xf32, #tpu.memory_space<vmem>>, %arg10: memref<10240x128xf32, #tpu.memory_space<vmem_shared>>, %arg11: memref<!tpu.dma_semaphore, #tpu.memory_space<semaphore_mem>>, %arg12: memref<!tpu.dma_semaphore, #tpu.memory_space<semaphore_mem>>) attributes {dimension_semantics = [#tpu.dimension_semantics<core_parallel>, #tpu.dimension_semantics<subcore_parallel>], iteration_bounds = array<i64: 2, 16>, scalar_prefetch = 0 : i64, scratch_operands = 6 : i64, tpu.core_type = #tpu.core_type<sc_vector_subcore>, window_params = [{transform_indices = #map}, {transform_indices = #map}, {transform_indices = #map1}, {transform_indices = #map}, {transform_indices = #map}]} {
    %mul3A = arith.constant 128 : i32
    %mul3A_0 = arith.muli %arg0, %mul3A : i32
    %mul3A_1 = arith.constant 5120 : i32
    %mul3A_2 = arith.muli %arg1, %mul3A_1 : i32
    "tpu.region"() ({
      %run_scoped3A = tpu.sem_alloc : memref<!tpu.dma_semaphore, #tpu.memory_space<semaphore_mem>>
      %dma_start3A_24 = arith.constant 0 : i32
      %dma_start3A_25 = arith.constant 0 : i32
      %dma_start3A_26 = tpu.memref_slice %arg4[%arg1, %dma_start3A_24, %dma_start3A_25] : memref<16x80x128xi32, #tpu.memory_space<hbm>> -> memref<1x80x128xi32, #tpu.memory_space<hbm>>
      %dma_start3A_27 = tpu.memref_squeeze %dma_start3A_26 : memref<1x80x128xi32, #tpu.memory_space<hbm>> -> memref<80x128xi32, #tpu.memory_space<hbm>>
      %dma_start3A_28 = arith.constant 0 : i32
      %dma_start3A_29 = arith.constant 0 : i32
      %dma_start3A_30 = tpu.memref_slice %arg4[%arg1, %dma_start3A_28, %dma_start3A_29] : memref<16x80x128xi32, #tpu.memory_space<hbm>> -> memref<1x80x128xi32, #tpu.memory_space<hbm>>
      %dma_start3A_31 = tpu.memref_squeeze %dma_start3A_30 : memref<1x80x128xi32, #tpu.memory_space<hbm>> -> memref<80x128xi32, #tpu.memory_space<hbm>>
      tpu.enqueue_dma source(%dma_start3A_31 : memref<80x128xi32, #tpu.memory_space<hbm>>) target(%arg7 : memref<80x128xi32, #tpu.memory_space<vmem>>) target_semaphore(%run_scoped3A : memref<!tpu.dma_semaphore, #tpu.memory_space<semaphore_mem>>)
      %dma_wait3A = arith.constant 0 : i32
      %dma_wait3A_32 = arith.constant 0 : i32
      %dma_wait3A_33 = tpu.memref_slice %arg4[%arg1, %dma_wait3A, %dma_wait3A_32] : memref<16x80x128xi32, #tpu.memory_space<hbm>> -> memref<1x80x128xi32, #tpu.memory_space<hbm>>
      %dma_wait3A_34 = tpu.memref_squeeze %dma_wait3A_33 : memref<1x80x128xi32, #tpu.memory_space<hbm>> -> memref<80x128xi32, #tpu.memory_space<hbm>>
      %dma_wait3A_35 = arith.constant 0 : i32
      %dma_wait3A_36 = arith.constant 0 : i32
      %dma_wait3A_37 = tpu.memref_slice %arg4[%arg1, %dma_wait3A_35, %dma_wait3A_36] : memref<16x80x128xi32, #tpu.memory_space<hbm>> -> memref<1x80x128xi32, #tpu.memory_space<hbm>>
      %dma_wait3A_38 = tpu.memref_squeeze %dma_wait3A_37 : memref<1x80x128xi32, #tpu.memory_space<hbm>> -> memref<80x128xi32, #tpu.memory_space<hbm>>
      tpu.wait_dma2 semaphore(%run_scoped3A : memref<!tpu.dma_semaphore, #tpu.memory_space<semaphore_mem>>) src(%dma_wait3A_38 : memref<80x128xi32, #tpu.memory_space<hbm>>) dst(%arg7 : memref<80x128xi32, #tpu.memory_space<vmem>>)
      tpu.yield
    }) : () -> ()
    %eq3A = arith.constant 0 : i32
    %eq3A_3 = arith.cmpi eq, %arg1, %eq3A : i32
    %convert_element_type3A = arith.extui %eq3A_3 : i1 to i32
    %cond3A = arith.constant 0 : i32
    %cond3A_4 = arith.cmpi ne, %convert_element_type3A, %cond3A : i32
    scf.if %cond3A_4 {
      "tpu.region"() ({
        %run_scoped3A = tpu.sem_alloc : memref<!tpu.dma_semaphore, #tpu.memory_space<semaphore_mem>>
        %dma_start3A_24 = arith.constant 0 : i32
        %dma_start3A_25 = tpu.memref_slice %arg5[%dma_start3A_24, %mul3A_0] : memref<10240x256xf32, #tpu.memory_space<hbm>> -> memref<10240x128xf32, #tpu.memory_space<hbm>>
        tpu.enqueue_dma source(%dma_start3A_25 : memref<10240x128xf32, #tpu.memory_space<hbm>>) target(%arg10 : memref<10240x128xf32, #tpu.memory_space<vmem_shared>>) target_semaphore(%run_scoped3A : memref<!tpu.dma_semaphore, #tpu.memory_space<semaphore_mem>>)
        %dma_wait3A = arith.constant 0 : i32
        %dma_wait3A_26 = tpu.memref_slice %arg5[%dma_wait3A, %mul3A_0] : memref<10240x256xf32, #tpu.memory_space<hbm>> -> memref<10240x128xf32, #tpu.memory_space<hbm>>
        tpu.wait_dma2 semaphore(%run_scoped3A : memref<!tpu.dma_semaphore, #tpu.memory_space<semaphore_mem>>) src(%dma_wait3A_26 : memref<10240x128xf32, #tpu.memory_space<hbm>>) dst(%arg10 : memref<10240x128xf32, #tpu.memory_space<vmem_shared>>)
        tpu.yield
      }) : () -> ()
    } else {
    }
    %barrier3A = arith.constant 0 : index
    tpu.barrier barrier_id(%barrier3A)
    %dma_start3A = tpu.memref_slice %arg2[%mul3A_2, %mul3A_0] : memref<81920x256xf32, #tpu.memory_space<hbm>> -> memref<128x128xf32, #tpu.memory_space<hbm>>
    %dma_start3A_5 = tpu.memref_slice %arg2[%mul3A_2, %mul3A_0] : memref<81920x256xf32, #tpu.memory_space<hbm>> -> memref<128x128xf32, #tpu.memory_space<hbm>>
    tpu.enqueue_dma source(%dma_start3A_5 : memref<128x128xf32, #tpu.memory_space<hbm>>) target(%arg8 : memref<128x128xf32, #tpu.memory_space<vmem>>) target_semaphore(%arg11 : memref<!tpu.dma_semaphore, #tpu.memory_space<semaphore_mem>>)
    %scan3A = arith.constant 0 : i32
    %scan3A_6 = arith.constant 0 : i32
    %scan3A_7 = arith.constant 20 : i32
    %scan3A_8 = arith.addi %scan3A_6, %scan3A_7 : i32
    %scan3A_9 = arith.constant 1 : i32
    scf.for %scan3A_24 = %scan3A_6 to %scan3A_8 step %scan3A_9  : i32 {
      %mul3A_25 = arith.constant 2 : i32
      %mul3A_26 = arith.muli %mul3A_25, %scan3A_24 : i32
      %add3A = arith.constant 1 : i32
      %add3A_27 = arith.addi %mul3A_26, %add3A : i32
      %mul3A_28 = arith.constant 128 : i32
      %mul3A_29 = arith.muli %add3A_27, %mul3A_28 : i32
      %add3A_30 = arith.addi %mul3A_2, %mul3A_29 : i32
      %dma_start3A_31 = tpu.memref_slice %arg2[%add3A_30, %mul3A_0] : memref<81920x256xf32, #tpu.memory_space<hbm>> -> memref<128x128xf32, #tpu.memory_space<hbm>>
      %dma_start3A_32 = tpu.memref_slice %arg2[%add3A_30, %mul3A_0] : memref<81920x256xf32, #tpu.memory_space<hbm>> -> memref<128x128xf32, #tpu.memory_space<hbm>>
      tpu.enqueue_dma source(%dma_start3A_32 : memref<128x128xf32, #tpu.memory_space<hbm>>) target(%arg9 : memref<128x128xf32, #tpu.memory_space<vmem>>) target_semaphore(%arg12 : memref<!tpu.dma_semaphore, #tpu.memory_space<semaphore_mem>>)
      %dma_wait3A = arith.constant 0 : i32
      %dma_wait3A_33 = arith.constant 0 : i32
      %dma_wait3A_34 = tpu.memref_slice %arg2[%dma_wait3A, %dma_wait3A_33] : memref<81920x256xf32, #tpu.memory_space<hbm>> -> memref<128x128xf32, #tpu.memory_space<hbm>>
      %dma_wait3A_35 = arith.constant 0 : i32
      %dma_wait3A_36 = arith.constant 0 : i32
      %dma_wait3A_37 = tpu.memref_slice %arg2[%dma_wait3A_35, %dma_wait3A_36] : memref<81920x256xf32, #tpu.memory_space<hbm>> -> memref<128x128xf32, #tpu.memory_space<hbm>>
      tpu.wait_dma2 semaphore(%arg11 : memref<!tpu.dma_semaphore, #tpu.memory_space<semaphore_mem>>) src(%dma_wait3A_37 : memref<128x128xf32, #tpu.memory_space<hbm>>) dst(%arg8 : memref<128x128xf32, #tpu.memory_space<vmem>>)
      %add3A_38 = arith.constant 0 : i32
      %add3A_39 = arith.addi %add3A_38, %mul3A_26 : i32
      "tpu.region"() ({
        %run_scoped3A = tpu.sem_alloc : memref<!tpu.dma_semaphore, #tpu.memory_space<semaphore_mem>>
        %dma_start3A_54 = arith.constant 0 : i32
        %dma_start3A_55 = tpu.memref_slice %arg7[%add3A_39, %dma_start3A_54] : memref<80x128xi32, #tpu.memory_space<vmem>> -> memref<1x128xi32, #tpu.memory_space<vmem>>
        %dma_start3A_56 = tpu.memref_squeeze %dma_start3A_55 : memref<1x128xi32, #tpu.memory_space<vmem>> -> memref<128xi32, #tpu.memory_space<vmem>>
        %dma_start3A_57 = arith.constant 0 : i32
        %dma_start3A_58 = arith.constant 0 : i32
        %dma_start3A_59 = tpu.memref_slice %arg10[%dma_start3A_57, %dma_start3A_58] : memref<10240x128xf32, #tpu.memory_space<vmem_shared>> -> memref<10240x128xf32, #tpu.memory_space<vmem_shared>>
        tpu.enqueue_indirect_dma source(%arg8 : memref<128x128xf32, #tpu.memory_space<vmem>>) target(%dma_start3A_59 : memref<10240x128xf32, #tpu.memory_space<vmem_shared>>) offsets(%dma_start3A_56 : memref<128xi32, #tpu.memory_space<vmem>>) semaphore(%run_scoped3A : memref<!tpu.dma_semaphore, #tpu.memory_space<semaphore_mem>>) {add = true}
        %dma_wait3A_60 = arith.constant 0 : i32
        %dma_wait3A_61 = tpu.memref_slice %arg7[%add3A_39, %dma_wait3A_60] : memref<80x128xi32, #tpu.memory_space<vmem>> -> memref<1x128xi32, #tpu.memory_space<vmem>>
        %dma_wait3A_62 = tpu.memref_squeeze %dma_wait3A_61 : memref<1x128xi32, #tpu.memory_space<vmem>> -> memref<128xi32, #tpu.memory_space<vmem>>
        %dma_wait3A_63 = arith.constant 0 : i32
        %dma_wait3A_64 = arith.constant 0 : i32
        %dma_wait3A_65 = tpu.memref_slice %arg10[%dma_wait3A_63, %dma_wait3A_64] : memref<10240x128xf32, #tpu.memory_space<vmem_shared>> -> memref<10240x128xf32, #tpu.memory_space<vmem_shared>>
        tpu.wait_indirect_dma semaphore(%run_scoped3A : memref<!tpu.dma_semaphore, #tpu.memory_space<semaphore_mem>>) src(%arg8 : memref<128x128xf32, #tpu.memory_space<vmem>>) dst(%dma_wait3A_65 : memref<10240x128xf32, #tpu.memory_space<vmem_shared>>)
        tpu.yield
      }) : () -> ()
      %add3A_40 = arith.constant 1 : i32
      %add3A_41 = arith.addi %add3A_27, %add3A_40 : i32
      %lt3A = arith.constant 40 : i32
      %lt3A_42 = arith.cmpi slt, %add3A_41, %lt3A : i32
      %convert_element_type3A_43 = arith.extui %lt3A_42 : i1 to i32
      %cond3A_44 = arith.constant 0 : i32
      %cond3A_45 = arith.cmpi ne, %convert_element_type3A_43, %cond3A_44 : i32
      scf.if %cond3A_45 {
        %add3A_54 = arith.constant 1 : i32
        %add3A_55 = arith.addi %add3A_27, %add3A_54 : i32
        %mul3A_56 = arith.constant 128 : i32
        %mul3A_57 = arith.muli %add3A_55, %mul3A_56 : i32
        %add3A_58 = arith.addi %mul3A_2, %mul3A_57 : i32
        %dma_start3A_59 = tpu.memref_slice %arg2[%add3A_58, %mul3A_0] : memref<81920x256xf32, #tpu.memory_space<hbm>> -> memref<128x128xf32, #tpu.memory_space<hbm>>
        %dma_start3A_60 = tpu.memref_slice %arg2[%add3A_58, %mul3A_0] : memref<81920x256xf32, #tpu.memory_space<hbm>> -> memref<128x128xf32, #tpu.memory_space<hbm>>
        tpu.enqueue_dma source(%dma_start3A_60 : memref<128x128xf32, #tpu.memory_space<hbm>>) target(%arg8 : memref<128x128xf32, #tpu.memory_space<vmem>>) target_semaphore(%arg11 : memref<!tpu.dma_semaphore, #tpu.memory_space<semaphore_mem>>)
      } else {
      }
      %dma_wait3A_46 = arith.constant 0 : i32
      %dma_wait3A_47 = arith.constant 0 : i32
      %dma_wait3A_48 = tpu.memref_slice %arg2[%dma_wait3A_46, %dma_wait3A_47] : memref<81920x256xf32, #tpu.memory_space<hbm>> -> memref<128x128xf32, #tpu.memory_space<hbm>>
      %dma_wait3A_49 = arith.constant 0 : i32
      %dma_wait3A_50 = arith.constant 0 : i32
      %dma_wait3A_51 = tpu.memref_slice %arg2[%dma_wait3A_49, %dma_wait3A_50] : memref<81920x256xf32, #tpu.memory_space<hbm>> -> memref<128x128xf32, #tpu.memory_space<hbm>>
      tpu.wait_dma2 semaphore(%arg12 : memref<!tpu.dma_semaphore, #tpu.memory_space<semaphore_mem>>) src(%dma_wait3A_51 : memref<128x128xf32, #tpu.memory_space<hbm>>) dst(%arg9 : memref<128x128xf32, #tpu.memory_space<vmem>>)
      %add3A_52 = arith.constant 0 : i32
      %add3A_53 = arith.addi %add3A_52, %add3A_27 : i32
      "tpu.region"() ({
        %run_scoped3A = tpu.sem_alloc : memref<!tpu.dma_semaphore, #tpu.memory_space<semaphore_mem>>
        %dma_start3A_54 = arith.constant 0 : i32
        %dma_start3A_55 = tpu.memref_slice %arg7[%add3A_53, %dma_start3A_54] : memref<80x128xi32, #tpu.memory_space<vmem>> -> memref<1x128xi32, #tpu.memory_space<vmem>>
        %dma_start3A_56 = tpu.memref_squeeze %dma_start3A_55 : memref<1x128xi32, #tpu.memory_space<vmem>> -> memref<128xi32, #tpu.memory_space<vmem>>
        %dma_start3A_57 = arith.constant 0 : i32
        %dma_start3A_58 = arith.constant 0 : i32
        %dma_start3A_59 = tpu.memref_slice %arg10[%dma_start3A_57, %dma_start3A_58] : memref<10240x128xf32, #tpu.memory_space<vmem_shared>> -> memref<10240x128xf32, #tpu.memory_space<vmem_shared>>
        tpu.enqueue_indirect_dma source(%arg9 : memref<128x128xf32, #tpu.memory_space<vmem>>) target(%dma_start3A_59 : memref<10240x128xf32, #tpu.memory_space<vmem_shared>>) offsets(%dma_start3A_56 : memref<128xi32, #tpu.memory_space<vmem>>) semaphore(%run_scoped3A : memref<!tpu.dma_semaphore, #tpu.memory_space<semaphore_mem>>) {add = true}
        %dma_wait3A_60 = arith.constant 0 : i32
        %dma_wait3A_61 = tpu.memref_slice %arg7[%add3A_53, %dma_wait3A_60] : memref<80x128xi32, #tpu.memory_space<vmem>> -> memref<1x128xi32, #tpu.memory_space<vmem>>
        %dma_wait3A_62 = tpu.memref_squeeze %dma_wait3A_61 : memref<1x128xi32, #tpu.memory_space<vmem>> -> memref<128xi32, #tpu.memory_space<vmem>>
        %dma_wait3A_63 = arith.constant 0 : i32
        %dma_wait3A_64 = arith.constant 0 : i32
        %dma_wait3A_65 = tpu.memref_slice %arg10[%dma_wait3A_63, %dma_wait3A_64] : memref<10240x128xf32, #tpu.memory_space<vmem_shared>> -> memref<10240x128xf32, #tpu.memory_space<vmem_shared>>
        tpu.wait_indirect_dma semaphore(%run_scoped3A : memref<!tpu.dma_semaphore, #tpu.memory_space<semaphore_mem>>) src(%arg9 : memref<128x128xf32, #tpu.memory_space<vmem>>) dst(%dma_wait3A_65 : memref<10240x128xf32, #tpu.memory_space<vmem_shared>>)
        tpu.yield
      }) : () -> ()
    }
    %scan3A_10 = arith.constant 20 : i32
    %dma_start3A_11 = tpu.memref_slice %arg3[%mul3A_2, %mul3A_0] : memref<81920x256xf32, #tpu.memory_space<hbm>> -> memref<128x128xf32, #tpu.memory_space<hbm>>
    %dma_start3A_12 = tpu.memref_slice %arg3[%mul3A_2, %mul3A_0] : memref<81920x256xf32, #tpu.memory_space<hbm>> -> memref<128x128xf32, #tpu.memory_space<hbm>>
    tpu.enqueue_dma source(%dma_start3A_12 : memref<128x128xf32, #tpu.memory_space<hbm>>) target(%arg8 : memref<128x128xf32, #tpu.memory_space<vmem>>) target_semaphore(%arg11 : memref<!tpu.dma_semaphore, #tpu.memory_space<semaphore_mem>>)
    %scan3A_13 = arith.constant 0 : i32
    %scan3A_14 = arith.constant 0 : i32
    %scan3A_15 = arith.constant 20 : i32
    %scan3A_16 = arith.addi %scan3A_14, %scan3A_15 : i32
    %scan3A_17 = arith.constant 1 : i32
    scf.for %scan3A_24 = %scan3A_14 to %scan3A_16 step %scan3A_17  : i32 {
      %mul3A_25 = arith.constant 2 : i32
      %mul3A_26 = arith.muli %mul3A_25, %scan3A_24 : i32
      %add3A = arith.constant 1 : i32
      %add3A_27 = arith.addi %mul3A_26, %add3A : i32
      %mul3A_28 = arith.constant 128 : i32
      %mul3A_29 = arith.muli %add3A_27, %mul3A_28 : i32
      %add3A_30 = arith.addi %mul3A_2, %mul3A_29 : i32
      %dma_start3A_31 = tpu.memref_slice %arg3[%add3A_30, %mul3A_0] : memref<81920x256xf32, #tpu.memory_space<hbm>> -> memref<128x128xf32, #tpu.memory_space<hbm>>
      %dma_start3A_32 = tpu.memref_slice %arg3[%add3A_30, %mul3A_0] : memref<81920x256xf32, #tpu.memory_space<hbm>> -> memref<128x128xf32, #tpu.memory_space<hbm>>
      tpu.enqueue_dma source(%dma_start3A_32 : memref<128x128xf32, #tpu.memory_space<hbm>>) target(%arg9 : memref<128x128xf32, #tpu.memory_space<vmem>>) target_semaphore(%arg12 : memref<!tpu.dma_semaphore, #tpu.memory_space<semaphore_mem>>)
      %dma_wait3A = arith.constant 0 : i32
      %dma_wait3A_33 = arith.constant 0 : i32
      %dma_wait3A_34 = tpu.memref_slice %arg3[%dma_wait3A, %dma_wait3A_33] : memref<81920x256xf32, #tpu.memory_space<hbm>> -> memref<128x128xf32, #tpu.memory_space<hbm>>
      %dma_wait3A_35 = arith.constant 0 : i32
      %dma_wait3A_36 = arith.constant 0 : i32
      %dma_wait3A_37 = tpu.memref_slice %arg3[%dma_wait3A_35, %dma_wait3A_36] : memref<81920x256xf32, #tpu.memory_space<hbm>> -> memref<128x128xf32, #tpu.memory_space<hbm>>
      tpu.wait_dma2 semaphore(%arg11 : memref<!tpu.dma_semaphore, #tpu.memory_space<semaphore_mem>>) src(%dma_wait3A_37 : memref<128x128xf32, #tpu.memory_space<hbm>>) dst(%arg8 : memref<128x128xf32, #tpu.memory_space<vmem>>)
      %add3A_38 = arith.constant 40 : i32
      %add3A_39 = arith.addi %add3A_38, %mul3A_26 : i32
      "tpu.region"() ({
        %run_scoped3A = tpu.sem_alloc : memref<!tpu.dma_semaphore, #tpu.memory_space<semaphore_mem>>
        %dma_start3A_54 = arith.constant 0 : i32
        %dma_start3A_55 = tpu.memref_slice %arg7[%add3A_39, %dma_start3A_54] : memref<80x128xi32, #tpu.memory_space<vmem>> -> memref<1x128xi32, #tpu.memory_space<vmem>>
        %dma_start3A_56 = tpu.memref_squeeze %dma_start3A_55 : memref<1x128xi32, #tpu.memory_space<vmem>> -> memref<128xi32, #tpu.memory_space<vmem>>
        %dma_start3A_57 = arith.constant 0 : i32
        %dma_start3A_58 = arith.constant 0 : i32
        %dma_start3A_59 = tpu.memref_slice %arg10[%dma_start3A_57, %dma_start3A_58] : memref<10240x128xf32, #tpu.memory_space<vmem_shared>> -> memref<10240x128xf32, #tpu.memory_space<vmem_shared>>
        tpu.enqueue_indirect_dma source(%arg8 : memref<128x128xf32, #tpu.memory_space<vmem>>) target(%dma_start3A_59 : memref<10240x128xf32, #tpu.memory_space<vmem_shared>>) offsets(%dma_start3A_56 : memref<128xi32, #tpu.memory_space<vmem>>) semaphore(%run_scoped3A : memref<!tpu.dma_semaphore, #tpu.memory_space<semaphore_mem>>) {add = true}
        %dma_wait3A_60 = arith.constant 0 : i32
        %dma_wait3A_61 = tpu.memref_slice %arg7[%add3A_39, %dma_wait3A_60] : memref<80x128xi32, #tpu.memory_space<vmem>> -> memref<1x128xi32, #tpu.memory_space<vmem>>
        %dma_wait3A_62 = tpu.memref_squeeze %dma_wait3A_61 : memref<1x128xi32, #tpu.memory_space<vmem>> -> memref<128xi32, #tpu.memory_space<vmem>>
        %dma_wait3A_63 = arith.constant 0 : i32
        %dma_wait3A_64 = arith.constant 0 : i32
        %dma_wait3A_65 = tpu.memref_slice %arg10[%dma_wait3A_63, %dma_wait3A_64] : memref<10240x128xf32, #tpu.memory_space<vmem_shared>> -> memref<10240x128xf32, #tpu.memory_space<vmem_shared>>
        tpu.wait_indirect_dma semaphore(%run_scoped3A : memref<!tpu.dma_semaphore, #tpu.memory_space<semaphore_mem>>) src(%arg8 : memref<128x128xf32, #tpu.memory_space<vmem>>) dst(%dma_wait3A_65 : memref<10240x128xf32, #tpu.memory_space<vmem_shared>>)
        tpu.yield
      }) : () -> ()
      %add3A_40 = arith.constant 1 : i32
      %add3A_41 = arith.addi %add3A_27, %add3A_40 : i32
      %lt3A = arith.constant 40 : i32
      %lt3A_42 = arith.cmpi slt, %add3A_41, %lt3A : i32
      %convert_element_type3A_43 = arith.extui %lt3A_42 : i1 to i32
      %cond3A_44 = arith.constant 0 : i32
      %cond3A_45 = arith.cmpi ne, %convert_element_type3A_43, %cond3A_44 : i32
      scf.if %cond3A_45 {
        %add3A_54 = arith.constant 1 : i32
        %add3A_55 = arith.addi %add3A_27, %add3A_54 : i32
        %mul3A_56 = arith.constant 128 : i32
        %mul3A_57 = arith.muli %add3A_55, %mul3A_56 : i32
        %add3A_58 = arith.addi %mul3A_2, %mul3A_57 : i32
        %dma_start3A_59 = tpu.memref_slice %arg3[%add3A_58, %mul3A_0] : memref<81920x256xf32, #tpu.memory_space<hbm>> -> memref<128x128xf32, #tpu.memory_space<hbm>>
        %dma_start3A_60 = tpu.memref_slice %arg3[%add3A_58, %mul3A_0] : memref<81920x256xf32, #tpu.memory_space<hbm>> -> memref<128x128xf32, #tpu.memory_space<hbm>>
        tpu.enqueue_dma source(%dma_start3A_60 : memref<128x128xf32, #tpu.memory_space<hbm>>) target(%arg8 : memref<128x128xf32, #tpu.memory_space<vmem>>) target_semaphore(%arg11 : memref<!tpu.dma_semaphore, #tpu.memory_space<semaphore_mem>>)
      } else {
      }
      %dma_wait3A_46 = arith.constant 0 : i32
      %dma_wait3A_47 = arith.constant 0 : i32
      %dma_wait3A_48 = tpu.memref_slice %arg3[%dma_wait3A_46, %dma_wait3A_47] : memref<81920x256xf32, #tpu.memory_space<hbm>> -> memref<128x128xf32, #tpu.memory_space<hbm>>
      %dma_wait3A_49 = arith.constant 0 : i32
      %dma_wait3A_50 = arith.constant 0 : i32
      %dma_wait3A_51 = tpu.memref_slice %arg3[%dma_wait3A_49, %dma_wait3A_50] : memref<81920x256xf32, #tpu.memory_space<hbm>> -> memref<128x128xf32, #tpu.memory_space<hbm>>
      tpu.wait_dma2 semaphore(%arg12 : memref<!tpu.dma_semaphore, #tpu.memory_space<semaphore_mem>>) src(%dma_wait3A_51 : memref<128x128xf32, #tpu.memory_space<hbm>>) dst(%arg9 : memref<128x128xf32, #tpu.memory_space<vmem>>)
      %add3A_52 = arith.constant 40 : i32
      %add3A_53 = arith.addi %add3A_52, %add3A_27 : i32
      "tpu.region"() ({
        %run_scoped3A = tpu.sem_alloc : memref<!tpu.dma_semaphore, #tpu.memory_space<semaphore_mem>>
        %dma_start3A_54 = arith.constant 0 : i32
        %dma_start3A_55 = tpu.memref_slice %arg7[%add3A_53, %dma_start3A_54] : memref<80x128xi32, #tpu.memory_space<vmem>> -> memref<1x128xi32, #tpu.memory_space<vmem>>
        %dma_start3A_56 = tpu.memref_squeeze %dma_start3A_55 : memref<1x128xi32, #tpu.memory_space<vmem>> -> memref<128xi32, #tpu.memory_space<vmem>>
        %dma_start3A_57 = arith.constant 0 : i32
        %dma_start3A_58 = arith.constant 0 : i32
        %dma_start3A_59 = tpu.memref_slice %arg10[%dma_start3A_57, %dma_start3A_58] : memref<10240x128xf32, #tpu.memory_space<vmem_shared>> -> memref<10240x128xf32, #tpu.memory_space<vmem_shared>>
        tpu.enqueue_indirect_dma source(%arg9 : memref<128x128xf32, #tpu.memory_space<vmem>>) target(%dma_start3A_59 : memref<10240x128xf32, #tpu.memory_space<vmem_shared>>) offsets(%dma_start3A_56 : memref<128xi32, #tpu.memory_space<vmem>>) semaphore(%run_scoped3A : memref<!tpu.dma_semaphore, #tpu.memory_space<semaphore_mem>>) {add = true}
        %dma_wait3A_60 = arith.constant 0 : i32
        %dma_wait3A_61 = tpu.memref_slice %arg7[%add3A_53, %dma_wait3A_60] : memref<80x128xi32, #tpu.memory_space<vmem>> -> memref<1x128xi32, #tpu.memory_space<vmem>>
        %dma_wait3A_62 = tpu.memref_squeeze %dma_wait3A_61 : memref<1x128xi32, #tpu.memory_space<vmem>> -> memref<128xi32, #tpu.memory_space<vmem>>
        %dma_wait3A_63 = arith.constant 0 : i32
        %dma_wait3A_64 = arith.constant 0 : i32
        %dma_wait3A_65 = tpu.memref_slice %arg10[%dma_wait3A_63, %dma_wait3A_64] : memref<10240x128xf32, #tpu.memory_space<vmem_shared>> -> memref<10240x128xf32, #tpu.memory_space<vmem_shared>>
        tpu.wait_indirect_dma semaphore(%run_scoped3A : memref<!tpu.dma_semaphore, #tpu.memory_space<semaphore_mem>>) src(%arg9 : memref<128x128xf32, #tpu.memory_space<vmem>>) dst(%dma_wait3A_65 : memref<10240x128xf32, #tpu.memory_space<vmem_shared>>)
        tpu.yield
      }) : () -> ()
    }
    %scan3A_18 = arith.constant 20 : i32
    %barrier3A_19 = arith.constant 0 : index
    tpu.barrier barrier_id(%barrier3A_19)
    %mul3A_20 = arith.constant 640 : i32
    %mul3A_21 = arith.muli %arg1, %mul3A_20 : i32
    %mul3A_22 = arith.constant 640 : i32
    %mul3A_23 = arith.muli %arg1, %mul3A_22 : i32
    "tpu.region"() ({
      %run_scoped3A = tpu.sem_alloc : memref<!tpu.dma_semaphore, #tpu.memory_space<semaphore_mem>>
      %dma_start3A_24 = tpu.memref_slice %arg6[%mul3A_23, %mul3A_0] : memref<10240x256xf32, #tpu.memory_space<hbm>> -> memref<640x128xf32, #tpu.memory_space<hbm>>
      %dma_start3A_25 = arith.constant 0 : i32
      %dma_start3A_26 = tpu.memref_slice %arg10[%mul3A_21, %dma_start3A_25] : memref<10240x128xf32, #tpu.memory_space<vmem_shared>> -> memref<640x128xf32, #tpu.memory_space<vmem_shared>>
      tpu.enqueue_dma source(%dma_start3A_26 : memref<640x128xf32, #tpu.memory_space<vmem_shared>>) target(%dma_start3A_24 : memref<640x128xf32, #tpu.memory_space<hbm>>) target_semaphore(%run_scoped3A : memref<!tpu.dma_semaphore, #tpu.memory_space<semaphore_mem>>)
      %dma_wait3A = tpu.memref_slice %arg6[%mul3A_23, %mul3A_0] : memref<10240x256xf32, #tpu.memory_space<hbm>> -> memref<640x128xf32, #tpu.memory_space<hbm>>
      %dma_wait3A_27 = arith.constant 0 : i32
      %dma_wait3A_28 = tpu.memref_slice %arg10[%mul3A_21, %dma_wait3A_27] : memref<10240x128xf32, #tpu.memory_space<vmem_shared>> -> memref<640x128xf32, #tpu.memory_space<vmem_shared>>
      tpu.wait_dma2 semaphore(%run_scoped3A : memref<!tpu.dma_semaphore, #tpu.memory_space<semaphore_mem>>) src(%dma_wait3A_28 : memref<640x128xf32, #tpu.memory_space<vmem_shared>>) dst(%dma_wait3A : memref<640x128xf32, #tpu.memory_space<hbm>>)
      tpu.yield
    }) : () -> ()
    return
  }
}

#map = affine_map<(d0, d1) -> (0, 0)>
#map1 = affine_map<(d0, d1) -> (0, 0, 0)>
module attributes {stable_mosaic.version = 14 : i64} {
  func.func @_gather_body(%arg0: i32, %arg1: i32, %arg2: memref<10240x256xf32, #tpu.memory_space<hbm>>, %arg3: memref<32x4x80xi32, #tpu.memory_space<hbm>>, %arg4: memref<10240x256xf32, #tpu.memory_space<hbm>>, %arg5: memref<4x80xi32, #tpu.memory_space<vmem>>, %arg6: memref<80x256xf32, #tpu.memory_space<vmem>>, %arg7: memref<80x256xf32, #tpu.memory_space<vmem>>, %arg8: memref<!tpu.dma_semaphore, #tpu.memory_space<semaphore_mem>>, %arg9: memref<!tpu.dma_semaphore, #tpu.memory_space<semaphore_mem>>) attributes {dimension_semantics = [#tpu.dimension_semantics<core_parallel>, #tpu.dimension_semantics<subcore_parallel>], iteration_bounds = array<i64: 2, 16>, scalar_prefetch = 0 : i64, scratch_operands = 5 : i64, tpu.core_type = #tpu.core_type<sc_vector_subcore>, window_params = [{transform_indices = #map}, {transform_indices = #map1}, {transform_indices = #map}]} {
    %mul3A = arith.constant 2 : i32
    %mul3A_0 = arith.muli %arg1, %mul3A : i32
    %add3A = arith.addi %mul3A_0, %arg0 : i32
    "tpu.region"() ({
      %run_scoped3A = tpu.sem_alloc : memref<!tpu.dma_semaphore, #tpu.memory_space<semaphore_mem>>
      %dma_start3A_14 = arith.constant 0 : i32
      %dma_start3A_15 = arith.constant 0 : i32
      %dma_start3A_16 = tpu.memref_slice %arg3[%add3A, %dma_start3A_14, %dma_start3A_15] : memref<32x4x80xi32, #tpu.memory_space<hbm>> -> memref<1x4x80xi32, #tpu.memory_space<hbm>>
      %dma_start3A_17 = tpu.memref_squeeze %dma_start3A_16 : memref<1x4x80xi32, #tpu.memory_space<hbm>> -> memref<4x80xi32, #tpu.memory_space<hbm>>
      %dma_start3A_18 = arith.constant 0 : i32
      %dma_start3A_19 = arith.constant 0 : i32
      %dma_start3A_20 = tpu.memref_slice %arg3[%add3A, %dma_start3A_18, %dma_start3A_19] : memref<32x4x80xi32, #tpu.memory_space<hbm>> -> memref<1x4x80xi32, #tpu.memory_space<hbm>>
      %dma_start3A_21 = tpu.memref_squeeze %dma_start3A_20 : memref<1x4x80xi32, #tpu.memory_space<hbm>> -> memref<4x80xi32, #tpu.memory_space<hbm>>
      tpu.enqueue_dma source(%dma_start3A_21 : memref<4x80xi32, #tpu.memory_space<hbm>>) target(%arg5 : memref<4x80xi32, #tpu.memory_space<vmem>>) target_semaphore(%run_scoped3A : memref<!tpu.dma_semaphore, #tpu.memory_space<semaphore_mem>>)
      %dma_wait3A = arith.constant 0 : i32
      %dma_wait3A_22 = arith.constant 0 : i32
      %dma_wait3A_23 = tpu.memref_slice %arg3[%add3A, %dma_wait3A, %dma_wait3A_22] : memref<32x4x80xi32, #tpu.memory_space<hbm>> -> memref<1x4x80xi32, #tpu.memory_space<hbm>>
      %dma_wait3A_24 = tpu.memref_squeeze %dma_wait3A_23 : memref<1x4x80xi32, #tpu.memory_space<hbm>> -> memref<4x80xi32, #tpu.memory_space<hbm>>
      %dma_wait3A_25 = arith.constant 0 : i32
      %dma_wait3A_26 = arith.constant 0 : i32
      %dma_wait3A_27 = tpu.memref_slice %arg3[%add3A, %dma_wait3A_25, %dma_wait3A_26] : memref<32x4x80xi32, #tpu.memory_space<hbm>> -> memref<1x4x80xi32, #tpu.memory_space<hbm>>
      %dma_wait3A_28 = tpu.memref_squeeze %dma_wait3A_27 : memref<1x4x80xi32, #tpu.memory_space<hbm>> -> memref<4x80xi32, #tpu.memory_space<hbm>>
      tpu.wait_dma2 semaphore(%run_scoped3A : memref<!tpu.dma_semaphore, #tpu.memory_space<semaphore_mem>>) src(%dma_wait3A_28 : memref<4x80xi32, #tpu.memory_space<hbm>>) dst(%arg5 : memref<4x80xi32, #tpu.memory_space<vmem>>)
      tpu.yield
    }) : () -> ()
    %mul3A_1 = arith.constant 320 : i32
    %mul3A_2 = arith.muli %add3A, %mul3A_1 : i32
    %dma_start3A = arith.constant 0 : i32
    %dma_start3A_3 = arith.constant 0 : i32
    %dma_start3A_4 = tpu.memref_slice %arg5[%dma_start3A, %dma_start3A_3] : memref<4x80xi32, #tpu.memory_space<vmem>> -> memref<1x80xi32, #tpu.memory_space<vmem>>
    %dma_start3A_5 = tpu.memref_squeeze %dma_start3A_4 : memref<1x80xi32, #tpu.memory_space<vmem>> -> memref<80xi32, #tpu.memory_space<vmem>>
    %dma_start3A_6 = arith.constant 0 : i32
    %dma_start3A_7 = arith.constant 0 : i32
    %dma_start3A_8 = tpu.memref_slice %arg2[%dma_start3A_6, %dma_start3A_7] : memref<10240x256xf32, #tpu.memory_space<hbm>> -> memref<10240x256xf32, #tpu.memory_space<hbm>>
    tpu.enqueue_indirect_dma source(%dma_start3A_8 : memref<10240x256xf32, #tpu.memory_space<hbm>>) target(%arg6 : memref<80x256xf32, #tpu.memory_space<vmem>>) offsets(%dma_start3A_5 : memref<80xi32, #tpu.memory_space<vmem>>) semaphore(%arg8 : memref<!tpu.dma_semaphore, #tpu.memory_space<semaphore_mem>>)
    %scan3A = arith.constant 0 : i32
    %scan3A_9 = arith.constant 0 : i32
    %scan3A_10 = arith.constant 2 : i32
    %scan3A_11 = arith.addi %scan3A_9, %scan3A_10 : i32
    %scan3A_12 = arith.constant 1 : i32
    scf.for %scan3A_14 = %scan3A_9 to %scan3A_11 step %scan3A_12  : i32 {
      %mul3A_15 = arith.constant 2 : i32
      %mul3A_16 = arith.muli %mul3A_15, %scan3A_14 : i32
      %add3A_17 = arith.constant 1 : i32
      %add3A_18 = arith.addi %mul3A_16, %add3A_17 : i32
      %dma_start3A_19 = arith.constant 0 : i32
      %dma_start3A_20 = tpu.memref_slice %arg5[%add3A_18, %dma_start3A_19] : memref<4x80xi32, #tpu.memory_space<vmem>> -> memref<1x80xi32, #tpu.memory_space<vmem>>
      %dma_start3A_21 = tpu.memref_squeeze %dma_start3A_20 : memref<1x80xi32, #tpu.memory_space<vmem>> -> memref<80xi32, #tpu.memory_space<vmem>>
      %dma_start3A_22 = arith.constant 0 : i32
      %dma_start3A_23 = arith.constant 0 : i32
      %dma_start3A_24 = tpu.memref_slice %arg2[%dma_start3A_22, %dma_start3A_23] : memref<10240x256xf32, #tpu.memory_space<hbm>> -> memref<10240x256xf32, #tpu.memory_space<hbm>>
      tpu.enqueue_indirect_dma source(%dma_start3A_24 : memref<10240x256xf32, #tpu.memory_space<hbm>>) target(%arg7 : memref<80x256xf32, #tpu.memory_space<vmem>>) offsets(%dma_start3A_21 : memref<80xi32, #tpu.memory_space<vmem>>) semaphore(%arg9 : memref<!tpu.dma_semaphore, #tpu.memory_space<semaphore_mem>>)
      %dma_wait3A = arith.constant 0 : i32
      %dma_wait3A_25 = arith.constant 0 : i32
      %dma_wait3A_26 = tpu.memref_slice %arg2[%dma_wait3A, %dma_wait3A_25] : memref<10240x256xf32, #tpu.memory_space<hbm>> -> memref<80x256xf32, #tpu.memory_space<hbm>>
      %dma_wait3A_27 = arith.constant 0 : i32
      %dma_wait3A_28 = arith.constant 0 : i32
      %dma_wait3A_29 = tpu.memref_slice %arg2[%dma_wait3A_27, %dma_wait3A_28] : memref<10240x256xf32, #tpu.memory_space<hbm>> -> memref<80x256xf32, #tpu.memory_space<hbm>>
      tpu.wait_dma2 semaphore(%arg8 : memref<!tpu.dma_semaphore, #tpu.memory_space<semaphore_mem>>) src(%dma_wait3A_29 : memref<80x256xf32, #tpu.memory_space<hbm>>) dst(%arg6 : memref<80x256xf32, #tpu.memory_space<vmem>>)
      %mul3A_30 = arith.constant 80 : i32
      %mul3A_31 = arith.muli %mul3A_16, %mul3A_30 : i32
      %add3A_32 = arith.addi %mul3A_2, %mul3A_31 : i32
      "tpu.region"() ({
        %run_scoped3A = tpu.sem_alloc : memref<!tpu.dma_semaphore, #tpu.memory_space<semaphore_mem>>
        %dma_start3A_46 = arith.constant 0 : i32
        %dma_start3A_47 = tpu.memref_slice %arg4[%add3A_32, %dma_start3A_46] : memref<10240x256xf32, #tpu.memory_space<hbm>> -> memref<80x256xf32, #tpu.memory_space<hbm>>
        %dma_start3A_48 = arith.constant 0 : i32
        %dma_start3A_49 = tpu.memref_slice %arg4[%add3A_32, %dma_start3A_48] : memref<10240x256xf32, #tpu.memory_space<hbm>> -> memref<80x256xf32, #tpu.memory_space<hbm>>
        tpu.enqueue_dma source(%arg6 : memref<80x256xf32, #tpu.memory_space<vmem>>) target(%dma_start3A_49 : memref<80x256xf32, #tpu.memory_space<hbm>>) target_semaphore(%run_scoped3A : memref<!tpu.dma_semaphore, #tpu.memory_space<semaphore_mem>>)
        %dma_wait3A_50 = arith.constant 0 : i32
        %dma_wait3A_51 = tpu.memref_slice %arg4[%add3A_32, %dma_wait3A_50] : memref<10240x256xf32, #tpu.memory_space<hbm>> -> memref<80x256xf32, #tpu.memory_space<hbm>>
        %dma_wait3A_52 = arith.constant 0 : i32
        %dma_wait3A_53 = tpu.memref_slice %arg4[%add3A_32, %dma_wait3A_52] : memref<10240x256xf32, #tpu.memory_space<hbm>> -> memref<80x256xf32, #tpu.memory_space<hbm>>
        tpu.wait_dma2 semaphore(%run_scoped3A : memref<!tpu.dma_semaphore, #tpu.memory_space<semaphore_mem>>) src(%arg6 : memref<80x256xf32, #tpu.memory_space<vmem>>) dst(%dma_wait3A_53 : memref<80x256xf32, #tpu.memory_space<hbm>>)
        tpu.yield
      }) : () -> ()
      %add3A_33 = arith.constant 1 : i32
      %add3A_34 = arith.addi %add3A_18, %add3A_33 : i32
      %lt3A = arith.constant 4 : i32
      %lt3A_35 = arith.cmpi slt, %add3A_34, %lt3A : i32
      %convert_element_type3A = arith.extui %lt3A_35 : i1 to i32
      %cond3A = arith.constant 0 : i32
      %cond3A_36 = arith.cmpi ne, %convert_element_type3A, %cond3A : i32
      scf.if %cond3A_36 {
        %add3A_46 = arith.constant 1 : i32
        %add3A_47 = arith.addi %add3A_18, %add3A_46 : i32
        %dma_start3A_48 = arith.constant 0 : i32
        %dma_start3A_49 = tpu.memref_slice %arg5[%add3A_47, %dma_start3A_48] : memref<4x80xi32, #tpu.memory_space<vmem>> -> memref<1x80xi32, #tpu.memory_space<vmem>>
        %dma_start3A_50 = tpu.memref_squeeze %dma_start3A_49 : memref<1x80xi32, #tpu.memory_space<vmem>> -> memref<80xi32, #tpu.memory_space<vmem>>
        %dma_start3A_51 = arith.constant 0 : i32
        %dma_start3A_52 = arith.constant 0 : i32
        %dma_start3A_53 = tpu.memref_slice %arg2[%dma_start3A_51, %dma_start3A_52] : memref<10240x256xf32, #tpu.memory_space<hbm>> -> memref<10240x256xf32, #tpu.memory_space<hbm>>
        tpu.enqueue_indirect_dma source(%dma_start3A_53 : memref<10240x256xf32, #tpu.memory_space<hbm>>) target(%arg6 : memref<80x256xf32, #tpu.memory_space<vmem>>) offsets(%dma_start3A_50 : memref<80xi32, #tpu.memory_space<vmem>>) semaphore(%arg8 : memref<!tpu.dma_semaphore, #tpu.memory_space<semaphore_mem>>)
      } else {
      }
      %dma_wait3A_37 = arith.constant 0 : i32
      %dma_wait3A_38 = arith.constant 0 : i32
      %dma_wait3A_39 = tpu.memref_slice %arg2[%dma_wait3A_37, %dma_wait3A_38] : memref<10240x256xf32, #tpu.memory_space<hbm>> -> memref<80x256xf32, #tpu.memory_space<hbm>>
      %dma_wait3A_40 = arith.constant 0 : i32
      %dma_wait3A_41 = arith.constant 0 : i32
      %dma_wait3A_42 = tpu.memref_slice %arg2[%dma_wait3A_40, %dma_wait3A_41] : memref<10240x256xf32, #tpu.memory_space<hbm>> -> memref<80x256xf32, #tpu.memory_space<hbm>>
      tpu.wait_dma2 semaphore(%arg9 : memref<!tpu.dma_semaphore, #tpu.memory_space<semaphore_mem>>) src(%dma_wait3A_42 : memref<80x256xf32, #tpu.memory_space<hbm>>) dst(%arg7 : memref<80x256xf32, #tpu.memory_space<vmem>>)
      %mul3A_43 = arith.constant 80 : i32
      %mul3A_44 = arith.muli %add3A_18, %mul3A_43 : i32
      %add3A_45 = arith.addi %mul3A_2, %mul3A_44 : i32
      "tpu.region"() ({
        %run_scoped3A = tpu.sem_alloc : memref<!tpu.dma_semaphore, #tpu.memory_space<semaphore_mem>>
        %dma_start3A_46 = arith.constant 0 : i32
        %dma_start3A_47 = tpu.memref_slice %arg4[%add3A_45, %dma_start3A_46] : memref<10240x256xf32, #tpu.memory_space<hbm>> -> memref<80x256xf32, #tpu.memory_space<hbm>>
        %dma_start3A_48 = arith.constant 0 : i32
        %dma_start3A_49 = tpu.memref_slice %arg4[%add3A_45, %dma_start3A_48] : memref<10240x256xf32, #tpu.memory_space<hbm>> -> memref<80x256xf32, #tpu.memory_space<hbm>>
        tpu.enqueue_dma source(%arg7 : memref<80x256xf32, #tpu.memory_space<vmem>>) target(%dma_start3A_49 : memref<80x256xf32, #tpu.memory_space<hbm>>) target_semaphore(%run_scoped3A : memref<!tpu.dma_semaphore, #tpu.memory_space<semaphore_mem>>)
        %dma_wait3A_50 = arith.constant 0 : i32
        %dma_wait3A_51 = tpu.memref_slice %arg4[%add3A_45, %dma_wait3A_50] : memref<10240x256xf32, #tpu.memory_space<hbm>> -> memref<80x256xf32, #tpu.memory_space<hbm>>
        %dma_wait3A_52 = arith.constant 0 : i32
        %dma_wait3A_53 = tpu.memref_slice %arg4[%add3A_45, %dma_wait3A_52] : memref<10240x256xf32, #tpu.memory_space<hbm>> -> memref<80x256xf32, #tpu.memory_space<hbm>>
        tpu.wait_dma2 semaphore(%run_scoped3A : memref<!tpu.dma_semaphore, #tpu.memory_space<semaphore_mem>>) src(%arg7 : memref<80x256xf32, #tpu.memory_space<vmem>>) dst(%dma_wait3A_53 : memref<80x256xf32, #tpu.memory_space<hbm>>)
        tpu.yield
      }) : () -> ()
    }
    %scan3A_13 = arith.constant 2 : i32
    return
  }
}

module attributes {stable_mosaic.version = 14 : i64} {
  func.func @_msg_body(%arg0: i32, %arg1: memref<1280x256xf32, #tpu.memory_space<vmem>>, %arg2: memref<1280x1xf32, #tpu.memory_space<vmem>>, %arg3: memref<1280x1xi32, #tpu.memory_space<vmem>>, %arg4: memref<64x256xf32, #tpu.memory_space<vmem>>, %arg5: memref<1x256xf32, #tpu.memory_space<vmem>>, %arg6: memref<256x256xf32, #tpu.memory_space<vmem>>, %arg7: memref<1280x256xf32, #tpu.memory_space<vmem>>) attributes {dimension_semantics = [#tpu.dimension_semantics<arbitrary>], iteration_bounds = array<i64: 64>, scalar_prefetch = 0 : i64, scratch_operands = 0 : i64, tpu.core_type = #tpu.core_type<tc>, window_params = [{transform_indices = @transform_0, window_bounds = array<i64: 1280, 256>}, {transform_indices = @transform_1, window_bounds = array<i64: 1280, 1>}, {transform_indices = @transform_2, window_bounds = array<i64: 1280, 1>}, {pipeline_mode = #tpu.pipeline_mode<synchronous>, transform_indices = @transform_3, window_bounds = array<i64: 64, 256>}, {pipeline_mode = #tpu.pipeline_mode<synchronous>, transform_indices = @transform_4, window_bounds = array<i64: 1, 256>}, {pipeline_mode = #tpu.pipeline_mode<synchronous>, transform_indices = @transform_5, window_bounds = array<i64: 256, 256>}, {transform_indices = @transform_6, window_bounds = array<i64: 1280, 256>}]} {
    %get3A = arith.constant 0 : index
    %get3A_0 = arith.constant 0 : index
    %get3A_1 = vector.load %arg2[%get3A, %get3A_0] : memref<1280x1xf32, #tpu.memory_space<vmem>>, vector<1280x1xf32>
    %get3A_2 = arith.constant 0 : index
    %get3A_3 = arith.constant 0 : index
    %get3A_4 = vector.load %arg5[%get3A_2, %get3A_3] : memref<1x256xf32, #tpu.memory_space<vmem>>, vector<1x256xf32>
    %mul3A = vector.broadcast %get3A_1 : vector<1280x1xf32> to vector<1280x256xf32>
    %mul3A_5 = vector.broadcast %get3A_4 : vector<1x256xf32> to vector<1280x256xf32>
    %mul3A_6 = arith.mulf %mul3A, %mul3A_5 : vector<1280x256xf32>
    %sin3A = math.sin %mul3A_6 : vector<1280x256xf32>
    %get3A_7 = arith.constant 0 : index
    %get3A_8 = arith.constant 0 : index
    %get3A_9 = vector.load %arg3[%get3A_7, %get3A_8] : memref<1280x1xi32, #tpu.memory_space<vmem>>, vector<1280x1xi32>
    %iota3A = tpu.iota {dimensions = array<i32: 1>} : vector<1280x64xi32>
    %eq3A = vector.broadcast %get3A_9 : vector<1280x1xi32> to vector<1280x64xi32>
    %eq3A_10 = arith.cmpi eq, %eq3A, %iota3A : vector<1280x64xi32>
    %convert_element_type3A = arith.extui %eq3A_10 : vector<1280x64xi1> to vector<1280x64xi32>
    %convert_element_type3A_11 = arith.sitofp %convert_element_type3A : vector<1280x64xi32> to vector<1280x64xf32>
    %get3A_12 = arith.constant 0 : index
    %get3A_13 = arith.constant 0 : index
    %get3A_14 = vector.load %arg4[%get3A_12, %get3A_13] : memref<64x256xf32, #tpu.memory_space<vmem>>, vector<64x256xf32>
    %dot_general3A = arith.constant dense<0.000000e+00> : vector<1280x256xf32>
    %dot_general3A_15 = tpu.matmul %convert_element_type3A_11, %get3A_14, %dot_general3A {dimension_numbers = #tpu.dot_dimension_numbers<[1], [0], [0], [1], [0, 0, 1, 1], [], []>, precision = #tpu.contract_precision<fp32>, transpose_lhs_hint = false} : vector<1280x64xf32>, vector<64x256xf32>, vector<1280x256xf32> -> vector<1280x256xf32>
    %get3A_16 = arith.constant 0 : index
    %get3A_17 = arith.constant 0 : index
    %get3A_18 = vector.load %arg1[%get3A_16, %get3A_17] : memref<1280x256xf32, #tpu.memory_space<vmem>>, vector<1280x256xf32>
    %add3A = arith.addf %get3A_18, %dot_general3A_15 : vector<1280x256xf32>
    %add3A_19 = arith.addf %add3A, %sin3A : vector<1280x256xf32>
    %get3A_20 = arith.constant 0 : index
    %get3A_21 = arith.constant 0 : index
    %get3A_22 = vector.load %arg6[%get3A_20, %get3A_21] : memref<256x256xf32, #tpu.memory_space<vmem>>, vector<256x256xf32>
    %dot_general3A_23 = arith.constant dense<0.000000e+00> : vector<1280x256xf32>
    %dot_general3A_24 = tpu.matmul %add3A_19, %get3A_22, %dot_general3A_23 {dimension_numbers = #tpu.dot_dimension_numbers<[1], [0], [0], [1], [0, 0, 1, 1], [], []>, transpose_lhs_hint = false} : vector<1280x256xf32>, vector<256x256xf32>, vector<1280x256xf32> -> vector<1280x256xf32>
    %max3A = arith.constant 0.000000e+00 : f32
    %max3A_25 = vector.broadcast %max3A : f32 to vector<1280x256xf32>
    %max3A_26 = arith.maximumf %dot_general3A_24, %max3A_25 : vector<1280x256xf32>
    %swap3A = arith.constant 0 : index
    %swap3A_27 = arith.constant 0 : index
    %swap3A_28 = vector.load %arg7[%swap3A, %swap3A_27] : memref<1280x256xf32, #tpu.memory_space<vmem>>, vector<1280x256xf32>
    tpu.vector_store %arg7[%swap3A, %swap3A_27], %max3A_26 {strides = array<i32>} : memref<1280x256xf32, #tpu.memory_space<vmem>>, vector<1280x256xf32>,
    return
  }
  func.func @transform_0(%arg0: i32) -> (i32, i32) {
    %c0_i32 = arith.constant 0 : i32
    %c0_i32_0 = arith.constant 0 : i32
    return %arg0, %c0_i32 : i32, i32
  }
  func.func @transform_1(%arg0: i32) -> (i32, i32) {
    %c0_i32 = arith.constant 0 : i32
    %c0_i32_0 = arith.constant 0 : i32
    return %arg0, %c0_i32 : i32, i32
  }
  func.func @transform_2(%arg0: i32) -> (i32, i32) {
    %c0_i32 = arith.constant 0 : i32
    %c0_i32_0 = arith.constant 0 : i32
    return %arg0, %c0_i32 : i32, i32
  }
  func.func @transform_3(%arg0: i32) -> (i32, i32) {
    %c0_i32 = arith.constant 0 : i32
    %c0_i32_0 = arith.constant 0 : i32
    %c0_i32_1 = arith.constant 0 : i32
    return %c0_i32, %c0_i32_0 : i32, i32
  }
  func.func @transform_4(%arg0: i32) -> (i32, i32) {
    %c0_i32 = arith.constant 0 : i32
    %c0_i32_0 = arith.constant 0 : i32
    %c0_i32_1 = arith.constant 0 : i32
    return %c0_i32, %c0_i32_0 : i32, i32
  }
  func.func @transform_5(%arg0: i32) -> (i32, i32) {
    %c0_i32 = arith.constant 0 : i32
    %c0_i32_0 = arith.constant 0 : i32
    %c0_i32_1 = arith.constant 0 : i32
    return %c0_i32, %c0_i32_0 : i32, i32
  }
  func.func @transform_6(%arg0: i32) -> (i32, i32) {
    %c0_i32 = arith.constant 0 : i32
    %c0_i32_0 = arith.constant 0 : i32
    return %arg0, %c0_i32 : i32, i32
  }
}

module attributes {stable_mosaic.version = 14 : i64} {
  func.func @_gamma_body(%arg0: i32, %arg1: memref<1024x256xf32, #tpu.memory_space<vmem>>, %arg2: memref<256x256xf32, #tpu.memory_space<vmem>>, %arg3: memref<256x256xf32, #tpu.memory_space<vmem>>, %arg4: memref<1x256xf32, #tpu.memory_space<vmem>>, %arg5: memref<256x1xf32, #tpu.memory_space<vmem>>, %arg6: memref<1x1xf32, #tpu.memory_space<vmem>>, %arg7: memref<1024x1xf32, #tpu.memory_space<vmem>>) attributes {dimension_semantics = [#tpu.dimension_semantics<arbitrary>], iteration_bounds = array<i64: 10>, scalar_prefetch = 0 : i64, scratch_operands = 0 : i64, tpu.core_type = #tpu.core_type<tc>, window_params = [{transform_indices = @transform_0, window_bounds = array<i64: 1024, 256>}, {pipeline_mode = #tpu.pipeline_mode<synchronous>, transform_indices = @transform_1, window_bounds = array<i64: 256, 256>}, {pipeline_mode = #tpu.pipeline_mode<synchronous>, transform_indices = @transform_2, window_bounds = array<i64: 256, 256>}, {pipeline_mode = #tpu.pipeline_mode<synchronous>, transform_indices = @transform_3, window_bounds = array<i64: 1, 256>}, {pipeline_mode = #tpu.pipeline_mode<synchronous>, transform_indices = @transform_4, window_bounds = array<i64: 256, 1>}, {pipeline_mode = #tpu.pipeline_mode<synchronous>, transform_indices = @transform_5, window_bounds = array<i64: 1, 1>}, {transform_indices = @transform_6, window_bounds = array<i64: 1024, 1>}]} {
    %get3A = arith.constant 0 : index
    %get3A_0 = arith.constant 0 : index
    %get3A_1 = vector.load %arg1[%get3A, %get3A_0] : memref<1024x256xf32, #tpu.memory_space<vmem>>, vector<1024x256xf32>
    %get3A_2 = arith.constant 0 : index
    %get3A_3 = arith.constant 0 : index
    %get3A_4 = vector.load %arg2[%get3A_2, %get3A_3] : memref<256x256xf32, #tpu.memory_space<vmem>>, vector<256x256xf32>
    %dot_general3A = arith.constant dense<0.000000e+00> : vector<1024x256xf32>
    %dot_general3A_5 = tpu.matmul %get3A_1, %get3A_4, %dot_general3A {dimension_numbers = #tpu.dot_dimension_numbers<[1], [0], [0], [1], [0, 0, 1, 1], [], []>, transpose_lhs_hint = false} : vector<1024x256xf32>, vector<256x256xf32>, vector<1024x256xf32> -> vector<1024x256xf32>
    %max3A = arith.constant 0.000000e+00 : f32
    %max3A_6 = vector.broadcast %max3A : f32 to vector<1024x256xf32>
    %max3A_7 = arith.maximumf %dot_general3A_5, %max3A_6 : vector<1024x256xf32>
    %get3A_8 = arith.constant 0 : index
    %get3A_9 = arith.constant 0 : index
    %get3A_10 = vector.load %arg3[%get3A_8, %get3A_9] : memref<256x256xf32, #tpu.memory_space<vmem>>, vector<256x256xf32>
    %dot_general3A_11 = arith.constant dense<0.000000e+00> : vector<1024x256xf32>
    %dot_general3A_12 = tpu.matmul %max3A_7, %get3A_10, %dot_general3A_11 {dimension_numbers = #tpu.dot_dimension_numbers<[1], [0], [0], [1], [0, 0, 1, 1], [], []>, transpose_lhs_hint = false} : vector<1024x256xf32>, vector<256x256xf32>, vector<1024x256xf32> -> vector<1024x256xf32>
    %get3A_13 = arith.constant 0 : index
    %get3A_14 = arith.constant 0 : index
    %get3A_15 = vector.load %arg4[%get3A_13, %get3A_14] : memref<1x256xf32, #tpu.memory_space<vmem>>, vector<1x256xf32>
    %add3A = vector.broadcast %get3A_15 : vector<1x256xf32> to vector<1024x256xf32>
    %add3A_16 = arith.addf %dot_general3A_12, %add3A : vector<1024x256xf32>
    %max3A_17 = arith.constant 0.000000e+00 : f32
    %max3A_18 = vector.broadcast %max3A_17 : f32 to vector<1024x256xf32>
    %max3A_19 = arith.maximumf %add3A_16, %max3A_18 : vector<1024x256xf32>
    %get3A_20 = arith.constant 0 : index
    %get3A_21 = arith.constant 0 : index
    %get3A_22 = vector.load %arg5[%get3A_20, %get3A_21] : memref<256x1xf32, #tpu.memory_space<vmem>>, vector<256x1xf32>
    %dot_general3A_23 = arith.constant dense<0.000000e+00> : vector<1024x1xf32>
    %dot_general3A_24 = tpu.matmul %max3A_19, %get3A_22, %dot_general3A_23 {dimension_numbers = #tpu.dot_dimension_numbers<[1], [0], [0], [1], [0, 0, 1, 1], [], []>, transpose_lhs_hint = false} : vector<1024x256xf32>, vector<256x1xf32>, vector<1024x1xf32> -> vector<1024x1xf32>
    %get3A_25 = arith.constant 0 : index
    %get3A_26 = arith.constant 0 : index
    %get3A_27 = vector.load %arg6[%get3A_25, %get3A_26] : memref<1x1xf32, #tpu.memory_space<vmem>>, vector<1x1xf32>
    %add3A_28 = vector.broadcast %get3A_27 : vector<1x1xf32> to vector<1024x1xf32>
    %add3A_29 = arith.addf %dot_general3A_24, %add3A_28 : vector<1024x1xf32>
    %logistic3A = arith.negf %add3A_29 : vector<1024x1xf32>
    %logistic3A_30 = math.exp %logistic3A : vector<1024x1xf32>
    %logistic3A_31 = arith.constant 1.000000e+00 : f32
    %logistic3A_32 = vector.broadcast %logistic3A_31 : f32 to vector<1024x1xf32>
    %logistic3A_33 = arith.addf %logistic3A_32, %logistic3A_30 : vector<1024x1xf32>
    %logistic3A_34 = arith.divf %logistic3A_32, %logistic3A_33 : vector<1024x1xf32>
    %swap3A = arith.constant 0 : index
    %swap3A_35 = arith.constant 0 : index
    %swap3A_36 = vector.load %arg7[%swap3A, %swap3A_35] : memref<1024x1xf32, #tpu.memory_space<vmem>>, vector<1024x1xf32>
    tpu.vector_store %arg7[%swap3A, %swap3A_35], %logistic3A_34 {strides = array<i32>} : memref<1024x1xf32, #tpu.memory_space<vmem>>, vector<1024x1xf32>,
    return
  }
  func.func @transform_0(%arg0: i32) -> (i32, i32) {
    %c0_i32 = arith.constant 0 : i32
    %c0_i32_0 = arith.constant 0 : i32
    return %arg0, %c0_i32 : i32, i32
  }
  func.func @transform_1(%arg0: i32) -> (i32, i32) {
    %c0_i32 = arith.constant 0 : i32
    %c0_i32_0 = arith.constant 0 : i32
    %c0_i32_1 = arith.constant 0 : i32
    return %c0_i32, %c0_i32_0 : i32, i32
  }
  func.func @transform_2(%arg0: i32) -> (i32, i32) {
    %c0_i32 = arith.constant 0 : i32
    %c0_i32_0 = arith.constant 0 : i32
    %c0_i32_1 = arith.constant 0 : i32
    return %c0_i32, %c0_i32_0 : i32, i32
  }
  func.func @transform_3(%arg0: i32) -> (i32, i32) {
    %c0_i32 = arith.constant 0 : i32
    %c0_i32_0 = arith.constant 0 : i32
    %c0_i32_1 = arith.constant 0 : i32
    return %c0_i32, %c0_i32_0 : i32, i32
  }
  func.func @transform_4(%arg0: i32) -> (i32, i32) {
    %c0_i32 = arith.constant 0 : i32
    %c0_i32_0 = arith.constant 0 : i32
    %c0_i32_1 = arith.constant 0 : i32
    return %c0_i32, %c0_i32_0 : i32, i32
  }
  func.func @transform_5(%arg0: i32) -> (i32, i32) {
    %c0_i32 = arith.constant 0 : i32
    %c0_i32_0 = arith.constant 0 : i32
    %c0_i32_1 = arith.constant 0 : i32
    return %c0_i32, %c0_i32_0 : i32, i32
  }
  func.func @transform_6(%arg0: i32) -> (i32, i32) {
    %c0_i32 = arith.constant 0 : i32
    %c0_i32_0 = arith.constant 0 : i32
    return %arg0, %c0_i32 : i32, i32
  }
}

module attributes {stable_mosaic.version = 14 : i64} {
  func.func @_hchs_body(%arg0: i32, %arg1: memref<1024x256xf32, #tpu.memory_space<vmem>>, %arg2: memref<1024x256xf32, #tpu.memory_space<vmem>>, %arg3: memref<1024x256xf32, #tpu.memory_space<vmem>>, %arg4: memref<256x256xf32, #tpu.memory_space<vmem>>, %arg5: memref<1024x256xf32, #tpu.memory_space<vmem>>, %arg6: memref<1024x256xf32, #tpu.memory_space<vmem>>) attributes {dimension_semantics = [#tpu.dimension_semantics<arbitrary>], iteration_bounds = array<i64: 10>, scalar_prefetch = 0 : i64, scratch_operands = 0 : i64, tpu.core_type = #tpu.core_type<tc>, window_params = [{transform_indices = @transform_0, window_bounds = array<i64: 1024, 256>}, {transform_indices = @transform_1, window_bounds = array<i64: 1024, 256>}, {transform_indices = @transform_2, window_bounds = array<i64: 1024, 256>}, {pipeline_mode = #tpu.pipeline_mode<synchronous>, transform_indices = @transform_3, window_bounds = array<i64: 256, 256>}, {transform_indices = @transform_4, window_bounds = array<i64: 1024, 256>}, {transform_indices = @transform_5, window_bounds = array<i64: 1024, 256>}]} {
    %get3A = arith.constant 0 : index
    %get3A_0 = arith.constant 0 : index
    %get3A_1 = vector.load %arg4[%get3A, %get3A_0] : memref<256x256xf32, #tpu.memory_space<vmem>>, vector<256x256xf32>
    %get3A_2 = arith.constant 0 : index
    %get3A_3 = arith.constant 0 : index
    %get3A_4 = vector.load %arg2[%get3A_2, %get3A_3] : memref<1024x256xf32, #tpu.memory_space<vmem>>, vector<1024x256xf32>
    %dot_general3A = arith.constant dense<0.000000e+00> : vector<1024x256xf32>
    %dot_general3A_5 = tpu.matmul %get3A_4, %get3A_1, %dot_general3A {dimension_numbers = #tpu.dot_dimension_numbers<[1], [0], [0], [1], [0, 0, 1, 1], [], []>, transpose_lhs_hint = false} : vector<1024x256xf32>, vector<256x256xf32>, vector<1024x256xf32> -> vector<1024x256xf32>
    %max3A = arith.constant 0.000000e+00 : f32
    %max3A_6 = vector.broadcast %max3A : f32 to vector<1024x256xf32>
    %max3A_7 = arith.maximumf %dot_general3A_5, %max3A_6 : vector<1024x256xf32>
    %swap3A = arith.constant 0 : index
    %swap3A_8 = arith.constant 0 : index
    %swap3A_9 = vector.load %arg5[%swap3A, %swap3A_8] : memref<1024x256xf32, #tpu.memory_space<vmem>>, vector<1024x256xf32>
    tpu.vector_store %arg5[%swap3A, %swap3A_8], %max3A_7 {strides = array<i32>} : memref<1024x256xf32, #tpu.memory_space<vmem>>, vector<1024x256xf32>,
    %get3A_10 = arith.constant 0 : index
    %get3A_11 = arith.constant 0 : index
    %get3A_12 = vector.load %arg1[%get3A_10, %get3A_11] : memref<1024x256xf32, #tpu.memory_space<vmem>>, vector<1024x256xf32>
    %get3A_13 = arith.constant 0 : index
    %get3A_14 = arith.constant 0 : index
    %get3A_15 = vector.load %arg2[%get3A_13, %get3A_14] : memref<1024x256xf32, #tpu.memory_space<vmem>>, vector<1024x256xf32>
    %sub3A = arith.subf %get3A_12, %get3A_15 : vector<1024x256xf32>
    %get3A_16 = arith.constant 0 : index
    %get3A_17 = arith.constant 0 : index
    %get3A_18 = vector.load %arg3[%get3A_16, %get3A_17] : memref<1024x256xf32, #tpu.memory_space<vmem>>, vector<1024x256xf32>
    %add3A = arith.addf %sub3A, %get3A_18 : vector<1024x256xf32>
    %dot_general3A_19 = arith.constant dense<0.000000e+00> : vector<1024x256xf32>
    %dot_general3A_20 = tpu.matmul %add3A, %get3A_1, %dot_general3A_19 {dimension_numbers = #tpu.dot_dimension_numbers<[1], [0], [0], [1], [0, 0, 1, 1], [], []>, transpose_lhs_hint = false} : vector<1024x256xf32>, vector<256x256xf32>, vector<1024x256xf32> -> vector<1024x256xf32>
    %max3A_21 = arith.constant 0.000000e+00 : f32
    %max3A_22 = vector.broadcast %max3A_21 : f32 to vector<1024x256xf32>
    %max3A_23 = arith.maximumf %dot_general3A_20, %max3A_22 : vector<1024x256xf32>
    %swap3A_24 = arith.constant 0 : index
    %swap3A_25 = arith.constant 0 : index
    %swap3A_26 = vector.load %arg6[%swap3A_24, %swap3A_25] : memref<1024x256xf32, #tpu.memory_space<vmem>>, vector<1024x256xf32>
    tpu.vector_store %arg6[%swap3A_24, %swap3A_25], %max3A_23 {strides = array<i32>} : memref<1024x256xf32, #tpu.memory_space<vmem>>, vector<1024x256xf32>,
    return
  }
  func.func @transform_0(%arg0: i32) -> (i32, i32) {
    %c0_i32 = arith.constant 0 : i32
    %c0_i32_0 = arith.constant 0 : i32
    return %arg0, %c0_i32 : i32, i32
  }
  func.func @transform_1(%arg0: i32) -> (i32, i32) {
    %c0_i32 = arith.constant 0 : i32
    %c0_i32_0 = arith.constant 0 : i32
    return %arg0, %c0_i32 : i32, i32
  }
  func.func @transform_2(%arg0: i32) -> (i32, i32) {
    %c0_i32 = arith.constant 0 : i32
    %c0_i32_0 = arith.constant 0 : i32
    return %arg0, %c0_i32 : i32, i32
  }
  func.func @transform_3(%arg0: i32) -> (i32, i32) {
    %c0_i32 = arith.constant 0 : i32
    %c0_i32_0 = arith.constant 0 : i32
    %c0_i32_1 = arith.constant 0 : i32
    return %c0_i32, %c0_i32_0 : i32, i32
  }
  func.func @transform_4(%arg0: i32) -> (i32, i32) {
    %c0_i32 = arith.constant 0 : i32
    %c0_i32_0 = arith.constant 0 : i32
    return %arg0, %c0_i32 : i32, i32
  }
  func.func @transform_5(%arg0: i32) -> (i32, i32) {
    %c0_i32 = arith.constant 0 : i32
    %c0_i32_0 = arith.constant 0 : i32
    return %arg0, %c0_i32 : i32, i32
  }
}

module attributes {stable_mosaic.version = 14 : i64} {
  func.func @_pred_body(%arg0: i32, %arg1: memref<400x256xf32, #tpu.memory_space<vmem>>, %arg2: memref<400x256xf32, #tpu.memory_space<vmem>>, %arg3: memref<256x10000xbf16, #tpu.memory_space<vmem>>, %arg4: memref<1x10000xf32, #tpu.memory_space<vmem>>, %arg5: memref<400x10000xf32, #tpu.memory_space<vmem>>) attributes {dimension_semantics = [#tpu.dimension_semantics<arbitrary>], iteration_bounds = array<i64: 25>, scalar_prefetch = 0 : i64, scratch_operands = 0 : i64, tpu.core_type = #tpu.core_type<tc>, window_params = [{transform_indices = @transform_0, window_bounds = array<i64: 400, 256>}, {transform_indices = @transform_1, window_bounds = array<i64: 400, 256>}, {pipeline_mode = #tpu.pipeline_mode<synchronous>, transform_indices = @transform_2, window_bounds = array<i64: 256, 10000>}, {pipeline_mode = #tpu.pipeline_mode<synchronous>, transform_indices = @transform_3, window_bounds = array<i64: 1, 10000>}, {transform_indices = @transform_4, window_bounds = array<i64: 400, 10000>}]} {
    %get3A = arith.constant 0 : index
    %get3A_0 = arith.constant 0 : index
    %get3A_1 = vector.load %arg1[%get3A, %get3A_0] : memref<400x256xf32, #tpu.memory_space<vmem>>, vector<400x256xf32>
    %get3A_2 = arith.constant 0 : index
    %get3A_3 = arith.constant 0 : index
    %get3A_4 = vector.load %arg2[%get3A_2, %get3A_3] : memref<400x256xf32, #tpu.memory_space<vmem>>, vector<400x256xf32>
    %add3A = arith.addf %get3A_1, %get3A_4 : vector<400x256xf32>
    %convert_element_type3A = arith.truncf %add3A : vector<400x256xf32> to vector<400x256xbf16>
    %get3A_5 = arith.constant 0 : index
    %get3A_6 = arith.constant 0 : index
    %get3A_7 = vector.load %arg3[%get3A_5, %get3A_6] : memref<256x10000xbf16, #tpu.memory_space<vmem>>, vector<256x10000xbf16>
    %dot_general3A = arith.constant dense<0.000000e+00> : vector<400x10000xf32>
    %dot_general3A_8 = tpu.matmul %convert_element_type3A, %get3A_7, %dot_general3A {dimension_numbers = #tpu.dot_dimension_numbers<[1], [0], [0], [1], [0, 0, 1, 1], [], []>, transpose_lhs_hint = false} : vector<400x256xbf16>, vector<256x10000xbf16>, vector<400x10000xf32> -> vector<400x10000xf32>
    %get3A_9 = arith.constant 0 : index
    %get3A_10 = arith.constant 0 : index
    %get3A_11 = vector.load %arg4[%get3A_9, %get3A_10] : memref<1x10000xf32, #tpu.memory_space<vmem>>, vector<1x10000xf32>
    %add3A_12 = vector.broadcast %get3A_11 : vector<1x10000xf32> to vector<400x10000xf32>
    %add3A_13 = arith.addf %dot_general3A_8, %add3A_12 : vector<400x10000xf32>
    %swap3A = arith.constant 0 : index
    %swap3A_14 = arith.constant 0 : index
    %swap3A_15 = vector.load %arg5[%swap3A, %swap3A_14] : memref<400x10000xf32, #tpu.memory_space<vmem>>, vector<400x10000xf32>
    tpu.vector_store %arg5[%swap3A, %swap3A_14], %add3A_13 {strides = array<i32>} : memref<400x10000xf32, #tpu.memory_space<vmem>>, vector<400x10000xf32>,
    return
  }
  func.func @transform_0(%arg0: i32) -> (i32, i32) {
    %c0_i32 = arith.constant 0 : i32
    %c0_i32_0 = arith.constant 0 : i32
    return %arg0, %c0_i32 : i32, i32
  }
  func.func @transform_1(%arg0: i32) -> (i32, i32) {
    %c0_i32 = arith.constant 0 : i32
    %c0_i32_0 = arith.constant 0 : i32
    return %arg0, %c0_i32 : i32, i32
  }
  func.func @transform_2(%arg0: i32) -> (i32, i32) {
    %c0_i32 = arith.constant 0 : i32
    %c0_i32_0 = arith.constant 0 : i32
    %c0_i32_1 = arith.constant 0 : i32
    return %c0_i32, %c0_i32_0 : i32, i32
  }
  func.func @transform_3(%arg0: i32) -> (i32, i32) {
    %c0_i32 = arith.constant 0 : i32
    %c0_i32_0 = arith.constant 0 : i32
    %c0_i32_1 = arith.constant 0 : i32
    return %c0_i32, %c0_i32_0 : i32, i32
  }
  func.func @transform_4(%arg0: i32) -> (i32, i32) {
    %c0_i32 = arith.constant 0 : i32
    %c0_i32_0 = arith.constant 0 : i32
    return %arg0, %c0_i32 : i32, i32
  }
}

</mosaic_0001>

<sc_bundles>
// kernel: kernel.14.cloned.1.call-start
scs
__scs_entry_jumppad:
0x0: {  	(pc) =	sbr.rel $0x88, $3  }
0x1: {  	(tag) =	ssettag $0x0;
	lr =	simm.s32 $0x1  }
0x2: {  	[smem:$0x3F93] =	sst lr;
	_ =	strace $0xD0000000  }
0x3: {  	_ = 	snop  }
0x4: {  	_ = 	snop  }
0x5: {  	_ = 	snop  }
0x6: {  	_ = 	snop  }
0x7: {  	_ = 	snop  }
__scs_overlays_trampoline_lowered:
0x8: {  	[smem:$0x3FA2] =	sst s0  }
0x9: {  	[smem:$0x3FA3] =	sst s1  }
0xa: {  	[smem:$0x3FA4] =	sst s2  }
0xb: {  	[smem:$0x3FA5] =	sst s3  }
0xc: {  	[smem:$0x3FA6] =	sst s4  }
0xd: {  	[smem:$0x3FA7] =	sst s5  }
0xe: {  	[smem:$0x3FA8] =	sst s6  }
0xf: {  	[smem:$0x3FA9] =	sst s7  }
0x10: {  	[smem:$0x3FAA] =	sst s8  }
0x11: {  	[smem:$0x3FAB] =	sst s9;
	s0 =	simm.s32 @!p0 $0x0  }
0x12: {  	s1 =	sld [smem:$0x3F91];
	s0 =	simm.s32 @p0 $0x1  }
0x13: {  	[smem:$0x3FAC] =	sst s0;
	s0 =	simm.s32 @!p1 $0x0  }
0x14: {  	s2 =	sld [smem:$0x3F90];
	s0 =	simm.s32 @p1 $0x1  }
0x15: {  	[smem:$0x3FAD] =	sst s0;
	s0 =	simm.s32 @!p2 $0x0  }
0x16: {  	s3 =	sld [smem:$0x3FDB];
	s0 =	simm.s32 @p2 $0x1  }
0x17: {  	s4 =	simm.s32 $0x1BF5;
	[smem:$0x3FAF] =	sst s0  }
0x18: {  	s0 =	sld [smem:$0x3F92];
	_ =	swait.ge [sflag:s4], $0x0  }
0x19: {  	s7 =	sld [smem:$0x3F93]  }
0x1a: {  	s8 =	sadd.s32 $0xFFFFE003, lr  }
0x1b: {  	s9 =	sadd.s32 $0xFFFFFEF7, lr;
	s5 =	simm.s32 $0xFFFFFFFF;
	p2 =	slt.u32 s8, $0xFFFFF086  }
0x1c: {  	p1 =	slt.u32 s9, $0xF7A;
	s5 =	simm.s32 @!p2 $0x0  }
0x1d: {  	s5 =	simm.s32 @p1 $0x1;
	p0 =	seq.s32 s7, s2  }
0x1e: {  	s7 =	smul.u32 @!p0 $0xF7A, s2;
	p2 =	seq.s32 @!p0 s5, $0x0  }
0x1f: {  	s9 =	smul.u32 $0xF7A, s1;
	s8 =	simm.s32 @!p0 $0x1BF5;
	p2 =	por !p2, p0  }
0x20: {  	[sflag:s8] =	ssyncset.s32 @!p0 $0xFFFFF086;
	s6 =	sadd.s32 @!p0 s3, s7;
	s7 =	simm.s32 @!p0 $0x108  }
0x21: {  	s3 =	sadd.s32 s3, s9;
	s6 =	sadd.s32 @!p0 $0x88, s6;
	s7 =	simm.s32 @p2 $0x1082  }
0x22: {  	[simem:s7], [sflag:s8] =	dma.local @!p0 [hbm:s6], $0xF7A  }
0x23: {  	s9 =	sor.u32 $0xD0000000, s2;
	s6 =	simm.s32 $0x108;
	_ =	swait.ge @!p0 [sflag:s8], $0x0  }
0x24: {  	s3 =	sadd.s32 $0x88, s3;
	s6 =	simm.s32 @!p1 $0x1082;
	[sflag:s4] =	ssyncset.s32 $0xFFFFF086  }
0x25: {  	[simem:s6], [sflag:s4] =	dma.local [hbm:s3], $0xF7A  }
0x26: {  	[smem:$0x3F93] =	sst s1;
	(tag) =	ssettag s2;
	_ =	strace s9  }
0x27: {  	s1 =	sld [smem:$0x3FA3]  }
0x28: {  	s2 =	sld [smem:$0x3FA4]  }
0x29: {  	s4 =	sld [smem:$0x3FA6]  }
0x2a: {  	p0 =	seq.s32 s5, $0x0;
	s5 =	sld [smem:$0x3FA7]  }
0x2b: {  	s6 =	sld [smem:$0x3FA8]  }
0x2c: {  	s7 =	sld [smem:$0x3FA9]  }
0x2d: {  	s3 =	simm.s32 $0x108;
	s8 =	sld [smem:$0x3FAA]  }
0x2e: {  	s3 =	simm.s32 @!p0 $0x1082;
	s9 =	sld [smem:$0x3FAB]  }
0x2f: {  	lr =	sadd.s32 s0, s3;
	s0 =	sld [smem:$0x3FA2]  }
0x30: {  	s3 =	sld [smem:$0x3FA5]  }
0x31: {  	[smem:$0x3FAE] =	sst s10  }
0x32: {  	s10 =	sld [smem:$0x3FAC];
	_ =	sdelay $0x3  }
0x33: {  	p0 =	seq.s32 s10, $0x1;
	s10 =	sld [smem:$0x3FAE];
	_ =	sdelay $0x3  }
0x34: {  	[smem:$0x3FAE] =	sst s10  }
0x35: {  	s10 =	sld [smem:$0x3FAD];
	_ =	sdelay $0x3  }
0x36: {  	p1 =	seq.s32 s10, $0x1;
	s10 =	sld [smem:$0x3FAE];
	_ =	sdelay $0x3  }
0x37: {  	[smem:$0x3FAE] =	sst s10  }
0x38: {  	s10 =	sld [smem:$0x3FAF]  }
0x39: {  	_ = 	snop;
	(pc) =	sbr.ind lr, $3  }
0x3a: {  	_ = 	snop  }
0x3b: {  	_ = 	snop  }
0x3c: {  	p2 =	seq.s32 s10, $0x1;
	s10 =	sld [smem:$0x3FAE]  }
0x3d: {  	_ =	shalt  }
0x3e: {  	_ =	shalt  }
0x3f: {  	_ =	shalt  }
0x40: {  	_ =	shalt  }
0x41: {  	_ =	shalt  }
0x42: {  	_ =	shalt  }
0x43: {  	_ =	shalt  }
0x44: {  	_ =	shalt  }
0x45: {  	_ =	shalt  }
0x46: {  	_ =	shalt  }
0x47: {  	_ =	shalt  }
0x48: {  	_ =	shalt  }
0x49: {  	_ =	shalt  }
0x4a: {  	_ =	shalt  }
0x4b: {  	_ =	shalt  }
0x4c: {  	_ =	shalt  }
0x4d: {  	_ =	shalt  }
0x4e: {  	_ =	shalt  }
0x4f: {  	_ =	shalt  }
0x50: {  	_ =	shalt  }
0x51: {  	_ =	shalt  }
0x52: {  	_ =	shalt  }
0x53: {  	_ =	shalt  }
0x54: {  	_ =	shalt  }
0x55: {  	_ =	shalt  }
0x56: {  	_ =	shalt  }
0x57: {  	_ =	shalt  }
0x58: {  	_ =	shalt  }
0x59: {  	_ =	shalt  }
0x5a: {  	_ =	shalt  }
0x5b: {  	_ =	shalt  }
0x5c: {  	_ =	shalt  }
0x5d: {  	_ =	shalt  }
0x5e: {  	_ =	shalt  }
0x5f: {  	_ =	shalt  }
0x60: {  	_ =	shalt  }
0x61: {  	_ =	shalt  }
0x62: {  	_ =	shalt  }
0x63: {  	_ =	shalt  }
0x64: {  	_ =	shalt  }
0x65: {  	_ =	shalt  }
0x66: {  	_ =	shalt  }
0x67: {  	_ =	shalt  }
0x68: {  	_ =	shalt  }
0x69: {  	_ =	shalt  }
0x6a: {  	_ =	shalt  }
0x6b: {  	_ =	shalt  }
0x6c: {  	_ =	shalt  }
0x6d: {  	_ =	shalt  }
0x6e: {  	_ =	shalt  }
0x6f: {  	_ =	shalt  }
0x70: {  	_ =	shalt  }
0x71: {  	_ =	shalt  }
0x72: {  	_ =	shalt  }
0x73: {  	_ =	shalt  }
0x74: {  	_ =	shalt  }
0x75: {  	_ =	shalt  }
0x76: {  	_ =	shalt  }
0x77: {  	_ =	shalt  }
0x78: {  	_ =	shalt  }
0x79: {  	_ =	shalt  }
0x7a: {  	_ =	shalt  }
0x7b: {  	_ =	shalt  }
0x7c: {  	_ =	shalt  }
0x7d: {  	_ =	shalt  }
0x7e: {  	_ =	shalt  }
0x7f: {  	_ =	shalt  }
0x80: {  	_ =	shalt  }
0x81: {  	_ =	shalt  }
0x82: {  	_ =	shalt  }
0x83: {  	_ =	shalt  }
0x84: {  	_ =	shalt  }
0x85: {  	_ =	shalt  }
0x86: {  	_ =	shalt  }
0x87: {  	_ =	shalt  }
.Lfunc_end0:
.L_simem_size_0:
called_computation_lowered:
.L_overlay_start_0:
0x88: {  	s2 =	sld [smem:$0x3FD9]  }
0x89: {  	s3 =	sld [smem:$0x3FFE];
	_ =	sdelay $0x1  }
0x8a: {  	s1 =	srdreg.scid  }
0x8b: {  	s0 =	sand.u32 $0x1, s1  }
0x8c: {  	s17 =	sshll.u32 s0, $0xA;
	s2 =	sadd.s32 s3, s2  }
0x8d: {  	s2 =	sadd.s32 s2, s17  }
0x8e: {  	[smem:$0x3FBA] =	sst s2  }
0x8f: {  	_ = 	snop  }
0x90: {  	s18 =	sld [smem:$0x3FC6];
	(tm) =	ssettm $0x1  }
0x91: {  	s19 =	sld [smem:$0x3FFB];
	_ =	sdelay $0x3  }
0x92: {  	_ =	strace s19  }
0x93: {  	s2 =	sld [smem:$0x3FFC];
	_ =	sdelay $0x3  }
0x94: {  	_ =	strace s2  }
0x95: {  	s2 =	sld [smem:$0x3FFD];
	_ =	sdelay $0x3  }
0x96: {  	_ =	strace s2  }
0x97: {  	_ =	strace $0x8FFFFFFF  }
0x98: {  	s20 =	sld [smem:$0x3FDB];
	_ =	sdelay $0x1  }
0x99: {  	s4 =	simm.s32 $_scs_section_size  }
0x9a: {  	s5 =	simm.s32 $_size__tile_overlayer_lowered;
	s6 =	simm.s32 $_tile_overlayer_lowered  }
0x9b: {  	s7 =	simm.s32 $0x1BFF;
	s21 =	sshll.u32 s6, $0x1;
	s4 =	sadd.s32 s4, s20  }
0x9c: {  	s22 =	simm.s32 $0x0;
	s5 =	sshll.u32 s5, $0x1;
	s6 =	sadd.s32 s21, s4  }
0x9d: {  	[timem:s22], [sflag:s7] =	dma.local [hbm:s6], s5  }
0x9e: {  	_ =	swait.ge [sflag:s7], s5  }
0x9f: {  	s5 =	ssub.s32 $0x0, s5;
	[sflag:s7] =	ssyncset.done $0x0  }
0xa0: {  	[sflag:s7] =	ssyncadd.s32 s5;
	_ =	sdelay $0x1  }
0xa1: {  	s23 =	simm.s32 $0x1B8B  }
0xa2: {  	_ =	swait.ge [sflag:s23], $0x1  }
0xa3: {  	[sflag:s23] =	ssyncset.done $0x0  }
0xa4: {  	[sflag:s23] =	ssyncadd.s32 $0xFFFFFFFF  }
0xa5: {  	s5 =	sld [smem:$0x0]  }
0xa6: {  	s6 =	sand.u32 $0xFFFFFFFE, s1  }
0xa7: {  	p0 =	sne.s32 s1, s6  }
0xa8: {  	s6 =	sshll.u32 @p0 s6, $0xE  }
0xa9: {  	s6 =	sadd.s32 @p0 $0x11B8D, s6;
	s7 =	sshll.u32 @p0 s5, $0x11  }
0xaa: {  	s6 =	sor.u32 @p0 s7, s6  }
0xab: {  	[sflag:s6] =	ssyncadd.remote.s32 @p0 $0x1;
	_ =	sdelay $0x1  }
0xac: {  	s6 =	simm.s32 @p0 $0x1B8D  }
0xad: {  	_ =	swait.eq @p0 [sflag:s6], $0x1  }
0xae: {  	[sflag:s6] =	ssyncadd.s32 @p0 $0xFFFFFFFF  }
0xaf: {  	s7 =	sshll.u32 @!p0 s1, $0xE  }
0xb0: {  	s7 =	sor.u32 @!p0 $0x4000, s7;
	s6 =	simm.s32 @!p0 $0x1B8D  }
0xb1: {  	s5 =	sshll.u32 @!p0 s5, $0x11;
	s7 =	sadd.s32 @!p0 $0x11B8D, s7;
	_ =	swait.eq @!p0 [sflag:s6], $0x1  }
0xb2: {  	s5 =	sor.u32 @!p0 s5, s7;
	[sflag:s6] =	ssyncadd.s32 @!p0 $0xFFFFFFFF  }
0xb3: {  	s25 =	simm.s32 $0x1B8E;
	s24 =	sld [smem:$0x3FFE];
	[sflag:s5] =	ssyncadd.remote.s32 @!p0 $0x1  }
0xb4: {  	s26 =	simm.s32 $execute0_lowered;
	[smem:$0x3FD2] =	sst s25  }
0xb5: {  	s6 =	sshll.u32 s26, $0x1;
	_ =	strace $0x80000049;
	[dreg:$0x1] =	wrdreg $0xFFFFFFFF  }
0xb6: {  	s28 =	simm.s32 $_size_execute0_lowered;
	s4 =	sadd.s32 s4, s6;
	[dreg:$0x0] =	wrdreg $0x0  }
0xb7: {  	s6 =	sshll.u32 s28, $0x1;
	[dreg:$0x2] =	wrdreg s4  }
0xb8: {  	[dreg:$0x3] =	wrdreg s6  }
0xb9: {  	[dreg:$0x4] =	wrdreg $0xC0  }
0xba: {  	_ =	task [dreg:s22], $0x5FFFF  }
0xbb: {  	[dreg:$0x1] =	wrdreg $0xFFFFFFFF  }
0xbc: {  	[dreg:$0x0] =	wrdreg $0x60  }
0xbd: {  	[dreg:$0x2] =	wrdreg s18  }
0xbe: {  	[dreg:$0x3] =	wrdreg s24  }
0xbf: {  	[dreg:$0x4] =	wrdreg $0x9  }
0xc0: {  	_ =	task.clear_ibuf [dreg:s22], $0x5FFFF;
	_ =	strace $0x90000049  }
0xc1: {  	s29 =	simm.s32 $0x9;
	_ =	strace $0x8000004B  }
0xc2: {  	_ =	swait.ge [sflag:s29], $0x1  }
0xc3: {  	[sflag:s29] =	ssyncadd.s32 $0xFFFFFFFF  }
0xc4: {  	_ =	strace $0x9000004B  }
0xc5: {  	_ =	sfence  }
0xc6: {  	s30 =	sld [smem:$0x0];
	_ =	sdelay $0x2  }
0xc7: {  	s31 =	sshll.u32 s1, $0xD;
	s1 =	sshrl.u32 s1, $0x2  }
0xc8: {  	s4 =	sand.u32 $0x4000, s31;
	s1 =	sadd.s32 s1, s30  }
0xc9: {  	s0 =	sor.u32 s4, s0;
	s1 =	sshll.u32 s1, $0x11  }
0xca: {  	s0 =	sor.u32 s1, s0  }
0xcb: {  	s0 =	sadd.s32 $0x8F2B, s0  }
0xcc: {  	[sflag:s0] =	ssyncadd.remote.s32 $0x1  }
0xcd: {  	_ =	sfence.sel $0xFFFF  }
0xce: {  	[dreg:$0x0] =	wrdreg $0xFFFFFFFF;
	(pc) =	sbr.abs _section_cstart, $3  }
0xcf: {  	[dreg:$0x1] =	wrdreg $0xFFFFFFFF  }
0xd0: {  	_ =	task.clear_ibuf [dreg:s22], $0x2FFFF;
	_ =	strace $0x9FFFFFFF  }
0xd1: {  	(tm) =	ssettm $0x7FFFFFFF  }
tec
execute0_lowered:
.L_overlay_start_1:
0x0: {  	(tag) =	ssettag $0x1  }
0x1: {  	s0 =	srdreg.scid;
	s2 =	rddreg [dreg:$0x0]  }
0x2: {  	s6 =	stileid.u32;
	s4 =	rddreg [dreg:$0x1];
	s3 =	simm.s32 $0x0  }
0x3: {  	s21 =	simm.s32 $0x6C00;
	s22 =	simm.s32 $0x7400;
	s23 =	simm.s32 $0x7C00  }
0x4: {  	s24 =	simm.s32 $0x8400;
	s28 =	simm.s32 $0x9C00;
	s29 =	simm.s32 $0xA400  }
0x5: {  	s30 =	simm.s32 $0xAC00;
	s31 =	simm.s32 $0xB400;
	s10 =	simm.s32 $0xDC00  }
0x6: {  	s11 =	simm.s32 $0xE400;
	s12 =	simm.s32 $0xEC00;
	s13 =	simm.s32 $0xF400  }
0x7: {  	s14 =	simm.s32 $0xFC00;
	s15 =	simm.s32 $0x10400;
	s16 =	simm.s32 $0x1  }
0x8: {  	s17 =	simm.s32 $0x2;
	s19 =	simm.s32 $0x0;
	s5 =	smul.u32 $0x28000, s6  }
0x9: {  	s0 =	sand.u32 $0x1, s0;
	s1 =	sshll.u32 s6, $0x1;
	s6 =	smul.u32 $0x140000, s6  }
0xa: {  	[smem:$0x7FF] =	sst s3;
	s7 =	ssub.s32 $0x2, s0;
	s8 =	smul.u32 $0xA0000, s0  }
0xb: {  	s1 =	sor.u32 s0, s1;
	s0 =	smul.u32 $0x14000, s0;
	s9 =	sshrl.u32 s7, $0x1  }
0xc: {  	_ =	strace $0x8000004A;
	s1 =	smul.u32 $0x180, s1;
	s7 =	ssub.s32 s7, s9  }
0xd: {  	s6 =	sadd.s32 s8, s6;
	s8 =	simm.s32 $0x3;
	s9 =	simm.s32 $0xC00  }
0xe: {  	s1 =	sadd.s32 s1, s4;
	s4 =	sadd.s32 $0xD000, s4;
	s25 =	sshrl.u32 s6, $0x3  }
.Ltmp0:
0xf: {  	s26 =	smax.u32 s7, $0x1;
	s5 =	sadd.s32 s5, s4;
	(pc) =	sbr.rel .LBB2_1-.Ltmp0, $4  }
0x10: {  	s1 =	sadd.s32 $0xA000, s1;
	[dreg:$0x4] =	wrdreg s26;
	s7 =	sadd.s32 s25, s4  }
0x11: {  	v2 =	vlaneseq.u32;
	s25 =	simm.s32 $0x8C00;
	s26 =	simm.s32 $0x9400;
	s4 =	simm.s32 $0xCC00  }
0x12: {  	vm0 =	vmmov $0xffff;
	v1 =	vshrl.u32 v2, $0x3;
	[dreg:$0x3] =	wrdreg s1;
	s0 =	sadd.s32 s0, s5;
	s1 =	simm.s32 $0xBC00  }
0x13: {  	v0 =	vand.u32 $0x7, v2;
	v2 =	vor.u32 $0x8, v2;
	v1 =	vmul.u32 $0x8, v1;
	s5 =	simm.s32 $0xD400;
	s6 =	sadd.s32 $0x1000, s0;
	s0 =	simm.s32 $0xC400  }
.LBB2_5:
0x14: {  	s19 =	rddreg [dreg:$0x5]  }
0x15: {  	s18 =	rddreg [dreg:$0x4];
	s19 =	sadd.s32 $0x1, s19  }
0x16: {  	p0 =	sne.s32 s19, s18  }
.Ltmp1:
0x17: {  	_ = 	snop;
	(pc) =	sbr.rel @!p0 .LBB2_6-.Ltmp1, $1  }
0x18: {  	_ =	sdelay $0x3  }
.LBB2_1:
0x19: {  	[dreg:$0x5] =	wrdreg s19  }
0x1a: {  	s18 =	rddreg [dreg:$0x3]  }
0x1b: {  	[tilespmem:s3], [sflag:$0x3] =	stream.linear.gather [hbm4b:s18+s3], $0xA00, $0x38;
	[tilespmem:$0x10C00] =	vst v63  }
0x1c: {  	_ =	swait.ge [sflag:s8], $0xA00  }
0x1d: {  	[sflag:s8] =	ssyncset.done $0x0  }
0x1e: {  	[sflag:s8] =	ssyncadd.s32 $0xFFFFF600  }
0x1f: {  	v3 =	vld [tilespmem:$0x0];
	_ =	sdelay $0x4  }
0x20: {  	v4 =	vshll.u32 v3, $0x1  }
0x21: {  	v3 =	vand.u32 $0x7, v3;
	v4 =	vand.u32 $0xFFFFFFF0, v4  }
0x22: {  	v3 =	vor.u32 v3, v4  }
0x23: {  	v4 =	vperm.xlane v3, v0;
	_ =	sdelay $0x1  }
0x24: {  	v3 =	vperm.xlane v3, v2;
	v4 =	vadd.s32 v1, v4;
	_ =	sdelay $0x1  }
0x25: {  	v3 =	vadd.s32 v1, v3;
	_ =	sdelay $0x2  }
0x26: {  	[tilespmem:s9], [sflag:$0x1] =	stream.indirect_vreg.gather [hbm4b:s2+s3], $0x80, v4, vm0, $0xb8;
	[tilespmem:$0x10C00] =	vst v63  }
0x27: {  	s20 =	simm.s32 $0x1400  }
0x28: {  	[tilespmem:s20], [sflag:$0x1] =	stream.indirect_vreg.gather [hbm4b:s2+s3], $0x80, v3, vm0, $0xb8;
	[tilespmem:$0x10C00] =	vst v63  }
0x29: {  	v3 =	vld [tilespmem:$0x10];
	_ =	sdelay $0x4  }
0x2a: {  	v57 =	vshll.u32 v3, $0x1  }
0x2b: {  	v3 =	vand.u32 $0x7, v3;
	v4 =	vand.u32 $0xFFFFFFF0, v57  }
0x2c: {  	v3 =	vor.u32 v3, v4  }
0x2d: {  	v4 =	vperm.xlane v3, v0;
	_ =	sdelay $0x1  }
0x2e: {  	v3 =	vperm.xlane v3, v2;
	v4 =	vadd.s32 v1, v4;
	_ =	sdelay $0x1  }
0x2f: {  	v3 =	vadd.s32 v1, v3;
	_ =	sdelay $0x1  }
0x30: {  	s19 =	simm.s32 $0x1C00  }
0x31: {  	[tilespmem:s19], [sflag:$0x1] =	stream.indirect_vreg.gather [hbm4b:s2+s3], $0x80, v4, vm0, $0xb8;
	[tilespmem:$0x10C00] =	vst v63  }
0x32: {  	s20 =	simm.s32 $0x2400  }
0x33: {  	[tilespmem:s20], [sflag:$0x1] =	stream.indirect_vreg.gather [hbm4b:s2+s3], $0x80, v3, vm0, $0xb8;
	[tilespmem:$0x10C00] =	vst v63  }
0x34: {  	v3 =	vld [tilespmem:$0x20];
	_ =	sdelay $0x4  }
0x35: {  	v58 =	vshll.u32 v3, $0x1  }
0x36: {  	v3 =	vand.u32 $0x7, v3;
	v4 =	vand.u32 $0xFFFFFFF0, v58  }
0x37: {  	v3 =	vor.u32 v3, v4  }
0x38: {  	v4 =	vperm.xlane v3, v0;
	_ =	sdelay $0x1  }
0x39: {  	v3 =	vperm.xlane v3, v2;
	v4 =	vadd.s32 v1, v4;
	_ =	sdelay $0x1  }
0x3a: {  	v3 =	vadd.s32 v1, v3;
	_ =	sdelay $0x1  }
0x3b: {  	s19 =	simm.s32 $0x2C00  }
0x3c: {  	[tilespmem:s19], [sflag:$0x1] =	stream.indirect_vreg.gather [hbm4b:s2+s3], $0x80, v4, vm0, $0xb8;
	[tilespmem:$0x10C00] =	vst v63  }
0x3d: {  	s20 =	simm.s32 $0x3400  }
0x3e: {  	[tilespmem:s20], [sflag:$0x1] =	stream.indirect_vreg.gather [hbm4b:s2+s3], $0x80, v3, vm0, $0xb8;
	[tilespmem:$0x10C00] =	vst v63  }
0x3f: {  	v3 =	vld [tilespmem:$0x30];
	_ =	sdelay $0x4  }
0x40: {  	v59 =	vshll.u32 v3, $0x1  }
0x41: {  	v3 =	vand.u32 $0x7, v3;
	v4 =	vand.u32 $0xFFFFFFF0, v59  }
0x42: {  	v3 =	vor.u32 v3, v4  }
0x43: {  	v4 =	vperm.xlane v3, v0;
	_ =	sdelay $0x1  }
0x44: {  	v3 =	vperm.xlane v3, v2;
	v4 =	vadd.s32 v1, v4;
	_ =	sdelay $0x1  }
0x45: {  	v3 =	vadd.s32 v1, v3;
	_ =	sdelay $0x1  }
0x46: {  	s19 =	simm.s32 $0x3C00  }
0x47: {  	[tilespmem:s19], [sflag:$0x1] =	stream.indirect_vreg.gather [hbm4b:s2+s3], $0x80, v4, vm0, $0xb8;
	[tilespmem:$0x10C00] =	vst v63  }
0x48: {  	s20 =	simm.s32 $0x4400  }
0x49: {  	[tilespmem:s20], [sflag:$0x1] =	stream.indirect_vreg.gather [hbm4b:s2+s3], $0x80, v3, vm0, $0xb8;
	[tilespmem:$0x10C00] =	vst v63  }
0x4a: {  	v3 =	vld [tilespmem:$0x40];
	_ =	sdelay $0x4  }
0x4b: {  	v60 =	vshll.u32 v3, $0x1  }
0x4c: {  	v3 =	vand.u32 $0x7, v3;
	v4 =	vand.u32 $0xFFFFFFF0, v60  }
0x4d: {  	v3 =	vor.u32 v3, v4  }
0x4e: {  	v4 =	vperm.xlane v3, v0;
	_ =	sdelay $0x1  }
0x4f: {  	v3 =	vperm.xlane v3, v2;
	v4 =	vadd.s32 v1, v4;
	_ =	sdelay $0x1  }
0x50: {  	v3 =	vadd.s32 v1, v3;
	_ =	sdelay $0x1  }
0x51: {  	s19 =	simm.s32 $0x4C00  }
0x52: {  	[tilespmem:s19], [sflag:$0x1] =	stream.indirect_vreg.gather [hbm4b:s2+s3], $0x80, v4, vm0, $0xb8;
	[tilespmem:$0x10C00] =	vst v63  }
0x53: {  	s20 =	simm.s32 $0x5400  }
0x54: {  	[tilespmem:s20], [sflag:$0x1] =	stream.indirect_vreg.gather [hbm4b:s2+s3], $0x80, v3, vm0, $0xb8;
	[tilespmem:$0x10C00] =	vst v63  }
0x55: {  	v3 =	vld [tilespmem:$0x50];
	_ =	sdelay $0x4  }
0x56: {  	v61 =	vshll.u32 v3, $0x1  }
0x57: {  	v3 =	vand.u32 $0x7, v3;
	v4 =	vand.u32 $0xFFFFFFF0, v61  }
0x58: {  	v3 =	vor.u32 v3, v4  }
0x59: {  	v4 =	vperm.xlane v3, v0;
	_ =	sdelay $0x1  }
0x5a: {  	v3 =	vperm.xlane v3, v2;
	v4 =	vadd.s32 v1, v4;
	_ =	sdelay $0x1  }
0x5b: {  	v3 =	vadd.s32 v1, v3;
	_ =	sdelay $0x1  }
0x5c: {  	s19 =	simm.s32 $0x5C00  }
0x5d: {  	[tilespmem:s19], [sflag:$0x1] =	stream.indirect_vreg.gather [hbm4b:s2+s3], $0x80, v4, vm0, $0xb8;
	[tilespmem:$0x10C00] =	vst v63  }
0x5e: {  	s20 =	simm.s32 $0x6400  }
0x5f: {  	[tilespmem:s20], [sflag:$0x1] =	stream.indirect_vreg.gather [hbm4b:s2+s3], $0x80, v3, vm0, $0xb8;
	[tilespmem:$0x10C00] =	vst v63  }
0x60: {  	v3 =	vld [tilespmem:$0x60];
	_ =	sdelay $0x4  }
0x61: {  	v62 =	vshll.u32 v3, $0x1  }
0x62: {  	v3 =	vand.u32 $0x7, v3;
	v4 =	vand.u32 $0xFFFFFFF0, v62  }
0x63: {  	v3 =	vor.u32 v3, v4  }
0x64: {  	v4 =	vperm.xlane v3, v0;
	_ =	sdelay $0x1  }
0x65: {  	v3 =	vperm.xlane v3, v2;
	v4 =	vadd.s32 v1, v4;
	_ =	sdelay $0x1  }
0x66: {  	v3 =	vadd.s32 v1, v3;
	_ =	sdelay $0x2  }
0x67: {  	[tilespmem:s21], [sflag:$0x1] =	stream.indirect_vreg.gather [hbm4b:s2+s3], $0x80, v4, vm0, $0xb8;
	[tilespmem:$0x10C00] =	vst v63  }
0x68: {  	_ = 	snop  }
0x69: {  	[tilespmem:s22], [sflag:$0x1] =	stream.indirect_vreg.gather [hbm4b:s2+s3], $0x80, v3, vm0, $0xb8;
	[tilespmem:$0x10C00] =	vst v63  }
0x6a: {  	v3 =	vld [tilespmem:$0x70];
	_ =	sdelay $0x4  }
0x6b: {  	v63 =	vshll.u32 v3, $0x1  }
0x6c: {  	v3 =	vand.u32 $0x7, v3;
	v4 =	vand.u32 $0xFFFFFFF0, v63  }
0x6d: {  	v3 =	vor.u32 v3, v4  }
0x6e: {  	v4 =	vperm.xlane v3, v0;
	_ =	sdelay $0x1  }
0x6f: {  	v3 =	vperm.xlane v3, v2;
	v4 =	vadd.s32 v1, v4;
	_ =	sdelay $0x1  }
0x70: {  	v3 =	vadd.s32 v1, v3  }
.Ltmp2:
0x71: {  	_ = 	snop;
	(pc) =	sbr.rel .LBB2_2-.Ltmp2, $4  }
0x72: {  	_ = 	snop  }
0x73: {  	[tilespmem:s23], [sflag:$0x1] =	stream.indirect_vreg.gather [hbm4b:s2+s3], $0x80, v4, vm0, $0xb8;
	[tilespmem:$0x10C00] =	vst v63  }
0x74: {  	s18 =	simm.s32 $0xC0;
	s19 =	simm.s32 $0x0  }
0x75: {  	[tilespmem:s24], [sflag:$0x1] =	stream.indirect_vreg.gather [hbm4b:s2+s3], $0x80, v3, vm0, $0xb8;
	[tilespmem:$0x10C00] =	vst v63  }
.LBB2_4:
0x76: {  	_ =	swait.ge [sflag:s17], $0x8000;
	s20 =	sadd.s32 s19, s6;
	s19 =	sadd.s32 $0x2000, s19  }
0x77: {  	[sflag:s17] =	ssyncset.done $0x0;
	p0 =	sne.s32 s19, $0x14000  }
.Ltmp3:
0x78: {  	[sflag:s17] =	ssyncadd.s32 $0xFFFF8000;
	(pc) =	sbr.rel @!p0 .LBB2_5-.Ltmp3, $4  }
0x79: {  	[hbm4b:s20+s3] =	stream.linear.scatter [tilespmem:s25], [sflag:$0x3], $0x8000, $0x38;
	[tilespmem:$0x10C00] =	vst v63  }
0x7a: {  	_ =	swait.ge [sflag:s8], $0x8000  }
0x7b: {  	[sflag:s8] =	ssyncset.done $0x0  }
0x7c: {  	s18 =	sadd.s32 $0x100, s18;
	[sflag:s8] =	ssyncadd.s32 $0xFFFF8000  }
.LBB2_2:
0x7d: {  	v3 =	vld [tilespmem:s18+$0xFFFFFFC0];
	_ =	sdelay $0x4  }
0x7e: {  	v4 =	vshll.u32 v3, $0x1  }
0x7f: {  	v3 =	vand.u32 $0x7, v3;
	v4 =	vand.u32 $0xFFFFFFF0, v4  }
0x80: {  	v3 =	vor.u32 v3, v4  }
0x81: {  	v4 =	vperm.xlane v3, v0;
	_ =	sdelay $0x1  }
0x82: {  	v3 =	vperm.xlane v3, v2;
	v4 =	vadd.s32 v1, v4;
	_ =	sdelay $0x1  }
0x83: {  	v3 =	vadd.s32 v1, v3;
	_ =	sdelay $0x2  }
0x84: {  	[tilespmem:s25], [sflag:$0x2] =	stream.indirect_vreg.gather [hbm4b:s2+s3], $0x80, v4, vm0, $0xb8;
	[tilespmem:$0x10C00] =	vst v63  }
0x85: {  	_ = 	snop  }
0x86: {  	[tilespmem:s26], [sflag:$0x2] =	stream.indirect_vreg.gather [hbm4b:s2+s3], $0x80, v3, vm0, $0xb8;
	[tilespmem:$0x10C00] =	vst v63  }
0x87: {  	v3 =	vld [tilespmem:s18+$0xFFFFFFD0];
	_ =	sdelay $0x4  }
0x88: {  	v57 =	vshll.u32 v3, $0x1  }
0x89: {  	v3 =	vand.u32 $0x7, v3;
	v4 =	vand.u32 $0xFFFFFFF0, v57  }
0x8a: {  	v3 =	vor.u32 v3, v4  }
0x8b: {  	v4 =	vperm.xlane v3, v0;
	_ =	sdelay $0x1  }
0x8c: {  	v3 =	vperm.xlane v3, v2;
	v4 =	vadd.s32 v1, v4;
	_ =	sdelay $0x1  }
0x8d: {  	v3 =	vadd.s32 v1, v3;
	_ =	sdelay $0x2  }
0x8e: {  	[tilespmem:s28], [sflag:$0x2] =	stream.indirect_vreg.gather [hbm4b:s2+s3], $0x80, v4, vm0, $0xb8;
	[tilespmem:$0x10C00] =	vst v63  }
0x8f: {  	_ = 	snop  }
0x90: {  	[tilespmem:s29], [sflag:$0x2] =	stream.indirect_vreg.gather [hbm4b:s2+s3], $0x80, v3, vm0, $0xb8;
	[tilespmem:$0x10C00] =	vst v63  }
0x91: {  	v3 =	vld [tilespmem:s18+$0xFFFFFFE0];
	_ =	sdelay $0x4  }
0x92: {  	v58 =	vshll.u32 v3, $0x1  }
0x93: {  	v3 =	vand.u32 $0x7, v3;
	v4 =	vand.u32 $0xFFFFFFF0, v58  }
0x94: {  	v3 =	vor.u32 v3, v4  }
0x95: {  	v4 =	vperm.xlane v3, v0;
	_ =	sdelay $0x1  }
0x96: {  	v3 =	vperm.xlane v3, v2;
	v4 =	vadd.s32 v1, v4;
	_ =	sdelay $0x1  }
0x97: {  	v3 =	vadd.s32 v1, v3;
	_ =	sdelay $0x2  }
0x98: {  	[tilespmem:s30], [sflag:$0x2] =	stream.indirect_vreg.gather [hbm4b:s2+s3], $0x80, v4, vm0, $0xb8;
	[tilespmem:$0x10C00] =	vst v63  }
0x99: {  	_ = 	snop  }
0x9a: {  	[tilespmem:s31], [sflag:$0x2] =	stream.indirect_vreg.gather [hbm4b:s2+s3], $0x80, v3, vm0, $0xb8;
	[tilespmem:$0x10C00] =	vst v63  }
0x9b: {  	v3 =	vld [tilespmem:s18+$0xFFFFFFF0];
	_ =	sdelay $0x4  }
0x9c: {  	v59 =	vshll.u32 v3, $0x1  }
0x9d: {  	v3 =	vand.u32 $0x7, v3;
	v4 =	vand.u32 $0xFFFFFFF0, v59  }
0x9e: {  	v3 =	vor.u32 v3, v4  }
0x9f: {  	v4 =	vperm.xlane v3, v0;
	_ =	sdelay $0x1  }
0xa0: {  	v3 =	vperm.xlane v3, v2;
	v4 =	vadd.s32 v1, v4;
	_ =	sdelay $0x1  }
0xa1: {  	v3 =	vadd.s32 v1, v3;
	_ =	sdelay $0x2  }
0xa2: {  	[tilespmem:s1], [sflag:$0x2] =	stream.indirect_vreg.gather [hbm4b:s2+s3], $0x80, v4, vm0, $0xb8;
	[tilespmem:$0x10C00] =	vst v63  }
0xa3: {  	_ = 	snop  }
0xa4: {  	[tilespmem:s0], [sflag:$0x2] =	stream.indirect_vreg.gather [hbm4b:s2+s3], $0x80, v3, vm0, $0xb8;
	[tilespmem:$0x10C00] =	vst v63  }
0xa5: {  	v3 =	vld [tilespmem:s18+$0x0];
	_ =	sdelay $0x4  }
0xa6: {  	v60 =	vshll.u32 v3, $0x1  }
0xa7: {  	v3 =	vand.u32 $0x7, v3;
	v4 =	vand.u32 $0xFFFFFFF0, v60  }
0xa8: {  	v3 =	vor.u32 v3, v4  }
0xa9: {  	v4 =	vperm.xlane v3, v0;
	_ =	sdelay $0x1  }
0xaa: {  	v3 =	vperm.xlane v3, v2;
	v4 =	vadd.s32 v1, v4;
	_ =	sdelay $0x1  }
0xab: {  	v3 =	vadd.s32 v1, v3;
	_ =	sdelay $0x2  }
0xac: {  	[tilespmem:s4], [sflag:$0x2] =	stream.indirect_vreg.gather [hbm4b:s2+s3], $0x80, v4, vm0, $0xb8;
	[tilespmem:$0x10C00] =	vst v63  }
0xad: {  	_ = 	snop  }
0xae: {  	[tilespmem:s5], [sflag:$0x2] =	stream.indirect_vreg.gather [hbm4b:s2+s3], $0x80, v3, vm0, $0xb8;
	[tilespmem:$0x10C00] =	vst v63  }
0xaf: {  	v3 =	vld [tilespmem:s18+$0x10];
	_ =	sdelay $0x4  }
0xb0: {  	v61 =	vshll.u32 v3, $0x1  }
0xb1: {  	v3 =	vand.u32 $0x7, v3;
	v4 =	vand.u32 $0xFFFFFFF0, v61  }
0xb2: {  	v3 =	vor.u32 v3, v4  }
0xb3: {  	v4 =	vperm.xlane v3, v0;
	_ =	sdelay $0x1  }
0xb4: {  	v3 =	vperm.xlane v3, v2;
	v4 =	vadd.s32 v1, v4;
	_ =	sdelay $0x1  }
0xb5: {  	v3 =	vadd.s32 v1, v3;
	_ =	sdelay $0x2  }
0xb6: {  	[tilespmem:s10], [sflag:$0x2] =	stream.indirect_vreg.gather [hbm4b:s2+s3], $0x80, v4, vm0, $0xb8;
	[tilespmem:$0x10C00] =	vst v63  }
0xb7: {  	_ = 	snop  }
0xb8: {  	[tilespmem:s11], [sflag:$0x2] =	stream.indirect_vreg.gather [hbm4b:s2+s3], $0x80, v3, vm0, $0xb8;
	[tilespmem:$0x10C00] =	vst v63  }
0xb9: {  	v3 =	vld [tilespmem:s18+$0x20];
	_ =	sdelay $0x4  }
0xba: {  	v62 =	vshll.u32 v3, $0x1  }
0xbb: {  	v3 =	vand.u32 $0x7, v3;
	v4 =	vand.u32 $0xFFFFFFF0, v62  }
0xbc: {  	v3 =	vor.u32 v3, v4  }
0xbd: {  	v4 =	vperm.xlane v3, v0;
	_ =	sdelay $0x1  }
0xbe: {  	v3 =	vperm.xlane v3, v2;
	v4 =	vadd.s32 v1, v4;
	_ =	sdelay $0x1  }
0xbf: {  	v3 =	vadd.s32 v1, v3;
	_ =	sdelay $0x2  }
0xc0: {  	[tilespmem:s12], [sflag:$0x2] =	stream.indirect_vreg.gather [hbm4b:s2+s3], $0x80, v4, vm0, $0xb8;
	[tilespmem:$0x10C00] =	vst v63  }
0xc1: {  	_ = 	snop  }
0xc2: {  	[tilespmem:s13], [sflag:$0x2] =	stream.indirect_vreg.gather [hbm4b:s2+s3], $0x80, v3, vm0, $0xb8;
	[tilespmem:$0x10C00] =	vst v63  }
0xc3: {  	v3 =	vld [tilespmem:s18+$0x30];
	_ =	sdelay $0x4  }
0xc4: {  	v63 =	vshll.u32 v3, $0x1  }
0xc5: {  	v3 =	vand.u32 $0x7, v3;
	v4 =	vand.u32 $0xFFFFFFF0, v63  }
0xc6: {  	v3 =	vor.u32 v3, v4  }
0xc7: {  	v4 =	vperm.xlane v3, v0;
	_ =	sdelay $0x1  }
0xc8: {  	v3 =	vperm.xlane v3, v2;
	v4 =	vadd.s32 v1, v4;
	_ =	sdelay $0x1  }
0xc9: {  	v3 =	vadd.s32 v1, v3;
	_ =	sdelay $0x2  }
0xca: {  	[tilespmem:s14], [sflag:$0x2] =	stream.indirect_vreg.gather [hbm4b:s2+s3], $0x80, v4, vm0, $0xb8;
	[tilespmem:$0x10C00] =	vst v63  }
0xcb: {  	_ = 	snop  }
0xcc: {  	[tilespmem:s15], [sflag:$0x2] =	stream.indirect_vreg.gather [hbm4b:s2+s3], $0x80, v3, vm0, $0xb8;
	[tilespmem:$0x10C00] =	vst v63  }
0xcd: {  	_ =	swait.ge [sflag:s16], $0x8000  }
0xce: {  	p0 =	seq.s32 s19, $0x12000;
	[sflag:s16] =	ssyncset.done $0x0  }
.Ltmp4:
0xcf: {  	s20 =	sadd.s32 s19, s7;
	[sflag:s16] =	ssyncadd.s32 $0xFFFF8000;
	(pc) =	sbr.rel @p0 .LBB2_4-.Ltmp4, $4  }
0xd0: {  	[hbm4b:s20+s3] =	stream.linear.scatter [tilespmem:s9], [sflag:$0x3], $0x8000, $0x38;
	[tilespmem:$0x10C00] =	vst v63  }
0xd1: {  	_ =	swait.ge [sflag:s8], $0x8000  }
0xd2: {  	[sflag:s8] =	ssyncset.done $0x0  }
0xd3: {  	[sflag:s8] =	ssyncadd.s32 $0xFFFF8000  }
0xd4: {  	v3 =	vld [tilespmem:s18+$0x40];
	_ =	sdelay $0x4  }
0xd5: {  	v4 =	vshll.u32 v3, $0x1  }
0xd6: {  	v3 =	vand.u32 $0x7, v3;
	v4 =	vand.u32 $0xFFFFFFF0, v4  }
0xd7: {  	v3 =	vor.u32 v3, v4  }
0xd8: {  	v4 =	vperm.xlane v3, v0;
	_ =	sdelay $0x1  }
0xd9: {  	v3 =	vperm.xlane v3, v2;
	v4 =	vadd.s32 v1, v4;
	_ =	sdelay $0x1  }
0xda: {  	v3 =	vadd.s32 v1, v3;
	_ =	sdelay $0x2  }
0xdb: {  	[tilespmem:s9], [sflag:$0x1] =	stream.indirect_vreg.gather [hbm4b:s2+s3], $0x80, v4, vm0, $0xb8;
	[tilespmem:$0x10C00] =	vst v63  }
0xdc: {  	s20 =	simm.s32 $0x1400  }
0xdd: {  	[tilespmem:s20], [sflag:$0x1] =	stream.indirect_vreg.gather [hbm4b:s2+s3], $0x80, v3, vm0, $0xb8;
	[tilespmem:$0x10C00] =	vst v63  }
0xde: {  	v3 =	vld [tilespmem:s18+$0x50];
	_ =	sdelay $0x4  }
0xdf: {  	v57 =	vshll.u32 v3, $0x1  }
0xe0: {  	v3 =	vand.u32 $0x7, v3;
	v4 =	vand.u32 $0xFFFFFFF0, v57  }
0xe1: {  	v3 =	vor.u32 v3, v4  }
0xe2: {  	v4 =	vperm.xlane v3, v0;
	_ =	sdelay $0x1  }
0xe3: {  	v3 =	vperm.xlane v3, v2;
	v4 =	vadd.s32 v1, v4;
	_ =	sdelay $0x1  }
0xe4: {  	v3 =	vadd.s32 v1, v3;
	_ =	sdelay $0x1  }
0xe5: {  	s20 =	simm.s32 $0x1C00  }
0xe6: {  	[tilespmem:s20], [sflag:$0x1] =	stream.indirect_vreg.gather [hbm4b:s2+s3], $0x80, v4, vm0, $0xb8;
	[tilespmem:$0x10C00] =	vst v63  }
0xe7: {  	s20 =	simm.s32 $0x2400  }
0xe8: {  	[tilespmem:s20], [sflag:$0x1] =	stream.indirect_vreg.gather [hbm4b:s2+s3], $0x80, v3, vm0, $0xb8;
	[tilespmem:$0x10C00] =	vst v63  }
0xe9: {  	v3 =	vld [tilespmem:s18+$0x60];
	_ =	sdelay $0x4  }
0xea: {  	v58 =	vshll.u32 v3, $0x1  }
0xeb: {  	v3 =	vand.u32 $0x7, v3;
	v4 =	vand.u32 $0xFFFFFFF0, v58  }
0xec: {  	v3 =	vor.u32 v3, v4  }
0xed: {  	v4 =	vperm.xlane v3, v0;
	_ =	sdelay $0x1  }
0xee: {  	v3 =	vperm.xlane v3, v2;
	v4 =	vadd.s32 v1, v4;
	_ =	sdelay $0x1  }
0xef: {  	v3 =	vadd.s32 v1, v3;
	_ =	sdelay $0x1  }
0xf0: {  	s20 =	simm.s32 $0x2C00  }
0xf1: {  	[tilespmem:s20], [sflag:$0x1] =	stream.indirect_vreg.gather [hbm4b:s2+s3], $0x80, v4, vm0, $0xb8;
	[tilespmem:$0x10C00] =	vst v63  }
0xf2: {  	s20 =	simm.s32 $0x3400  }
0xf3: {  	[tilespmem:s20], [sflag:$0x1] =	stream.indirect_vreg.gather [hbm4b:s2+s3], $0x80, v3, vm0, $0xb8;
	[tilespmem:$0x10C00] =	vst v63  }
0xf4: {  	v3 =	vld [tilespmem:s18+$0x70];
	_ =	sdelay $0x4  }
0xf5: {  	v59 =	vshll.u32 v3, $0x1  }
0xf6: {  	v3 =	vand.u32 $0x7, v3;
	v4 =	vand.u32 $0xFFFFFFF0, v59  }
0xf7: {  	v3 =	vor.u32 v3, v4  }
0xf8: {  	v4 =	vperm.xlane v3, v0;
	_ =	sdelay $0x1  }
0xf9: {  	v3 =	vperm.xlane v3, v2;
	v4 =	vadd.s32 v1, v4;
	_ =	sdelay $0x1  }
0xfa: {  	v3 =	vadd.s32 v1, v3;
	_ =	sdelay $0x1  }
0xfb: {  	s20 =	simm.s32 $0x3C00  }
0xfc: {  	[tilespmem:s20], [sflag:$0x1] =	stream.indirect_vreg.gather [hbm4b:s2+s3], $0x80, v4, vm0, $0xb8;
	[tilespmem:$0x10C00] =	vst v63  }
0xfd: {  	s20 =	simm.s32 $0x4400  }
0xfe: {  	[tilespmem:s20], [sflag:$0x1] =	stream.indirect_vreg.gather [hbm4b:s2+s3], $0x80, v3, vm0, $0xb8;
	[tilespmem:$0x10C00] =	vst v63  }
0xff: {  	v3 =	vld [tilespmem:s18+$0x80];
	_ =	sdelay $0x4  }
0x100: {  	v60 =	vshll.u32 v3, $0x1  }
0x101: {  	v3 =	vand.u32 $0x7, v3;
	v4 =	vand.u32 $0xFFFFFFF0, v60  }
0x102: {  	v3 =	vor.u32 v3, v4  }
0x103: {  	v4 =	vperm.xlane v3, v0;
	_ =	sdelay $0x1  }
0x104: {  	v3 =	vperm.xlane v3, v2;
	v4 =	vadd.s32 v1, v4;
	_ =	sdelay $0x1  }
0x105: {  	v3 =	vadd.s32 v1, v3;
	_ =	sdelay $0x1  }
0x106: {  	s20 =	simm.s32 $0x4C00  }
0x107: {  	[tilespmem:s20], [sflag:$0x1] =	stream.indirect_vreg.gather [hbm4b:s2+s3], $0x80, v4, vm0, $0xb8;
	[tilespmem:$0x10C00] =	vst v63  }
0x108: {  	s20 =	simm.s32 $0x5400  }
0x109: {  	[tilespmem:s20], [sflag:$0x1] =	stream.indirect_vreg.gather [hbm4b:s2+s3], $0x80, v3, vm0, $0xb8;
	[tilespmem:$0x10C00] =	vst v63  }
0x10a: {  	v3 =	vld [tilespmem:s18+$0x90];
	_ =	sdelay $0x4  }
0x10b: {  	v61 =	vshll.u32 v3, $0x1  }
0x10c: {  	v3 =	vand.u32 $0x7, v3;
	v4 =	vand.u32 $0xFFFFFFF0, v61  }
0x10d: {  	v3 =	vor.u32 v3, v4  }
0x10e: {  	v4 =	vperm.xlane v3, v0;
	_ =	sdelay $0x1  }
0x10f: {  	v3 =	vperm.xlane v3, v2;
	v4 =	vadd.s32 v1, v4;
	_ =	sdelay $0x1  }
0x110: {  	v3 =	vadd.s32 v1, v3;
	_ =	sdelay $0x1  }
0x111: {  	s20 =	simm.s32 $0x5C00  }
0x112: {  	[tilespmem:s20], [sflag:$0x1] =	stream.indirect_vreg.gather [hbm4b:s2+s3], $0x80, v4, vm0, $0xb8;
	[tilespmem:$0x10C00] =	vst v63  }
0x113: {  	s20 =	simm.s32 $0x6400  }
0x114: {  	[tilespmem:s20], [sflag:$0x1] =	stream.indirect_vreg.gather [hbm4b:s2+s3], $0x80, v3, vm0, $0xb8;
	[tilespmem:$0x10C00] =	vst v63  }
0x115: {  	v3 =	vld [tilespmem:s18+$0xA0];
	_ =	sdelay $0x4  }
0x116: {  	v62 =	vshll.u32 v3, $0x1  }
0x117: {  	v3 =	vand.u32 $0x7, v3;
	v4 =	vand.u32 $0xFFFFFFF0, v62  }
0x118: {  	v3 =	vor.u32 v3, v4  }
0x119: {  	v4 =	vperm.xlane v3, v0;
	_ =	sdelay $0x1  }
0x11a: {  	v3 =	vperm.xlane v3, v2;
	v4 =	vadd.s32 v1, v4;
	_ =	sdelay $0x1  }
0x11b: {  	v3 =	vadd.s32 v1, v3;
	_ =	sdelay $0x2  }
0x11c: {  	[tilespmem:s21], [sflag:$0x1] =	stream.indirect_vreg.gather [hbm4b:s2+s3], $0x80, v4, vm0, $0xb8;
	[tilespmem:$0x10C00] =	vst v63  }
0x11d: {  	_ = 	snop  }
0x11e: {  	[tilespmem:s22], [sflag:$0x1] =	stream.indirect_vreg.gather [hbm4b:s2+s3], $0x80, v3, vm0, $0xb8;
	[tilespmem:$0x10C00] =	vst v63  }
0x11f: {  	v3 =	vld [tilespmem:s18+$0xB0];
	_ =	sdelay $0x4  }
0x120: {  	v63 =	vshll.u32 v3, $0x1  }
0x121: {  	v3 =	vand.u32 $0x7, v3;
	v4 =	vand.u32 $0xFFFFFFF0, v63  }
0x122: {  	v3 =	vor.u32 v3, v4  }
0x123: {  	v4 =	vperm.xlane v3, v0;
	_ =	sdelay $0x1  }
0x124: {  	v3 =	vperm.xlane v3, v2;
	v4 =	vadd.s32 v1, v4;
	_ =	sdelay $0x1  }
0x125: {  	v3 =	vadd.s32 v1, v3  }
.Ltmp5:
0x126: {  	_ = 	snop;
	(pc) =	sbr.rel .LBB2_4-.Ltmp5, $4  }
0x127: {  	_ = 	snop  }
0x128: {  	[tilespmem:s23], [sflag:$0x1] =	stream.indirect_vreg.gather [hbm4b:s2+s3], $0x80, v4, vm0, $0xb8;
	[tilespmem:$0x10C00] =	vst v63  }
0x129: {  	_ = 	snop  }
0x12a: {  	[tilespmem:s24], [sflag:$0x1] =	stream.indirect_vreg.gather [hbm4b:s2+s3], $0x80, v3, vm0, $0xb8;
	[tilespmem:$0x10C00] =	vst v63  }
.LBB2_6:
0x12b: {  	_ =	sfence.sel $0x180000  }
0x12c: {  	[bflag:$0x0] =	sbarrier.arrive $0xFFFF  }
0x12d: {  	_ =	strace $0x9000004A  }
0x12e: {  	s0 =	stileid.u32;
	[bflag:$0x2] =	sbarrier.arrive $0xFFFF  }
0x12f: {  	p0 =	sne.s32 s0, $0x0;
	s0 =	rddreg [dreg:$0x2]  }
0x130: {  	s0 =	sadd.s32 @!p0 $0x100000, s0  }
0x131: {  	[sflag:s0] =	ssyncadd.tile.s32 @!p0 $0x1;
	_ =	shalt  }
.Lfunc_end2:
_tile_overlayer_lowered:
.L_overlay_start_2:
0x132: {  	(tag) =	ssettag $0x2  }
0x133: {  	s0 =	rddreg [dreg:$0x0];
	s2 =	stileid.u32  }
0x134: {  	s1 =	rddreg [dreg:$0x1];
	p0 =	sne.s32 s2, $0x0  }
0x135: {  	s3 =	rddreg [dreg:$0x2];
	[bflag:$0x3] =	sbarrier.arrive $0xFFFF;
	s2 =	simm.s32 @!p0 $0x1C03  }
0x136: {  	[timem:s3], [sflag:s2] =	dma.local @!p0 [hbm:s0], s1  }
0x137: {  	s0 =	simm.s32 @!p0 $0x3  }
0x138: {  	_ =	swait.ge @!p0 [sflag:s0], s1  }
0x139: {  	s1 =	ssub.s32 @!p0 $0x0, s1;
	[sflag:s0] =	ssyncset.done @!p0 $0x0  }
0x13a: {  	[sflag:s0] =	ssyncadd.s32 @!p0 s1  }
0x13b: {  	[bflag:$0x3] =	sbarrier.arrive $0xFFFF  }
0x13c: {  	_ =	shalt  }

// kernel: kernel.17.cloned.1.call-start
scs
__scs_entry_jumppad:
0x0: {  	(pc) =	sbr.rel $0x88, $3  }
0x1: {  	(tag) =	ssettag $0x0;
	lr =	simm.s32 $0x1  }
0x2: {  	[smem:$0x3F93] =	sst lr;
	_ =	strace $0xD0000000  }
0x3: {  	_ = 	snop  }
0x4: {  	_ = 	snop  }
0x5: {  	_ = 	snop  }
0x6: {  	_ = 	snop  }
0x7: {  	_ = 	snop  }
__scs_overlays_trampoline_lowered:
0x8: {  	[smem:$0x3FA2] =	sst s0  }
0x9: {  	[smem:$0x3FA3] =	sst s1  }
0xa: {  	[smem:$0x3FA4] =	sst s2  }
0xb: {  	[smem:$0x3FA5] =	sst s3  }
0xc: {  	[smem:$0x3FA6] =	sst s4  }
0xd: {  	[smem:$0x3FA7] =	sst s5  }
0xe: {  	[smem:$0x3FA8] =	sst s6  }
0xf: {  	[smem:$0x3FA9] =	sst s7  }
0x10: {  	[smem:$0x3FAA] =	sst s8  }
0x11: {  	[smem:$0x3FAB] =	sst s9;
	s0 =	simm.s32 @!p0 $0x0  }
0x12: {  	s1 =	sld [smem:$0x3F91];
	s0 =	simm.s32 @p0 $0x1  }
0x13: {  	[smem:$0x3FAC] =	sst s0;
	s0 =	simm.s32 @!p1 $0x0  }
0x14: {  	s2 =	sld [smem:$0x3F90];
	s0 =	simm.s32 @p1 $0x1  }
0x15: {  	[smem:$0x3FAD] =	sst s0;
	s0 =	simm.s32 @!p2 $0x0  }
0x16: {  	s3 =	sld [smem:$0x3FDB];
	s0 =	simm.s32 @p2 $0x1  }
0x17: {  	s4 =	simm.s32 $0x1BF5;
	[smem:$0x3FAF] =	sst s0  }
0x18: {  	s0 =	sld [smem:$0x3F92];
	_ =	swait.ge [sflag:s4], $0x0  }
0x19: {  	s7 =	sld [smem:$0x3F93]  }
0x1a: {  	s8 =	sadd.s32 $0xFFFFE003, lr  }
0x1b: {  	s9 =	sadd.s32 $0xFFFFFEF7, lr;
	s5 =	simm.s32 $0xFFFFFFFF;
	p2 =	slt.u32 s8, $0xFFFFF086  }
0x1c: {  	p1 =	slt.u32 s9, $0xF7A;
	s5 =	simm.s32 @!p2 $0x0  }
0x1d: {  	s5 =	simm.s32 @p1 $0x1;
	p0 =	seq.s32 s7, s2  }
0x1e: {  	s7 =	smul.u32 @!p0 $0xF7A, s2;
	p2 =	seq.s32 @!p0 s5, $0x0  }
0x1f: {  	s9 =	smul.u32 $0xF7A, s1;
	s8 =	simm.s32 @!p0 $0x1BF5;
	p2 =	por !p2, p0  }
0x20: {  	[sflag:s8] =	ssyncset.s32 @!p0 $0xFFFFF086;
	s6 =	sadd.s32 @!p0 s3, s7;
	s7 =	simm.s32 @!p0 $0x108  }
0x21: {  	s3 =	sadd.s32 s3, s9;
	s6 =	sadd.s32 @!p0 $0x88, s6;
	s7 =	simm.s32 @p2 $0x1082  }
0x22: {  	[simem:s7], [sflag:s8] =	dma.local @!p0 [hbm:s6], $0xF7A  }
0x23: {  	s9 =	sor.u32 $0xD0000000, s2;
	s6 =	simm.s32 $0x108;
	_ =	swait.ge @!p0 [sflag:s8], $0x0  }
0x24: {  	s3 =	sadd.s32 $0x88, s3;
	s6 =	simm.s32 @!p1 $0x1082;
	[sflag:s4] =	ssyncset.s32 $0xFFFFF086  }
0x25: {  	[simem:s6], [sflag:s4] =	dma.local [hbm:s3], $0xF7A  }
0x26: {  	[smem:$0x3F93] =	sst s1;
	(tag) =	ssettag s2;
	_ =	strace s9  }
0x27: {  	s1 =	sld [smem:$0x3FA3]  }
0x28: {  	s2 =	sld [smem:$0x3FA4]  }
0x29: {  	s4 =	sld [smem:$0x3FA6]  }
0x2a: {  	p0 =	seq.s32 s5, $0x0;
	s5 =	sld [smem:$0x3FA7]  }
0x2b: {  	s6 =	sld [smem:$0x3FA8]  }
0x2c: {  	s7 =	sld [smem:$0x3FA9]  }
0x2d: {  	s3 =	simm.s32 $0x108;
	s8 =	sld [smem:$0x3FAA]  }
0x2e: {  	s3 =	simm.s32 @!p0 $0x1082;
	s9 =	sld [smem:$0x3FAB]  }
0x2f: {  	lr =	sadd.s32 s0, s3;
	s0 =	sld [smem:$0x3FA2]  }
0x30: {  	s3 =	sld [smem:$0x3FA5]  }
0x31: {  	[smem:$0x3FAE] =	sst s10  }
0x32: {  	s10 =	sld [smem:$0x3FAC];
	_ =	sdelay $0x3  }
0x33: {  	p0 =	seq.s32 s10, $0x1;
	s10 =	sld [smem:$0x3FAE];
	_ =	sdelay $0x3  }
0x34: {  	[smem:$0x3FAE] =	sst s10  }
0x35: {  	s10 =	sld [smem:$0x3FAD];
	_ =	sdelay $0x3  }
0x36: {  	p1 =	seq.s32 s10, $0x1;
	s10 =	sld [smem:$0x3FAE];
	_ =	sdelay $0x3  }
0x37: {  	[smem:$0x3FAE] =	sst s10  }
0x38: {  	s10 =	sld [smem:$0x3FAF]  }
0x39: {  	_ = 	snop;
	(pc) =	sbr.ind lr, $3  }
0x3a: {  	_ = 	snop  }
0x3b: {  	_ = 	snop  }
0x3c: {  	p2 =	seq.s32 s10, $0x1;
	s10 =	sld [smem:$0x3FAE]  }
0x3d: {  	_ =	shalt  }
0x3e: {  	_ =	shalt  }
0x3f: {  	_ =	shalt  }
0x40: {  	_ =	shalt  }
0x41: {  	_ =	shalt  }
0x42: {  	_ =	shalt  }
0x43: {  	_ =	shalt  }
0x44: {  	_ =	shalt  }
0x45: {  	_ =	shalt  }
0x46: {  	_ =	shalt  }
0x47: {  	_ =	shalt  }
0x48: {  	_ =	shalt  }
0x49: {  	_ =	shalt  }
0x4a: {  	_ =	shalt  }
0x4b: {  	_ =	shalt  }
0x4c: {  	_ =	shalt  }
0x4d: {  	_ =	shalt  }
0x4e: {  	_ =	shalt  }
0x4f: {  	_ =	shalt  }
0x50: {  	_ =	shalt  }
0x51: {  	_ =	shalt  }
0x52: {  	_ =	shalt  }
0x53: {  	_ =	shalt  }
0x54: {  	_ =	shalt  }
0x55: {  	_ =	shalt  }
0x56: {  	_ =	shalt  }
0x57: {  	_ =	shalt  }
0x58: {  	_ =	shalt  }
0x59: {  	_ =	shalt  }
0x5a: {  	_ =	shalt  }
0x5b: {  	_ =	shalt  }
0x5c: {  	_ =	shalt  }
0x5d: {  	_ =	shalt  }
0x5e: {  	_ =	shalt  }
0x5f: {  	_ =	shalt  }
0x60: {  	_ =	shalt  }
0x61: {  	_ =	shalt  }
0x62: {  	_ =	shalt  }
0x63: {  	_ =	shalt  }
0x64: {  	_ =	shalt  }
0x65: {  	_ =	shalt  }
0x66: {  	_ =	shalt  }
0x67: {  	_ =	shalt  }
0x68: {  	_ =	shalt  }
0x69: {  	_ =	shalt  }
0x6a: {  	_ =	shalt  }
0x6b: {  	_ =	shalt  }
0x6c: {  	_ =	shalt  }
0x6d: {  	_ =	shalt  }
0x6e: {  	_ =	shalt  }
0x6f: {  	_ =	shalt  }
0x70: {  	_ =	shalt  }
0x71: {  	_ =	shalt  }
0x72: {  	_ =	shalt  }
0x73: {  	_ =	shalt  }
0x74: {  	_ =	shalt  }
0x75: {  	_ =	shalt  }
0x76: {  	_ =	shalt  }
0x77: {  	_ =	shalt  }
0x78: {  	_ =	shalt  }
0x79: {  	_ =	shalt  }
0x7a: {  	_ =	shalt  }
0x7b: {  	_ =	shalt  }
0x7c: {  	_ =	shalt  }
0x7d: {  	_ =	shalt  }
0x7e: {  	_ =	shalt  }
0x7f: {  	_ =	shalt  }
0x80: {  	_ =	shalt  }
0x81: {  	_ =	shalt  }
0x82: {  	_ =	shalt  }
0x83: {  	_ =	shalt  }
0x84: {  	_ =	shalt  }
0x85: {  	_ =	shalt  }
0x86: {  	_ =	shalt  }
0x87: {  	_ =	shalt  }
.Lfunc_end0:
.L_simem_size_0:
called_computation.1_lowered:
.L_overlay_start_0:
0x88: {  	s2 =	sld [smem:$0x3FD9]  }
0x89: {  	s3 =	sld [smem:$0x3FFE];
	_ =	sdelay $0x1  }
0x8a: {  	s1 =	srdreg.scid  }
0x8b: {  	s0 =	sand.u32 $0x1, s1  }
0x8c: {  	s14 =	sshll.u32 s0, $0xA;
	s2 =	sadd.s32 s3, s2  }
0x8d: {  	s2 =	sadd.s32 s2, s14  }
0x8e: {  	[smem:$0x3FBA] =	sst s2  }
0x8f: {  	_ = 	snop  }
0x90: {  	s2 =	sld [smem:$0x3FD0];
	_ =	sdelay $0x2  }
0x91: {  	s4 =	simm.s32 $0xB;
	s5 =	simm.s32 $0x10;
	s15 =	sld [smem:$0x3FC6]  }
0x92: {  	[smem:s5], [sflag:s4] =	dma.local [hbm:s2], $0x1  }
0x93: {  	_ =	swait.eq [sflag:s4], $0x1  }
0x94: {  	[sflag:s4] =	ssyncset.done $0x0  }
0x95: {  	[sflag:s4] =	ssyncadd.s32 $0xFFFFFFFF  }
0x96: {  	s16 =	sld [smem:$0x10];
	(tm) =	ssettm $0x1  }
0x97: {  	s17 =	sld [smem:$0x3FFB];
	_ =	sdelay $0x3  }
0x98: {  	_ =	strace s17  }
0x99: {  	s4 =	sld [smem:$0x3FFC];
	_ =	sdelay $0x3  }
0x9a: {  	_ =	strace s4  }
0x9b: {  	s4 =	sld [smem:$0x3FFD];
	_ =	sdelay $0x3  }
0x9c: {  	_ =	strace s4  }
0x9d: {  	_ =	strace $0x8FFFFFFF  }
0x9e: {  	s18 =	sld [smem:$0x3FDB];
	_ =	sdelay $0x1  }
0x9f: {  	s19 =	simm.s32 $_scs_section_size  }
0xa0: {  	s6 =	simm.s32 $_size__tile_overlayer_lowered;
	s7 =	simm.s32 $_tile_overlayer_lowered  }
0xa1: {  	s22 =	simm.s32 $0x1BFF;
	s21 =	sshll.u32 s7, $0x1;
	s4 =	sadd.s32 s19, s18  }
0xa2: {  	s8 =	simm.s32 $0x0;
	s20 =	sshll.u32 s6, $0x1;
	s6 =	sadd.s32 s21, s4  }
0xa3: {  	[timem:s8], [sflag:s22] =	dma.local [hbm:s6], s20  }
0xa4: {  	_ =	swait.ge [sflag:s22], s20  }
0xa5: {  	s5 =	ssub.s32 $0x0, s20;
	[sflag:s22] =	ssyncset.done $0x0  }
0xa6: {  	[sflag:s22] =	ssyncadd.s32 s5;
	_ =	sdelay $0x1  }
0xa7: {  	s23 =	simm.s32 $0x1B8B  }
0xa8: {  	_ =	swait.ge [sflag:s23], $0x1  }
0xa9: {  	[sflag:s23] =	ssyncset.done $0x0  }
0xaa: {  	s25 =	simm.s32 $0x1B8E;
	s24 =	sld [smem:$0x3FFE];
	[sflag:s23] =	ssyncadd.s32 $0xFFFFFFFF  }
0xab: {  	s26 =	simm.s32 $execute0_lowered;
	[smem:$0x3FD2] =	sst s25  }
0xac: {  	s6 =	sshll.u32 s26, $0x1;
	_ =	strace $0x80000046;
	[dreg:$0x1] =	wrdreg $0xFFFFFFFF  }
0xad: {  	s28 =	simm.s32 $_size_execute0_lowered;
	s4 =	sadd.s32 s4, s6;
	[dreg:$0x0] =	wrdreg $0x0  }
0xae: {  	s6 =	sshll.u32 s28, $0x1;
	[dreg:$0x2] =	wrdreg s4  }
0xaf: {  	[dreg:$0x3] =	wrdreg s6  }
0xb0: {  	[dreg:$0x4] =	wrdreg $0xC0  }
0xb1: {  	_ =	task [dreg:s8], $0x5FFFF  }
0xb2: {  	[dreg:$0x1] =	wrdreg $0xFFFFFFFF  }
0xb3: {  	[dreg:$0x0] =	wrdreg $0x60  }
0xb4: {  	[dreg:$0x2] =	wrdreg s15  }
0xb5: {  	[dreg:$0x3] =	wrdreg s24  }
0xb6: {  	[dreg:$0x4] =	wrdreg s16  }
0xb7: {  	[dreg:$0x5] =	wrdreg $0xA  }
0xb8: {  	_ =	task.clear_ibuf [dreg:s8], $0x6FFFF;
	_ =	strace $0x90000046  }
0xb9: {  	s29 =	simm.s32 $0xA;
	_ =	strace $0x80000048  }
0xba: {  	_ =	swait.ge [sflag:s29], $0x1  }
0xbb: {  	[sflag:s29] =	ssyncadd.s32 $0xFFFFFFFF  }
0xbc: {  	_ =	strace $0x90000048  }
0xbd: {  	_ =	sfence  }
0xbe: {  	s30 =	sld [smem:$0x0];
	_ =	sdelay $0x2  }
0xbf: {  	s31 =	sshll.u32 s1, $0xD;
	s1 =	sshrl.u32 s1, $0x2  }
0xc0: {  	s3 =	sand.u32 $0x4000, s31;
	s1 =	sadd.s32 s1, s30  }
0xc1: {  	s0 =	sor.u32 s3, s0;
	s1 =	sshll.u32 s1, $0x11  }
0xc2: {  	s0 =	sor.u32 s1, s0  }
0xc3: {  	s0 =	sadd.s32 $0x8F2B, s0  }
0xc4: {  	[sflag:s0] =	ssyncadd.remote.s32 $0x1  }
0xc5: {  	_ =	sfence.sel $0xFFFF  }
0xc6: {  	[dreg:$0x0] =	wrdreg $0xFFFFFFFF;
	(pc) =	sbr.abs _section_cstart, $3  }
0xc7: {  	[dreg:$0x1] =	wrdreg $0xFFFFFFFF  }
0xc8: {  	_ =	task.clear_ibuf [dreg:s8], $0x2FFFF;
	_ =	strace $0x9FFFFFFF  }
0xc9: {  	(tm) =	ssettm $0x7FFFFFFF  }
tec
execute0_lowered:
.L_overlay_start_1:
0x0: {  	(tag) =	ssettag $0x1  }
0x1: {  	s1 =	rddreg [dreg:$0x0]  }
0x2: {  	s0 =	srdreg.scid;
	s4 =	rddreg [dreg:$0x1]  }
0x3: {  	s7 =	stileid.u32;
	s5 =	rddreg [dreg:$0x2]  }
0x4: {  	s3 =	simm.s32 $0x0;
	s21 =	simm.s32 $0x6C00;
	s22 =	simm.s32 $0x7400  }
0x5: {  	s23 =	simm.s32 $0x7C00;
	s24 =	simm.s32 $0x8400;
	s28 =	simm.s32 $0x9C00  }
0x6: {  	s29 =	simm.s32 $0xA400;
	s30 =	simm.s32 $0xAC00;
	s31 =	simm.s32 $0xB400  }
0x7: {  	s10 =	simm.s32 $0xDC00;
	s11 =	simm.s32 $0xE400;
	s12 =	simm.s32 $0xEC00  }
0x8: {  	s13 =	simm.s32 $0xF400;
	s14 =	simm.s32 $0xFC00;
	s15 =	simm.s32 $0x10400  }
0x9: {  	s16 =	simm.s32 $0x1;
	s17 =	simm.s32 $0x2;
	s6 =	smul.u32 $0x28000, s7  }
0xa: {  	s0 =	sand.u32 $0x1, s0;
	s2 =	sshll.u32 s7, $0x1;
	s7 =	smul.u32 $0x140000, s7  }
0xb: {  	s19 =	simm.s32 $0x0;
	[smem:$0x7FF] =	sst s3;
	s9 =	smul.u32 $0xA0000, s0  }
0xc: {  	s2 =	sor.u32 s0, s2;
	s8 =	ssub.s32 $0x2, s0;
	s0 =	smul.u32 $0x14000, s0  }
0xd: {  	_ =	strace $0x80000047;
	s2 =	smul.u32 $0x180, s2;
	s6 =	sadd.s32 s6, s5  }
0xe: {  	s25 =	sshrl.u32 s8, $0x1;
	s7 =	sadd.s32 s9, s7;
	s0 =	sadd.s32 s0, s6  }
0xf: {  	s9 =	simm.s32 $0xC00;
	s2 =	sadd.s32 s2, s4;
	s4 =	ssub.s32 s8, s25  }
.Ltmp0:
0x10: {  	s26 =	sshrl.u32 s7, $0x3;
	s6 =	sadd.s32 $0x1000, s0;
	(pc) =	sbr.rel .LBB2_1-.Ltmp0, $4  }
0x11: {  	s8 =	simm.s32 $0x3;
	s25 =	simm.s32 $0x8C00;
	s0 =	simm.s32 $0xC400  }
0x12: {  	v2 =	vlaneseq.u32;
	s2 =	sadd.s32 $0x7000, s2;
	s4 =	smax.u32 s4, $0x1;
	s7 =	sadd.s32 s26, s5  }
0x13: {  	vm0 =	vmmov $0xffff;
	v1 =	vshrl.u32 v2, $0x3;
	s26 =	simm.s32 $0x9400;
	s5 =	simm.s32 $0xD400;
	[dreg:$0x4] =	wrdreg s2  }
0x14: {  	v0 =	vand.u32 $0x7, v2;
	v2 =	vor.u32 $0x8, v2;
	v1 =	vmul.u32 $0x8, v1;
	[dreg:$0x5] =	wrdreg s4;
	s2 =	simm.s32 $0xBC00;
	s4 =	simm.s32 $0xCC00  }
.LBB2_5:
0x15: {  	s19 =	rddreg [dreg:$0x6]  }
0x16: {  	s18 =	rddreg [dreg:$0x5];
	s19 =	sadd.s32 $0x1, s19  }
0x17: {  	p0 =	sne.s32 s19, s18  }
.Ltmp1:
0x18: {  	_ = 	snop;
	(pc) =	sbr.rel @!p0 .LBB2_6-.Ltmp1, $1  }
0x19: {  	_ =	sdelay $0x3  }
.LBB2_1:
0x1a: {  	[dreg:$0x6] =	wrdreg s19  }
0x1b: {  	s18 =	rddreg [dreg:$0x4]  }
0x1c: {  	[tilespmem:s3], [sflag:$0x3] =	stream.linear.gather [hbm4b:s18+s3], $0xA00, $0x38;
	[tilespmem:$0x10C00] =	vst v63  }
0x1d: {  	_ =	swait.ge [sflag:s8], $0xA00  }
0x1e: {  	[sflag:s8] =	ssyncset.done $0x0  }
0x1f: {  	[sflag:s8] =	ssyncadd.s32 $0xFFFFF600  }
0x20: {  	v3 =	vld [tilespmem:$0x0];
	_ =	sdelay $0x4  }
0x21: {  	v4 =	vshll.u32 v3, $0x1  }
0x22: {  	v3 =	vand.u32 $0x7, v3;
	v4 =	vand.u32 $0xFFFFFFF0, v4  }
0x23: {  	v3 =	vor.u32 v3, v4  }
0x24: {  	v4 =	vperm.xlane v3, v0;
	_ =	sdelay $0x1  }
0x25: {  	v3 =	vperm.xlane v3, v2;
	v4 =	vadd.s32 v1, v4;
	_ =	sdelay $0x1  }
0x26: {  	v3 =	vadd.s32 v1, v3;
	_ =	sdelay $0x2  }
0x27: {  	[tilespmem:s9], [sflag:$0x1] =	stream.indirect_vreg.gather [hbm4b:s1+s3], $0x80, v4, vm0, $0xb8;
	[tilespmem:$0x10C00] =	vst v63  }
0x28: {  	s20 =	simm.s32 $0x1400  }
0x29: {  	[tilespmem:s20], [sflag:$0x1] =	stream.indirect_vreg.gather [hbm4b:s1+s3], $0x80, v3, vm0, $0xb8;
	[tilespmem:$0x10C00] =	vst v63  }
0x2a: {  	v3 =	vld [tilespmem:$0x10];
	_ =	sdelay $0x4  }
0x2b: {  	v57 =	vshll.u32 v3, $0x1  }
0x2c: {  	v3 =	vand.u32 $0x7, v3;
	v4 =	vand.u32 $0xFFFFFFF0, v57  }
0x2d: {  	v3 =	vor.u32 v3, v4  }
0x2e: {  	v4 =	vperm.xlane v3, v0;
	_ =	sdelay $0x1  }
0x2f: {  	v3 =	vperm.xlane v3, v2;
	v4 =	vadd.s32 v1, v4;
	_ =	sdelay $0x1  }
0x30: {  	v3 =	vadd.s32 v1, v3;
	_ =	sdelay $0x1  }
0x31: {  	s19 =	simm.s32 $0x1C00  }
0x32: {  	[tilespmem:s19], [sflag:$0x1] =	stream.indirect_vreg.gather [hbm4b:s1+s3], $0x80, v4, vm0, $0xb8;
	[tilespmem:$0x10C00] =	vst v63  }
0x33: {  	s20 =	simm.s32 $0x2400  }
0x34: {  	[tilespmem:s20], [sflag:$0x1] =	stream.indirect_vreg.gather [hbm4b:s1+s3], $0x80, v3, vm0, $0xb8;
	[tilespmem:$0x10C00] =	vst v63  }
0x35: {  	v3 =	vld [tilespmem:$0x20];
	_ =	sdelay $0x4  }
0x36: {  	v58 =	vshll.u32 v3, $0x1  }
0x37: {  	v3 =	vand.u32 $0x7, v3;
	v4 =	vand.u32 $0xFFFFFFF0, v58  }
0x38: {  	v3 =	vor.u32 v3, v4  }
0x39: {  	v4 =	vperm.xlane v3, v0;
	_ =	sdelay $0x1  }
0x3a: {  	v3 =	vperm.xlane v3, v2;
	v4 =	vadd.s32 v1, v4;
	_ =	sdelay $0x1  }
0x3b: {  	v3 =	vadd.s32 v1, v3;
	_ =	sdelay $0x1  }
0x3c: {  	s19 =	simm.s32 $0x2C00  }
0x3d: {  	[tilespmem:s19], [sflag:$0x1] =	stream.indirect_vreg.gather [hbm4b:s1+s3], $0x80, v4, vm0, $0xb8;
	[tilespmem:$0x10C00] =	vst v63  }
0x3e: {  	s20 =	simm.s32 $0x3400  }
0x3f: {  	[tilespmem:s20], [sflag:$0x1] =	stream.indirect_vreg.gather [hbm4b:s1+s3], $0x80, v3, vm0, $0xb8;
	[tilespmem:$0x10C00] =	vst v63  }
0x40: {  	v3 =	vld [tilespmem:$0x30];
	_ =	sdelay $0x4  }
0x41: {  	v59 =	vshll.u32 v3, $0x1  }
0x42: {  	v3 =	vand.u32 $0x7, v3;
	v4 =	vand.u32 $0xFFFFFFF0, v59  }
0x43: {  	v3 =	vor.u32 v3, v4  }
0x44: {  	v4 =	vperm.xlane v3, v0;
	_ =	sdelay $0x1  }
0x45: {  	v3 =	vperm.xlane v3, v2;
	v4 =	vadd.s32 v1, v4;
	_ =	sdelay $0x1  }
0x46: {  	v3 =	vadd.s32 v1, v3;
	_ =	sdelay $0x1  }
0x47: {  	s19 =	simm.s32 $0x3C00  }
0x48: {  	[tilespmem:s19], [sflag:$0x1] =	stream.indirect_vreg.gather [hbm4b:s1+s3], $0x80, v4, vm0, $0xb8;
	[tilespmem:$0x10C00] =	vst v63  }
0x49: {  	s20 =	simm.s32 $0x4400  }
0x4a: {  	[tilespmem:s20], [sflag:$0x1] =	stream.indirect_vreg.gather [hbm4b:s1+s3], $0x80, v3, vm0, $0xb8;
	[tilespmem:$0x10C00] =	vst v63  }
0x4b: {  	v3 =	vld [tilespmem:$0x40];
	_ =	sdelay $0x4  }
0x4c: {  	v60 =	vshll.u32 v3, $0x1  }
0x4d: {  	v3 =	vand.u32 $0x7, v3;
	v4 =	vand.u32 $0xFFFFFFF0, v60  }
0x4e: {  	v3 =	vor.u32 v3, v4  }
0x4f: {  	v4 =	vperm.xlane v3, v0;
	_ =	sdelay $0x1  }
0x50: {  	v3 =	vperm.xlane v3, v2;
	v4 =	vadd.s32 v1, v4;
	_ =	sdelay $0x1  }
0x51: {  	v3 =	vadd.s32 v1, v3;
	_ =	sdelay $0x1  }
0x52: {  	s19 =	simm.s32 $0x4C00  }
0x53: {  	[tilespmem:s19], [sflag:$0x1] =	stream.indirect_vreg.gather [hbm4b:s1+s3], $0x80, v4, vm0, $0xb8;
	[tilespmem:$0x10C00] =	vst v63  }
0x54: {  	s20 =	simm.s32 $0x5400  }
0x55: {  	[tilespmem:s20], [sflag:$0x1] =	stream.indirect_vreg.gather [hbm4b:s1+s3], $0x80, v3, vm0, $0xb8;
	[tilespmem:$0x10C00] =	vst v63  }
0x56: {  	v3 =	vld [tilespmem:$0x50];
	_ =	sdelay $0x4  }
0x57: {  	v61 =	vshll.u32 v3, $0x1  }
0x58: {  	v3 =	vand.u32 $0x7, v3;
	v4 =	vand.u32 $0xFFFFFFF0, v61  }
0x59: {  	v3 =	vor.u32 v3, v4  }
0x5a: {  	v4 =	vperm.xlane v3, v0;
	_ =	sdelay $0x1  }
0x5b: {  	v3 =	vperm.xlane v3, v2;
	v4 =	vadd.s32 v1, v4;
	_ =	sdelay $0x1  }
0x5c: {  	v3 =	vadd.s32 v1, v3;
	_ =	sdelay $0x1  }
0x5d: {  	s19 =	simm.s32 $0x5C00  }
0x5e: {  	[tilespmem:s19], [sflag:$0x1] =	stream.indirect_vreg.gather [hbm4b:s1+s3], $0x80, v4, vm0, $0xb8;
	[tilespmem:$0x10C00] =	vst v63  }
0x5f: {  	s20 =	simm.s32 $0x6400  }
0x60: {  	[tilespmem:s20], [sflag:$0x1] =	stream.indirect_vreg.gather [hbm4b:s1+s3], $0x80, v3, vm0, $0xb8;
	[tilespmem:$0x10C00] =	vst v63  }
0x61: {  	v3 =	vld [tilespmem:$0x60];
	_ =	sdelay $0x4  }
0x62: {  	v62 =	vshll.u32 v3, $0x1  }
0x63: {  	v3 =	vand.u32 $0x7, v3;
	v4 =	vand.u32 $0xFFFFFFF0, v62  }
0x64: {  	v3 =	vor.u32 v3, v4  }
0x65: {  	v4 =	vperm.xlane v3, v0;
	_ =	sdelay $0x1  }
0x66: {  	v3 =	vperm.xlane v3, v2;
	v4 =	vadd.s32 v1, v4;
	_ =	sdelay $0x1  }
0x67: {  	v3 =	vadd.s32 v1, v3;
	_ =	sdelay $0x2  }
0x68: {  	[tilespmem:s21], [sflag:$0x1] =	stream.indirect_vreg.gather [hbm4b:s1+s3], $0x80, v4, vm0, $0xb8;
	[tilespmem:$0x10C00] =	vst v63  }
0x69: {  	_ = 	snop  }
0x6a: {  	[tilespmem:s22], [sflag:$0x1] =	stream.indirect_vreg.gather [hbm4b:s1+s3], $0x80, v3, vm0, $0xb8;
	[tilespmem:$0x10C00] =	vst v63  }
0x6b: {  	v3 =	vld [tilespmem:$0x70];
	_ =	sdelay $0x4  }
0x6c: {  	v63 =	vshll.u32 v3, $0x1  }
0x6d: {  	v3 =	vand.u32 $0x7, v3;
	v4 =	vand.u32 $0xFFFFFFF0, v63  }
0x6e: {  	v3 =	vor.u32 v3, v4  }
0x6f: {  	v4 =	vperm.xlane v3, v0;
	_ =	sdelay $0x1  }
0x70: {  	v3 =	vperm.xlane v3, v2;
	v4 =	vadd.s32 v1, v4;
	_ =	sdelay $0x1  }
0x71: {  	v3 =	vadd.s32 v1, v3  }
.Ltmp2:
0x72: {  	_ = 	snop;
	(pc) =	sbr.rel .LBB2_2-.Ltmp2, $4  }
0x73: {  	_ = 	snop  }
0x74: {  	[tilespmem:s23], [sflag:$0x1] =	stream.indirect_vreg.gather [hbm4b:s1+s3], $0x80, v4, vm0, $0xb8;
	[tilespmem:$0x10C00] =	vst v63  }
0x75: {  	s18 =	simm.s32 $0xC0;
	s19 =	simm.s32 $0x0  }
0x76: {  	[tilespmem:s24], [sflag:$0x1] =	stream.indirect_vreg.gather [hbm4b:s1+s3], $0x80, v3, vm0, $0xb8;
	[tilespmem:$0x10C00] =	vst v63  }
.LBB2_4:
0x77: {  	_ =	swait.ge [sflag:s17], $0x8000;
	s20 =	sadd.s32 s19, s6;
	s19 =	sadd.s32 $0x2000, s19  }
0x78: {  	[sflag:s17] =	ssyncset.done $0x0;
	p0 =	sne.s32 s19, $0x14000  }
.Ltmp3:
0x79: {  	[sflag:s17] =	ssyncadd.s32 $0xFFFF8000;
	(pc) =	sbr.rel @!p0 .LBB2_5-.Ltmp3, $4  }
0x7a: {  	[hbm4b:s20+s3] =	stream.linear.scatter [tilespmem:s25], [sflag:$0x3], $0x8000, $0x38;
	[tilespmem:$0x10C00] =	vst v63  }
0x7b: {  	_ =	swait.ge [sflag:s8], $0x8000  }
0x7c: {  	[sflag:s8] =	ssyncset.done $0x0  }
0x7d: {  	s18 =	sadd.s32 $0x100, s18;
	[sflag:s8] =	ssyncadd.s32 $0xFFFF8000  }
.LBB2_2:
0x7e: {  	v3 =	vld [tilespmem:s18+$0xFFFFFFC0];
	_ =	sdelay $0x4  }
0x7f: {  	v4 =	vshll.u32 v3, $0x1  }
0x80: {  	v3 =	vand.u32 $0x7, v3;
	v4 =	vand.u32 $0xFFFFFFF0, v4  }
0x81: {  	v3 =	vor.u32 v3, v4  }
0x82: {  	v4 =	vperm.xlane v3, v0;
	_ =	sdelay $0x1  }
0x83: {  	v3 =	vperm.xlane v3, v2;
	v4 =	vadd.s32 v1, v4;
	_ =	sdelay $0x1  }
0x84: {  	v3 =	vadd.s32 v1, v3;
	_ =	sdelay $0x2  }
0x85: {  	[tilespmem:s25], [sflag:$0x2] =	stream.indirect_vreg.gather [hbm4b:s1+s3], $0x80, v4, vm0, $0xb8;
	[tilespmem:$0x10C00] =	vst v63  }
0x86: {  	_ = 	snop  }
0x87: {  	[tilespmem:s26], [sflag:$0x2] =	stream.indirect_vreg.gather [hbm4b:s1+s3], $0x80, v3, vm0, $0xb8;
	[tilespmem:$0x10C00] =	vst v63  }
0x88: {  	v3 =	vld [tilespmem:s18+$0xFFFFFFD0];
	_ =	sdelay $0x4  }
0x89: {  	v57 =	vshll.u32 v3, $0x1  }
0x8a: {  	v3 =	vand.u32 $0x7, v3;
	v4 =	vand.u32 $0xFFFFFFF0, v57  }
0x8b: {  	v3 =	vor.u32 v3, v4  }
0x8c: {  	v4 =	vperm.xlane v3, v0;
	_ =	sdelay $0x1  }
0x8d: {  	v3 =	vperm.xlane v3, v2;
	v4 =	vadd.s32 v1, v4;
	_ =	sdelay $0x1  }
0x8e: {  	v3 =	vadd.s32 v1, v3;
	_ =	sdelay $0x2  }
0x8f: {  	[tilespmem:s28], [sflag:$0x2] =	stream.indirect_vreg.gather [hbm4b:s1+s3], $0x80, v4, vm0, $0xb8;
	[tilespmem:$0x10C00] =	vst v63  }
0x90: {  	_ = 	snop  }
0x91: {  	[tilespmem:s29], [sflag:$0x2] =	stream.indirect_vreg.gather [hbm4b:s1+s3], $0x80, v3, vm0, $0xb8;
	[tilespmem:$0x10C00] =	vst v63  }
0x92: {  	v3 =	vld [tilespmem:s18+$0xFFFFFFE0];
	_ =	sdelay $0x4  }
0x93: {  	v58 =	vshll.u32 v3, $0x1  }
0x94: {  	v3 =	vand.u32 $0x7, v3;
	v4 =	vand.u32 $0xFFFFFFF0, v58  }
0x95: {  	v3 =	vor.u32 v3, v4  }
0x96: {  	v4 =	vperm.xlane v3, v0;
	_ =	sdelay $0x1  }
0x97: {  	v3 =	vperm.xlane v3, v2;
	v4 =	vadd.s32 v1, v4;
	_ =	sdelay $0x1  }
0x98: {  	v3 =	vadd.s32 v1, v3;
	_ =	sdelay $0x2  }
0x99: {  	[tilespmem:s30], [sflag:$0x2] =	stream.indirect_vreg.gather [hbm4b:s1+s3], $0x80, v4, vm0, $0xb8;
	[tilespmem:$0x10C00] =	vst v63  }
0x9a: {  	_ = 	snop  }
0x9b: {  	[tilespmem:s31], [sflag:$0x2] =	stream.indirect_vreg.gather [hbm4b:s1+s3], $0x80, v3, vm0, $0xb8;
	[tilespmem:$0x10C00] =	vst v63  }
0x9c: {  	v3 =	vld [tilespmem:s18+$0xFFFFFFF0];
	_ =	sdelay $0x4  }
0x9d: {  	v59 =	vshll.u32 v3, $0x1  }
0x9e: {  	v3 =	vand.u32 $0x7, v3;
	v4 =	vand.u32 $0xFFFFFFF0, v59  }
0x9f: {  	v3 =	vor.u32 v3, v4  }
0xa0: {  	v4 =	vperm.xlane v3, v0;
	_ =	sdelay $0x1  }
0xa1: {  	v3 =	vperm.xlane v3, v2;
	v4 =	vadd.s32 v1, v4;
	_ =	sdelay $0x1  }
0xa2: {  	v3 =	vadd.s32 v1, v3;
	_ =	sdelay $0x2  }
0xa3: {  	[tilespmem:s2], [sflag:$0x2] =	stream.indirect_vreg.gather [hbm4b:s1+s3], $0x80, v4, vm0, $0xb8;
	[tilespmem:$0x10C00] =	vst v63  }
0xa4: {  	_ = 	snop  }
0xa5: {  	[tilespmem:s0], [sflag:$0x2] =	stream.indirect_vreg.gather [hbm4b:s1+s3], $0x80, v3, vm0, $0xb8;
	[tilespmem:$0x10C00] =	vst v63  }
0xa6: {  	v3 =	vld [tilespmem:s18+$0x0];
	_ =	sdelay $0x4  }
0xa7: {  	v60 =	vshll.u32 v3, $0x1  }
0xa8: {  	v3 =	vand.u32 $0x7, v3;
	v4 =	vand.u32 $0xFFFFFFF0, v60  }
0xa9: {  	v3 =	vor.u32 v3, v4  }
0xaa: {  	v4 =	vperm.xlane v3, v0;
	_ =	sdelay $0x1  }
0xab: {  	v3 =	vperm.xlane v3, v2;
	v4 =	vadd.s32 v1, v4;
	_ =	sdelay $0x1  }
0xac: {  	v3 =	vadd.s32 v1, v3;
	_ =	sdelay $0x2  }
0xad: {  	[tilespmem:s4], [sflag:$0x2] =	stream.indirect_vreg.gather [hbm4b:s1+s3], $0x80, v4, vm0, $0xb8;
	[tilespmem:$0x10C00] =	vst v63  }
0xae: {  	_ = 	snop  }
0xaf: {  	[tilespmem:s5], [sflag:$0x2] =	stream.indirect_vreg.gather [hbm4b:s1+s3], $0x80, v3, vm0, $0xb8;
	[tilespmem:$0x10C00] =	vst v63  }
0xb0: {  	v3 =	vld [tilespmem:s18+$0x10];
	_ =	sdelay $0x4  }
0xb1: {  	v61 =	vshll.u32 v3, $0x1  }
0xb2: {  	v3 =	vand.u32 $0x7, v3;
	v4 =	vand.u32 $0xFFFFFFF0, v61  }
0xb3: {  	v3 =	vor.u32 v3, v4  }
0xb4: {  	v4 =	vperm.xlane v3, v0;
	_ =	sdelay $0x1  }
0xb5: {  	v3 =	vperm.xlane v3, v2;
	v4 =	vadd.s32 v1, v4;
	_ =	sdelay $0x1  }
0xb6: {  	v3 =	vadd.s32 v1, v3;
	_ =	sdelay $0x2  }
0xb7: {  	[tilespmem:s10], [sflag:$0x2] =	stream.indirect_vreg.gather [hbm4b:s1+s3], $0x80, v4, vm0, $0xb8;
	[tilespmem:$0x10C00] =	vst v63  }
0xb8: {  	_ = 	snop  }
0xb9: {  	[tilespmem:s11], [sflag:$0x2] =	stream.indirect_vreg.gather [hbm4b:s1+s3], $0x80, v3, vm0, $0xb8;
	[tilespmem:$0x10C00] =	vst v63  }
0xba: {  	v3 =	vld [tilespmem:s18+$0x20];
	_ =	sdelay $0x4  }
0xbb: {  	v62 =	vshll.u32 v3, $0x1  }
0xbc: {  	v3 =	vand.u32 $0x7, v3;
	v4 =	vand.u32 $0xFFFFFFF0, v62  }
0xbd: {  	v3 =	vor.u32 v3, v4  }
0xbe: {  	v4 =	vperm.xlane v3, v0;
	_ =	sdelay $0x1  }
0xbf: {  	v3 =	vperm.xlane v3, v2;
	v4 =	vadd.s32 v1, v4;
	_ =	sdelay $0x1  }
0xc0: {  	v3 =	vadd.s32 v1, v3;
	_ =	sdelay $0x2  }
0xc1: {  	[tilespmem:s12], [sflag:$0x2] =	stream.indirect_vreg.gather [hbm4b:s1+s3], $0x80, v4, vm0, $0xb8;
	[tilespmem:$0x10C00] =	vst v63  }
0xc2: {  	_ = 	snop  }
0xc3: {  	[tilespmem:s13], [sflag:$0x2] =	stream.indirect_vreg.gather [hbm4b:s1+s3], $0x80, v3, vm0, $0xb8;
	[tilespmem:$0x10C00] =	vst v63  }
0xc4: {  	v3 =	vld [tilespmem:s18+$0x30];
	_ =	sdelay $0x4  }
0xc5: {  	v63 =	vshll.u32 v3, $0x1  }
0xc6: {  	v3 =	vand.u32 $0x7, v3;
	v4 =	vand.u32 $0xFFFFFFF0, v63  }
0xc7: {  	v3 =	vor.u32 v3, v4  }
0xc8: {  	v4 =	vperm.xlane v3, v0;
	_ =	sdelay $0x1  }
0xc9: {  	v3 =	vperm.xlane v3, v2;
	v4 =	vadd.s32 v1, v4;
	_ =	sdelay $0x1  }
0xca: {  	v3 =	vadd.s32 v1, v3;
	_ =	sdelay $0x2  }
0xcb: {  	[tilespmem:s14], [sflag:$0x2] =	stream.indirect_vreg.gather [hbm4b:s1+s3], $0x80, v4, vm0, $0xb8;
	[tilespmem:$0x10C00] =	vst v63  }
0xcc: {  	_ = 	snop  }
0xcd: {  	[tilespmem:s15], [sflag:$0x2] =	stream.indirect_vreg.gather [hbm4b:s1+s3], $0x80, v3, vm0, $0xb8;
	[tilespmem:$0x10C00] =	vst v63  }
0xce: {  	_ =	swait.ge [sflag:s16], $0x8000  }
0xcf: {  	p0 =	seq.s32 s19, $0x12000;
	[sflag:s16] =	ssyncset.done $0x0  }
.Ltmp4:
0xd0: {  	s20 =	sadd.s32 s19, s7;
	[sflag:s16] =	ssyncadd.s32 $0xFFFF8000;
	(pc) =	sbr.rel @p0 .LBB2_4-.Ltmp4, $4  }
0xd1: {  	[hbm4b:s20+s3] =	stream.linear.scatter [tilespmem:s9], [sflag:$0x3], $0x8000, $0x38;
	[tilespmem:$0x10C00] =	vst v63  }
0xd2: {  	_ =	swait.ge [sflag:s8], $0x8000  }
0xd3: {  	[sflag:s8] =	ssyncset.done $0x0  }
0xd4: {  	[sflag:s8] =	ssyncadd.s32 $0xFFFF8000  }
0xd5: {  	v3 =	vld [tilespmem:s18+$0x40];
	_ =	sdelay $0x4  }
0xd6: {  	v4 =	vshll.u32 v3, $0x1  }
0xd7: {  	v3 =	vand.u32 $0x7, v3;
	v4 =	vand.u32 $0xFFFFFFF0, v4  }
0xd8: {  	v3 =	vor.u32 v3, v4  }
0xd9: {  	v4 =	vperm.xlane v3, v0;
	_ =	sdelay $0x1  }
0xda: {  	v3 =	vperm.xlane v3, v2;
	v4 =	vadd.s32 v1, v4;
	_ =	sdelay $0x1  }
0xdb: {  	v3 =	vadd.s32 v1, v3;
	_ =	sdelay $0x2  }
0xdc: {  	[tilespmem:s9], [sflag:$0x1] =	stream.indirect_vreg.gather [hbm4b:s1+s3], $0x80, v4, vm0, $0xb8;
	[tilespmem:$0x10C00] =	vst v63  }
0xdd: {  	s20 =	simm.s32 $0x1400  }
0xde: {  	[tilespmem:s20], [sflag:$0x1] =	stream.indirect_vreg.gather [hbm4b:s1+s3], $0x80, v3, vm0, $0xb8;
	[tilespmem:$0x10C00] =	vst v63  }
0xdf: {  	v3 =	vld [tilespmem:s18+$0x50];
	_ =	sdelay $0x4  }
0xe0: {  	v57 =	vshll.u32 v3, $0x1  }
0xe1: {  	v3 =	vand.u32 $0x7, v3;
	v4 =	vand.u32 $0xFFFFFFF0, v57  }
0xe2: {  	v3 =	vor.u32 v3, v4  }
0xe3: {  	v4 =	vperm.xlane v3, v0;
	_ =	sdelay $0x1  }
0xe4: {  	v3 =	vperm.xlane v3, v2;
	v4 =	vadd.s32 v1, v4;
	_ =	sdelay $0x1  }
0xe5: {  	v3 =	vadd.s32 v1, v3;
	_ =	sdelay $0x1  }
0xe6: {  	s20 =	simm.s32 $0x1C00  }
0xe7: {  	[tilespmem:s20], [sflag:$0x1] =	stream.indirect_vreg.gather [hbm4b:s1+s3], $0x80, v4, vm0, $0xb8;
	[tilespmem:$0x10C00] =	vst v63  }
0xe8: {  	s20 =	simm.s32 $0x2400  }
0xe9: {  	[tilespmem:s20], [sflag:$0x1] =	stream.indirect_vreg.gather [hbm4b:s1+s3], $0x80, v3, vm0, $0xb8;
	[tilespmem:$0x10C00] =	vst v63  }
0xea: {  	v3 =	vld [tilespmem:s18+$0x60];
	_ =	sdelay $0x4  }
0xeb: {  	v58 =	vshll.u32 v3, $0x1  }
0xec: {  	v3 =	vand.u32 $0x7, v3;
	v4 =	vand.u32 $0xFFFFFFF0, v58  }
0xed: {  	v3 =	vor.u32 v3, v4  }
0xee: {  	v4 =	vperm.xlane v3, v0;
	_ =	sdelay $0x1  }
0xef: {  	v3 =	vperm.xlane v3, v2;
	v4 =	vadd.s32 v1, v4;
	_ =	sdelay $0x1  }
0xf0: {  	v3 =	vadd.s32 v1, v3;
	_ =	sdelay $0x1  }
0xf1: {  	s20 =	simm.s32 $0x2C00  }
0xf2: {  	[tilespmem:s20], [sflag:$0x1] =	stream.indirect_vreg.gather [hbm4b:s1+s3], $0x80, v4, vm0, $0xb8;
	[tilespmem:$0x10C00] =	vst v63  }
0xf3: {  	s20 =	simm.s32 $0x3400  }
0xf4: {  	[tilespmem:s20], [sflag:$0x1] =	stream.indirect_vreg.gather [hbm4b:s1+s3], $0x80, v3, vm0, $0xb8;
	[tilespmem:$0x10C00] =	vst v63  }
0xf5: {  	v3 =	vld [tilespmem:s18+$0x70];
	_ =	sdelay $0x4  }
0xf6: {  	v59 =	vshll.u32 v3, $0x1  }
0xf7: {  	v3 =	vand.u32 $0x7, v3;
	v4 =	vand.u32 $0xFFFFFFF0, v59  }
0xf8: {  	v3 =	vor.u32 v3, v4  }
0xf9: {  	v4 =	vperm.xlane v3, v0;
	_ =	sdelay $0x1  }
0xfa: {  	v3 =	vperm.xlane v3, v2;
	v4 =	vadd.s32 v1, v4;
	_ =	sdelay $0x1  }
0xfb: {  	v3 =	vadd.s32 v1, v3;
	_ =	sdelay $0x1  }
0xfc: {  	s20 =	simm.s32 $0x3C00  }
0xfd: {  	[tilespmem:s20], [sflag:$0x1] =	stream.indirect_vreg.gather [hbm4b:s1+s3], $0x80, v4, vm0, $0xb8;
	[tilespmem:$0x10C00] =	vst v63  }
0xfe: {  	s20 =	simm.s32 $0x4400  }
0xff: {  	[tilespmem:s20], [sflag:$0x1] =	stream.indirect_vreg.gather [hbm4b:s1+s3], $0x80, v3, vm0, $0xb8;
	[tilespmem:$0x10C00] =	vst v63  }
0x100: {  	v3 =	vld [tilespmem:s18+$0x80];
	_ =	sdelay $0x4  }
0x101: {  	v60 =	vshll.u32 v3, $0x1  }
0x102: {  	v3 =	vand.u32 $0x7, v3;
	v4 =	vand.u32 $0xFFFFFFF0, v60  }
0x103: {  	v3 =	vor.u32 v3, v4  }
0x104: {  	v4 =	vperm.xlane v3, v0;
	_ =	sdelay $0x1  }
0x105: {  	v3 =	vperm.xlane v3, v2;
	v4 =	vadd.s32 v1, v4;
	_ =	sdelay $0x1  }
0x106: {  	v3 =	vadd.s32 v1, v3;
	_ =	sdelay $0x1  }
0x107: {  	s20 =	simm.s32 $0x4C00  }
0x108: {  	[tilespmem:s20], [sflag:$0x1] =	stream.indirect_vreg.gather [hbm4b:s1+s3], $0x80, v4, vm0, $0xb8;
	[tilespmem:$0x10C00] =	vst v63  }
0x109: {  	s20 =	simm.s32 $0x5400  }
0x10a: {  	[tilespmem:s20], [sflag:$0x1] =	stream.indirect_vreg.gather [hbm4b:s1+s3], $0x80, v3, vm0, $0xb8;
	[tilespmem:$0x10C00] =	vst v63  }
0x10b: {  	v3 =	vld [tilespmem:s18+$0x90];
	_ =	sdelay $0x4  }
0x10c: {  	v61 =	vshll.u32 v3, $0x1  }
0x10d: {  	v3 =	vand.u32 $0x7, v3;
	v4 =	vand.u32 $0xFFFFFFF0, v61  }
0x10e: {  	v3 =	vor.u32 v3, v4  }
0x10f: {  	v4 =	vperm.xlane v3, v0;
	_ =	sdelay $0x1  }
0x110: {  	v3 =	vperm.xlane v3, v2;
	v4 =	vadd.s32 v1, v4;
	_ =	sdelay $0x1  }
0x111: {  	v3 =	vadd.s32 v1, v3;
	_ =	sdelay $0x1  }
0x112: {  	s20 =	simm.s32 $0x5C00  }
0x113: {  	[tilespmem:s20], [sflag:$0x1] =	stream.indirect_vreg.gather [hbm4b:s1+s3], $0x80, v4, vm0, $0xb8;
	[tilespmem:$0x10C00] =	vst v63  }
0x114: {  	s20 =	simm.s32 $0x6400  }
0x115: {  	[tilespmem:s20], [sflag:$0x1] =	stream.indirect_vreg.gather [hbm4b:s1+s3], $0x80, v3, vm0, $0xb8;
	[tilespmem:$0x10C00] =	vst v63  }
0x116: {  	v3 =	vld [tilespmem:s18+$0xA0];
	_ =	sdelay $0x4  }
0x117: {  	v62 =	vshll.u32 v3, $0x1  }
0x118: {  	v3 =	vand.u32 $0x7, v3;
	v4 =	vand.u32 $0xFFFFFFF0, v62  }
0x119: {  	v3 =	vor.u32 v3, v4  }
0x11a: {  	v4 =	vperm.xlane v3, v0;
	_ =	sdelay $0x1  }
0x11b: {  	v3 =	vperm.xlane v3, v2;
	v4 =	vadd.s32 v1, v4;
	_ =	sdelay $0x1  }
0x11c: {  	v3 =	vadd.s32 v1, v3;
	_ =	sdelay $0x2  }
0x11d: {  	[tilespmem:s21], [sflag:$0x1] =	stream.indirect_vreg.gather [hbm4b:s1+s3], $0x80, v4, vm0, $0xb8;
	[tilespmem:$0x10C00] =	vst v63  }
0x11e: {  	_ = 	snop  }
0x11f: {  	[tilespmem:s22], [sflag:$0x1] =	stream.indirect_vreg.gather [hbm4b:s1+s3], $0x80, v3, vm0, $0xb8;
	[tilespmem:$0x10C00] =	vst v63  }
0x120: {  	v3 =	vld [tilespmem:s18+$0xB0];
	_ =	sdelay $0x4  }
0x121: {  	v63 =	vshll.u32 v3, $0x1  }
0x122: {  	v3 =	vand.u32 $0x7, v3;
	v4 =	vand.u32 $0xFFFFFFF0, v63  }
0x123: {  	v3 =	vor.u32 v3, v4  }
0x124: {  	v4 =	vperm.xlane v3, v0;
	_ =	sdelay $0x1  }
0x125: {  	v3 =	vperm.xlane v3, v2;
	v4 =	vadd.s32 v1, v4;
	_ =	sdelay $0x1  }
0x126: {  	v3 =	vadd.s32 v1, v3  }
.Ltmp5:
0x127: {  	_ = 	snop;
	(pc) =	sbr.rel .LBB2_4-.Ltmp5, $4  }
0x128: {  	_ = 	snop  }
0x129: {  	[tilespmem:s23], [sflag:$0x1] =	stream.indirect_vreg.gather [hbm4b:s1+s3], $0x80, v4, vm0, $0xb8;
	[tilespmem:$0x10C00] =	vst v63  }
0x12a: {  	_ = 	snop  }
0x12b: {  	[tilespmem:s24], [sflag:$0x1] =	stream.indirect_vreg.gather [hbm4b:s1+s3], $0x80, v3, vm0, $0xb8;
	[tilespmem:$0x10C00] =	vst v63  }
.LBB2_6:
0x12c: {  	_ =	sfence.sel $0x180000  }
0x12d: {  	[bflag:$0x0] =	sbarrier.arrive $0xFFFF  }
0x12e: {  	_ =	strace $0x90000047  }
0x12f: {  	s0 =	stileid.u32;
	[bflag:$0x2] =	sbarrier.arrive $0xFFFF  }
0x130: {  	p0 =	sne.s32 s0, $0x0;
	s0 =	rddreg [dreg:$0x3]  }
0x131: {  	s0 =	sadd.s32 @!p0 $0x100000, s0  }
0x132: {  	[sflag:s0] =	ssyncadd.tile.s32 @!p0 $0x1;
	_ =	shalt  }
.Lfunc_end2:
_tile_overlayer_lowered:
.L_overlay_start_2:
0x133: {  	(tag) =	ssettag $0x2  }
0x134: {  	s0 =	rddreg [dreg:$0x0];
	s2 =	stileid.u32  }
0x135: {  	s1 =	rddreg [dreg:$0x1];
	p0 =	sne.s32 s2, $0x0  }
0x136: {  	s3 =	rddreg [dreg:$0x2];
	[bflag:$0x3] =	sbarrier.arrive $0xFFFF;
	s2 =	simm.s32 @!p0 $0x1C03  }
0x137: {  	[timem:s3], [sflag:s2] =	dma.local @!p0 [hbm:s0], s1  }
0x138: {  	s0 =	simm.s32 @!p0 $0x3  }
0x139: {  	_ =	swait.ge @!p0 [sflag:s0], s1  }
0x13a: {  	s1 =	ssub.s32 @!p0 $0x0, s1;
	[sflag:s0] =	ssyncset.done @!p0 $0x0  }
0x13b: {  	[sflag:s0] =	ssyncadd.s32 @!p0 s1  }
0x13c: {  	[bflag:$0x3] =	sbarrier.arrive $0xFFFF  }
0x13d: {  	_ =	shalt  }

// kernel: kernel.20.cloned.1.call-start
scs
__scs_entry_jumppad:
0x0: {  	(pc) =	sbr.rel $0x88, $3  }
0x1: {  	(tag) =	ssettag $0x0;
	lr =	simm.s32 $0x1  }
0x2: {  	[smem:$0x3F93] =	sst lr;
	_ =	strace $0xD0000000  }
0x3: {  	_ = 	snop  }
0x4: {  	_ = 	snop  }
0x5: {  	_ = 	snop  }
0x6: {  	_ = 	snop  }
0x7: {  	_ = 	snop  }
__scs_overlays_trampoline_lowered:
0x8: {  	[smem:$0x3FA2] =	sst s0  }
0x9: {  	[smem:$0x3FA3] =	sst s1  }
0xa: {  	[smem:$0x3FA4] =	sst s2  }
0xb: {  	[smem:$0x3FA5] =	sst s3  }
0xc: {  	[smem:$0x3FA6] =	sst s4  }
0xd: {  	[smem:$0x3FA7] =	sst s5  }
0xe: {  	[smem:$0x3FA8] =	sst s6  }
0xf: {  	[smem:$0x3FA9] =	sst s7  }
0x10: {  	[smem:$0x3FAA] =	sst s8  }
0x11: {  	[smem:$0x3FAB] =	sst s9;
	s0 =	simm.s32 @!p0 $0x0  }
0x12: {  	s1 =	sld [smem:$0x3F91];
	s0 =	simm.s32 @p0 $0x1  }
0x13: {  	[smem:$0x3FAC] =	sst s0;
	s0 =	simm.s32 @!p1 $0x0  }
0x14: {  	s2 =	sld [smem:$0x3F90];
	s0 =	simm.s32 @p1 $0x1  }
0x15: {  	[smem:$0x3FAD] =	sst s0;
	s0 =	simm.s32 @!p2 $0x0  }
0x16: {  	s3 =	sld [smem:$0x3FDB];
	s0 =	simm.s32 @p2 $0x1  }
0x17: {  	s4 =	simm.s32 $0x1BF5;
	[smem:$0x3FAF] =	sst s0  }
0x18: {  	s0 =	sld [smem:$0x3F92];
	_ =	swait.ge [sflag:s4], $0x0  }
0x19: {  	s7 =	sld [smem:$0x3F93]  }
0x1a: {  	s8 =	sadd.s32 $0xFFFFE003, lr  }
0x1b: {  	s9 =	sadd.s32 $0xFFFFFEF7, lr;
	s5 =	simm.s32 $0xFFFFFFFF;
	p2 =	slt.u32 s8, $0xFFFFF086  }
0x1c: {  	p1 =	slt.u32 s9, $0xF7A;
	s5 =	simm.s32 @!p2 $0x0  }
0x1d: {  	s5 =	simm.s32 @p1 $0x1;
	p0 =	seq.s32 s7, s2  }
0x1e: {  	s7 =	smul.u32 @!p0 $0xF7A, s2;
	p2 =	seq.s32 @!p0 s5, $0x0  }
0x1f: {  	s9 =	smul.u32 $0xF7A, s1;
	s8 =	simm.s32 @!p0 $0x1BF5;
	p2 =	por !p2, p0  }
0x20: {  	[sflag:s8] =	ssyncset.s32 @!p0 $0xFFFFF086;
	s6 =	sadd.s32 @!p0 s3, s7;
	s7 =	simm.s32 @!p0 $0x108  }
0x21: {  	s3 =	sadd.s32 s3, s9;
	s6 =	sadd.s32 @!p0 $0x88, s6;
	s7 =	simm.s32 @p2 $0x1082  }
0x22: {  	[simem:s7], [sflag:s8] =	dma.local @!p0 [hbm:s6], $0xF7A  }
0x23: {  	s9 =	sor.u32 $0xD0000000, s2;
	s6 =	simm.s32 $0x108;
	_ =	swait.ge @!p0 [sflag:s8], $0x0  }
0x24: {  	s3 =	sadd.s32 $0x88, s3;
	s6 =	simm.s32 @!p1 $0x1082;
	[sflag:s4] =	ssyncset.s32 $0xFFFFF086  }
0x25: {  	[simem:s6], [sflag:s4] =	dma.local [hbm:s3], $0xF7A  }
0x26: {  	[smem:$0x3F93] =	sst s1;
	(tag) =	ssettag s2;
	_ =	strace s9  }
0x27: {  	s1 =	sld [smem:$0x3FA3]  }
0x28: {  	s2 =	sld [smem:$0x3FA4]  }
0x29: {  	s4 =	sld [smem:$0x3FA6]  }
0x2a: {  	p0 =	seq.s32 s5, $0x0;
	s5 =	sld [smem:$0x3FA7]  }
0x2b: {  	s6 =	sld [smem:$0x3FA8]  }
0x2c: {  	s7 =	sld [smem:$0x3FA9]  }
0x2d: {  	s3 =	simm.s32 $0x108;
	s8 =	sld [smem:$0x3FAA]  }
0x2e: {  	s3 =	simm.s32 @!p0 $0x1082;
	s9 =	sld [smem:$0x3FAB]  }
0x2f: {  	lr =	sadd.s32 s0, s3;
	s0 =	sld [smem:$0x3FA2]  }
0x30: {  	s3 =	sld [smem:$0x3FA5]  }
0x31: {  	[smem:$0x3FAE] =	sst s10  }
0x32: {  	s10 =	sld [smem:$0x3FAC];
	_ =	sdelay $0x3  }
0x33: {  	p0 =	seq.s32 s10, $0x1;
	s10 =	sld [smem:$0x3FAE];
	_ =	sdelay $0x3  }
0x34: {  	[smem:$0x3FAE] =	sst s10  }
0x35: {  	s10 =	sld [smem:$0x3FAD];
	_ =	sdelay $0x3  }
0x36: {  	p1 =	seq.s32 s10, $0x1;
	s10 =	sld [smem:$0x3FAE];
	_ =	sdelay $0x3  }
0x37: {  	[smem:$0x3FAE] =	sst s10  }
0x38: {  	s10 =	sld [smem:$0x3FAF]  }
0x39: {  	_ = 	snop;
	(pc) =	sbr.ind lr, $3  }
0x3a: {  	_ = 	snop  }
0x3b: {  	_ = 	snop  }
0x3c: {  	p2 =	seq.s32 s10, $0x1;
	s10 =	sld [smem:$0x3FAE]  }
0x3d: {  	_ =	shalt  }
0x3e: {  	_ =	shalt  }
0x3f: {  	_ =	shalt  }
0x40: {  	_ =	shalt  }
0x41: {  	_ =	shalt  }
0x42: {  	_ =	shalt  }
0x43: {  	_ =	shalt  }
0x44: {  	_ =	shalt  }
0x45: {  	_ =	shalt  }
0x46: {  	_ =	shalt  }
0x47: {  	_ =	shalt  }
0x48: {  	_ =	shalt  }
0x49: {  	_ =	shalt  }
0x4a: {  	_ =	shalt  }
0x4b: {  	_ =	shalt  }
0x4c: {  	_ =	shalt  }
0x4d: {  	_ =	shalt  }
0x4e: {  	_ =	shalt  }
0x4f: {  	_ =	shalt  }
0x50: {  	_ =	shalt  }
0x51: {  	_ =	shalt  }
0x52: {  	_ =	shalt  }
0x53: {  	_ =	shalt  }
0x54: {  	_ =	shalt  }
0x55: {  	_ =	shalt  }
0x56: {  	_ =	shalt  }
0x57: {  	_ =	shalt  }
0x58: {  	_ =	shalt  }
0x59: {  	_ =	shalt  }
0x5a: {  	_ =	shalt  }
0x5b: {  	_ =	shalt  }
0x5c: {  	_ =	shalt  }
0x5d: {  	_ =	shalt  }
0x5e: {  	_ =	shalt  }
0x5f: {  	_ =	shalt  }
0x60: {  	_ =	shalt  }
0x61: {  	_ =	shalt  }
0x62: {  	_ =	shalt  }
0x63: {  	_ =	shalt  }
0x64: {  	_ =	shalt  }
0x65: {  	_ =	shalt  }
0x66: {  	_ =	shalt  }
0x67: {  	_ =	shalt  }
0x68: {  	_ =	shalt  }
0x69: {  	_ =	shalt  }
0x6a: {  	_ =	shalt  }
0x6b: {  	_ =	shalt  }
0x6c: {  	_ =	shalt  }
0x6d: {  	_ =	shalt  }
0x6e: {  	_ =	shalt  }
0x6f: {  	_ =	shalt  }
0x70: {  	_ =	shalt  }
0x71: {  	_ =	shalt  }
0x72: {  	_ =	shalt  }
0x73: {  	_ =	shalt  }
0x74: {  	_ =	shalt  }
0x75: {  	_ =	shalt  }
0x76: {  	_ =	shalt  }
0x77: {  	_ =	shalt  }
0x78: {  	_ =	shalt  }
0x79: {  	_ =	shalt  }
0x7a: {  	_ =	shalt  }
0x7b: {  	_ =	shalt  }
0x7c: {  	_ =	shalt  }
0x7d: {  	_ =	shalt  }
0x7e: {  	_ =	shalt  }
0x7f: {  	_ =	shalt  }
0x80: {  	_ =	shalt  }
0x81: {  	_ =	shalt  }
0x82: {  	_ =	shalt  }
0x83: {  	_ =	shalt  }
0x84: {  	_ =	shalt  }
0x85: {  	_ =	shalt  }
0x86: {  	_ =	shalt  }
0x87: {  	_ =	shalt  }
.Lfunc_end0:
.L_simem_size_0:
called_computation.2_lowered:
.L_overlay_start_0:
0x88: {  	s2 =	sld [smem:$0x3FD9]  }
0x89: {  	s3 =	sld [smem:$0x3FFE];
	_ =	sdelay $0x1  }
0x8a: {  	s1 =	srdreg.scid  }
0x8b: {  	s0 =	sand.u32 $0x1, s1  }
0x8c: {  	s17 =	sshll.u32 s0, $0xA;
	s2 =	sadd.s32 s3, s2  }
0x8d: {  	s2 =	sadd.s32 s2, s17  }
0x8e: {  	[smem:$0x3FBA] =	sst s2  }
0x8f: {  	_ = 	snop  }
0x90: {  	(tm) =	ssettm $0x1  }
0x91: {  	s18 =	sld [smem:$0x3FFB];
	_ =	sdelay $0x3  }
0x92: {  	_ =	strace s18  }
0x93: {  	s2 =	sld [smem:$0x3FFC];
	_ =	sdelay $0x3  }
0x94: {  	_ =	strace s2  }
0x95: {  	s2 =	sld [smem:$0x3FFD];
	_ =	sdelay $0x3  }
0x96: {  	_ =	strace s2  }
0x97: {  	_ =	strace $0x8FFFFFFF  }
0x98: {  	s19 =	sld [smem:$0x3FDB];
	_ =	sdelay $0x1  }
0x99: {  	s20 =	simm.s32 $_scs_section_size  }
0x9a: {  	s4 =	simm.s32 $_size__tile_overlayer_lowered;
	s5 =	simm.s32 $_tile_overlayer_lowered  }
0x9b: {  	s6 =	simm.s32 $0x1BFF;
	s21 =	sshll.u32 s5, $0x1;
	s3 =	sadd.s32 s20, s19  }
0x9c: {  	s22 =	simm.s32 $0x0;
	s4 =	sshll.u32 s4, $0x1;
	s5 =	sadd.s32 s21, s3  }
0x9d: {  	[timem:s22], [sflag:s6] =	dma.local [hbm:s5], s4  }
0x9e: {  	_ =	swait.ge [sflag:s6], s4  }
0x9f: {  	s4 =	ssub.s32 $0x0, s4;
	[sflag:s6] =	ssyncset.done $0x0  }
0xa0: {  	[sflag:s6] =	ssyncadd.s32 s4;
	_ =	sdelay $0x1  }
0xa1: {  	s23 =	simm.s32 $0x1B8B  }
0xa2: {  	_ =	swait.ge [sflag:s23], $0x1  }
0xa3: {  	[sflag:s23] =	ssyncset.done $0x0  }
0xa4: {  	[sflag:s23] =	ssyncadd.s32 $0xFFFFFFFF  }
0xa5: {  	s4 =	sld [smem:$0x0]  }
0xa6: {  	s5 =	sand.u32 $0xFFFFFFFE, s1  }
0xa7: {  	p0 =	sne.s32 s1, s5  }
0xa8: {  	s5 =	sshll.u32 @p0 s5, $0xE  }
0xa9: {  	s5 =	sadd.s32 @p0 $0x11B8D, s5;
	s6 =	sshll.u32 @p0 s4, $0x11  }
0xaa: {  	s5 =	sor.u32 @p0 s6, s5  }
0xab: {  	[sflag:s5] =	ssyncadd.remote.s32 @p0 $0x1;
	_ =	sdelay $0x1  }
0xac: {  	s5 =	simm.s32 @p0 $0x1B8D  }
0xad: {  	_ =	swait.eq @p0 [sflag:s5], $0x1  }
0xae: {  	[sflag:s5] =	ssyncadd.s32 @p0 $0xFFFFFFFF  }
0xaf: {  	s6 =	sshll.u32 @!p0 s1, $0xE  }
0xb0: {  	s6 =	sor.u32 @!p0 $0x4000, s6;
	s5 =	simm.s32 @!p0 $0x1B8D  }
0xb1: {  	s4 =	sshll.u32 @!p0 s4, $0x11;
	s6 =	sadd.s32 @!p0 $0x11B8D, s6;
	_ =	swait.eq @!p0 [sflag:s5], $0x1  }
0xb2: {  	s4 =	sor.u32 @!p0 s4, s6;
	[sflag:s5] =	ssyncadd.s32 @!p0 $0xFFFFFFFF  }
0xb3: {  	s25 =	simm.s32 $0x1B8E;
	s24 =	sld [smem:$0x3FFE];
	[sflag:s4] =	ssyncadd.remote.s32 @!p0 $0x1  }
0xb4: {  	s26 =	simm.s32 $execute0_lowered;
	[smem:$0x3FD2] =	sst s25  }
0xb5: {  	s5 =	sshll.u32 s26, $0x1;
	_ =	strace $0x8000004C;
	[dreg:$0x1] =	wrdreg $0xFFFFFFFF  }
0xb6: {  	s28 =	simm.s32 $_size_execute0_lowered;
	s3 =	sadd.s32 s3, s5;
	[dreg:$0x0] =	wrdreg $0x0  }
0xb7: {  	s5 =	sshll.u32 s28, $0x1;
	[dreg:$0x2] =	wrdreg s3  }
0xb8: {  	[dreg:$0x3] =	wrdreg s5  }
0xb9: {  	[dreg:$0x4] =	wrdreg $0xC0  }
0xba: {  	_ =	task [dreg:s22], $0x5FFFF  }
0xbb: {  	[dreg:$0x1] =	wrdreg $0xFFFFFFFF  }
0xbc: {  	[dreg:$0x0] =	wrdreg $0x60  }
0xbd: {  	[dreg:$0x2] =	wrdreg s24  }
0xbe: {  	[dreg:$0x3] =	wrdreg $0x94000  }
0xbf: {  	[dreg:$0x4] =	wrdreg $0xA  }
0xc0: {  	_ =	task.clear_ibuf [dreg:s22], $0x5FFFF;
	_ =	strace $0x9000004C  }
0xc1: {  	s29 =	simm.s32 $0xA;
	_ =	strace $0x8000004E  }
0xc2: {  	_ =	swait.ge [sflag:s29], $0x1  }
0xc3: {  	[sflag:s29] =	ssyncadd.s32 $0xFFFFFFFF  }
0xc4: {  	_ =	strace $0x9000004E  }
0xc5: {  	_ =	sfence  }
0xc6: {  	s30 =	sld [smem:$0x0];
	_ =	sdelay $0x2  }
0xc7: {  	s31 =	sshll.u32 s1, $0xD;
	s1 =	sshrl.u32 s1, $0x2  }
0xc8: {  	s4 =	sand.u32 $0x4000, s31;
	s1 =	sadd.s32 s1, s30  }
0xc9: {  	s0 =	sor.u32 s4, s0;
	s1 =	sshll.u32 s1, $0x11  }
0xca: {  	s0 =	sor.u32 s1, s0  }
0xcb: {  	s0 =	sadd.s32 $0x8F2B, s0  }
0xcc: {  	[sflag:s0] =	ssyncadd.remote.s32 $0x1  }
0xcd: {  	_ =	sfence.sel $0xFFFF  }
0xce: {  	[dreg:$0x0] =	wrdreg $0xFFFFFFFF;
	(pc) =	sbr.abs _section_cstart, $3  }
0xcf: {  	[dreg:$0x1] =	wrdreg $0xFFFFFFFF  }
0xd0: {  	_ =	task.clear_ibuf [dreg:s22], $0x2FFFF;
	_ =	strace $0x9FFFFFFF  }
0xd1: {  	(tm) =	ssettm $0x7FFFFFFF  }
tec
execute0_lowered:
.L_overlay_start_1:
0x0: {  	(tag) =	ssettag $0x1  }
0x1: {  	s0 =	rddreg [dreg:$0x0]  }
0x2: {  	s1 =	rddreg [dreg:$0x1];
	s2 =	simm.s32 $0x0;
	s3 =	stileid.u32  }
0x3: {  	s6 =	srdreg.scid;
	s15 =	simm.s32 $0x400;
	s16 =	simm.s32 $0x800  }
0x4: {  	s17 =	simm.s32 $0x1400;
	s18 =	simm.s32 $0x5400;
	s19 =	simm.s32 $0x1  }
0x5: {  	s20 =	simm.s32 $0x80;
	s21 =	simm.s32 $0x2;
	s5 =	smul.u32 $0x1400, s3  }
0x6: {  	s23 =	simm.s32 $0x1380;
	s28 =	simm.s32 $0x0;
	s7 =	smul.u32 $0x28000, s3  }
0x7: {  	[smem:$0x7FF] =	sst s2;
	s4 =	sadd.s32 $0x55D000, s0;
	s10 =	smul.u32 $0x140000, s3  }
0x8: {  	s6 =	sand.u32 $0x1, s6;
	s11 =	smul.u32 $0x50000, s3;
	p0 =	sne.s32 s3, $0x0  }
0x9: {  	_ =	strace $0x8000004D;
	s8 =	sshll.u32 s6, $0x7;
	s9 =	sshll.u32 s6, $0xA  }
0xa: {  	s6 =	ssub.s32 $0x2, s6;
	s14 =	sshrl.u32 @!p0 s1, $0x3;
	s5 =	sshrl.u32 s5, $0x3  }
0xb: {  	s8 =	sadd.s32 s8, s0;
	s7 =	sor.u32 s9, s7;
	s24 =	sshrl.u32 s6, $0x1  }
0xc: {  	s13 =	sor.u32 s9, s10;
	s26 =	sshrl.u32 s11, $0x2;
	s5 =	sadd.s32 s5, s0  }
0xd: {  	s7 =	sshrl.u32 s7, $0x3;
	s12 =	ssub.s32 s6, s24;
	s6 =	sadd.s32 $0x28D000, s8  }
0xe: {  	s25 =	sshrl.u32 s13, $0x3;
	s24 =	sadd.s32 s26, s1;
	s9 =	sadd.s32 $0x138000, s13  }
0xf: {  	s30 =	sor.u32 $0x8000, s13;
	s11 =	sor.u32 $0x10000, s13;
	s13 =	simm.s32 $0x3  }
0x10: {  	s26 =	simm.s32 $0x100;
	s0 =	sadd.s32 s7, s0;
	s5 =	sadd.s32 $0x4800, s5  }
0x11: {  	s7 =	sadd.s32 s4, s25;
	s29 =	sshrl.u32 s9, $0x3;
	s9 =	smax.u32 s12, $0x1  }
0x12: {  	s31 =	sshrl.u32 s30, $0x3;
	s24 =	sshrl.u32 s24, $0x3;
	s25 =	simm.s32 $0x8  }
0x13: {  	s8 =	sadd.s32 $0x2DD000, s0;
	s10 =	sadd.s32 s4, s29;
	s12 =	sadd.s32 s31, s4  }
.LBB2_1:
0x14: {  	[tilespmem:s2], [sflag:$0x3] =	stream.linear.gather [hbm4b:s5+s2], $0x1400, $0x38;
	[tilespmem:$0x1D400] =	vst v63  }
0x15: {  	_ =	swait.ge [sflag:s13], $0x1400  }
0x16: {  	s0 =	simm.s32 @!p0 $0x8;
	s29 =	simm.s32 @!p0 $0x80;
	[sflag:s13] =	ssyncset.done $0x0  }
0x17: {  	s30 =	simm.s32 @!p0 $0x100;
	s31 =	simm.s32 @!p0 $0x1C03;
	[sflag:s13] =	ssyncadd.s32 $0xFFFFEC00  }
0x18: {  	[spmem:s14@s29], [sflag:s31] =	dma.strided @!p0 [hbm:s6@s30], $0x28000, s0, $0x10   }
0x19: {  	s0 =	simm.s32 @!p0 $0x3  }
0x1a: {  	_ =	swait.ge @!p0 [sflag:s0], $0x28000  }
0x1b: {  	[sflag:s0] =	ssyncset.done @!p0 $0x0  }
0x1c: {  	[sflag:s0] =	ssyncadd.s32 @!p0 $0xFFFD8000  }
0x1d: {  	[bflag:$0x0] =	sbarrier.arrive $0xFFFF  }
0x1e: {  	[tilespmem:s17], [sflag:$0x1] =	stream.strided.gather [hbm4b:s7+s15], $0x4000, s16, s15, $0x38;
	[tilespmem:$0x1D400] =	vst v63  }
0x1f: {  	s22 =	sadd.s32 $0x0, s12  }
0x20: {  	[tilespmem:s18], [sflag:$0x2] =	stream.strided.gather [hbm4b:s22+s15], $0x4000, s16, s15, $0x38;
	[tilespmem:$0x1D400] =	vst v63  }
0x21: {  	_ =	swait.ge [sflag:s19], $0x4000  }
0x22: {  	[sflag:s19] =	ssyncset.done $0x0  }
0x23: {  	[sflag:s19] =	ssyncadd.s32 $0xFFFFC000  }
0x24: {  	[spmem:s1] =	stream.indirect.scatter.add.f32 [tilespmem:s17], [sflag:$0x3], $0x80, s2, s20, $0xb8;
	[tilespmem:$0x1D400] =	vst v63  }
0x25: {  	_ =	swait.ge [sflag:s13], $0x4000  }
0x26: {  	s3 =	sshrl.u32 s11, $0x3;
	[sflag:s13] =	ssyncset.done $0x0  }
0x27: {  	s0 =	sadd.s32 s4, s3;
	[sflag:s13] =	ssyncadd.s32 $0xFFFFC000  }
0x28: {  	[tilespmem:s17], [sflag:$0x1] =	stream.strided.gather [hbm4b:s0+s15], $0x4000, s16, s15, $0x38;
	[tilespmem:$0x1D400] =	vst v63  }
0x29: {  	_ =	swait.ge [sflag:s21], $0x4000  }
0x2a: {  	[sflag:s21] =	ssyncset.done $0x0  }
0x2b: {  	s22 =	simm.s32 $0x80;
	[sflag:s21] =	ssyncadd.s32 $0xFFFFC000  }
0x2c: {  	[spmem:s1] =	stream.indirect.scatter.add.f32 [tilespmem:s18], [sflag:$0x3], $0x80, s22, s20, $0xb8;
	[tilespmem:$0x1D400] =	vst v63  }
0x2d: {  	s31 =	simm.s32 $0x2000;
	s30 =	sadd.s32 $0x10000, s11;
	_ =	swait.ge [sflag:s13], $0x4000  }
0x2e: {  	s29 =	simm.s32 $0x100;
	s0 =	simm.s32 $0x4000;
	[sflag:s13] =	ssyncset.done $0x0  }
.LBB2_2:
0x2f: {  	s3 =	sadd.s32 s31, s12  }
0x30: {  	[sflag:s13] =	ssyncadd.s32 $0xFFFFC000;
	s31 =	smov.u32 s0;
	s22 =	sadd.s32 $0x2000, s0  }
0x31: {  	[tilespmem:s18], [sflag:$0x2] =	stream.strided.gather [hbm4b:s3+s15], $0x4000, s16, s15, $0x38;
	[tilespmem:$0x1D400] =	vst v63  }
0x32: {  	p1 =	sne.s32 s0, $0x24000;
	_ =	swait.ge [sflag:s19], $0x4000  }
0x33: {  	[sflag:s19] =	ssyncset.done $0x0  }
0x34: {  	[sflag:s19] =	ssyncadd.s32 $0xFFFFC000  }
0x35: {  	[spmem:s1] =	stream.indirect.scatter.add.f32 [tilespmem:s17], [sflag:$0x3], $0x80, s29, s20, $0xb8;
	[tilespmem:$0x1D400] =	vst v63  }
0x36: {  	_ =	swait.ge [sflag:s13], $0x4000  }
0x37: {  	s0 =	sshrl.u32 s30, $0x3;
	[sflag:s13] =	ssyncset.done $0x0  }
0x38: {  	s0 =	sadd.s32 s4, s0;
	[sflag:s13] =	ssyncadd.s32 $0xFFFFC000  }
0x39: {  	[tilespmem:s17], [sflag:$0x1] =	stream.strided.gather [hbm4b:s0+s15], $0x4000, s16, s15, $0x38;
	[tilespmem:$0x1D400] =	vst v63  }
0x3a: {  	_ =	swait.ge [sflag:s21], $0x4000  }
.Ltmp0:
0x3b: {  	[sflag:s21] =	ssyncset.done $0x0;
	(pc) =	sbr.rel @p1 .LBB2_2-.Ltmp0, $4  }
0x3c: {  	s0 =	sadd.s32 $0x80, s29;
	[sflag:s21] =	ssyncadd.s32 $0xFFFFC000  }
0x3d: {  	[spmem:s1] =	stream.indirect.scatter.add.f32 [tilespmem:s18], [sflag:$0x3], $0x80, s0, s20, $0xb8;
	[tilespmem:$0x1D400] =	vst v63  }
0x3e: {  	s30 =	sadd.s32 $0x10000, s30;
	_ =	swait.ge [sflag:s13], $0x4000  }
0x3f: {  	s29 =	sadd.s32 $0x100, s29;
	s0 =	smov.u32 s22;
	[sflag:s13] =	ssyncset.done $0x0  }
0x40: {  	s0 =	sadd.s32 s31, s12;
	[sflag:s13] =	ssyncadd.s32 $0xFFFFC000  }
0x41: {  	[tilespmem:s18], [sflag:$0x2] =	stream.strided.gather [hbm4b:s0+s15], $0x4000, s16, s15, $0x38;
	[tilespmem:$0x1D400] =	vst v63  }
0x42: {  	_ =	swait.ge [sflag:s19], $0x4000  }
0x43: {  	[sflag:s19] =	ssyncset.done $0x0  }
0x44: {  	[sflag:s19] =	ssyncadd.s32 $0xFFFFC000  }
0x45: {  	[spmem:s1] =	stream.indirect.scatter.add.f32 [tilespmem:s17], [sflag:$0x3], $0x80, s29, s20, $0xb8;
	[tilespmem:$0x1D400] =	vst v63  }
0x46: {  	_ =	swait.ge [sflag:s13], $0x4000  }
0x47: {  	s22 =	sshrl.u32 s30, $0x3;
	[sflag:s13] =	ssyncset.done $0x0  }
0x48: {  	s0 =	sadd.s32 s4, s22;
	[sflag:s13] =	ssyncadd.s32 $0xFFFFC000  }
0x49: {  	[tilespmem:s17], [sflag:$0x1] =	stream.strided.gather [hbm4b:s0+s15], $0x4000, s16, s15, $0x38;
	[tilespmem:$0x1D400] =	vst v63  }
0x4a: {  	_ =	swait.ge [sflag:s21], $0x4000  }
0x4b: {  	[sflag:s21] =	ssyncset.done $0x0  }
0x4c: {  	s29 =	sadd.s32 $0x80, s29;
	[sflag:s21] =	ssyncadd.s32 $0xFFFFC000  }
0x4d: {  	[spmem:s1] =	stream.indirect.scatter.add.f32 [tilespmem:s18], [sflag:$0x3], $0x80, s29, s20, $0xb8;
	[tilespmem:$0x1D400] =	vst v63  }
0x4e: {  	_ =	swait.ge [sflag:s13], $0x4000  }
0x4f: {  	[sflag:s13] =	ssyncset.done $0x0  }
0x50: {  	[sflag:s13] =	ssyncadd.s32 $0xFFFFC000  }
0x51: {  	[tilespmem:s18], [sflag:$0x2] =	stream.strided.gather [hbm4b:s10+s15], $0x4000, s16, s15, $0x38;
	[tilespmem:$0x1D400] =	vst v63  }
0x52: {  	_ =	swait.ge [sflag:s19], $0x4000  }
0x53: {  	[sflag:s19] =	ssyncset.done $0x0  }
0x54: {  	s30 =	simm.s32 $0x1300;
	[sflag:s19] =	ssyncadd.s32 $0xFFFFC000  }
0x55: {  	[spmem:s1] =	stream.indirect.scatter.add.f32 [tilespmem:s17], [sflag:$0x3], $0x80, s30, s20, $0xb8;
	[tilespmem:$0x1D400] =	vst v63  }
0x56: {  	_ =	swait.ge [sflag:s13], $0x4000  }
0x57: {  	[sflag:s13] =	ssyncset.done $0x0  }
0x58: {  	[sflag:s13] =	ssyncadd.s32 $0xFFFFC000  }
0x59: {  	_ =	swait.ge [sflag:s21], $0x4000  }
0x5a: {  	[sflag:s21] =	ssyncset.done $0x0  }
0x5b: {  	[sflag:s21] =	ssyncadd.s32 $0xFFFFC000  }
0x5c: {  	[spmem:s1] =	stream.indirect.scatter.add.f32 [tilespmem:s18], [sflag:$0x3], $0x80, s23, s20, $0xb8;
	[tilespmem:$0x1D400] =	vst v63  }
0x5d: {  	_ =	swait.ge [sflag:s13], $0x4000  }
0x5e: {  	s31 =	stileid.u32;
	s28 =	sadd.s32 $0x1, s28;
	[sflag:s13] =	ssyncset.done $0x0  }
0x5f: {  	p1 =	sne.s32 s28, s9;
	s0 =	sshll.u32 s31, $0x6;
	[sflag:s13] =	ssyncadd.s32 $0xFFFFC000  }
.Ltmp1:
0x60: {  	s0 =	sor.u32 $0x1C03, s0;
	[bflag:$0x0] =	sbarrier.arrive $0xFFFF;
	(pc) =	sbr.rel @p1 .LBB2_1-.Ltmp1, $4  }
0x61: {  	[hbm:s8@s26], [sflag:s0] =	dma.strided [spmem:s24@s20], $0x2800, s25, $0x10   }
0x62: {  	_ =	swait.ge [sflag:s13], $0x2800  }
0x63: {  	[sflag:s13] =	ssyncset.done $0x0  }
0x64: {  	[sflag:s13] =	ssyncadd.s32 $0xFFFFD800  }
0x65: {  	_ =	sfence.sel $0x180000  }
0x66: {  	[bflag:$0x0] =	sbarrier.arrive $0xFFFF  }
0x67: {  	_ =	strace $0x9000004D  }
0x68: {  	[bflag:$0x2] =	sbarrier.arrive $0xFFFF  }
0x69: {  	s0 =	rddreg [dreg:$0x2]  }
0x6a: {  	s0 =	sadd.s32 @!p0 $0x100000, s0  }
0x6b: {  	[sflag:s0] =	ssyncadd.tile.s32 @!p0 $0x1;
	_ =	shalt  }
.Lfunc_end2:
_tile_overlayer_lowered:
.L_overlay_start_2:
0x6c: {  	(tag) =	ssettag $0x2  }
0x6d: {  	s0 =	rddreg [dreg:$0x0];
	s2 =	stileid.u32  }
0x6e: {  	s1 =	rddreg [dreg:$0x1];
	p0 =	sne.s32 s2, $0x0  }
0x6f: {  	s3 =	rddreg [dreg:$0x2];
	[bflag:$0x3] =	sbarrier.arrive $0xFFFF;
	s2 =	simm.s32 @!p0 $0x1C03  }
0x70: {  	[timem:s3], [sflag:s2] =	dma.local @!p0 [hbm:s0], s1  }
0x71: {  	s0 =	simm.s32 @!p0 $0x3  }
0x72: {  	_ =	swait.ge @!p0 [sflag:s0], s1  }
0x73: {  	s1 =	ssub.s32 @!p0 $0x0, s1;
	[sflag:s0] =	ssyncset.done @!p0 $0x0  }
0x74: {  	[sflag:s0] =	ssyncadd.s32 @!p0 s1  }
0x75: {  	[bflag:$0x3] =	sbarrier.arrive $0xFFFF  }
0x76: {  	_ =	shalt  }

// kernel: kernel.23.cloned.1.call-start
scs
__scs_entry_jumppad:
0x0: {  	(pc) =	sbr.rel $0x88, $3  }
0x1: {  	(tag) =	ssettag $0x0;
	lr =	simm.s32 $0x1  }
0x2: {  	[smem:$0x3F93] =	sst lr;
	_ =	strace $0xD0000000  }
0x3: {  	_ = 	snop  }
0x4: {  	_ = 	snop  }
0x5: {  	_ = 	snop  }
0x6: {  	_ = 	snop  }
0x7: {  	_ = 	snop  }
__scs_overlays_trampoline_lowered:
0x8: {  	[smem:$0x3FA2] =	sst s0  }
0x9: {  	[smem:$0x3FA3] =	sst s1  }
0xa: {  	[smem:$0x3FA4] =	sst s2  }
0xb: {  	[smem:$0x3FA5] =	sst s3  }
0xc: {  	[smem:$0x3FA6] =	sst s4  }
0xd: {  	[smem:$0x3FA7] =	sst s5  }
0xe: {  	[smem:$0x3FA8] =	sst s6  }
0xf: {  	[smem:$0x3FA9] =	sst s7  }
0x10: {  	[smem:$0x3FAA] =	sst s8  }
0x11: {  	[smem:$0x3FAB] =	sst s9;
	s0 =	simm.s32 @!p0 $0x0  }
0x12: {  	s1 =	sld [smem:$0x3F91];
	s0 =	simm.s32 @p0 $0x1  }
0x13: {  	[smem:$0x3FAC] =	sst s0;
	s0 =	simm.s32 @!p1 $0x0  }
0x14: {  	s2 =	sld [smem:$0x3F90];
	s0 =	simm.s32 @p1 $0x1  }
0x15: {  	[smem:$0x3FAD] =	sst s0;
	s0 =	simm.s32 @!p2 $0x0  }
0x16: {  	s3 =	sld [smem:$0x3FDB];
	s0 =	simm.s32 @p2 $0x1  }
0x17: {  	s4 =	simm.s32 $0x1BF5;
	[smem:$0x3FAF] =	sst s0  }
0x18: {  	s0 =	sld [smem:$0x3F92];
	_ =	swait.ge [sflag:s4], $0x0  }
0x19: {  	s7 =	sld [smem:$0x3F93]  }
0x1a: {  	s8 =	sadd.s32 $0xFFFFE003, lr  }
0x1b: {  	s9 =	sadd.s32 $0xFFFFFEF7, lr;
	s5 =	simm.s32 $0xFFFFFFFF;
	p2 =	slt.u32 s8, $0xFFFFF086  }
0x1c: {  	p1 =	slt.u32 s9, $0xF7A;
	s5 =	simm.s32 @!p2 $0x0  }
0x1d: {  	s5 =	simm.s32 @p1 $0x1;
	p0 =	seq.s32 s7, s2  }
0x1e: {  	s7 =	smul.u32 @!p0 $0xF7A, s2;
	p2 =	seq.s32 @!p0 s5, $0x0  }
0x1f: {  	s9 =	smul.u32 $0xF7A, s1;
	s8 =	simm.s32 @!p0 $0x1BF5;
	p2 =	por !p2, p0  }
0x20: {  	[sflag:s8] =	ssyncset.s32 @!p0 $0xFFFFF086;
	s6 =	sadd.s32 @!p0 s3, s7;
	s7 =	simm.s32 @!p0 $0x108  }
0x21: {  	s3 =	sadd.s32 s3, s9;
	s6 =	sadd.s32 @!p0 $0x88, s6;
	s7 =	simm.s32 @p2 $0x1082  }
0x22: {  	[simem:s7], [sflag:s8] =	dma.local @!p0 [hbm:s6], $0xF7A  }
0x23: {  	s9 =	sor.u32 $0xD0000000, s2;
	s6 =	simm.s32 $0x108;
	_ =	swait.ge @!p0 [sflag:s8], $0x0  }
0x24: {  	s3 =	sadd.s32 $0x88, s3;
	s6 =	simm.s32 @!p1 $0x1082;
	[sflag:s4] =	ssyncset.s32 $0xFFFFF086  }
0x25: {  	[simem:s6], [sflag:s4] =	dma.local [hbm:s3], $0xF7A  }
0x26: {  	[smem:$0x3F93] =	sst s1;
	(tag) =	ssettag s2;
	_ =	strace s9  }
0x27: {  	s1 =	sld [smem:$0x3FA3]  }
0x28: {  	s2 =	sld [smem:$0x3FA4]  }
0x29: {  	s4 =	sld [smem:$0x3FA6]  }
0x2a: {  	p0 =	seq.s32 s5, $0x0;
	s5 =	sld [smem:$0x3FA7]  }
0x2b: {  	s6 =	sld [smem:$0x3FA8]  }
0x2c: {  	s7 =	sld [smem:$0x3FA9]  }
0x2d: {  	s3 =	simm.s32 $0x108;
	s8 =	sld [smem:$0x3FAA]  }
0x2e: {  	s3 =	simm.s32 @!p0 $0x1082;
	s9 =	sld [smem:$0x3FAB]  }
0x2f: {  	lr =	sadd.s32 s0, s3;
	s0 =	sld [smem:$0x3FA2]  }
0x30: {  	s3 =	sld [smem:$0x3FA5]  }
0x31: {  	[smem:$0x3FAE] =	sst s10  }
0x32: {  	s10 =	sld [smem:$0x3FAC];
	_ =	sdelay $0x3  }
0x33: {  	p0 =	seq.s32 s10, $0x1;
	s10 =	sld [smem:$0x3FAE];
	_ =	sdelay $0x3  }
0x34: {  	[smem:$0x3FAE] =	sst s10  }
0x35: {  	s10 =	sld [smem:$0x3FAD];
	_ =	sdelay $0x3  }
0x36: {  	p1 =	seq.s32 s10, $0x1;
	s10 =	sld [smem:$0x3FAE];
	_ =	sdelay $0x3  }
0x37: {  	[smem:$0x3FAE] =	sst s10  }
0x38: {  	s10 =	sld [smem:$0x3FAF]  }
0x39: {  	_ = 	snop;
	(pc) =	sbr.ind lr, $3  }
0x3a: {  	_ = 	snop  }
0x3b: {  	_ = 	snop  }
0x3c: {  	p2 =	seq.s32 s10, $0x1;
	s10 =	sld [smem:$0x3FAE]  }
0x3d: {  	_ =	shalt  }
0x3e: {  	_ =	shalt  }
0x3f: {  	_ =	shalt  }
0x40: {  	_ =	shalt  }
0x41: {  	_ =	shalt  }
0x42: {  	_ =	shalt  }
0x43: {  	_ =	shalt  }
0x44: {  	_ =	shalt  }
0x45: {  	_ =	shalt  }
0x46: {  	_ =	shalt  }
0x47: {  	_ =	shalt  }
0x48: {  	_ =	shalt  }
0x49: {  	_ =	shalt  }
0x4a: {  	_ =	shalt  }
0x4b: {  	_ =	shalt  }
0x4c: {  	_ =	shalt  }
0x4d: {  	_ =	shalt  }
0x4e: {  	_ =	shalt  }
0x4f: {  	_ =	shalt  }
0x50: {  	_ =	shalt  }
0x51: {  	_ =	shalt  }
0x52: {  	_ =	shalt  }
0x53: {  	_ =	shalt  }
0x54: {  	_ =	shalt  }
0x55: {  	_ =	shalt  }
0x56: {  	_ =	shalt  }
0x57: {  	_ =	shalt  }
0x58: {  	_ =	shalt  }
0x59: {  	_ =	shalt  }
0x5a: {  	_ =	shalt  }
0x5b: {  	_ =	shalt  }
0x5c: {  	_ =	shalt  }
0x5d: {  	_ =	shalt  }
0x5e: {  	_ =	shalt  }
0x5f: {  	_ =	shalt  }
0x60: {  	_ =	shalt  }
0x61: {  	_ =	shalt  }
0x62: {  	_ =	shalt  }
0x63: {  	_ =	shalt  }
0x64: {  	_ =	shalt  }
0x65: {  	_ =	shalt  }
0x66: {  	_ =	shalt  }
0x67: {  	_ =	shalt  }
0x68: {  	_ =	shalt  }
0x69: {  	_ =	shalt  }
0x6a: {  	_ =	shalt  }
0x6b: {  	_ =	shalt  }
0x6c: {  	_ =	shalt  }
0x6d: {  	_ =	shalt  }
0x6e: {  	_ =	shalt  }
0x6f: {  	_ =	shalt  }
0x70: {  	_ =	shalt  }
0x71: {  	_ =	shalt  }
0x72: {  	_ =	shalt  }
0x73: {  	_ =	shalt  }
0x74: {  	_ =	shalt  }
0x75: {  	_ =	shalt  }
0x76: {  	_ =	shalt  }
0x77: {  	_ =	shalt  }
0x78: {  	_ =	shalt  }
0x79: {  	_ =	shalt  }
0x7a: {  	_ =	shalt  }
0x7b: {  	_ =	shalt  }
0x7c: {  	_ =	shalt  }
0x7d: {  	_ =	shalt  }
0x7e: {  	_ =	shalt  }
0x7f: {  	_ =	shalt  }
0x80: {  	_ =	shalt  }
0x81: {  	_ =	shalt  }
0x82: {  	_ =	shalt  }
0x83: {  	_ =	shalt  }
0x84: {  	_ =	shalt  }
0x85: {  	_ =	shalt  }
0x86: {  	_ =	shalt  }
0x87: {  	_ =	shalt  }
.Lfunc_end0:
.L_simem_size_0:
called_computation.3_lowered:
.L_overlay_start_0:
0x88: {  	s2 =	sld [smem:$0x3FD9]  }
0x89: {  	s3 =	sld [smem:$0x3FFE];
	_ =	sdelay $0x1  }
0x8a: {  	s1 =	srdreg.scid  }
0x8b: {  	s0 =	sand.u32 $0x1, s1  }
0x8c: {  	s14 =	sshll.u32 s0, $0xA;
	s2 =	sadd.s32 s3, s2  }
0x8d: {  	s2 =	sadd.s32 s2, s14  }
0x8e: {  	[smem:$0x3FBA] =	sst s2  }
0x8f: {  	_ = 	snop  }
0x90: {  	s2 =	sld [smem:$0x3FD0];
	_ =	sdelay $0x2  }
0x91: {  	s15 =	simm.s32 $0xB;
	s4 =	simm.s32 $0x10  }
0x92: {  	[smem:s4], [sflag:s15] =	dma.local [hbm:s2], $0x1  }
0x93: {  	_ =	swait.eq [sflag:s15], $0x1  }
0x94: {  	[sflag:s15] =	ssyncset.done $0x0  }
0x95: {  	s16 =	sld [smem:$0x10];
	[sflag:s15] =	ssyncadd.s32 $0xFFFFFFFF  }
0x96: {  	s17 =	sld [smem:$0x13];
	(tm) =	ssettm $0x1  }
0x97: {  	s18 =	sld [smem:$0x3FFB];
	_ =	sdelay $0x3  }
0x98: {  	_ =	strace s18  }
0x99: {  	s4 =	sld [smem:$0x3FFC];
	_ =	sdelay $0x3  }
0x9a: {  	_ =	strace s4  }
0x9b: {  	s4 =	sld [smem:$0x3FFD];
	_ =	sdelay $0x3  }
0x9c: {  	_ =	strace s4  }
0x9d: {  	_ =	strace $0x8FFFFFFF  }
0x9e: {  	s19 =	sld [smem:$0x3FDB];
	_ =	sdelay $0x1  }
0x9f: {  	s5 =	simm.s32 $_scs_section_size  }
0xa0: {  	s6 =	simm.s32 $_size__tile_overlayer_lowered;
	s7 =	simm.s32 $_tile_overlayer_lowered  }
0xa1: {  	s22 =	simm.s32 $0x1BFF;
	s21 =	sshll.u32 s7, $0x1;
	s4 =	sadd.s32 s5, s19  }
0xa2: {  	s8 =	simm.s32 $0x0;
	s20 =	sshll.u32 s6, $0x1;
	s6 =	sadd.s32 s21, s4  }
0xa3: {  	[timem:s8], [sflag:s22] =	dma.local [hbm:s6], s20  }
0xa4: {  	_ =	swait.ge [sflag:s22], s20  }
0xa5: {  	s5 =	ssub.s32 $0x0, s20;
	[sflag:s22] =	ssyncset.done $0x0  }
0xa6: {  	[sflag:s22] =	ssyncadd.s32 s5;
	_ =	sdelay $0x1  }
0xa7: {  	s23 =	simm.s32 $0x1B8B  }
0xa8: {  	_ =	swait.ge [sflag:s23], $0x1  }
0xa9: {  	[sflag:s23] =	ssyncset.done $0x0  }
0xaa: {  	s25 =	simm.s32 $0x1B8E;
	s24 =	sld [smem:$0x3FFE];
	[sflag:s23] =	ssyncadd.s32 $0xFFFFFFFF  }
0xab: {  	s26 =	simm.s32 $execute0_lowered;
	[smem:$0x3FD2] =	sst s25  }
0xac: {  	s6 =	sshll.u32 s26, $0x1;
	_ =	strace $0x8000004F;
	[dreg:$0x1] =	wrdreg $0xFFFFFFFF  }
0xad: {  	s28 =	simm.s32 $_size_execute0_lowered;
	s4 =	sadd.s32 s4, s6;
	[dreg:$0x0] =	wrdreg $0x0  }
0xae: {  	s6 =	sshll.u32 s28, $0x1;
	[dreg:$0x2] =	wrdreg s4  }
0xaf: {  	[dreg:$0x3] =	wrdreg s6  }
0xb0: {  	[dreg:$0x4] =	wrdreg $0xC0  }
0xb1: {  	_ =	task [dreg:s8], $0x5FFFF  }
0xb2: {  	[dreg:$0x1] =	wrdreg $0xFFFFFFFF  }
0xb3: {  	[dreg:$0x0] =	wrdreg $0x60  }
0xb4: {  	[dreg:$0x2] =	wrdreg s16  }
0xb5: {  	[dreg:$0x3] =	wrdreg s17  }
0xb6: {  	[dreg:$0x4] =	wrdreg s24  }
0xb7: {  	[dreg:$0x5] =	wrdreg $0x94000  }
0xb8: {  	[dreg:$0x6] =	wrdreg $0x9  }
0xb9: {  	_ =	task.clear_ibuf [dreg:s8], $0x7FFFF;
	_ =	strace $0x9000004F  }
0xba: {  	s29 =	simm.s32 $0x9;
	_ =	strace $0x80000051  }
0xbb: {  	_ =	swait.ge [sflag:s29], $0x1  }
0xbc: {  	[sflag:s29] =	ssyncadd.s32 $0xFFFFFFFF  }
0xbd: {  	_ =	strace $0x90000051  }
0xbe: {  	_ =	sfence  }
0xbf: {  	s30 =	sld [smem:$0x0];
	_ =	sdelay $0x2  }
0xc0: {  	s31 =	sshll.u32 s1, $0xD;
	s1 =	sshrl.u32 s1, $0x2  }
0xc1: {  	s3 =	sand.u32 $0x4000, s31;
	s1 =	sadd.s32 s1, s30  }
0xc2: {  	s0 =	sor.u32 s3, s0;
	s1 =	sshll.u32 s1, $0x11  }
0xc3: {  	s0 =	sor.u32 s1, s0  }
0xc4: {  	s0 =	sadd.s32 $0x8F2B, s0  }
0xc5: {  	[sflag:s0] =	ssyncadd.remote.s32 $0x1  }
0xc6: {  	_ =	sfence.sel $0xFFFF  }
0xc7: {  	[dreg:$0x0] =	wrdreg $0xFFFFFFFF;
	(pc) =	sbr.abs _section_cstart, $3  }
0xc8: {  	[dreg:$0x1] =	wrdreg $0xFFFFFFFF  }
0xc9: {  	_ =	task.clear_ibuf [dreg:s8], $0x2FFFF;
	_ =	strace $0x9FFFFFFF  }
0xca: {  	(tm) =	ssettm $0x7FFFFFFF  }
0xcb: {  	_ =	shalt  }
tec
execute0_lowered:
.L_overlay_start_1:
0x0: {  	(tag) =	ssettag $0x1  }
0x1: {  	s1 =	rddreg [dreg:$0x0]  }
0x2: {  	s0 =	rddreg [dreg:$0x1]  }
0x3: {  	s5 =	rddreg [dreg:$0x2]  }
0x4: {  	s2 =	rddreg [dreg:$0x3]  }
0x5: {  	s6 =	srdreg.scid;
	s3 =	stileid.u32;
	s4 =	simm.s32 $0x0  }
0x6: {  	s15 =	simm.s32 $0x400;
	s16 =	simm.s32 $0x800;
	s7 =	smul.u32 $0x28000, s3  }
0x7: {  	s17 =	simm.s32 $0x1400;
	s18 =	simm.s32 $0x5400;
	s10 =	smul.u32 $0x1400, s3  }
0x8: {  	s19 =	simm.s32 $0x1;
	s28 =	simm.s32 $0x0;
	s21 =	smul.u32 $0x140000, s3  }
0x9: {  	s6 =	sand.u32 $0x1, s6;
	[smem:$0x7FF] =	sst s4;
	s12 =	smul.u32 $0x50000, s3  }
0xa: {  	p0 =	sne.s32 s3, $0x0;
	s8 =	sshll.u32 s6, $0xA;
	_ =	strace $0x80000050  }
0xb: {  	s9 =	sshll.u32 s6, $0x7;
	s20 =	ssub.s32 $0x2, s6;
	s14 =	sshrl.u32 @!p0 s2, $0x3  }
0xc: {  	s7 =	sor.u32 s8, s7;
	s9 =	sadd.s32 s9, s5;
	s22 =	sshrl.u32 s20, $0x1  }
0xd: {  	s10 =	sshrl.u32 s10, $0x3;
	s23 =	sor.u32 s8, s21;
	s25 =	sshrl.u32 s12, $0x2  }
0xe: {  	s21 =	simm.s32 $0x2;
	s7 =	sshrl.u32 s7, $0x3;
	s13 =	ssub.s32 s20, s22  }
0xf: {  	s6 =	sadd.s32 $0x2DD000, s9;
	s24 =	sshrl.u32 s23, $0x3;
	s26 =	sadd.s32 $0x138000, s23  }
0x10: {  	s30 =	sor.u32 $0x8000, s23;
	s20 =	simm.s32 $0x80;
	s11 =	sadd.s32 s7, s5  }
0x11: {  	s5 =	sadd.s32 s0, s10;
	s7 =	sadd.s32 s1, s24;
	s24 =	sadd.s32 s25, s2  }
0x12: {  	s29 =	sshrl.u32 s26, $0x3;
	s9 =	smax.u32 s13, $0x1;
	s31 =	sshrl.u32 s30, $0x3  }
0x13: {  	s13 =	simm.s32 $0x3;
	s25 =	simm.s32 $0x8;
	s26 =	simm.s32 $0x100  }
0x14: {  	s8 =	sadd.s32 $0x332000, s11;
	s10 =	sadd.s32 s1, s29;
	s11 =	sor.u32 $0x10000, s23  }
0x15: {  	s12 =	sadd.s32 s31, s1;
	s23 =	simm.s32 $0x1380;
	s24 =	sshrl.u32 s24, $0x3  }
.LBB2_1:
0x16: {  	[tilespmem:s4], [sflag:$0x3] =	stream.linear.gather [hbm4b:s5+s4], $0x1400, $0x38;
	[tilespmem:$0x1D400] =	vst v63  }
0x17: {  	_ =	swait.ge [sflag:s13], $0x1400  }
0x18: {  	s0 =	simm.s32 @!p0 $0x8;
	s29 =	simm.s32 @!p0 $0x80;
	[sflag:s13] =	ssyncset.done $0x0  }
0x19: {  	s30 =	simm.s32 @!p0 $0x100;
	s31 =	simm.s32 @!p0 $0x1C03;
	[sflag:s13] =	ssyncadd.s32 $0xFFFFEC00  }
0x1a: {  	[spmem:s14@s29], [sflag:s31] =	dma.strided @!p0 [hbm:s6@s30], $0x28000, s0, $0x10   }
0x1b: {  	s0 =	simm.s32 @!p0 $0x3  }
0x1c: {  	_ =	swait.ge @!p0 [sflag:s0], $0x28000  }
0x1d: {  	[sflag:s0] =	ssyncset.done @!p0 $0x0  }
0x1e: {  	[sflag:s0] =	ssyncadd.s32 @!p0 $0xFFFD8000  }
0x1f: {  	[bflag:$0x0] =	sbarrier.arrive $0xFFFF  }
0x20: {  	[tilespmem:s17], [sflag:$0x1] =	stream.strided.gather [hbm4b:s7+s15], $0x4000, s16, s15, $0x38;
	[tilespmem:$0x1D400] =	vst v63  }
0x21: {  	s22 =	sadd.s32 $0x0, s12  }
0x22: {  	[tilespmem:s18], [sflag:$0x2] =	stream.strided.gather [hbm4b:s22+s15], $0x4000, s16, s15, $0x38;
	[tilespmem:$0x1D400] =	vst v63  }
0x23: {  	_ =	swait.ge [sflag:s19], $0x4000  }
0x24: {  	[sflag:s19] =	ssyncset.done $0x0  }
0x25: {  	[sflag:s19] =	ssyncadd.s32 $0xFFFFC000  }
0x26: {  	[spmem:s2] =	stream.indirect.scatter.add.f32 [tilespmem:s17], [sflag:$0x3], $0x80, s4, s20, $0xb8;
	[tilespmem:$0x1D400] =	vst v63  }
0x27: {  	_ =	swait.ge [sflag:s13], $0x4000  }
0x28: {  	s3 =	sshrl.u32 s11, $0x3;
	[sflag:s13] =	ssyncset.done $0x0  }
0x29: {  	s0 =	sadd.s32 s1, s3;
	[sflag:s13] =	ssyncadd.s32 $0xFFFFC000  }
0x2a: {  	[tilespmem:s17], [sflag:$0x1] =	stream.strided.gather [hbm4b:s0+s15], $0x4000, s16, s15, $0x38;
	[tilespmem:$0x1D400] =	vst v63  }
0x2b: {  	_ =	swait.ge [sflag:s21], $0x4000  }
0x2c: {  	[sflag:s21] =	ssyncset.done $0x0  }
0x2d: {  	s22 =	simm.s32 $0x80;
	[sflag:s21] =	ssyncadd.s32 $0xFFFFC000  }
0x2e: {  	[spmem:s2] =	stream.indirect.scatter.add.f32 [tilespmem:s18], [sflag:$0x3], $0x80, s22, s20, $0xb8;
	[tilespmem:$0x1D400] =	vst v63  }
0x2f: {  	s31 =	simm.s32 $0x2000;
	s30 =	sadd.s32 $0x10000, s11;
	_ =	swait.ge [sflag:s13], $0x4000  }
0x30: {  	s29 =	simm.s32 $0x100;
	s0 =	simm.s32 $0x4000;
	[sflag:s13] =	ssyncset.done $0x0  }
.LBB2_2:
0x31: {  	s3 =	sadd.s32 s31, s12  }
0x32: {  	[sflag:s13] =	ssyncadd.s32 $0xFFFFC000;
	s31 =	smov.u32 s0;
	s22 =	sadd.s32 $0x2000, s0  }
0x33: {  	[tilespmem:s18], [sflag:$0x2] =	stream.strided.gather [hbm4b:s3+s15], $0x4000, s16, s15, $0x38;
	[tilespmem:$0x1D400] =	vst v63  }
0x34: {  	p1 =	sne.s32 s0, $0x24000;
	_ =	swait.ge [sflag:s19], $0x4000  }
0x35: {  	[sflag:s19] =	ssyncset.done $0x0  }
0x36: {  	[sflag:s19] =	ssyncadd.s32 $0xFFFFC000  }
0x37: {  	[spmem:s2] =	stream.indirect.scatter.add.f32 [tilespmem:s17], [sflag:$0x3], $0x80, s29, s20, $0xb8;
	[tilespmem:$0x1D400] =	vst v63  }
0x38: {  	_ =	swait.ge [sflag:s13], $0x4000  }
0x39: {  	s0 =	sshrl.u32 s30, $0x3;
	[sflag:s13] =	ssyncset.done $0x0  }
0x3a: {  	s0 =	sadd.s32 s1, s0;
	[sflag:s13] =	ssyncadd.s32 $0xFFFFC000  }
0x3b: {  	[tilespmem:s17], [sflag:$0x1] =	stream.strided.gather [hbm4b:s0+s15], $0x4000, s16, s15, $0x38;
	[tilespmem:$0x1D400] =	vst v63  }
0x3c: {  	_ =	swait.ge [sflag:s21], $0x4000  }
.Ltmp0:
0x3d: {  	[sflag:s21] =	ssyncset.done $0x0;
	(pc) =	sbr.rel @p1 .LBB2_2-.Ltmp0, $4  }
0x3e: {  	s0 =	sadd.s32 $0x80, s29;
	[sflag:s21] =	ssyncadd.s32 $0xFFFFC000  }
0x3f: {  	[spmem:s2] =	stream.indirect.scatter.add.f32 [tilespmem:s18], [sflag:$0x3], $0x80, s0, s20, $0xb8;
	[tilespmem:$0x1D400] =	vst v63  }
0x40: {  	s30 =	sadd.s32 $0x10000, s30;
	_ =	swait.ge [sflag:s13], $0x4000  }
0x41: {  	s29 =	sadd.s32 $0x100, s29;
	s0 =	smov.u32 s22;
	[sflag:s13] =	ssyncset.done $0x0  }
0x42: {  	s0 =	sadd.s32 s31, s12;
	[sflag:s13] =	ssyncadd.s32 $0xFFFFC000  }
0x43: {  	[tilespmem:s18], [sflag:$0x2] =	stream.strided.gather [hbm4b:s0+s15], $0x4000, s16, s15, $0x38;
	[tilespmem:$0x1D400] =	vst v63  }
0x44: {  	_ =	swait.ge [sflag:s19], $0x4000  }
0x45: {  	[sflag:s19] =	ssyncset.done $0x0  }
0x46: {  	[sflag:s19] =	ssyncadd.s32 $0xFFFFC000  }
0x47: {  	[spmem:s2] =	stream.indirect.scatter.add.f32 [tilespmem:s17], [sflag:$0x3], $0x80, s29, s20, $0xb8;
	[tilespmem:$0x1D400] =	vst v63  }
0x48: {  	_ =	swait.ge [sflag:s13], $0x4000  }
0x49: {  	s22 =	sshrl.u32 s30, $0x3;
	[sflag:s13] =	ssyncset.done $0x0  }
0x4a: {  	s0 =	sadd.s32 s1, s22;
	[sflag:s13] =	ssyncadd.s32 $0xFFFFC000  }
0x4b: {  	[tilespmem:s17], [sflag:$0x1] =	stream.strided.gather [hbm4b:s0+s15], $0x4000, s16, s15, $0x38;
	[tilespmem:$0x1D400] =	vst v63  }
0x4c: {  	_ =	swait.ge [sflag:s21], $0x4000  }
0x4d: {  	[sflag:s21] =	ssyncset.done $0x0  }
0x4e: {  	s29 =	sadd.s32 $0x80, s29;
	[sflag:s21] =	ssyncadd.s32 $0xFFFFC000  }
0x4f: {  	[spmem:s2] =	stream.indirect.scatter.add.f32 [tilespmem:s18], [sflag:$0x3], $0x80, s29, s20, $0xb8;
	[tilespmem:$0x1D400] =	vst v63  }
0x50: {  	_ =	swait.ge [sflag:s13], $0x4000  }
0x51: {  	[sflag:s13] =	ssyncset.done $0x0  }
0x52: {  	[sflag:s13] =	ssyncadd.s32 $0xFFFFC000  }
0x53: {  	[tilespmem:s18], [sflag:$0x2] =	stream.strided.gather [hbm4b:s10+s15], $0x4000, s16, s15, $0x38;
	[tilespmem:$0x1D400] =	vst v63  }
0x54: {  	_ =	swait.ge [sflag:s19], $0x4000  }
0x55: {  	[sflag:s19] =	ssyncset.done $0x0  }
0x56: {  	s30 =	simm.s32 $0x1300;
	[sflag:s19] =	ssyncadd.s32 $0xFFFFC000  }
0x57: {  	[spmem:s2] =	stream.indirect.scatter.add.f32 [tilespmem:s17], [sflag:$0x3], $0x80, s30, s20, $0xb8;
	[tilespmem:$0x1D400] =	vst v63  }
0x58: {  	_ =	swait.ge [sflag:s13], $0x4000  }
0x59: {  	[sflag:s13] =	ssyncset.done $0x0  }
0x5a: {  	[sflag:s13] =	ssyncadd.s32 $0xFFFFC000  }
0x5b: {  	_ =	swait.ge [sflag:s21], $0x4000  }
0x5c: {  	[sflag:s21] =	ssyncset.done $0x0  }
0x5d: {  	[sflag:s21] =	ssyncadd.s32 $0xFFFFC000  }
0x5e: {  	[spmem:s2] =	stream.indirect.scatter.add.f32 [tilespmem:s18], [sflag:$0x3], $0x80, s23, s20, $0xb8;
	[tilespmem:$0x1D400] =	vst v63  }
0x5f: {  	_ =	swait.ge [sflag:s13], $0x4000  }
0x60: {  	s31 =	stileid.u32;
	s28 =	sadd.s32 $0x1, s28;
	[sflag:s13] =	ssyncset.done $0x0  }
0x61: {  	p1 =	sne.s32 s28, s9;
	s0 =	sshll.u32 s31, $0x6;
	[sflag:s13] =	ssyncadd.s32 $0xFFFFC000  }
.Ltmp1:
0x62: {  	s0 =	sor.u32 $0x1C03, s0;
	[bflag:$0x0] =	sbarrier.arrive $0xFFFF;
	(pc) =	sbr.rel @p1 .LBB2_1-.Ltmp1, $4  }
0x63: {  	[hbm:s8@s26], [sflag:s0] =	dma.strided [spmem:s24@s20], $0x2800, s25, $0x10   }
0x64: {  	_ =	swait.ge [sflag:s13], $0x2800  }
0x65: {  	[sflag:s13] =	ssyncset.done $0x0  }
0x66: {  	[sflag:s13] =	ssyncadd.s32 $0xFFFFD800  }
0x67: {  	_ =	sfence.sel $0x180000  }
0x68: {  	[bflag:$0x0] =	sbarrier.arrive $0xFFFF  }
0x69: {  	_ =	strace $0x90000050  }
0x6a: {  	[bflag:$0x2] =	sbarrier.arrive $0xFFFF  }
0x6b: {  	s0 =	rddreg [dreg:$0x4]  }
0x6c: {  	s0 =	sadd.s32 @!p0 $0x100000, s0  }
0x6d: {  	[sflag:s0] =	ssyncadd.tile.s32 @!p0 $0x1;
	_ =	shalt  }
.Lfunc_end2:
_tile_overlayer_lowered:
.L_overlay_start_2:
0x6e: {  	(tag) =	ssettag $0x2  }
0x6f: {  	s0 =	rddreg [dreg:$0x0];
	s2 =	stileid.u32  }
0x70: {  	s1 =	rddreg [dreg:$0x1];
	p0 =	sne.s32 s2, $0x0  }
0x71: {  	s3 =	rddreg [dreg:$0x2];
	[bflag:$0x3] =	sbarrier.arrive $0xFFFF;
	s2 =	simm.s32 @!p0 $0x1C03  }
0x72: {  	[timem:s3], [sflag:s2] =	dma.local @!p0 [hbm:s0], s1  }
0x73: {  	s0 =	simm.s32 @!p0 $0x3  }
0x74: {  	_ =	swait.ge @!p0 [sflag:s0], s1  }
0x75: {  	s1 =	ssub.s32 @!p0 $0x0, s1;
	[sflag:s0] =	ssyncset.done @!p0 $0x0  }
0x76: {  	[sflag:s0] =	ssyncadd.s32 @!p0 s1  }
0x77: {  	[bflag:$0x3] =	sbarrier.arrive $0xFFFF  }
0x78: {  	_ =	shalt  }

// kernel: kernel.26.cloned.1.call-start
scs
__scs_entry_jumppad:
0x0: {  	(pc) =	sbr.rel $0x88, $3  }
0x1: {  	(tag) =	ssettag $0x0;
	lr =	simm.s32 $0x1  }
0x2: {  	[smem:$0x3F93] =	sst lr;
	_ =	strace $0xD0000000  }
0x3: {  	_ = 	snop  }
0x4: {  	_ = 	snop  }
0x5: {  	_ = 	snop  }
0x6: {  	_ = 	snop  }
0x7: {  	_ = 	snop  }
__scs_overlays_trampoline_lowered:
0x8: {  	[smem:$0x3FA2] =	sst s0  }
0x9: {  	[smem:$0x3FA3] =	sst s1  }
0xa: {  	[smem:$0x3FA4] =	sst s2  }
0xb: {  	[smem:$0x3FA5] =	sst s3  }
0xc: {  	[smem:$0x3FA6] =	sst s4  }
0xd: {  	[smem:$0x3FA7] =	sst s5  }
0xe: {  	[smem:$0x3FA8] =	sst s6  }
0xf: {  	[smem:$0x3FA9] =	sst s7  }
0x10: {  	[smem:$0x3FAA] =	sst s8  }
0x11: {  	[smem:$0x3FAB] =	sst s9;
	s0 =	simm.s32 @!p0 $0x0  }
0x12: {  	s1 =	sld [smem:$0x3F91];
	s0 =	simm.s32 @p0 $0x1  }
0x13: {  	[smem:$0x3FAC] =	sst s0;
	s0 =	simm.s32 @!p1 $0x0  }
0x14: {  	s2 =	sld [smem:$0x3F90];
	s0 =	simm.s32 @p1 $0x1  }
0x15: {  	[smem:$0x3FAD] =	sst s0;
	s0 =	simm.s32 @!p2 $0x0  }
0x16: {  	s3 =	sld [smem:$0x3FDB];
	s0 =	simm.s32 @p2 $0x1  }
0x17: {  	s4 =	simm.s32 $0x1BF5;
	[smem:$0x3FAF] =	sst s0  }
0x18: {  	s0 =	sld [smem:$0x3F92];
	_ =	swait.ge [sflag:s4], $0x0  }
0x19: {  	s7 =	sld [smem:$0x3F93]  }
0x1a: {  	s8 =	sadd.s32 $0xFFFFE003, lr  }
0x1b: {  	s9 =	sadd.s32 $0xFFFFFEF7, lr;
	s5 =	simm.s32 $0xFFFFFFFF;
	p2 =	slt.u32 s8, $0xFFFFF086  }
0x1c: {  	p1 =	slt.u32 s9, $0xF7A;
	s5 =	simm.s32 @!p2 $0x0  }
0x1d: {  	s5 =	simm.s32 @p1 $0x1;
	p0 =	seq.s32 s7, s2  }
0x1e: {  	s7 =	smul.u32 @!p0 $0xF7A, s2;
	p2 =	seq.s32 @!p0 s5, $0x0  }
0x1f: {  	s9 =	smul.u32 $0xF7A, s1;
	s8 =	simm.s32 @!p0 $0x1BF5;
	p2 =	por !p2, p0  }
0x20: {  	[sflag:s8] =	ssyncset.s32 @!p0 $0xFFFFF086;
	s6 =	sadd.s32 @!p0 s3, s7;
	s7 =	simm.s32 @!p0 $0x108  }
0x21: {  	s3 =	sadd.s32 s3, s9;
	s6 =	sadd.s32 @!p0 $0x88, s6;
	s7 =	simm.s32 @p2 $0x1082  }
0x22: {  	[simem:s7], [sflag:s8] =	dma.local @!p0 [hbm:s6], $0xF7A  }
0x23: {  	s9 =	sor.u32 $0xD0000000, s2;
	s6 =	simm.s32 $0x108;
	_ =	swait.ge @!p0 [sflag:s8], $0x0  }
0x24: {  	s3 =	sadd.s32 $0x88, s3;
	s6 =	simm.s32 @!p1 $0x1082;
	[sflag:s4] =	ssyncset.s32 $0xFFFFF086  }
0x25: {  	[simem:s6], [sflag:s4] =	dma.local [hbm:s3], $0xF7A  }
0x26: {  	[smem:$0x3F93] =	sst s1;
	(tag) =	ssettag s2;
	_ =	strace s9  }
0x27: {  	s1 =	sld [smem:$0x3FA3]  }
0x28: {  	s2 =	sld [smem:$0x3FA4]  }
0x29: {  	s4 =	sld [smem:$0x3FA6]  }
0x2a: {  	p0 =	seq.s32 s5, $0x0;
	s5 =	sld [smem:$0x3FA7]  }
0x2b: {  	s6 =	sld [smem:$0x3FA8]  }
0x2c: {  	s7 =	sld [smem:$0x3FA9]  }
0x2d: {  	s3 =	simm.s32 $0x108;
	s8 =	sld [smem:$0x3FAA]  }
0x2e: {  	s3 =	simm.s32 @!p0 $0x1082;
	s9 =	sld [smem:$0x3FAB]  }
0x2f: {  	lr =	sadd.s32 s0, s3;
	s0 =	sld [smem:$0x3FA2]  }
0x30: {  	s3 =	sld [smem:$0x3FA5]  }
0x31: {  	[smem:$0x3FAE] =	sst s10  }
0x32: {  	s10 =	sld [smem:$0x3FAC];
	_ =	sdelay $0x3  }
0x33: {  	p0 =	seq.s32 s10, $0x1;
	s10 =	sld [smem:$0x3FAE];
	_ =	sdelay $0x3  }
0x34: {  	[smem:$0x3FAE] =	sst s10  }
0x35: {  	s10 =	sld [smem:$0x3FAD];
	_ =	sdelay $0x3  }
0x36: {  	p1 =	seq.s32 s10, $0x1;
	s10 =	sld [smem:$0x3FAE];
	_ =	sdelay $0x3  }
0x37: {  	[smem:$0x3FAE] =	sst s10  }
0x38: {  	s10 =	sld [smem:$0x3FAF]  }
0x39: {  	_ = 	snop;
	(pc) =	sbr.ind lr, $3  }
0x3a: {  	_ = 	snop  }
0x3b: {  	_ = 	snop  }
0x3c: {  	p2 =	seq.s32 s10, $0x1;
	s10 =	sld [smem:$0x3FAE]  }
0x3d: {  	_ =	shalt  }
0x3e: {  	_ =	shalt  }
0x3f: {  	_ =	shalt  }
0x40: {  	_ =	shalt  }
0x41: {  	_ =	shalt  }
0x42: {  	_ =	shalt  }
0x43: {  	_ =	shalt  }
0x44: {  	_ =	shalt  }
0x45: {  	_ =	shalt  }
0x46: {  	_ =	shalt  }
0x47: {  	_ =	shalt  }
0x48: {  	_ =	shalt  }
0x49: {  	_ =	shalt  }
0x4a: {  	_ =	shalt  }
0x4b: {  	_ =	shalt  }
0x4c: {  	_ =	shalt  }
0x4d: {  	_ =	shalt  }
0x4e: {  	_ =	shalt  }
0x4f: {  	_ =	shalt  }
0x50: {  	_ =	shalt  }
0x51: {  	_ =	shalt  }
0x52: {  	_ =	shalt  }
0x53: {  	_ =	shalt  }
0x54: {  	_ =	shalt  }
0x55: {  	_ =	shalt  }
0x56: {  	_ =	shalt  }
0x57: {  	_ =	shalt  }
0x58: {  	_ =	shalt  }
0x59: {  	_ =	shalt  }
0x5a: {  	_ =	shalt  }
0x5b: {  	_ =	shalt  }
0x5c: {  	_ =	shalt  }
0x5d: {  	_ =	shalt  }
0x5e: {  	_ =	shalt  }
0x5f: {  	_ =	shalt  }
0x60: {  	_ =	shalt  }
0x61: {  	_ =	shalt  }
0x62: {  	_ =	shalt  }
0x63: {  	_ =	shalt  }
0x64: {  	_ =	shalt  }
0x65: {  	_ =	shalt  }
0x66: {  	_ =	shalt  }
0x67: {  	_ =	shalt  }
0x68: {  	_ =	shalt  }
0x69: {  	_ =	shalt  }
0x6a: {  	_ =	shalt  }
0x6b: {  	_ =	shalt  }
0x6c: {  	_ =	shalt  }
0x6d: {  	_ =	shalt  }
0x6e: {  	_ =	shalt  }
0x6f: {  	_ =	shalt  }
0x70: {  	_ =	shalt  }
0x71: {  	_ =	shalt  }
0x72: {  	_ =	shalt  }
0x73: {  	_ =	shalt  }
0x74: {  	_ =	shalt  }
0x75: {  	_ =	shalt  }
0x76: {  	_ =	shalt  }
0x77: {  	_ =	shalt  }
0x78: {  	_ =	shalt  }
0x79: {  	_ =	shalt  }
0x7a: {  	_ =	shalt  }
0x7b: {  	_ =	shalt  }
0x7c: {  	_ =	shalt  }
0x7d: {  	_ =	shalt  }
0x7e: {  	_ =	shalt  }
0x7f: {  	_ =	shalt  }
0x80: {  	_ =	shalt  }
0x81: {  	_ =	shalt  }
0x82: {  	_ =	shalt  }
0x83: {  	_ =	shalt  }
0x84: {  	_ =	shalt  }
0x85: {  	_ =	shalt  }
0x86: {  	_ =	shalt  }
0x87: {  	_ =	shalt  }
.Lfunc_end0:
.L_simem_size_0:
called_computation.4_lowered:
.L_overlay_start_0:
0x88: {  	s2 =	sld [smem:$0x3FD9]  }
0x89: {  	s3 =	sld [smem:$0x3FFE];
	_ =	sdelay $0x1  }
0x8a: {  	s1 =	srdreg.scid  }
0x8b: {  	s0 =	sand.u32 $0x1, s1  }
0x8c: {  	s14 =	sshll.u32 s0, $0xA;
	s2 =	sadd.s32 s3, s2  }
0x8d: {  	s2 =	sadd.s32 s2, s14  }
0x8e: {  	[smem:$0x3FBA] =	sst s2  }
0x8f: {  	_ = 	snop  }
0x90: {  	s2 =	sld [smem:$0x3FD0];
	_ =	sdelay $0x2  }
0x91: {  	s15 =	simm.s32 $0xB;
	s4 =	simm.s32 $0x10  }
0x92: {  	[smem:s4], [sflag:s15] =	dma.local [hbm:s2], $0x1  }
0x93: {  	_ =	swait.eq [sflag:s15], $0x1  }
0x94: {  	[sflag:s15] =	ssyncset.done $0x0  }
0x95: {  	[sflag:s15] =	ssyncadd.s32 $0xFFFFFFFF  }
0x96: {  	s16 =	sld [smem:$0x12];
	(tm) =	ssettm $0x1  }
0x97: {  	s17 =	sld [smem:$0x3FFB];
	_ =	sdelay $0x3  }
0x98: {  	_ =	strace s17  }
0x99: {  	s3 =	sld [smem:$0x3FFC];
	_ =	sdelay $0x3  }
0x9a: {  	_ =	strace s3  }
0x9b: {  	s3 =	sld [smem:$0x3FFD];
	_ =	sdelay $0x3  }
0x9c: {  	_ =	strace s3  }
0x9d: {  	_ =	strace $0x8FFFFFFF  }
0x9e: {  	s18 =	sld [smem:$0x3FDB];
	_ =	sdelay $0x1  }
0x9f: {  	s19 =	simm.s32 $_scs_section_size  }
0xa0: {  	s5 =	simm.s32 $_size__tile_overlayer_lowered;
	s6 =	simm.s32 $_tile_overlayer_lowered  }
0xa1: {  	s22 =	simm.s32 $0x1BFF;
	s21 =	sshll.u32 s6, $0x1;
	s3 =	sadd.s32 s19, s18  }
0xa2: {  	s7 =	simm.s32 $0x0;
	s20 =	sshll.u32 s5, $0x1;
	s5 =	sadd.s32 s21, s3  }
0xa3: {  	[timem:s7], [sflag:s22] =	dma.local [hbm:s5], s20  }
0xa4: {  	_ =	swait.ge [sflag:s22], s20  }
0xa5: {  	s4 =	ssub.s32 $0x0, s20;
	[sflag:s22] =	ssyncset.done $0x0  }
0xa6: {  	[sflag:s22] =	ssyncadd.s32 s4;
	_ =	sdelay $0x1  }
0xa7: {  	s23 =	simm.s32 $0x1B8B  }
0xa8: {  	_ =	swait.ge [sflag:s23], $0x1  }
0xa9: {  	[sflag:s23] =	ssyncset.done $0x0  }
0xaa: {  	s25 =	simm.s32 $0x1B8E;
	s24 =	sld [smem:$0x3FFE];
	[sflag:s23] =	ssyncadd.s32 $0xFFFFFFFF  }
0xab: {  	s26 =	simm.s32 $execute0_lowered;
	[smem:$0x3FD2] =	sst s25  }
0xac: {  	s5 =	sshll.u32 s26, $0x1;
	_ =	strace $0x80000052;
	[dreg:$0x1] =	wrdreg $0xFFFFFFFF  }
0xad: {  	s28 =	simm.s32 $_size_execute0_lowered;
	s3 =	sadd.s32 s3, s5;
	[dreg:$0x0] =	wrdreg $0x0  }
0xae: {  	s5 =	sshll.u32 s28, $0x1;
	[dreg:$0x2] =	wrdreg s3  }
0xaf: {  	[dreg:$0x3] =	wrdreg s5  }
0xb0: {  	[dreg:$0x4] =	wrdreg $0xC0  }
0xb1: {  	_ =	task [dreg:s7], $0x5FFFF  }
0xb2: {  	[dreg:$0x1] =	wrdreg $0xFFFFFFFF  }
0xb3: {  	[dreg:$0x0] =	wrdreg $0x60  }
0xb4: {  	[dreg:$0x2] =	wrdreg s24  }
0xb5: {  	[dreg:$0x3] =	wrdreg s16  }
0xb6: {  	[dreg:$0x4] =	wrdreg $0x9  }
0xb7: {  	_ =	task.clear_ibuf [dreg:s7], $0x5FFFF;
	_ =	strace $0x90000052  }
0xb8: {  	s29 =	simm.s32 $0x9;
	_ =	strace $0x80000054  }
0xb9: {  	_ =	swait.ge [sflag:s29], $0x1  }
0xba: {  	[sflag:s29] =	ssyncadd.s32 $0xFFFFFFFF  }
0xbb: {  	_ =	strace $0x90000054  }
0xbc: {  	_ =	sfence  }
0xbd: {  	s30 =	sld [smem:$0x0];
	_ =	sdelay $0x2  }
0xbe: {  	s31 =	sshll.u32 s1, $0xD;
	s1 =	sshrl.u32 s1, $0x2  }
0xbf: {  	s3 =	sand.u32 $0x4000, s31;
	s1 =	sadd.s32 s1, s30  }
0xc0: {  	s0 =	sor.u32 s3, s0;
	s1 =	sshll.u32 s1, $0x11  }
0xc1: {  	s0 =	sor.u32 s1, s0  }
0xc2: {  	s0 =	sadd.s32 $0x8F2B, s0  }
0xc3: {  	[sflag:s0] =	ssyncadd.remote.s32 $0x1  }
0xc4: {  	_ =	sfence.sel $0xFFFF  }
0xc5: {  	[dreg:$0x0] =	wrdreg $0xFFFFFFFF;
	(pc) =	sbr.abs _section_cstart, $3  }
0xc6: {  	[dreg:$0x1] =	wrdreg $0xFFFFFFFF  }
0xc7: {  	_ =	task.clear_ibuf [dreg:s7], $0x2FFFF;
	_ =	strace $0x9FFFFFFF  }
0xc8: {  	(tm) =	ssettm $0x7FFFFFFF  }
0xc9: {  	_ =	shalt  }
tec
execute0_lowered:
.L_overlay_start_1:
0x0: {  	(tag) =	ssettag $0x1  }
0x1: {  	s4 =	rddreg [dreg:$0x0]  }
0x2: {  	s5 =	rddreg [dreg:$0x1];
	s1 =	simm.s32 $0x0  }
0x3: {  	[smem:$0x7FF] =	sst s1  }
0x4: {  	s0 =	rddreg [dreg:$0x2];
	v0 =	vimm.f32 $2.000000000e+00;
	_ =	strace $0x80000053  }
0x5: {  	(erf) = vrcp.f32 v0;
	_ =	sdelay $0x2  }
0x6: {  	s3 =	srdreg.scid;
	s2 =	stileid.u32  }
0x7: {  	s10 =	simm.s32 $0x3C00;
	s3 =	sand.u32 $0x1, s3;
	s6 =	sshll.u32 s2, $0x1  }
0x8: {  	s11 =	simm.s32 $0x5000;
	s6 =	sor.u32 s3, s6;
	s7 =	ssub.s32 $0x2, s3  }
0x9: {  	s12 =	simm.s32 $0x0;
	s6 =	smul.u32 $0x280, s6;
	s8 =	sshrl.u32 s7, $0x1  }
0xa: {  	s3 =	sadd.s32 $0x2DD000, s4;
	s7 =	ssub.s32 s7, s8;
	s8 =	simm.s32 $0x1  }
0xb: {  	s9 =	sadd.s32 s6, s4;
	s4 =	sadd.s32 s5, s6;
	s7 =	smax.u32 s7, $0x1  }
0xc: {  	s5 =	sadd.s32 $0x32D000, s9;
	s6 =	sadd.s32 $0x2DD600, s9;
	s9 =	simm.s32 $0x2800;
	v0 =	vpop (erf)  }
.LBB2_1:
0xd: {  	[tilespmem:s1], [sflag:$0x1] =	stream.linear.gather [hbm4b:s3+s1], $0x2800, $0x38;
	[tilespmem:$0x6400] =	vst v63  }
0xe: {  	_ =	swait.ge [sflag:s8], $0x2800  }
0xf: {  	[sflag:s8] =	ssyncset.done $0x0  }
0x10: {  	[sflag:s8] =	ssyncadd.s32 $0xFFFFD800  }
0x11: {  	[tilespmem:s9], [sflag:$0x1] =	stream.linear.gather [hbm4b:s4+s1], $0x1400, $0x38;
	[tilespmem:$0x6400] =	vst v63  }
0x12: {  	_ =	swait.ge [sflag:s8], $0x1400  }
0x13: {  	[sflag:s8] =	ssyncset.done $0x0  }
0x14: {  	[sflag:s8] =	ssyncadd.s32 $0xFFFFEC00  }
0x15: {  	[tilespmem:s10], [sflag:$0x1] =	stream.linear.gather [hbm4b:s5+s1], $0x1400, $0x38;
	[tilespmem:$0x6400] =	vst v63  }
0x16: {  	_ =	swait.ge [sflag:s8], $0x1400  }
0x17: {  	[sflag:s8] =	ssyncset.done $0x0  }
0x18: {  	s13 =	simm.s32 $0x0;
	[sflag:s8] =	ssyncadd.s32 $0xFFFFEC00  }
0x19: {  	v1 =	vld [tilespmem:s13+$0x3C00]  }
0x1a: {  	v2 =	vld [tilespmem:s13+$0x2800];
	_ =	sdelay $0x6  }
0x1b: {  	v3 =	vld.idx.msk [tilespmem:v1+s1+$0x0], $0xffff  }
0x1c: {  	v4 =	vld.idx.msk [tilespmem:v2+s1+$0x0], $0xffff;
	_ =	sdelay $0x2  }
0x1d: {  	s14 =	simm.s32 $0x10  }
0x1e: {  	s15 =	simm.s32 $0x80;
	v2 =	vld [tilespmem:s14+$0x3C00]  }
.LBB2_2:
0x1f: {  	p0 =	sne.s32 s15, $0x4FC0;
	v5 =	vld [tilespmem:s14+$0x2800];
	v3 =	vadd.f32 v3, v4;
	_ =	sdelay $0x1  }
0x20: {  	v3 =	vmul.f32 v3, v0;
	_ =	sdelay $0x1  }
0x21: {  	vm0 =	vgt.f32 v3, $5.000000000e-01  }
0x22: {  	v3 =	vnsel vm0, $0x2710, v1;
	v1 =	vmov v2  }
0x23: {  	[tilespmem:s13+$0x5000] =	vst v3;
	s13 =	smov.u32 s14  }
0x24: {  	v3 =	vld.idx.msk [tilespmem:v2+s1+$0x0], $0xffff  }
0x25: {  	v4 =	vld.idx.msk [tilespmem:v5+s1+$0x0], $0xffff  }
.Ltmp0:
0x26: {  	(pc) =	sbr.rel @p0 .LBB2_2-.Ltmp0, $3  }
0x27: {  	_ =	sdelay $0x1  }
0x28: {  	s14 =	sshra.s32 s15, $0x2  }
0x29: {  	s15 =	sadd.s32 $0x40, s15;
	v2 =	vld [tilespmem:s14+$0x3C00]  }
0x2a: {  	_ = 	snop  }
0x2b: {  	v5 =	vld [tilespmem:s14+$0x2800];
	v3 =	vadd.f32 v3, v4;
	_ =	sdelay $0x1  }
0x2c: {  	v3 =	vmul.f32 v3, v0;
	_ =	sdelay $0x1  }
0x2d: {  	vm0 =	vgt.f32 v3, $5.000000000e-01  }
0x2e: {  	v1 =	vnsel vm0, $0x2710, v1  }
0x2f: {  	[tilespmem:s13+$0x5000] =	vst v1  }
0x30: {  	v1 =	vld.idx.msk [tilespmem:v2+s1+$0x0], $0xffff  }
0x31: {  	v3 =	vld.idx.msk [tilespmem:v5+s1+$0x0], $0xffff;
	_ =	sdelay $0x4  }
0x32: {  	v1 =	vadd.f32 v1, v3;
	_ =	sdelay $0x1  }
0x33: {  	v1 =	vmul.f32 v1, v0;
	_ =	sdelay $0x1  }
0x34: {  	s12 =	sadd.s32 $0x1, s12;
	vm15 =	vgt.f32 v1, $5.000000000e-01  }
0x35: {  	p0 =	sne.s32 s12, s7;
	v1 =	vnsel vm15, $0x2710, v2  }
.Ltmp1:
0x36: {  	[tilespmem:s14+$0x5000] =	vst v1;
	(pc) =	sbr.rel @p0 .LBB2_1-.Ltmp1, $4  }
0x37: {  	[hbm4b:s6+s1] =	stream.linear.scatter [tilespmem:s11], [sflag:$0x1], $0x1400, $0x38;
	[tilespmem:$0x6400] =	vst v63  }
0x38: {  	_ =	swait.ge [sflag:s8], $0x1400  }
0x39: {  	[sflag:s8] =	ssyncset.done $0x0  }
0x3a: {  	[sflag:s8] =	ssyncadd.s32 $0xFFFFEC00  }
0x3b: {  	_ =	sfence.sel $0x180000  }
0x3c: {  	[bflag:$0x0] =	sbarrier.arrive $0xFFFF  }
0x3d: {  	p0 =	sne.s32 s2, $0x0;
	_ =	strace $0x90000053  }
0x3e: {  	s0 =	sadd.s32 @!p0 $0x100000, s0;
	[bflag:$0x2] =	sbarrier.arrive $0xFFFF  }
0x3f: {  	[sflag:s0] =	ssyncadd.tile.s32 @!p0 $0x1;
	_ =	shalt  }
.Lfunc_end2:
_tile_overlayer_lowered:
.L_overlay_start_2:
0x40: {  	(tag) =	ssettag $0x2  }
0x41: {  	s0 =	rddreg [dreg:$0x0];
	s2 =	stileid.u32  }
0x42: {  	s1 =	rddreg [dreg:$0x1];
	p0 =	sne.s32 s2, $0x0  }
0x43: {  	s3 =	rddreg [dreg:$0x2];
	[bflag:$0x3] =	sbarrier.arrive $0xFFFF;
	s2 =	simm.s32 @!p0 $0x1C01  }
0x44: {  	[timem:s3], [sflag:s2] =	dma.local @!p0 [hbm:s0], s1  }
0x45: {  	s0 =	simm.s32 @!p0 $0x1  }
0x46: {  	_ =	swait.ge @!p0 [sflag:s0], s1  }
0x47: {  	s1 =	ssub.s32 @!p0 $0x0, s1;
	[sflag:s0] =	ssyncset.done @!p0 $0x0  }
0x48: {  	[sflag:s0] =	ssyncadd.s32 @!p0 s1  }
0x49: {  	[bflag:$0x3] =	sbarrier.arrive $0xFFFF  }
0x4a: {  	_ =	shalt  }

// kernel: kernel.29.cloned.1.call-start
scs
__scs_entry_jumppad:
0x0: {  	(pc) =	sbr.rel $0x88, $3  }
0x1: {  	(tag) =	ssettag $0x0;
	lr =	simm.s32 $0x1  }
0x2: {  	[smem:$0x3F93] =	sst lr;
	_ =	strace $0xD0000000  }
0x3: {  	_ = 	snop  }
0x4: {  	_ = 	snop  }
0x5: {  	_ = 	snop  }
0x6: {  	_ = 	snop  }
0x7: {  	_ = 	snop  }
__scs_overlays_trampoline_lowered:
0x8: {  	[smem:$0x3FA2] =	sst s0  }
0x9: {  	[smem:$0x3FA3] =	sst s1  }
0xa: {  	[smem:$0x3FA4] =	sst s2  }
0xb: {  	[smem:$0x3FA5] =	sst s3  }
0xc: {  	[smem:$0x3FA6] =	sst s4  }
0xd: {  	[smem:$0x3FA7] =	sst s5  }
0xe: {  	[smem:$0x3FA8] =	sst s6  }
0xf: {  	[smem:$0x3FA9] =	sst s7  }
0x10: {  	[smem:$0x3FAA] =	sst s8  }
0x11: {  	[smem:$0x3FAB] =	sst s9;
	s0 =	simm.s32 @!p0 $0x0  }
0x12: {  	s1 =	sld [smem:$0x3F91];
	s0 =	simm.s32 @p0 $0x1  }
0x13: {  	[smem:$0x3FAC] =	sst s0;
	s0 =	simm.s32 @!p1 $0x0  }
0x14: {  	s2 =	sld [smem:$0x3F90];
	s0 =	simm.s32 @p1 $0x1  }
0x15: {  	[smem:$0x3FAD] =	sst s0;
	s0 =	simm.s32 @!p2 $0x0  }
0x16: {  	s3 =	sld [smem:$0x3FDB];
	s0 =	simm.s32 @p2 $0x1  }
0x17: {  	s4 =	simm.s32 $0x1BF5;
	[smem:$0x3FAF] =	sst s0  }
0x18: {  	s0 =	sld [smem:$0x3F92];
	_ =	swait.ge [sflag:s4], $0x0  }
0x19: {  	s7 =	sld [smem:$0x3F93]  }
0x1a: {  	s8 =	sadd.s32 $0xFFFFE003, lr  }
0x1b: {  	s9 =	sadd.s32 $0xFFFFFEF7, lr;
	s5 =	simm.s32 $0xFFFFFFFF;
	p2 =	slt.u32 s8, $0xFFFFF086  }
0x1c: {  	p1 =	slt.u32 s9, $0xF7A;
	s5 =	simm.s32 @!p2 $0x0  }
0x1d: {  	s5 =	simm.s32 @p1 $0x1;
	p0 =	seq.s32 s7, s2  }
0x1e: {  	s7 =	smul.u32 @!p0 $0xF7A, s2;
	p2 =	seq.s32 @!p0 s5, $0x0  }
0x1f: {  	s9 =	smul.u32 $0xF7A, s1;
	s8 =	simm.s32 @!p0 $0x1BF5;
	p2 =	por !p2, p0  }
0x20: {  	[sflag:s8] =	ssyncset.s32 @!p0 $0xFFFFF086;
	s6 =	sadd.s32 @!p0 s3, s7;
	s7 =	simm.s32 @!p0 $0x108  }
0x21: {  	s3 =	sadd.s32 s3, s9;
	s6 =	sadd.s32 @!p0 $0x88, s6;
	s7 =	simm.s32 @p2 $0x1082  }
0x22: {  	[simem:s7], [sflag:s8] =	dma.local @!p0 [hbm:s6], $0xF7A  }
0x23: {  	s9 =	sor.u32 $0xD0000000, s2;
	s6 =	simm.s32 $0x108;
	_ =	swait.ge @!p0 [sflag:s8], $0x0  }
0x24: {  	s3 =	sadd.s32 $0x88, s3;
	s6 =	simm.s32 @!p1 $0x1082;
	[sflag:s4] =	ssyncset.s32 $0xFFFFF086  }
0x25: {  	[simem:s6], [sflag:s4] =	dma.local [hbm:s3], $0xF7A  }
0x26: {  	[smem:$0x3F93] =	sst s1;
	(tag) =	ssettag s2;
	_ =	strace s9  }
0x27: {  	s1 =	sld [smem:$0x3FA3]  }
0x28: {  	s2 =	sld [smem:$0x3FA4]  }
0x29: {  	s4 =	sld [smem:$0x3FA6]  }
0x2a: {  	p0 =	seq.s32 s5, $0x0;
	s5 =	sld [smem:$0x3FA7]  }
0x2b: {  	s6 =	sld [smem:$0x3FA8]  }
0x2c: {  	s7 =	sld [smem:$0x3FA9]  }
0x2d: {  	s3 =	simm.s32 $0x108;
	s8 =	sld [smem:$0x3FAA]  }
0x2e: {  	s3 =	simm.s32 @!p0 $0x1082;
	s9 =	sld [smem:$0x3FAB]  }
0x2f: {  	lr =	sadd.s32 s0, s3;
	s0 =	sld [smem:$0x3FA2]  }
0x30: {  	s3 =	sld [smem:$0x3FA5]  }
0x31: {  	[smem:$0x3FAE] =	sst s10  }
0x32: {  	s10 =	sld [smem:$0x3FAC];
	_ =	sdelay $0x3  }
0x33: {  	p0 =	seq.s32 s10, $0x1;
	s10 =	sld [smem:$0x3FAE];
	_ =	sdelay $0x3  }
0x34: {  	[smem:$0x3FAE] =	sst s10  }
0x35: {  	s10 =	sld [smem:$0x3FAD];
	_ =	sdelay $0x3  }
0x36: {  	p1 =	seq.s32 s10, $0x1;
	s10 =	sld [smem:$0x3FAE];
	_ =	sdelay $0x3  }
0x37: {  	[smem:$0x3FAE] =	sst s10  }
0x38: {  	s10 =	sld [smem:$0x3FAF]  }
0x39: {  	_ = 	snop;
	(pc) =	sbr.ind lr, $3  }
0x3a: {  	_ = 	snop  }
0x3b: {  	_ = 	snop  }
0x3c: {  	p2 =	seq.s32 s10, $0x1;
	s10 =	sld [smem:$0x3FAE]  }
0x3d: {  	_ =	shalt  }
0x3e: {  	_ =	shalt  }
0x3f: {  	_ =	shalt  }
0x40: {  	_ =	shalt  }
0x41: {  	_ =	shalt  }
0x42: {  	_ =	shalt  }
0x43: {  	_ =	shalt  }
0x44: {  	_ =	shalt  }
0x45: {  	_ =	shalt  }
0x46: {  	_ =	shalt  }
0x47: {  	_ =	shalt  }
0x48: {  	_ =	shalt  }
0x49: {  	_ =	shalt  }
0x4a: {  	_ =	shalt  }
0x4b: {  	_ =	shalt  }
0x4c: {  	_ =	shalt  }
0x4d: {  	_ =	shalt  }
0x4e: {  	_ =	shalt  }
0x4f: {  	_ =	shalt  }
0x50: {  	_ =	shalt  }
0x51: {  	_ =	shalt  }
0x52: {  	_ =	shalt  }
0x53: {  	_ =	shalt  }
0x54: {  	_ =	shalt  }
0x55: {  	_ =	shalt  }
0x56: {  	_ =	shalt  }
0x57: {  	_ =	shalt  }
0x58: {  	_ =	shalt  }
0x59: {  	_ =	shalt  }
0x5a: {  	_ =	shalt  }
0x5b: {  	_ =	shalt  }
0x5c: {  	_ =	shalt  }
0x5d: {  	_ =	shalt  }
0x5e: {  	_ =	shalt  }
0x5f: {  	_ =	shalt  }
0x60: {  	_ =	shalt  }
0x61: {  	_ =	shalt  }
0x62: {  	_ =	shalt  }
0x63: {  	_ =	shalt  }
0x64: {  	_ =	shalt  }
0x65: {  	_ =	shalt  }
0x66: {  	_ =	shalt  }
0x67: {  	_ =	shalt  }
0x68: {  	_ =	shalt  }
0x69: {  	_ =	shalt  }
0x6a: {  	_ =	shalt  }
0x6b: {  	_ =	shalt  }
0x6c: {  	_ =	shalt  }
0x6d: {  	_ =	shalt  }
0x6e: {  	_ =	shalt  }
0x6f: {  	_ =	shalt  }
0x70: {  	_ =	shalt  }
0x71: {  	_ =	shalt  }
0x72: {  	_ =	shalt  }
0x73: {  	_ =	shalt  }
0x74: {  	_ =	shalt  }
0x75: {  	_ =	shalt  }
0x76: {  	_ =	shalt  }
0x77: {  	_ =	shalt  }
0x78: {  	_ =	shalt  }
0x79: {  	_ =	shalt  }
0x7a: {  	_ =	shalt  }
0x7b: {  	_ =	shalt  }
0x7c: {  	_ =	shalt  }
0x7d: {  	_ =	shalt  }
0x7e: {  	_ =	shalt  }
0x7f: {  	_ =	shalt  }
0x80: {  	_ =	shalt  }
0x81: {  	_ =	shalt  }
0x82: {  	_ =	shalt  }
0x83: {  	_ =	shalt  }
0x84: {  	_ =	shalt  }
0x85: {  	_ =	shalt  }
0x86: {  	_ =	shalt  }
0x87: {  	_ =	shalt  }
.Lfunc_end0:
.L_simem_size_0:
called_computation.5_lowered:
.L_overlay_start_0:
0x88: {  	s2 =	sld [smem:$0x3FD9]  }
0x89: {  	s3 =	sld [smem:$0x3FFE];
	_ =	sdelay $0x1  }
0x8a: {  	s1 =	srdreg.scid  }
0x8b: {  	s0 =	sand.u32 $0x1, s1  }
0x8c: {  	s14 =	sshll.u32 s0, $0xA;
	s2 =	sadd.s32 s3, s2  }
0x8d: {  	s2 =	sadd.s32 s2, s14  }
0x8e: {  	[smem:$0x3FBA] =	sst s2  }
0x8f: {  	_ = 	snop  }
0x90: {  	s2 =	sld [smem:$0x3FD0];
	_ =	sdelay $0x2  }
0x91: {  	s15 =	simm.s32 $0xB;
	s4 =	simm.s32 $0x10  }
0x92: {  	[smem:s4], [sflag:s15] =	dma.local [hbm:s2], $0x1  }
0x93: {  	_ =	swait.eq [sflag:s15], $0x1  }
0x94: {  	[sflag:s15] =	ssyncset.done $0x0  }
0x95: {  	s16 =	sld [smem:$0x10];
	[sflag:s15] =	ssyncadd.s32 $0xFFFFFFFF  }
0x96: {  	s17 =	sld [smem:$0x12];
	(tm) =	ssettm $0x1  }
0x97: {  	s18 =	sld [smem:$0x3FFB];
	_ =	sdelay $0x3  }
0x98: {  	_ =	strace s18  }
0x99: {  	s4 =	sld [smem:$0x3FFC];
	_ =	sdelay $0x3  }
0x9a: {  	_ =	strace s4  }
0x9b: {  	s4 =	sld [smem:$0x3FFD];
	_ =	sdelay $0x3  }
0x9c: {  	_ =	strace s4  }
0x9d: {  	_ =	strace $0x8FFFFFFF  }
0x9e: {  	s19 =	sld [smem:$0x3FDB];
	_ =	sdelay $0x1  }
0x9f: {  	s5 =	simm.s32 $_scs_section_size  }
0xa0: {  	s6 =	simm.s32 $_size__tile_overlayer_lowered;
	s7 =	simm.s32 $_tile_overlayer_lowered  }
0xa1: {  	s22 =	simm.s32 $0x1BFF;
	s21 =	sshll.u32 s7, $0x1;
	s4 =	sadd.s32 s5, s19  }
0xa2: {  	s8 =	simm.s32 $0x0;
	s20 =	sshll.u32 s6, $0x1;
	s6 =	sadd.s32 s21, s4  }
0xa3: {  	[timem:s8], [sflag:s22] =	dma.local [hbm:s6], s20  }
0xa4: {  	_ =	swait.ge [sflag:s22], s20  }
0xa5: {  	s5 =	ssub.s32 $0x0, s20;
	[sflag:s22] =	ssyncset.done $0x0  }
0xa6: {  	[sflag:s22] =	ssyncadd.s32 s5;
	_ =	sdelay $0x1  }
0xa7: {  	s23 =	simm.s32 $0x1B8B  }
0xa8: {  	_ =	swait.ge [sflag:s23], $0x1  }
0xa9: {  	[sflag:s23] =	ssyncset.done $0x0  }
0xaa: {  	s25 =	simm.s32 $0x1B8E;
	s24 =	sld [smem:$0x3FFE];
	[sflag:s23] =	ssyncadd.s32 $0xFFFFFFFF  }
0xab: {  	s26 =	simm.s32 $execute0_lowered;
	[smem:$0x3FD2] =	sst s25  }
0xac: {  	s6 =	sshll.u32 s26, $0x1;
	_ =	strace $0x80000055;
	[dreg:$0x1] =	wrdreg $0xFFFFFFFF  }
0xad: {  	s28 =	simm.s32 $_size_execute0_lowered;
	s4 =	sadd.s32 s4, s6;
	[dreg:$0x0] =	wrdreg $0x0  }
0xae: {  	s6 =	sshll.u32 s28, $0x1;
	[dreg:$0x2] =	wrdreg s4  }
0xaf: {  	[dreg:$0x3] =	wrdreg s6  }
0xb0: {  	[dreg:$0x4] =	wrdreg $0xC0  }
0xb1: {  	_ =	task [dreg:s8], $0x5FFFF  }
0xb2: {  	[dreg:$0x1] =	wrdreg $0xFFFFFFFF  }
0xb3: {  	[dreg:$0x0] =	wrdreg $0x60  }
0xb4: {  	[dreg:$0x2] =	wrdreg s24  }
0xb5: {  	[dreg:$0x3] =	wrdreg s16  }
0xb6: {  	[dreg:$0x4] =	wrdreg s17  }
0xb7: {  	[dreg:$0x5] =	wrdreg $0xA8000  }
0xb8: {  	[dreg:$0x6] =	wrdreg $0x9  }
0xb9: {  	_ =	task.clear_ibuf [dreg:s8], $0x7FFFF;
	_ =	strace $0x90000055  }
0xba: {  	s29 =	simm.s32 $0x9;
	_ =	strace $0x80000057  }
0xbb: {  	_ =	swait.ge [sflag:s29], $0x1  }
0xbc: {  	[sflag:s29] =	ssyncadd.s32 $0xFFFFFFFF  }
0xbd: {  	_ =	strace $0x90000057  }
0xbe: {  	_ =	sfence  }
0xbf: {  	s30 =	sld [smem:$0x0];
	_ =	sdelay $0x2  }
0xc0: {  	s31 =	sshll.u32 s1, $0xD;
	s1 =	sshrl.u32 s1, $0x2  }
0xc1: {  	s3 =	sand.u32 $0x4000, s31;
	s1 =	sadd.s32 s1, s30  }
0xc2: {  	s0 =	sor.u32 s3, s0;
	s1 =	sshll.u32 s1, $0x11  }
0xc3: {  	s0 =	sor.u32 s1, s0  }
0xc4: {  	s0 =	sadd.s32 $0x8F2B, s0  }
0xc5: {  	[sflag:s0] =	ssyncadd.remote.s32 $0x1  }
0xc6: {  	_ =	sfence.sel $0xFFFF  }
0xc7: {  	[dreg:$0x0] =	wrdreg $0xFFFFFFFF;
	(pc) =	sbr.abs _section_cstart, $3  }
0xc8: {  	[dreg:$0x1] =	wrdreg $0xFFFFFFFF  }
0xc9: {  	_ =	task.clear_ibuf [dreg:s8], $0x2FFFF;
	_ =	strace $0x9FFFFFFF  }
0xca: {  	(tm) =	ssettm $0x7FFFFFFF  }
0xcb: {  	_ =	shalt  }
tec
execute0_lowered:
.L_overlay_start_1:
0x0: {  	(tag) =	ssettag $0x1  }
0x1: {  	s0 =	rddreg [dreg:$0x0]  }
0x2: {  	s1 =	rddreg [dreg:$0x1]  }
0x3: {  	s4 =	rddreg [dreg:$0x2]  }
0x4: {  	s2 =	rddreg [dreg:$0x3];
	s3 =	simm.s32 $0x0  }
0x5: {  	s5 =	srdreg.scid;
	s16 =	stileid.u32;
	s17 =	simm.s32 $0x3  }
0x6: {  	s19 =	simm.s32 $0x400;
	s20 =	simm.s32 $0x800;
	s7 =	smul.u32 $0x28000, s16  }
0x7: {  	s21 =	simm.s32 $0x2800;
	s22 =	simm.s32 $0x6800;
	s10 =	smul.u32 $0x140000, s16  }
0x8: {  	s28 =	simm.s32 $0x0;
	[smem:$0x7FF] =	sst s3;
	s11 =	smul.u32 $0x500, s16  }
0x9: {  	s6 =	sand.u32 $0x1, s5;
	s5 =	sadd.s32 $0x55D000, s0;
	s24 =	smul.u32 $0x50000, s16  }
0xa: {  	p0 =	sne.s32 s16, $0x0;
	_ =	strace $0x80000056;
	s8 =	sshll.u32 s6, $0x7  }
0xb: {  	s9 =	sshll.u32 s6, $0xA;
	s6 =	ssub.s32 $0x2, s6;
	s18 =	sshrl.u32 @!p0 s2, $0x3  }
0xc: {  	s8 =	sadd.s32 s8, s0;
	s7 =	sor.u32 s9, s7;
	s23 =	sshrl.u32 s6, $0x1  }
0xd: {  	s14 =	sor.u32 s9, s10;
	s25 =	sadd.s32 s4, s11;
	s29 =	sshrl.u32 s24, $0x2  }
0xe: {  	s24 =	simm.s32 $0x80;
	s7 =	sshrl.u32 s7, $0x3;
	s12 =	ssub.s32 s6, s23  }
0xf: {  	[dreg:$0x5] =	wrdreg s25;
	s26 =	sshrl.u32 s14, $0x3;
	s4 =	sadd.s32 s29, s2  }
0x10: {  	s30 =	sadd.s32 $0x138000, s14;
	s15 =	sor.u32 $0x8000, s14;
	s14 =	sor.u32 $0x10000, s14  }
0x11: {  	s23 =	simm.s32 $0x1;
	s0 =	sadd.s32 s7, s0;
	s7 =	sadd.s32 $0x28D000, s8  }
0x12: {  	s8 =	sadd.s32 s5, s26;
	s9 =	sadd.s32 s1, s26;
	s11 =	smax.u32 s12, $0x1  }
0x13: {  	s31 =	sshrl.u32 s15, $0x3;
	s25 =	sshrl.u32 s4, $0x3;
	s26 =	simm.s32 $0x2  }
0x14: {  	s10 =	sadd.s32 $0x2DD000, s0;
	s0 =	sshrl.u32 s30, $0x3;
	s15 =	sadd.s32 s31, s5  }
0x15: {  	s16 =	sadd.s32 s31, s1;
	s12 =	sadd.s32 s1, s0;
	s13 =	sadd.s32 s5, s0  }
.LBB2_1:
0x16: {  	s3 =	simm.s32 $0x0;
	s0 =	rddreg [dreg:$0x5]  }
0x17: {  	[tilespmem:s3], [sflag:$0x3] =	stream.linear.gather [hbm4b:s0+s3], $0x2800, $0x38;
	[tilespmem:$0x1E800] =	vst v63  }
0x18: {  	_ =	swait.ge [sflag:s17], $0x2800  }
0x19: {  	s4 =	simm.s32 @!p0 $0x80;
	s29 =	simm.s32 @!p0 $0x100;
	[sflag:s17] =	ssyncset.done $0x0  }
0x1a: {  	s30 =	simm.s32 @!p0 $0x1C03;
	s0 =	simm.s32 @!p0 $0x8;
	[sflag:s17] =	ssyncadd.s32 $0xFFFFD800  }
0x1b: {  	[spmem:s18@s4], [sflag:s30] =	dma.strided @!p0 [hbm:s7@s29], $0x28000, s0, $0x10   }
0x1c: {  	s0 =	simm.s32 @!p0 $0x3  }
0x1d: {  	_ =	swait.ge @!p0 [sflag:s0], $0x28000  }
0x1e: {  	[sflag:s0] =	ssyncset.done @!p0 $0x0  }
0x1f: {  	[sflag:s0] =	ssyncadd.s32 @!p0 $0xFFFD8000  }
0x20: {  	[bflag:$0x0] =	sbarrier.arrive $0xFFFF  }
0x21: {  	[tilespmem:s21], [sflag:$0x1] =	stream.strided.gather [hbm4b:s8+s19], $0x4000, s20, s19, $0x38;
	[tilespmem:$0x1E800] =	vst v63  }
0x22: {  	s6 =	sadd.s32 $0x0, s15  }
0x23: {  	[tilespmem:s22], [sflag:$0x2] =	stream.strided.gather [hbm4b:s6+s19], $0x4000, s20, s19, $0x38;
	[tilespmem:$0x1E800] =	vst v63  }
0x24: {  	_ =	swait.ge [sflag:s23], $0x4000  }
0x25: {  	[sflag:s23] =	ssyncset.done $0x0  }
0x26: {  	[sflag:s23] =	ssyncadd.s32 $0xFFFFC000  }
0x27: {  	[spmem:s2] =	stream.indirect.scatter.add.f32 [tilespmem:s21], [sflag:$0x3], $0x80, s3, s24, $0xb8;
	[tilespmem:$0x1E800] =	vst v63  }
0x28: {  	_ =	swait.ge [sflag:s17], $0x4000  }
0x29: {  	s29 =	sshrl.u32 s14, $0x3;
	[sflag:s17] =	ssyncset.done $0x0  }
0x2a: {  	s4 =	sadd.s32 s5, s29;
	[sflag:s17] =	ssyncadd.s32 $0xFFFFC000  }
0x2b: {  	[tilespmem:s21], [sflag:$0x1] =	stream.strided.gather [hbm4b:s4+s19], $0x4000, s20, s19, $0x38;
	[tilespmem:$0x1E800] =	vst v63  }
0x2c: {  	_ =	swait.ge [sflag:s26], $0x4000  }
0x2d: {  	[sflag:s26] =	ssyncset.done $0x0  }
0x2e: {  	s6 =	simm.s32 $0x80;
	[sflag:s26] =	ssyncadd.s32 $0xFFFFC000  }
0x2f: {  	[spmem:s2] =	stream.indirect.scatter.add.f32 [tilespmem:s22], [sflag:$0x3], $0x80, s6, s24, $0xb8;
	[tilespmem:$0x1E800] =	vst v63  }
0x30: {  	s31 =	sadd.s32 $0x10000, s14;
	s30 =	simm.s32 $0x100;
	_ =	swait.ge [sflag:s17], $0x4000  }
0x31: {  	s0 =	simm.s32 $0x2000;
	s4 =	simm.s32 $0x4000;
	[sflag:s17] =	ssyncset.done $0x0  }
.LBB2_2:
0x32: {  	s3 =	sadd.s32 s0, s15  }
0x33: {  	[sflag:s17] =	ssyncadd.s32 $0xFFFFC000;
	s0 =	smov.u32 s4;
	s6 =	sadd.s32 $0x2000, s4  }
0x34: {  	[tilespmem:s22], [sflag:$0x2] =	stream.strided.gather [hbm4b:s3+s19], $0x4000, s20, s19, $0x38;
	[tilespmem:$0x1E800] =	vst v63  }
0x35: {  	p1 =	sne.s32 s4, $0x24000;
	_ =	swait.ge [sflag:s23], $0x4000  }
0x36: {  	[sflag:s23] =	ssyncset.done $0x0  }
0x37: {  	[sflag:s23] =	ssyncadd.s32 $0xFFFFC000  }
0x38: {  	[spmem:s2] =	stream.indirect.scatter.add.f32 [tilespmem:s21], [sflag:$0x3], $0x80, s30, s24, $0xb8;
	[tilespmem:$0x1E800] =	vst v63  }
0x39: {  	_ =	swait.ge [sflag:s17], $0x4000  }
0x3a: {  	s3 =	sshrl.u32 s31, $0x3;
	[sflag:s17] =	ssyncset.done $0x0  }
0x3b: {  	s3 =	sadd.s32 s5, s3;
	[sflag:s17] =	ssyncadd.s32 $0xFFFFC000  }
0x3c: {  	[tilespmem:s21], [sflag:$0x1] =	stream.strided.gather [hbm4b:s3+s19], $0x4000, s20, s19, $0x38;
	[tilespmem:$0x1E800] =	vst v63  }
0x3d: {  	_ =	swait.ge [sflag:s26], $0x4000  }
.Ltmp0:
0x3e: {  	[sflag:s26] =	ssyncset.done $0x0;
	(pc) =	sbr.rel @p1 .LBB2_2-.Ltmp0, $4  }
0x3f: {  	s3 =	sadd.s32 $0x80, s30;
	[sflag:s26] =	ssyncadd.s32 $0xFFFFC000  }
0x40: {  	[spmem:s2] =	stream.indirect.scatter.add.f32 [tilespmem:s22], [sflag:$0x3], $0x80, s3, s24, $0xb8;
	[tilespmem:$0x1E800] =	vst v63  }
0x41: {  	s31 =	sadd.s32 $0x10000, s31;
	_ =	swait.ge [sflag:s17], $0x4000  }
0x42: {  	s4 =	smov.u32 s6;
	s30 =	sadd.s32 $0x100, s30;
	[sflag:s17] =	ssyncset.done $0x0  }
0x43: {  	s0 =	sadd.s32 s0, s15;
	[sflag:s17] =	ssyncadd.s32 $0xFFFFC000  }
0x44: {  	[tilespmem:s22], [sflag:$0x2] =	stream.strided.gather [hbm4b:s0+s19], $0x4000, s20, s19, $0x38;
	[tilespmem:$0x1E800] =	vst v63  }
0x45: {  	_ =	swait.ge [sflag:s23], $0x4000  }
0x46: {  	[sflag:s23] =	ssyncset.done $0x0  }
0x47: {  	[sflag:s23] =	ssyncadd.s32 $0xFFFFC000  }
0x48: {  	[spmem:s2] =	stream.indirect.scatter.add.f32 [tilespmem:s21], [sflag:$0x3], $0x80, s30, s24, $0xb8;
	[tilespmem:$0x1E800] =	vst v63  }
0x49: {  	_ =	swait.ge [sflag:s17], $0x4000  }
0x4a: {  	s3 =	sshrl.u32 s31, $0x3;
	[sflag:s17] =	ssyncset.done $0x0  }
0x4b: {  	s0 =	sadd.s32 s5, s3;
	[sflag:s17] =	ssyncadd.s32 $0xFFFFC000  }
0x4c: {  	[tilespmem:s21], [sflag:$0x1] =	stream.strided.gather [hbm4b:s0+s19], $0x4000, s20, s19, $0x38;
	[tilespmem:$0x1E800] =	vst v63  }
0x4d: {  	_ =	swait.ge [sflag:s26], $0x4000  }
0x4e: {  	[sflag:s26] =	ssyncset.done $0x0  }
0x4f: {  	s4 =	sadd.s32 $0x80, s30;
	[sflag:s26] =	ssyncadd.s32 $0xFFFFC000  }
0x50: {  	[spmem:s2] =	stream.indirect.scatter.add.f32 [tilespmem:s22], [sflag:$0x3], $0x80, s4, s24, $0xb8;
	[tilespmem:$0x1E800] =	vst v63  }
0x51: {  	_ =	swait.ge [sflag:s17], $0x4000  }
0x52: {  	[sflag:s17] =	ssyncset.done $0x0  }
0x53: {  	[sflag:s17] =	ssyncadd.s32 $0xFFFFC000  }
0x54: {  	[tilespmem:s22], [sflag:$0x2] =	stream.strided.gather [hbm4b:s13+s19], $0x4000, s20, s19, $0x38;
	[tilespmem:$0x1E800] =	vst v63  }
0x55: {  	_ =	swait.ge [sflag:s23], $0x4000  }
0x56: {  	[sflag:s23] =	ssyncset.done $0x0  }
0x57: {  	s6 =	simm.s32 $0x1300;
	[sflag:s23] =	ssyncadd.s32 $0xFFFFC000  }
0x58: {  	[spmem:s2] =	stream.indirect.scatter.add.f32 [tilespmem:s21], [sflag:$0x3], $0x80, s6, s24, $0xb8;
	[tilespmem:$0x1E800] =	vst v63  }
0x59: {  	_ =	swait.ge [sflag:s17], $0x4000  }
0x5a: {  	[sflag:s17] =	ssyncset.done $0x0  }
0x5b: {  	[sflag:s17] =	ssyncadd.s32 $0xFFFFC000  }
0x5c: {  	_ =	swait.ge [sflag:s26], $0x4000  }
0x5d: {  	[sflag:s26] =	ssyncset.done $0x0  }
0x5e: {  	s31 =	simm.s32 $0x1380;
	[sflag:s26] =	ssyncadd.s32 $0xFFFFC000  }
0x5f: {  	[spmem:s2] =	stream.indirect.scatter.add.f32 [tilespmem:s22], [sflag:$0x3], $0x80, s31, s24, $0xb8;
	[tilespmem:$0x1E800] =	vst v63  }
0x60: {  	_ =	swait.ge [sflag:s17], $0x4000  }
0x61: {  	[sflag:s17] =	ssyncset.done $0x0  }
0x62: {  	[sflag:s17] =	ssyncadd.s32 $0xFFFFC000  }
0x63: {  	[tilespmem:s21], [sflag:$0x1] =	stream.strided.gather [hbm4b:s9+s19], $0x4000, s20, s19, $0x38;
	[tilespmem:$0x1E800] =	vst v63  }
0x64: {  	s3 =	sadd.s32 $0x0, s16  }
0x65: {  	[tilespmem:s22], [sflag:$0x2] =	stream.strided.gather [hbm4b:s3+s19], $0x4000, s20, s19, $0x38;
	[tilespmem:$0x1E800] =	vst v63  }
0x66: {  	_ =	swait.ge [sflag:s23], $0x4000  }
0x67: {  	[sflag:s23] =	ssyncset.done $0x0  }
0x68: {  	s4 =	simm.s32 $0x1400;
	[sflag:s23] =	ssyncadd.s32 $0xFFFFC000  }
0x69: {  	[spmem:s2] =	stream.indirect.scatter.add.f32 [tilespmem:s21], [sflag:$0x3], $0x80, s4, s24, $0xb8;
	[tilespmem:$0x1E800] =	vst v63  }
0x6a: {  	_ =	swait.ge [sflag:s17], $0x4000  }
0x6b: {  	[sflag:s17] =	ssyncset.done $0x0  }
0x6c: {  	s6 =	sadd.s32 s1, s29;
	[sflag:s17] =	ssyncadd.s32 $0xFFFFC000  }
0x6d: {  	[tilespmem:s21], [sflag:$0x1] =	stream.strided.gather [hbm4b:s6+s19], $0x4000, s20, s19, $0x38;
	[tilespmem:$0x1E800] =	vst v63  }
0x6e: {  	_ =	swait.ge [sflag:s26], $0x4000  }
0x6f: {  	[sflag:s26] =	ssyncset.done $0x0  }
0x70: {  	s31 =	simm.s32 $0x1480;
	[sflag:s26] =	ssyncadd.s32 $0xFFFFC000  }
0x71: {  	[spmem:s2] =	stream.indirect.scatter.add.f32 [tilespmem:s22], [sflag:$0x3], $0x80, s31, s24, $0xb8;
	[tilespmem:$0x1E800] =	vst v63  }
0x72: {  	s30 =	sadd.s32 $0x10000, s14;
	s0 =	simm.s32 $0x2000;
	_ =	swait.ge [sflag:s17], $0x4000  }
0x73: {  	s29 =	simm.s32 $0x1580;
	s4 =	simm.s32 $0x4000;
	[sflag:s17] =	ssyncset.done $0x0  }
.LBB2_4:
0x74: {  	s3 =	sadd.s32 s0, s16  }
0x75: {  	[sflag:s17] =	ssyncadd.s32 $0xFFFFC000;
	s0 =	smov.u32 s4;
	s6 =	sadd.s32 $0x2000, s4  }
0x76: {  	[tilespmem:s22], [sflag:$0x2] =	stream.strided.gather [hbm4b:s3+s19], $0x4000, s20, s19, $0x38;
	[tilespmem:$0x1E800] =	vst v63  }
0x77: {  	p1 =	sne.s32 s4, $0x24000;
	_ =	swait.ge [sflag:s23], $0x4000  }
0x78: {  	[sflag:s23] =	ssyncset.done $0x0  }
0x79: {  	s3 =	sadd.s32 $0xFFFFFF80, s29;
	[sflag:s23] =	ssyncadd.s32 $0xFFFFC000  }
0x7a: {  	[spmem:s2] =	stream.indirect.scatter.add.f32 [tilespmem:s21], [sflag:$0x3], $0x80, s3, s24, $0xb8;
	[tilespmem:$0x1E800] =	vst v63  }
0x7b: {  	_ =	swait.ge [sflag:s17], $0x4000  }
0x7c: {  	s3 =	sshrl.u32 s30, $0x3;
	[sflag:s17] =	ssyncset.done $0x0  }
0x7d: {  	s3 =	sadd.s32 s1, s3;
	[sflag:s17] =	ssyncadd.s32 $0xFFFFC000  }
0x7e: {  	[tilespmem:s21], [sflag:$0x1] =	stream.strided.gather [hbm4b:s3+s19], $0x4000, s20, s19, $0x38;
	[tilespmem:$0x1E800] =	vst v63  }
0x7f: {  	_ =	swait.ge [sflag:s26], $0x4000  }
.Ltmp1:
0x80: {  	[sflag:s26] =	ssyncset.done $0x0;
	(pc) =	sbr.rel @p1 .LBB2_4-.Ltmp1, $4  }
0x81: {  	[sflag:s26] =	ssyncadd.s32 $0xFFFFC000  }
0x82: {  	[spmem:s2] =	stream.indirect.scatter.add.f32 [tilespmem:s22], [sflag:$0x3], $0x80, s29, s24, $0xb8;
	[tilespmem:$0x1E800] =	vst v63  }
0x83: {  	s4 =	smov.u32 s6;
	_ =	swait.ge [sflag:s17], $0x4000  }
0x84: {  	s30 =	sadd.s32 $0x10000, s30;
	s29 =	sadd.s32 $0x100, s29;
	[sflag:s17] =	ssyncset.done $0x0  }
0x85: {  	s0 =	sadd.s32 s0, s16;
	[sflag:s17] =	ssyncadd.s32 $0xFFFFC000  }
0x86: {  	[tilespmem:s22], [sflag:$0x2] =	stream.strided.gather [hbm4b:s0+s19], $0x4000, s20, s19, $0x38;
	[tilespmem:$0x1E800] =	vst v63  }
0x87: {  	_ =	swait.ge [sflag:s23], $0x4000  }
0x88: {  	[sflag:s23] =	ssyncset.done $0x0  }
0x89: {  	s4 =	sadd.s32 $0xFFFFFF80, s29;
	[sflag:s23] =	ssyncadd.s32 $0xFFFFC000  }
0x8a: {  	[spmem:s2] =	stream.indirect.scatter.add.f32 [tilespmem:s21], [sflag:$0x3], $0x80, s4, s24, $0xb8;
	[tilespmem:$0x1E800] =	vst v63  }
0x8b: {  	_ =	swait.ge [sflag:s17], $0x4000  }
0x8c: {  	s6 =	sshrl.u32 s30, $0x3;
	[sflag:s17] =	ssyncset.done $0x0  }
0x8d: {  	s0 =	sadd.s32 s1, s6;
	[sflag:s17] =	ssyncadd.s32 $0xFFFFC000  }
0x8e: {  	[tilespmem:s21], [sflag:$0x1] =	stream.strided.gather [hbm4b:s0+s19], $0x4000, s20, s19, $0x38;
	[tilespmem:$0x1E800] =	vst v63  }
0x8f: {  	_ =	swait.ge [sflag:s26], $0x4000  }
0x90: {  	[sflag:s26] =	ssyncset.done $0x0  }
0x91: {  	[sflag:s26] =	ssyncadd.s32 $0xFFFFC000  }
0x92: {  	[spmem:s2] =	stream.indirect.scatter.add.f32 [tilespmem:s22], [sflag:$0x3], $0x80, s29, s24, $0xb8;
	[tilespmem:$0x1E800] =	vst v63  }
0x93: {  	_ =	swait.ge [sflag:s17], $0x4000  }
0x94: {  	[sflag:s17] =	ssyncset.done $0x0  }
0x95: {  	[sflag:s17] =	ssyncadd.s32 $0xFFFFC000  }
0x96: {  	[tilespmem:s22], [sflag:$0x2] =	stream.strided.gather [hbm4b:s12+s19], $0x4000, s20, s19, $0x38;
	[tilespmem:$0x1E800] =	vst v63  }
0x97: {  	_ =	swait.ge [sflag:s23], $0x4000  }
0x98: {  	[sflag:s23] =	ssyncset.done $0x0  }
0x99: {  	s29 =	simm.s32 $0x2700;
	[sflag:s23] =	ssyncadd.s32 $0xFFFFC000  }
0x9a: {  	[spmem:s2] =	stream.indirect.scatter.add.f32 [tilespmem:s21], [sflag:$0x3], $0x80, s29, s24, $0xb8;
	[tilespmem:$0x1E800] =	vst v63  }
0x9b: {  	_ =	swait.ge [sflag:s17], $0x4000  }
0x9c: {  	[sflag:s17] =	ssyncset.done $0x0  }
0x9d: {  	[sflag:s17] =	ssyncadd.s32 $0xFFFFC000  }
0x9e: {  	_ =	swait.ge [sflag:s26], $0x4000  }
0x9f: {  	[sflag:s26] =	ssyncset.done $0x0  }
0xa0: {  	s30 =	simm.s32 $0x2780;
	[sflag:s26] =	ssyncadd.s32 $0xFFFFC000  }
0xa1: {  	[spmem:s2] =	stream.indirect.scatter.add.f32 [tilespmem:s22], [sflag:$0x3], $0x80, s30, s24, $0xb8;
	[tilespmem:$0x1E800] =	vst v63  }
0xa2: {  	s31 =	stileid.u32;
	s28 =	sadd.s32 $0x1, s28;
	_ =	swait.ge [sflag:s17], $0x4000  }
0xa3: {  	s3 =	simm.s32 $0x8;
	p1 =	sne.s32 s28, s11;
	[sflag:s17] =	ssyncset.done $0x0  }
0xa4: {  	s4 =	simm.s32 $0x100;
	s0 =	sshll.u32 s31, $0x6;
	[sflag:s17] =	ssyncadd.s32 $0xFFFFC000  }
.Ltmp2:
0xa5: {  	s0 =	sor.u32 $0x1C03, s0;
	[bflag:$0x0] =	sbarrier.arrive $0xFFFF;
	(pc) =	sbr.rel @p1 .LBB2_1-.Ltmp2, $4  }
0xa6: {  	[hbm:s10@s4], [sflag:s0] =	dma.strided [spmem:s25@s24], $0x2800, s3, $0x10   }
0xa7: {  	_ =	swait.ge [sflag:s17], $0x2800  }
0xa8: {  	[sflag:s17] =	ssyncset.done $0x0  }
0xa9: {  	[sflag:s17] =	ssyncadd.s32 $0xFFFFD800  }
0xaa: {  	_ =	sfence.sel $0x180000  }
0xab: {  	[bflag:$0x0] =	sbarrier.arrive $0xFFFF  }
0xac: {  	_ =	strace $0x90000056  }
0xad: {  	[bflag:$0x2] =	sbarrier.arrive $0xFFFF  }
0xae: {  	s0 =	rddreg [dreg:$0x4]  }
0xaf: {  	s0 =	sadd.s32 @!p0 $0x100000, s0  }
0xb0: {  	[sflag:s0] =	ssyncadd.tile.s32 @!p0 $0x1;
	_ =	shalt  }
.Lfunc_end2:
_tile_overlayer_lowered:
.L_overlay_start_2:
0xb1: {  	(tag) =	ssettag $0x2  }
0xb2: {  	s0 =	rddreg [dreg:$0x0];
	s2 =	stileid.u32  }
0xb3: {  	s1 =	rddreg [dreg:$0x1];
	p0 =	sne.s32 s2, $0x0  }
0xb4: {  	s3 =	rddreg [dreg:$0x2];
	[bflag:$0x3] =	sbarrier.arrive $0xFFFF;
	s2 =	simm.s32 @!p0 $0x1C03  }
0xb5: {  	[timem:s3], [sflag:s2] =	dma.local @!p0 [hbm:s0], s1  }
0xb6: {  	s0 =	simm.s32 @!p0 $0x3  }
0xb7: {  	_ =	swait.ge @!p0 [sflag:s0], s1  }
0xb8: {  	s1 =	ssub.s32 @!p0 $0x0, s1;
	[sflag:s0] =	ssyncset.done @!p0 $0x0  }
0xb9: {  	[sflag:s0] =	ssyncadd.s32 @!p0 s1  }
0xba: {  	[bflag:$0x3] =	sbarrier.arrive $0xFFFF  }
0xbb: {  	_ =	shalt  }

// kernel: kernel.32.cloned.1.call-start
scs
__scs_entry_jumppad:
0x0: {  	(pc) =	sbr.rel $0x88, $3  }
0x1: {  	(tag) =	ssettag $0x0;
	lr =	simm.s32 $0x1  }
0x2: {  	[smem:$0x3F93] =	sst lr;
	_ =	strace $0xD0000000  }
0x3: {  	_ = 	snop  }
0x4: {  	_ = 	snop  }
0x5: {  	_ = 	snop  }
0x6: {  	_ = 	snop  }
0x7: {  	_ = 	snop  }
__scs_overlays_trampoline_lowered:
0x8: {  	[smem:$0x3FA2] =	sst s0  }
0x9: {  	[smem:$0x3FA3] =	sst s1  }
0xa: {  	[smem:$0x3FA4] =	sst s2  }
0xb: {  	[smem:$0x3FA5] =	sst s3  }
0xc: {  	[smem:$0x3FA6] =	sst s4  }
0xd: {  	[smem:$0x3FA7] =	sst s5  }
0xe: {  	[smem:$0x3FA8] =	sst s6  }
0xf: {  	[smem:$0x3FA9] =	sst s7  }
0x10: {  	[smem:$0x3FAA] =	sst s8  }
0x11: {  	[smem:$0x3FAB] =	sst s9;
	s0 =	simm.s32 @!p0 $0x0  }
0x12: {  	s1 =	sld [smem:$0x3F91];
	s0 =	simm.s32 @p0 $0x1  }
0x13: {  	[smem:$0x3FAC] =	sst s0;
	s0 =	simm.s32 @!p1 $0x0  }
0x14: {  	s2 =	sld [smem:$0x3F90];
	s0 =	simm.s32 @p1 $0x1  }
0x15: {  	[smem:$0x3FAD] =	sst s0;
	s0 =	simm.s32 @!p2 $0x0  }
0x16: {  	s3 =	sld [smem:$0x3FDB];
	s0 =	simm.s32 @p2 $0x1  }
0x17: {  	s4 =	simm.s32 $0x1BF5;
	[smem:$0x3FAF] =	sst s0  }
0x18: {  	s0 =	sld [smem:$0x3F92];
	_ =	swait.ge [sflag:s4], $0x0  }
0x19: {  	s7 =	sld [smem:$0x3F93]  }
0x1a: {  	s8 =	sadd.s32 $0xFFFFE003, lr  }
0x1b: {  	s9 =	sadd.s32 $0xFFFFFEF7, lr;
	s5 =	simm.s32 $0xFFFFFFFF;
	p2 =	slt.u32 s8, $0xFFFFF086  }
0x1c: {  	p1 =	slt.u32 s9, $0xF7A;
	s5 =	simm.s32 @!p2 $0x0  }
0x1d: {  	s5 =	simm.s32 @p1 $0x1;
	p0 =	seq.s32 s7, s2  }
0x1e: {  	s7 =	smul.u32 @!p0 $0xF7A, s2;
	p2 =	seq.s32 @!p0 s5, $0x0  }
0x1f: {  	s9 =	smul.u32 $0xF7A, s1;
	s8 =	simm.s32 @!p0 $0x1BF5;
	p2 =	por !p2, p0  }
0x20: {  	[sflag:s8] =	ssyncset.s32 @!p0 $0xFFFFF086;
	s6 =	sadd.s32 @!p0 s3, s7;
	s7 =	simm.s32 @!p0 $0x108  }
0x21: {  	s3 =	sadd.s32 s3, s9;
	s6 =	sadd.s32 @!p0 $0x88, s6;
	s7 =	simm.s32 @p2 $0x1082  }
0x22: {  	[simem:s7], [sflag:s8] =	dma.local @!p0 [hbm:s6], $0xF7A  }
0x23: {  	s9 =	sor.u32 $0xD0000000, s2;
	s6 =	simm.s32 $0x108;
	_ =	swait.ge @!p0 [sflag:s8], $0x0  }
0x24: {  	s3 =	sadd.s32 $0x88, s3;
	s6 =	simm.s32 @!p1 $0x1082;
	[sflag:s4] =	ssyncset.s32 $0xFFFFF086  }
0x25: {  	[simem:s6], [sflag:s4] =	dma.local [hbm:s3], $0xF7A  }
0x26: {  	[smem:$0x3F93] =	sst s1;
	(tag) =	ssettag s2;
	_ =	strace s9  }
0x27: {  	s1 =	sld [smem:$0x3FA3]  }
0x28: {  	s2 =	sld [smem:$0x3FA4]  }
0x29: {  	s4 =	sld [smem:$0x3FA6]  }
0x2a: {  	p0 =	seq.s32 s5, $0x0;
	s5 =	sld [smem:$0x3FA7]  }
0x2b: {  	s6 =	sld [smem:$0x3FA8]  }
0x2c: {  	s7 =	sld [smem:$0x3FA9]  }
0x2d: {  	s3 =	simm.s32 $0x108;
	s8 =	sld [smem:$0x3FAA]  }
0x2e: {  	s3 =	simm.s32 @!p0 $0x1082;
	s9 =	sld [smem:$0x3FAB]  }
0x2f: {  	lr =	sadd.s32 s0, s3;
	s0 =	sld [smem:$0x3FA2]  }
0x30: {  	s3 =	sld [smem:$0x3FA5]  }
0x31: {  	[smem:$0x3FAE] =	sst s10  }
0x32: {  	s10 =	sld [smem:$0x3FAC];
	_ =	sdelay $0x3  }
0x33: {  	p0 =	seq.s32 s10, $0x1;
	s10 =	sld [smem:$0x3FAE];
	_ =	sdelay $0x3  }
0x34: {  	[smem:$0x3FAE] =	sst s10  }
0x35: {  	s10 =	sld [smem:$0x3FAD];
	_ =	sdelay $0x3  }
0x36: {  	p1 =	seq.s32 s10, $0x1;
	s10 =	sld [smem:$0x3FAE];
	_ =	sdelay $0x3  }
0x37: {  	[smem:$0x3FAE] =	sst s10  }
0x38: {  	s10 =	sld [smem:$0x3FAF]  }
0x39: {  	_ = 	snop;
	(pc) =	sbr.ind lr, $3  }
0x3a: {  	_ = 	snop  }
0x3b: {  	_ = 	snop  }
0x3c: {  	p2 =	seq.s32 s10, $0x1;
	s10 =	sld [smem:$0x3FAE]  }
0x3d: {  	_ =	shalt  }
0x3e: {  	_ =	shalt  }
0x3f: {  	_ =	shalt  }
0x40: {  	_ =	shalt  }
0x41: {  	_ =	shalt  }
0x42: {  	_ =	shalt  }
0x43: {  	_ =	shalt  }
0x44: {  	_ =	shalt  }
0x45: {  	_ =	shalt  }
0x46: {  	_ =	shalt  }
0x47: {  	_ =	shalt  }
0x48: {  	_ =	shalt  }
0x49: {  	_ =	shalt  }
0x4a: {  	_ =	shalt  }
0x4b: {  	_ =	shalt  }
0x4c: {  	_ =	shalt  }
0x4d: {  	_ =	shalt  }
0x4e: {  	_ =	shalt  }
0x4f: {  	_ =	shalt  }
0x50: {  	_ =	shalt  }
0x51: {  	_ =	shalt  }
0x52: {  	_ =	shalt  }
0x53: {  	_ =	shalt  }
0x54: {  	_ =	shalt  }
0x55: {  	_ =	shalt  }
0x56: {  	_ =	shalt  }
0x57: {  	_ =	shalt  }
0x58: {  	_ =	shalt  }
0x59: {  	_ =	shalt  }
0x5a: {  	_ =	shalt  }
0x5b: {  	_ =	shalt  }
0x5c: {  	_ =	shalt  }
0x5d: {  	_ =	shalt  }
0x5e: {  	_ =	shalt  }
0x5f: {  	_ =	shalt  }
0x60: {  	_ =	shalt  }
0x61: {  	_ =	shalt  }
0x62: {  	_ =	shalt  }
0x63: {  	_ =	shalt  }
0x64: {  	_ =	shalt  }
0x65: {  	_ =	shalt  }
0x66: {  	_ =	shalt  }
0x67: {  	_ =	shalt  }
0x68: {  	_ =	shalt  }
0x69: {  	_ =	shalt  }
0x6a: {  	_ =	shalt  }
0x6b: {  	_ =	shalt  }
0x6c: {  	_ =	shalt  }
0x6d: {  	_ =	shalt  }
0x6e: {  	_ =	shalt  }
0x6f: {  	_ =	shalt  }
0x70: {  	_ =	shalt  }
0x71: {  	_ =	shalt  }
0x72: {  	_ =	shalt  }
0x73: {  	_ =	shalt  }
0x74: {  	_ =	shalt  }
0x75: {  	_ =	shalt  }
0x76: {  	_ =	shalt  }
0x77: {  	_ =	shalt  }
0x78: {  	_ =	shalt  }
0x79: {  	_ =	shalt  }
0x7a: {  	_ =	shalt  }
0x7b: {  	_ =	shalt  }
0x7c: {  	_ =	shalt  }
0x7d: {  	_ =	shalt  }
0x7e: {  	_ =	shalt  }
0x7f: {  	_ =	shalt  }
0x80: {  	_ =	shalt  }
0x81: {  	_ =	shalt  }
0x82: {  	_ =	shalt  }
0x83: {  	_ =	shalt  }
0x84: {  	_ =	shalt  }
0x85: {  	_ =	shalt  }
0x86: {  	_ =	shalt  }
0x87: {  	_ =	shalt  }
.Lfunc_end0:
.L_simem_size_0:
called_computation.6_lowered:
.L_overlay_start_0:
0x88: {  	s2 =	sld [smem:$0x3FD9]  }
0x89: {  	s3 =	sld [smem:$0x3FFE];
	_ =	sdelay $0x1  }
0x8a: {  	s1 =	srdreg.scid  }
0x8b: {  	s0 =	sand.u32 $0x1, s1  }
0x8c: {  	s14 =	sshll.u32 s0, $0xA;
	s2 =	sadd.s32 s3, s2  }
0x8d: {  	s2 =	sadd.s32 s2, s14  }
0x8e: {  	[smem:$0x3FBA] =	sst s2  }
0x8f: {  	_ = 	snop  }
0x90: {  	s2 =	sld [smem:$0x3FD0];
	_ =	sdelay $0x2  }
0x91: {  	s15 =	simm.s32 $0xB;
	s4 =	simm.s32 $0x10  }
0x92: {  	[smem:s4], [sflag:s15] =	dma.local [hbm:s2], $0x1  }
0x93: {  	_ =	swait.eq [sflag:s15], $0x1  }
0x94: {  	[sflag:s15] =	ssyncset.done $0x0  }
0x95: {  	[sflag:s15] =	ssyncadd.s32 $0xFFFFFFFF  }
0x96: {  	s16 =	sld [smem:$0x10];
	(tm) =	ssettm $0x1  }
0x97: {  	s17 =	sld [smem:$0x3FFB];
	_ =	sdelay $0x3  }
0x98: {  	_ =	strace s17  }
0x99: {  	s3 =	sld [smem:$0x3FFC];
	_ =	sdelay $0x3  }
0x9a: {  	_ =	strace s3  }
0x9b: {  	s3 =	sld [smem:$0x3FFD];
	_ =	sdelay $0x3  }
0x9c: {  	_ =	strace s3  }
0x9d: {  	_ =	strace $0x8FFFFFFF  }
0x9e: {  	s18 =	sld [smem:$0x3FDB];
	_ =	sdelay $0x1  }
0x9f: {  	s19 =	simm.s32 $_scs_section_size  }
0xa0: {  	s5 =	simm.s32 $_size__tile_overlayer_lowered;
	s6 =	simm.s32 $_tile_overlayer_lowered  }
0xa1: {  	s22 =	simm.s32 $0x1BFF;
	s21 =	sshll.u32 s6, $0x1;
	s3 =	sadd.s32 s19, s18  }
0xa2: {  	s7 =	simm.s32 $0x0;
	s20 =	sshll.u32 s5, $0x1;
	s5 =	sadd.s32 s21, s3  }
0xa3: {  	[timem:s7], [sflag:s22] =	dma.local [hbm:s5], s20  }
0xa4: {  	_ =	swait.ge [sflag:s22], s20  }
0xa5: {  	s4 =	ssub.s32 $0x0, s20;
	[sflag:s22] =	ssyncset.done $0x0  }
0xa6: {  	[sflag:s22] =	ssyncadd.s32 s4;
	_ =	sdelay $0x1  }
0xa7: {  	s23 =	simm.s32 $0x1B8B  }
0xa8: {  	_ =	swait.ge [sflag:s23], $0x1  }
0xa9: {  	[sflag:s23] =	ssyncset.done $0x0  }
0xaa: {  	s25 =	simm.s32 $0x1B8E;
	s24 =	sld [smem:$0x3FFE];
	[sflag:s23] =	ssyncadd.s32 $0xFFFFFFFF  }
0xab: {  	s26 =	simm.s32 $execute0_lowered;
	[smem:$0x3FD2] =	sst s25  }
0xac: {  	s5 =	sshll.u32 s26, $0x1;
	_ =	strace $0x80000058;
	[dreg:$0x1] =	wrdreg $0xFFFFFFFF  }
0xad: {  	s28 =	simm.s32 $_size_execute0_lowered;
	s3 =	sadd.s32 s3, s5;
	[dreg:$0x0] =	wrdreg $0x0  }
0xae: {  	s5 =	sshll.u32 s28, $0x1;
	[dreg:$0x2] =	wrdreg s3  }
0xaf: {  	[dreg:$0x3] =	wrdreg s5  }
0xb0: {  	[dreg:$0x4] =	wrdreg $0xC0  }
0xb1: {  	_ =	task [dreg:s7], $0x5FFFF  }
0xb2: {  	[dreg:$0x1] =	wrdreg $0xFFFFFFFF  }
0xb3: {  	[dreg:$0x0] =	wrdreg $0x60  }
0xb4: {  	[dreg:$0x2] =	wrdreg s16  }
0xb5: {  	[dreg:$0x3] =	wrdreg s24  }
0xb6: {  	[dreg:$0x4] =	wrdreg $0x9  }
0xb7: {  	_ =	task.clear_ibuf [dreg:s7], $0x5FFFF;
	_ =	strace $0x90000058  }
0xb8: {  	s29 =	simm.s32 $0x9;
	_ =	strace $0x8000005A  }
0xb9: {  	_ =	swait.ge [sflag:s29], $0x1  }
0xba: {  	[sflag:s29] =	ssyncadd.s32 $0xFFFFFFFF  }
0xbb: {  	_ =	strace $0x9000005A  }
0xbc: {  	_ =	sfence  }
0xbd: {  	s30 =	sld [smem:$0x0];
	_ =	sdelay $0x2  }
0xbe: {  	s31 =	sshll.u32 s1, $0xD;
	s1 =	sshrl.u32 s1, $0x2  }
0xbf: {  	s3 =	sand.u32 $0x4000, s31;
	s1 =	sadd.s32 s1, s30  }
0xc0: {  	s0 =	sor.u32 s3, s0;
	s1 =	sshll.u32 s1, $0x11  }
0xc1: {  	s0 =	sor.u32 s1, s0  }
0xc2: {  	s0 =	sadd.s32 $0x8F2B, s0  }
0xc3: {  	[sflag:s0] =	ssyncadd.remote.s32 $0x1  }
0xc4: {  	_ =	sfence.sel $0xFFFF  }
0xc5: {  	[dreg:$0x0] =	wrdreg $0xFFFFFFFF;
	(pc) =	sbr.abs _section_cstart, $3  }
0xc6: {  	[dreg:$0x1] =	wrdreg $0xFFFFFFFF  }
0xc7: {  	_ =	task.clear_ibuf [dreg:s7], $0x2FFFF;
	_ =	strace $0x9FFFFFFF  }
0xc8: {  	(tm) =	ssettm $0x7FFFFFFF  }
0xc9: {  	_ =	shalt  }
tec
execute0_lowered:
.L_overlay_start_1:
0x0: {  	(tag) =	ssettag $0x1  }
0x1: {  	s2 =	rddreg [dreg:$0x0]  }
0x2: {  	s0 =	rddreg [dreg:$0x1]  }
0x3: {  	s1 =	srdreg.scid;
	s4 =	stileid.u32  }
0x4: {  	s3 =	simm.s32 $0x0;
	s8 =	simm.s32 $0x3;
	s9 =	simm.s32 $0x200  }
0x5: {  	s10 =	simm.s32 $0xA00;
	s11 =	simm.s32 $0x1200;
	s12 =	simm.s32 $0x1A00  }
0x6: {  	s13 =	simm.s32 $0x2200;
	s14 =	simm.s32 $0x2A00;
	s15 =	simm.s32 $0x3200  }
0x7: {  	s16 =	simm.s32 $0x3A00;
	s17 =	simm.s32 $0x4200;
	s18 =	simm.s32 $0x4A00  }
0x8: {  	s19 =	simm.s32 $0x5200;
	s20 =	simm.s32 $0x5A00;
	s21 =	simm.s32 $0x6200  }
0x9: {  	s22 =	simm.s32 $0x6A00;
	s23 =	simm.s32 $0x7200;
	s24 =	simm.s32 $0x7A00  }
0xa: {  	s28 =	simm.s32 $0x9200;
	s29 =	simm.s32 $0x9A00;
	s30 =	simm.s32 $0x1  }
0xb: {  	s31 =	simm.s32 $0x2;
	s1 =	sand.u32 $0x1, s1;
	s4 =	sshll.u32 s4, $0x1  }
0xc: {  	[smem:$0x7FF] =	sst s3;
	s5 =	sor.u32 s1, s4;
	s1 =	ssub.s32 $0x2, s1  }
.Ltmp0:
0xd: {  	_ =	strace $0x80000059;
	s4 =	sshll.u32 s5, $0x6;
	(pc) =	sbr.rel .LBB2_1-.Ltmp0, $4  }
0xe: {  	s6 =	sshrl.u32 s1, $0x1;
	s7 =	sadd.s32 s4, s0;
	s4 =	sadd.s32 $0x4800, s0  }
0xf: {  	v2 =	vlaneseq.u32;
	s25 =	ssub.s32 s1, s6;
	s6 =	smul.u32 $0x140, s5;
	s26 =	sadd.s32 $0x32D000, s7  }
0x10: {  	vm0 =	vmmov $0xffff;
	v1 =	vshrl.u32 v2, $0x3;
	s0 =	smax.u32 s25, $0x1;
	s25 =	simm.s32 $0x8200;
	[dreg:$0x3] =	wrdreg s26  }
0x11: {  	v0 =	vand.u32 $0x7, v2;
	v2 =	vor.u32 $0x8, v2;
	v1 =	vmul.u32 $0x8, v1;
	[dreg:$0x4] =	wrdreg s0;
	s26 =	simm.s32 $0x8A00;
	s0 =	simm.s32 $0x0  }
.LBB2_5:
0x12: {  	s0 =	sadd.s32 $0x1, s0;
	s1 =	rddreg [dreg:$0x4]  }
0x13: {  	p0 =	sne.s32 s0, s1  }
.Ltmp1:
0x14: {  	_ = 	snop;
	(pc) =	sbr.rel @!p0 .LBB2_6-.Ltmp1, $1  }
0x15: {  	_ =	sdelay $0x3  }
.LBB2_1:
0x16: {  	s1 =	rddreg [dreg:$0x3]  }
0x17: {  	[tilespmem:s3], [sflag:$0x3] =	stream.linear.gather [hbm4b:s1+s3], $0x200, $0x38;
	[tilespmem:$0xA200] =	vst v63  }
0x18: {  	_ =	swait.ge [sflag:s8], $0x200  }
0x19: {  	[sflag:s8] =	ssyncset.done $0x0  }
0x1a: {  	[sflag:s8] =	ssyncadd.s32 $0xFFFFFE00  }
0x1b: {  	v3 =	vld [tilespmem:$0x0];
	_ =	sdelay $0x4  }
0x1c: {  	v4 =	vshll.u32 v3, $0x1  }
0x1d: {  	v3 =	vand.u32 $0x7, v3;
	v4 =	vand.u32 $0xFFFFFFF0, v4  }
0x1e: {  	v3 =	vor.u32 v3, v4  }
0x1f: {  	v4 =	vperm.xlane v3, v0;
	_ =	sdelay $0x1  }
0x20: {  	v3 =	vperm.xlane v3, v2;
	v4 =	vadd.s32 v1, v4;
	_ =	sdelay $0x1  }
0x21: {  	v3 =	vadd.s32 v1, v3;
	_ =	sdelay $0x2  }
0x22: {  	[tilespmem:s9], [sflag:$0x1] =	stream.indirect_vreg.gather [hbm4b:s2+s3], $0x80, v4, vm0, $0xb8;
	[tilespmem:$0xA200] =	vst v63  }
0x23: {  	_ = 	snop  }
0x24: {  	[tilespmem:s10], [sflag:$0x1] =	stream.indirect_vreg.gather [hbm4b:s2+s3], $0x80, v3, vm0, $0xb8;
	[tilespmem:$0xA200] =	vst v63  }
0x25: {  	v3 =	vld [tilespmem:$0x10];
	_ =	sdelay $0x4  }
0x26: {  	v60 =	vshll.u32 v3, $0x1  }
0x27: {  	v3 =	vand.u32 $0x7, v3;
	v4 =	vand.u32 $0xFFFFFFF0, v60  }
0x28: {  	v3 =	vor.u32 v3, v4  }
0x29: {  	v4 =	vperm.xlane v3, v0;
	_ =	sdelay $0x1  }
0x2a: {  	v3 =	vperm.xlane v3, v2;
	v4 =	vadd.s32 v1, v4;
	_ =	sdelay $0x1  }
0x2b: {  	v3 =	vadd.s32 v1, v3;
	_ =	sdelay $0x2  }
0x2c: {  	[tilespmem:s11], [sflag:$0x1] =	stream.indirect_vreg.gather [hbm4b:s2+s3], $0x80, v4, vm0, $0xb8;
	[tilespmem:$0xA200] =	vst v63  }
0x2d: {  	_ = 	snop  }
0x2e: {  	[tilespmem:s12], [sflag:$0x1] =	stream.indirect_vreg.gather [hbm4b:s2+s3], $0x80, v3, vm0, $0xb8;
	[tilespmem:$0xA200] =	vst v63  }
0x2f: {  	v3 =	vld [tilespmem:$0x20];
	_ =	sdelay $0x4  }
0x30: {  	v61 =	vshll.u32 v3, $0x1  }
0x31: {  	v3 =	vand.u32 $0x7, v3;
	v4 =	vand.u32 $0xFFFFFFF0, v61  }
0x32: {  	v3 =	vor.u32 v3, v4  }
0x33: {  	v4 =	vperm.xlane v3, v0;
	_ =	sdelay $0x1  }
0x34: {  	v3 =	vperm.xlane v3, v2;
	v4 =	vadd.s32 v1, v4;
	_ =	sdelay $0x1  }
0x35: {  	v3 =	vadd.s32 v1, v3;
	_ =	sdelay $0x2  }
0x36: {  	[tilespmem:s13], [sflag:$0x1] =	stream.indirect_vreg.gather [hbm4b:s2+s3], $0x80, v4, vm0, $0xb8;
	[tilespmem:$0xA200] =	vst v63  }
0x37: {  	_ = 	snop  }
0x38: {  	[tilespmem:s14], [sflag:$0x1] =	stream.indirect_vreg.gather [hbm4b:s2+s3], $0x80, v3, vm0, $0xb8;
	[tilespmem:$0xA200] =	vst v63  }
0x39: {  	v3 =	vld [tilespmem:$0x30];
	_ =	sdelay $0x4  }
0x3a: {  	v62 =	vshll.u32 v3, $0x1  }
0x3b: {  	v3 =	vand.u32 $0x7, v3;
	v4 =	vand.u32 $0xFFFFFFF0, v62  }
0x3c: {  	v3 =	vor.u32 v3, v4  }
0x3d: {  	v4 =	vperm.xlane v3, v0;
	_ =	sdelay $0x1  }
0x3e: {  	v3 =	vperm.xlane v3, v2;
	v4 =	vadd.s32 v1, v4;
	_ =	sdelay $0x1  }
0x3f: {  	v3 =	vadd.s32 v1, v3;
	_ =	sdelay $0x2  }
0x40: {  	[tilespmem:s15], [sflag:$0x1] =	stream.indirect_vreg.gather [hbm4b:s2+s3], $0x80, v4, vm0, $0xb8;
	[tilespmem:$0xA200] =	vst v63  }
0x41: {  	_ = 	snop  }
0x42: {  	[tilespmem:s16], [sflag:$0x1] =	stream.indirect_vreg.gather [hbm4b:s2+s3], $0x80, v3, vm0, $0xb8;
	[tilespmem:$0xA200] =	vst v63  }
0x43: {  	v3 =	vld [tilespmem:$0x40];
	_ =	sdelay $0x4  }
0x44: {  	v63 =	vshll.u32 v3, $0x1  }
0x45: {  	v3 =	vand.u32 $0x7, v3;
	v4 =	vand.u32 $0xFFFFFFF0, v63  }
0x46: {  	v3 =	vor.u32 v3, v4  }
0x47: {  	v4 =	vperm.xlane v3, v0;
	_ =	sdelay $0x1  }
0x48: {  	v3 =	vperm.xlane v3, v2;
	v4 =	vadd.s32 v1, v4;
	_ =	sdelay $0x1  }
0x49: {  	v3 =	vadd.s32 v1, v3  }
.Ltmp2:
0x4a: {  	_ = 	snop;
	(pc) =	sbr.rel .LBB2_2-.Ltmp2, $4  }
0x4b: {  	_ = 	snop  }
0x4c: {  	[tilespmem:s17], [sflag:$0x1] =	stream.indirect_vreg.gather [hbm4b:s2+s3], $0x80, v4, vm0, $0xb8;
	[tilespmem:$0xA200] =	vst v63  }
0x4d: {  	p1 =	por $0x1, $0x1;
	s5 =	simm.s32 $0x0  }
0x4e: {  	[tilespmem:s18], [sflag:$0x1] =	stream.indirect_vreg.gather [hbm4b:s2+s3], $0x80, v3, vm0, $0xb8;
	[tilespmem:$0xA200] =	vst v63  }
.LBB2_4:
0x4f: {  	s1 =	smul.u32 $0x50, s1;
	_ =	sdelay $0x1  }
0x50: {  	_ =	swait.ge [sflag:s31], $0x5000;
	s1 =	sadd.s32 s6, s1  }
0x51: {  	[sflag:s31] =	ssyncset.done $0x0;
	s1 =	sshll.u32 s1, $0x5  }
.Ltmp3:
0x52: {  	[sflag:s31] =	ssyncadd.s32 $0xFFFFB000;
	s1 =	sadd.s32 s4, s1;
	(pc) =	sbr.rel @!p0 .LBB2_5-.Ltmp3, $4  }
0x53: {  	[hbm4b:s1+s3] =	stream.linear.scatter [tilespmem:s19], [sflag:$0x3], $0x5000, $0x38;
	[tilespmem:$0xA200] =	vst v63  }
0x54: {  	_ =	swait.ge [sflag:s8], $0x5000  }
0x55: {  	[sflag:s8] =	ssyncset.done $0x0  }
0x56: {  	s5 =	simm.s32 $0x1;
	p1 =	por $0x0, $0x0;
	[sflag:s8] =	ssyncadd.s32 $0xFFFFB000  }
.LBB2_2:
0x57: {  	s1 =	sshllo.u32 s5, $0x1  }
0x58: {  	s7 =	sshll.u32 s1, $0x7  }
0x59: {  	s7 =	sand.u32 $0x3FFFFF80, s7  }
0x5a: {  	v3 =	vld [tilespmem:s7+$0x0];
	_ =	sdelay $0x4  }
0x5b: {  	v4 =	vshll.u32 v3, $0x1  }
0x5c: {  	v3 =	vand.u32 $0x7, v3;
	v4 =	vand.u32 $0xFFFFFFF0, v4  }
0x5d: {  	v3 =	vor.u32 v3, v4  }
0x5e: {  	v4 =	vperm.xlane v3, v0;
	_ =	sdelay $0x1  }
0x5f: {  	v3 =	vperm.xlane v3, v2;
	v4 =	vadd.s32 v1, v4;
	_ =	sdelay $0x1  }
0x60: {  	v3 =	vadd.s32 v1, v3;
	_ =	sdelay $0x2  }
0x61: {  	[tilespmem:s19], [sflag:$0x2] =	stream.indirect_vreg.gather [hbm4b:s2+s3], $0x80, v4, vm0, $0xb8;
	[tilespmem:$0xA200] =	vst v63  }
0x62: {  	_ = 	snop  }
0x63: {  	[tilespmem:s20], [sflag:$0x2] =	stream.indirect_vreg.gather [hbm4b:s2+s3], $0x80, v3, vm0, $0xb8;
	[tilespmem:$0xA200] =	vst v63  }
0x64: {  	v3 =	vld [tilespmem:s7+$0x10];
	_ =	sdelay $0x4  }
0x65: {  	v60 =	vshll.u32 v3, $0x1  }
0x66: {  	v3 =	vand.u32 $0x7, v3;
	v4 =	vand.u32 $0xFFFFFFF0, v60  }
0x67: {  	v3 =	vor.u32 v3, v4  }
0x68: {  	v4 =	vperm.xlane v3, v0;
	_ =	sdelay $0x1  }
0x69: {  	v3 =	vperm.xlane v3, v2;
	v4 =	vadd.s32 v1, v4;
	_ =	sdelay $0x1  }
0x6a: {  	v3 =	vadd.s32 v1, v3;
	_ =	sdelay $0x2  }
0x6b: {  	[tilespmem:s21], [sflag:$0x2] =	stream.indirect_vreg.gather [hbm4b:s2+s3], $0x80, v4, vm0, $0xb8;
	[tilespmem:$0xA200] =	vst v63  }
0x6c: {  	_ = 	snop  }
0x6d: {  	[tilespmem:s22], [sflag:$0x2] =	stream.indirect_vreg.gather [hbm4b:s2+s3], $0x80, v3, vm0, $0xb8;
	[tilespmem:$0xA200] =	vst v63  }
0x6e: {  	v3 =	vld [tilespmem:s7+$0x20];
	_ =	sdelay $0x4  }
0x6f: {  	v61 =	vshll.u32 v3, $0x1  }
0x70: {  	v3 =	vand.u32 $0x7, v3;
	v4 =	vand.u32 $0xFFFFFFF0, v61  }
0x71: {  	v3 =	vor.u32 v3, v4  }
0x72: {  	v4 =	vperm.xlane v3, v0;
	_ =	sdelay $0x1  }
0x73: {  	v3 =	vperm.xlane v3, v2;
	v4 =	vadd.s32 v1, v4;
	_ =	sdelay $0x1  }
0x74: {  	v3 =	vadd.s32 v1, v3;
	_ =	sdelay $0x2  }
0x75: {  	[tilespmem:s23], [sflag:$0x2] =	stream.indirect_vreg.gather [hbm4b:s2+s3], $0x80, v4, vm0, $0xb8;
	[tilespmem:$0xA200] =	vst v63  }
0x76: {  	_ = 	snop  }
0x77: {  	[tilespmem:s24], [sflag:$0x2] =	stream.indirect_vreg.gather [hbm4b:s2+s3], $0x80, v3, vm0, $0xb8;
	[tilespmem:$0xA200] =	vst v63  }
0x78: {  	v3 =	vld [tilespmem:s7+$0x30];
	_ =	sdelay $0x4  }
0x79: {  	v62 =	vshll.u32 v3, $0x1  }
0x7a: {  	v3 =	vand.u32 $0x7, v3;
	v4 =	vand.u32 $0xFFFFFFF0, v62  }
0x7b: {  	v3 =	vor.u32 v3, v4  }
0x7c: {  	v4 =	vperm.xlane v3, v0;
	_ =	sdelay $0x1  }
0x7d: {  	v3 =	vperm.xlane v3, v2;
	v4 =	vadd.s32 v1, v4;
	_ =	sdelay $0x1  }
0x7e: {  	v3 =	vadd.s32 v1, v3;
	_ =	sdelay $0x2  }
0x7f: {  	[tilespmem:s25], [sflag:$0x2] =	stream.indirect_vreg.gather [hbm4b:s2+s3], $0x80, v4, vm0, $0xb8;
	[tilespmem:$0xA200] =	vst v63  }
0x80: {  	_ = 	snop  }
0x81: {  	[tilespmem:s26], [sflag:$0x2] =	stream.indirect_vreg.gather [hbm4b:s2+s3], $0x80, v3, vm0, $0xb8;
	[tilespmem:$0xA200] =	vst v63  }
0x82: {  	v3 =	vld [tilespmem:s7+$0x40];
	_ =	sdelay $0x4  }
0x83: {  	v63 =	vshll.u32 v3, $0x1  }
0x84: {  	v3 =	vand.u32 $0x7, v3;
	v4 =	vand.u32 $0xFFFFFFF0, v63  }
0x85: {  	v3 =	vor.u32 v3, v4  }
0x86: {  	v4 =	vperm.xlane v3, v0;
	_ =	sdelay $0x1  }
0x87: {  	v3 =	vperm.xlane v3, v2;
	v4 =	vadd.s32 v1, v4;
	_ =	sdelay $0x1  }
0x88: {  	v3 =	vadd.s32 v1, v3;
	_ =	sdelay $0x2  }
0x89: {  	[tilespmem:s28], [sflag:$0x2] =	stream.indirect_vreg.gather [hbm4b:s2+s3], $0x80, v4, vm0, $0xb8;
	[tilespmem:$0xA200] =	vst v63  }
0x8a: {  	s7 =	smul.u32 $0xA0, s5  }
0x8b: {  	[tilespmem:s29], [sflag:$0x2] =	stream.indirect_vreg.gather [hbm4b:s2+s3], $0x80, v3, vm0, $0xb8;
	[tilespmem:$0xA200] =	vst v63  }
0x8c: {  	s5 =	sadd.s32 s6, s7;
	_ =	swait.ge [sflag:s30], $0x5000  }
0x8d: {  	s5 =	sshll.u32 s5, $0x5;
	[sflag:s30] =	ssyncset.done $0x0  }
.Ltmp4:
0x8e: {  	s5 =	sadd.s32 s4, s5;
	[sflag:s30] =	ssyncadd.s32 $0xFFFFB000;
	(pc) =	sbr.rel @!p1 .LBB2_4-.Ltmp4, $4  }
0x8f: {  	[hbm4b:s5+s3] =	stream.linear.scatter [tilespmem:s9], [sflag:$0x3], $0x5000, $0x38;
	[tilespmem:$0xA200] =	vst v63  }
0x90: {  	_ =	swait.ge [sflag:s8], $0x5000  }
0x91: {  	[sflag:s8] =	ssyncset.done $0x0  }
0x92: {  	p0 =	por p1, p1;
	[sflag:s8] =	ssyncadd.s32 $0xFFFFB000  }
0x93: {  	v3 =	vld [tilespmem:$0x100];
	_ =	sdelay $0x4  }
0x94: {  	v4 =	vshll.u32 v3, $0x1  }
0x95: {  	v3 =	vand.u32 $0x7, v3;
	v4 =	vand.u32 $0xFFFFFFF0, v4  }
0x96: {  	v3 =	vor.u32 v3, v4  }
0x97: {  	v4 =	vperm.xlane v3, v0;
	_ =	sdelay $0x1  }
0x98: {  	v3 =	vperm.xlane v3, v2;
	v4 =	vadd.s32 v1, v4;
	_ =	sdelay $0x1  }
0x99: {  	v3 =	vadd.s32 v1, v3;
	_ =	sdelay $0x2  }
0x9a: {  	[tilespmem:s9], [sflag:$0x1] =	stream.indirect_vreg.gather [hbm4b:s2+s3], $0x80, v4, vm0, $0xb8;
	[tilespmem:$0xA200] =	vst v63  }
0x9b: {  	_ = 	snop  }
0x9c: {  	[tilespmem:s10], [sflag:$0x1] =	stream.indirect_vreg.gather [hbm4b:s2+s3], $0x80, v3, vm0, $0xb8;
	[tilespmem:$0xA200] =	vst v63  }
0x9d: {  	v3 =	vld [tilespmem:$0x110];
	_ =	sdelay $0x4  }
0x9e: {  	v60 =	vshll.u32 v3, $0x1  }
0x9f: {  	v3 =	vand.u32 $0x7, v3;
	v4 =	vand.u32 $0xFFFFFFF0, v60  }
0xa0: {  	v3 =	vor.u32 v3, v4  }
0xa1: {  	v4 =	vperm.xlane v3, v0;
	_ =	sdelay $0x1  }
0xa2: {  	v3 =	vperm.xlane v3, v2;
	v4 =	vadd.s32 v1, v4;
	_ =	sdelay $0x1  }
0xa3: {  	v3 =	vadd.s32 v1, v3;
	_ =	sdelay $0x2  }
0xa4: {  	[tilespmem:s11], [sflag:$0x1] =	stream.indirect_vreg.gather [hbm4b:s2+s3], $0x80, v4, vm0, $0xb8;
	[tilespmem:$0xA200] =	vst v63  }
0xa5: {  	_ = 	snop  }
0xa6: {  	[tilespmem:s12], [sflag:$0x1] =	stream.indirect_vreg.gather [hbm4b:s2+s3], $0x80, v3, vm0, $0xb8;
	[tilespmem:$0xA200] =	vst v63  }
0xa7: {  	v3 =	vld [tilespmem:$0x120];
	_ =	sdelay $0x4  }
0xa8: {  	v61 =	vshll.u32 v3, $0x1  }
0xa9: {  	v3 =	vand.u32 $0x7, v3;
	v4 =	vand.u32 $0xFFFFFFF0, v61  }
0xaa: {  	v3 =	vor.u32 v3, v4  }
0xab: {  	v4 =	vperm.xlane v3, v0;
	_ =	sdelay $0x1  }
0xac: {  	v3 =	vperm.xlane v3, v2;
	v4 =	vadd.s32 v1, v4;
	_ =	sdelay $0x1  }
0xad: {  	v3 =	vadd.s32 v1, v3;
	_ =	sdelay $0x2  }
0xae: {  	[tilespmem:s13], [sflag:$0x1] =	stream.indirect_vreg.gather [hbm4b:s2+s3], $0x80, v4, vm0, $0xb8;
	[tilespmem:$0xA200] =	vst v63  }
0xaf: {  	_ = 	snop  }
0xb0: {  	[tilespmem:s14], [sflag:$0x1] =	stream.indirect_vreg.gather [hbm4b:s2+s3], $0x80, v3, vm0, $0xb8;
	[tilespmem:$0xA200] =	vst v63  }
0xb1: {  	v3 =	vld [tilespmem:$0x130];
	_ =	sdelay $0x4  }
0xb2: {  	v62 =	vshll.u32 v3, $0x1  }
0xb3: {  	v3 =	vand.u32 $0x7, v3;
	v4 =	vand.u32 $0xFFFFFFF0, v62  }
0xb4: {  	v3 =	vor.u32 v3, v4  }
0xb5: {  	v4 =	vperm.xlane v3, v0;
	_ =	sdelay $0x1  }
0xb6: {  	v3 =	vperm.xlane v3, v2;
	v4 =	vadd.s32 v1, v4;
	_ =	sdelay $0x1  }
0xb7: {  	v3 =	vadd.s32 v1, v3;
	_ =	sdelay $0x2  }
0xb8: {  	[tilespmem:s15], [sflag:$0x1] =	stream.indirect_vreg.gather [hbm4b:s2+s3], $0x80, v4, vm0, $0xb8;
	[tilespmem:$0xA200] =	vst v63  }
0xb9: {  	_ = 	snop  }
0xba: {  	[tilespmem:s16], [sflag:$0x1] =	stream.indirect_vreg.gather [hbm4b:s2+s3], $0x80, v3, vm0, $0xb8;
	[tilespmem:$0xA200] =	vst v63  }
0xbb: {  	v3 =	vld [tilespmem:$0x140];
	_ =	sdelay $0x4  }
0xbc: {  	v63 =	vshll.u32 v3, $0x1  }
0xbd: {  	v3 =	vand.u32 $0x7, v3;
	v4 =	vand.u32 $0xFFFFFFF0, v63  }
0xbe: {  	v3 =	vor.u32 v3, v4  }
0xbf: {  	v4 =	vperm.xlane v3, v0;
	_ =	sdelay $0x1  }
0xc0: {  	v3 =	vperm.xlane v3, v2;
	v4 =	vadd.s32 v1, v4;
	_ =	sdelay $0x1  }
0xc1: {  	v3 =	vadd.s32 v1, v3  }
.Ltmp5:
0xc2: {  	_ = 	snop;
	(pc) =	sbr.rel .LBB2_4-.Ltmp5, $4  }
0xc3: {  	_ = 	snop  }
0xc4: {  	[tilespmem:s17], [sflag:$0x1] =	stream.indirect_vreg.gather [hbm4b:s2+s3], $0x80, v4, vm0, $0xb8;
	[tilespmem:$0xA200] =	vst v63  }
0xc5: {  	_ = 	snop  }
0xc6: {  	[tilespmem:s18], [sflag:$0x1] =	stream.indirect_vreg.gather [hbm4b:s2+s3], $0x80, v3, vm0, $0xb8;
	[tilespmem:$0xA200] =	vst v63  }
.LBB2_6:
0xc7: {  	_ =	sfence.sel $0x180000  }
0xc8: {  	[bflag:$0x0] =	sbarrier.arrive $0xFFFF  }
0xc9: {  	_ =	strace $0x90000059  }
0xca: {  	s0 =	stileid.u32;
	[bflag:$0x2] =	sbarrier.arrive $0xFFFF  }
0xcb: {  	p0 =	sne.s32 s0, $0x0;
	s0 =	rddreg [dreg:$0x2]  }
0xcc: {  	s0 =	sadd.s32 @!p0 $0x100000, s0  }
0xcd: {  	[sflag:s0] =	ssyncadd.tile.s32 @!p0 $0x1;
	_ =	shalt  }
.Lfunc_end2:
_tile_overlayer_lowered:
.L_overlay_start_2:
0xce: {  	(tag) =	ssettag $0x2  }
0xcf: {  	s0 =	rddreg [dreg:$0x0];
	s2 =	stileid.u32  }
0xd0: {  	s1 =	rddreg [dreg:$0x1];
	p0 =	sne.s32 s2, $0x0  }
0xd1: {  	s3 =	rddreg [dreg:$0x2];
	[bflag:$0x3] =	sbarrier.arrive $0xFFFF;
	s2 =	simm.s32 @!p0 $0x1C03  }
0xd2: {  	[timem:s3], [sflag:s2] =	dma.local @!p0 [hbm:s0], s1  }
0xd3: {  	s0 =	simm.s32 @!p0 $0x3  }
0xd4: {  	_ =	swait.ge @!p0 [sflag:s0], s1  }
0xd5: {  	s1 =	ssub.s32 @!p0 $0x0, s1;
	[sflag:s0] =	ssyncset.done @!p0 $0x0  }
0xd6: {  	[sflag:s0] =	ssyncadd.s32 @!p0 s1  }
0xd7: {  	[bflag:$0x3] =	sbarrier.arrive $0xFFFF  }
0xd8: {  	_ =	shalt  }

</sc_bundles>
